<compile_context>
chip_gen: v7x
topology: tpu7x:2x2x1
jax: 0.10.2.dev20260603
libtpu: 0.0.44.dev20260713+nightly
codegen_flags: <defaults>
</compile_context>

<pallas_src>
import functools

import jax
import jax.numpy as jnp
from jax import lax
from jax.experimental import pallas as pl
from jax.experimental.pallas import tpu as pltpu
from jax.experimental.pallas import tpu_sc as plsc

_B, _H, _W = 16, 512, 512
_TC_B = 12
_SC_B = _B - _TC_B
_NC = 2
_NS = 16
_NW = _NC * _NS
_ROWS_W = _SC_B * _H // _NW
_CR = 16
_NCH = _ROWS_W // _CR
_L = 16
_VPC = _CR * _W // _L
_UNROLL = 8
_TC_BLK_B = 2


_NSLOT = 3


def _sc_body(r_hbm, g_hbm, m_hbm, parts_out,
             rbuf, gbuf, mbuf, ovec, sem_a, sem_b, sem_c):
    wid = lax.axis_index("s") * _NC + lax.axis_index("c")
    sems = (sem_a, sem_b, sem_c)

    def src(h, ci):
        g0 = wid * _ROWS_W + ci * _CR
        return h.at[_TC_B + g0 // _H, 0, pl.ds(g0 % _H, _CR), :]

    def start(slot, ci):
        pltpu.async_copy(src(r_hbm, ci), rbuf.at[slot], sems[slot])
        pltpu.async_copy(src(g_hbm, ci), gbuf.at[slot], sems[slot])
        pltpu.async_copy(src(m_hbm, ci), mbuf.at[slot], sems[slot])

    def wait(slot, ci):
        for h, buf in ((r_hbm, rbuf), (g_hbm, gbuf), (m_hbm, mbuf)):
            pltpu.make_async_copy(src(h, ci), buf.at[slot], sems[slot]).wait()

    start(0, 0)
    if _NCH > 1:
        start(1, 1)
    zero = jnp.zeros((_L,), jnp.float32)
    izero = jnp.zeros((_L,), jnp.int32)
    carry = (zero,) * _UNROLL + (izero,) * _UNROLL
    for ci in range(_NCH):
        slot = ci % _NSLOT
        if ci + 2 < _NCH:
            start((ci + 2) % _NSLOT, ci + 2)
        wait(slot, ci)
        rs, gs, ms = rbuf.at[slot], gbuf.at[slot], mbuf.at[slot]

        def body(i, c, rs=rs, gs=gs, ms=ms):
            c = list(c)
            gpr = _W // (_UNROLL * _L)
            row = i // gpr
            cbase = (i % gpr) * (_UNROLL * _L)
            for k in range(_UNROLL):
                col = cbase + k * _L
                r = rs[row, pl.ds(col, _L)]
                g = gs[row, pl.ds(col, _L)]
                m = ms[row, pl.ds(col, _L)]
                w = (g * 10.0).astype(jnp.int32).astype(jnp.float32)
                valid = m > 0.0
                wm = jnp.where(valid, w, 0.0)
                d = r - g
                c[k] = c[k] + wm * (d * d)
                c[_UNROLL + k] = c[_UNROLL + k] + jnp.where(valid, 1, 0)
            return tuple(c)

        carry = lax.fori_loop(0, _VPC // _UNROLL, body, carry)

    ssum = carry[0]
    for k in range(1, _UNROLL):
        ssum = ssum + carry[k]
    nsum = carry[_UNROLL]
    for k in range(_UNROLL + 1, 2 * _UNROLL):
        nsum = nsum + carry[k]
    ovec[...] = ssum
    pltpu.sync_copy(ovec, parts_out.at[wid])
    ovec[...] = nsum.astype(jnp.float32)
    pltpu.sync_copy(ovec, parts_out.at[_NW + wid])


def _tc_body(r_ref, g_ref, m_ref, s_out, n_out):
    i = pl.program_id(0)
    r = r_ref[...]
    g = g_ref[...]
    m = m_ref[...]
    w = jnp.floor(g * 10.0)
    valid = m > 0.0
    d = r - g
    part_s = jnp.sum(jnp.where(valid, w * (d * d), 0.0))
    part_n = jnp.sum(jnp.where(valid, 1.0, 0.0))

    @pl.when(i == 0)
    def _():
        s_out[0] = 0.0
        n_out[0] = 0.0

    s_out[0] += part_s
    n_out[0] += part_n


@jax.jit
def _sc_partials(r, g, m):
    mesh = plsc.VectorSubcoreMesh(core_axis_name="c", subcore_axis_name="s")
    f = functools.partial(
        pl.kernel,
        mesh=mesh,
        out_type=jax.ShapeDtypeStruct((2 * _NW, _L), jnp.float32),
        scratch_types=[
            pltpu.VMEM((_NSLOT, _CR, _W), jnp.float32),
            pltpu.VMEM((_NSLOT, _CR, _W), jnp.float32),
            pltpu.VMEM((_NSLOT, _CR, _W), jnp.float32),
            pltpu.VMEM((_L,), jnp.float32),
            pltpu.SemaphoreType.DMA,
            pltpu.SemaphoreType.DMA,
            pltpu.SemaphoreType.DMA,
        ],
    )(_sc_body)
    return f(r, g, m)


def _tc_partials(r, g, m):
    grid = (_TC_B // _TC_BLK_B,)
    spec = pl.BlockSpec((_TC_BLK_B, 1, _H, _W),
                        lambda i: (i, 0, 0, 0))
    return pl.pallas_call(
        _tc_body,
        grid=grid,
        in_specs=[spec, spec, spec],
        out_specs=[pl.BlockSpec(memory_space=pltpu.SMEM),
                   pl.BlockSpec(memory_space=pltpu.SMEM)],
        out_shape=[jax.ShapeDtypeStruct((1,), jnp.float32),
                   jax.ShapeDtypeStruct((1,), jnp.float32)],
    )(r, g, m)


def kernel(r_hat, gauge, mask):
    sc_parts = _sc_partials(r_hat, gauge, mask)
    tc_s, tc_n = _tc_partials(r_hat, gauge, mask)
    num = jnp.sum(sc_parts[:_NW]) + tc_s[0]
    den = jnp.sum(sc_parts[_NW:]) + tc_n[0]
    return num / den

# --- scband reference (transcript-rebuilt; emitter-appended) ---
"""Pipeline reference for scband-weighted-masked-mseloss-33603824124038 (READ-ONLY COPY).

The authoritative reference and input builder live on the scoring server;
editing this copy changes nothing except your own understanding.
"""

import jax, jax.numpy as jnp
import numpy as np


def setup_inputs(seed: int = 0) -> dict:
    key = jax.random.key(seed)
    k1, k2, k3 = jax.random.split(key, 3)
    B, H, W = 16, 512, 512
    r_hat = jax.random.uniform(k1, (B, 1, H, W), dtype=jnp.float32)
    gauge = jax.random.uniform(k2, (B, 1, H, W), dtype=jnp.float32)
    mask = jax.random.uniform(k3, (B, 1, H, W), dtype=jnp.float32)
    return {"r_hat": r_hat, "gauge": gauge, "mask": mask}


def reference(r_hat, gauge, mask):
    # buffers from __init__
    edge = jnp.asarray(np.arange(0.0, 1.01, 0.1), dtype=jnp.float32)   # 11 bin edges
    weight = edge * 10.0
    if r_hat.ndim == 3:
        r_hat = r_hat[:, None]
    if gauge.ndim == 3:
        gauge = gauge[:, None]
    if mask.ndim == 3:
        mask = mask[:, None]
    valid = mask > 0
    # torch.bucketize(gauge, edge, right=True) == searchsorted side='right'
    idx = jnp.searchsorted(edge, gauge, side='right') - 1
    idx = jnp.clip(idx, 0, weight.shape[0] - 1)
    w = weight[idx]                       # gather from 11-entry weight table
    loss = w * (r_hat - gauge) ** 2
    # loss[valid].mean() == sum(loss * valid) / count(valid)
    num = jnp.sum(jnp.where(valid, loss, 0.0))
    den = jnp.sum(valid.astype(jnp.float32))
    return num / den

if __name__ == "__main__":
    import jax
    _d = setup_inputs()
    print(jax.jit(kernel)(*tuple(_d.values())))

</pallas_src>

<mosaic_0001>
#map = affine_map<(d0, d1) -> (0, 0, 0, 0)>
#map1 = affine_map<(d0, d1) -> (0, 0)>
module attributes {stable_mosaic.version = 14 : i64} {
  func.func @_sc_body(%arg0: i32, %arg1: i32, %arg2: memref<16x1x512x512xf32, #tpu.memory_space<hbm>>, %arg3: memref<16x1x512x512xf32, #tpu.memory_space<hbm>>, %arg4: memref<16x1x512x512xf32, #tpu.memory_space<hbm>>, %arg5: memref<64x16xf32, #tpu.memory_space<hbm>>, %arg6: memref<3x16x512xf32, #tpu.memory_space<vmem>>, %arg7: memref<3x16x512xf32, #tpu.memory_space<vmem>>, %arg8: memref<3x16x512xf32, #tpu.memory_space<vmem>>, %arg9: memref<16xf32, #tpu.memory_space<vmem>>, %arg10: memref<!tpu.dma_semaphore, #tpu.memory_space<semaphore_mem>>, %arg11: memref<!tpu.dma_semaphore, #tpu.memory_space<semaphore_mem>>, %arg12: memref<!tpu.dma_semaphore, #tpu.memory_space<semaphore_mem>>) attributes {dimension_semantics = [#tpu.dimension_semantics<core_parallel>, #tpu.dimension_semantics<subcore_parallel>], iteration_bounds = array<i64: 2, 16>, scalar_prefetch = 0 : i64, scratch_operands = 7 : i64, tpu.core_type = #tpu.core_type<sc_vector_subcore>, window_params = [{transform_indices = #map}, {transform_indices = #map}, {transform_indices = #map}, {transform_indices = #map1}]} {
    %mul3A = arith.constant 2 : i32
    %mul3A_0 = arith.muli %arg1, %mul3A : i32
    %add3A = arith.addi %mul3A_0, %arg0 : i32
    %mul3A_1 = arith.constant 64 : i32
    %mul3A_2 = arith.muli %add3A, %mul3A_1 : i32
    %add3A_3 = arith.constant 0 : i32
    %add3A_4 = arith.addi %mul3A_2, %add3A_3 : i32
    %jit3A = arith.constant 512 : i32
    %div3A = arith.divsi %add3A_4, %jit3A : i32
    %sign3A = arith.constant 0 : i32
    %sign3A_5 = arith.cmpi sgt, %add3A_4, %sign3A : i32
    %sign3A_6 = arith.extui %sign3A_5 : i1 to i32
    %sign3A_7 = arith.constant 0 : i32
    %sign3A_8 = arith.cmpi slt, %add3A_4, %sign3A_7 : i32
    %sign3A_9 = arith.extui %sign3A_8 : i1 to i32
    %sign3A_10 = arith.subi %sign3A_6, %sign3A_9 : i32
    %sign3A_11 = arith.constant 0 : i32
    %sign3A_12 = arith.cmpi sgt, %jit3A, %sign3A_11 : i32
    %sign3A_13 = arith.extui %sign3A_12 : i1 to i32
    %sign3A_14 = arith.constant 0 : i32
    %sign3A_15 = arith.cmpi slt, %jit3A, %sign3A_14 : i32
    %sign3A_16 = arith.extui %sign3A_15 : i1 to i32
    %sign3A_17 = arith.subi %sign3A_13, %sign3A_16 : i32
    %ne3A = arith.cmpi ne, %sign3A_10, %sign3A_17 : i32
    %rem3A = arith.remsi %add3A_4, %jit3A : i32
    %ne3A_18 = arith.constant 0 : i32
    %ne3A_19 = arith.cmpi ne, %rem3A, %ne3A_18 : i32
    %and3A = arith.andi %ne3A, %ne3A_19 : i1
    %sub3A = arith.constant 1 : i32
    %sub3A_20 = arith.subi %div3A, %sub3A : i32
    %select_n3A = arith.select %and3A, %sub3A_20, %div3A : i32
    %add3A_21 = arith.constant 12 : i32
    %add3A_22 = arith.addi %add3A_21, %select_n3A : i32
    %jit3A_23 = arith.constant 512 : i32
    %eq3A = arith.constant 0 : i32
    %eq3A_24 = arith.cmpi eq, %jit3A_23, %eq3A : i32
    %jit3A_25 = arith.constant 1 : i32
    %select_n3A_26 = arith.select %eq3A_24, %jit3A_25, %jit3A_23 : i32
    %rem3A_27 = arith.remsi %add3A_4, %select_n3A_26 : i32
    %ne3A_28 = arith.constant 0 : i32
    %ne3A_29 = arith.cmpi ne, %rem3A_27, %ne3A_28 : i32
    %lt3A = arith.constant 0 : i32
    %lt3A_30 = arith.cmpi slt, %rem3A_27, %lt3A : i32
    %lt3A_31 = arith.constant 0 : i32
    %lt3A_32 = arith.cmpi slt, %select_n3A_26, %lt3A_31 : i32
    %ne3A_33 = arith.xori %lt3A_30, %lt3A_32 : i1
    %and3A_34 = arith.andi %ne3A_33, %ne3A_29 : i1
    %add3A_35 = arith.addi %rem3A_27, %select_n3A_26 : i32
    %select_n3A_36 = arith.select %and3A_34, %add3A_35, %rem3A_27 : i32
    %dma_start3A = arith.constant 0 : i32
    %dma_start3A_37 = arith.constant 0 : i32
    %dma_start3A_38 = arith.constant 0 : i32
    %dma_start3A_39 = arith.constant 0 : i32
    %dma_start3A_40 = tpu.memref_slice %arg6[%dma_start3A_37, %dma_start3A_38, %dma_start3A_39] : memref<3x16x512xf32, #tpu.memory_space<vmem>> -> memref<1x16x512xf32, #tpu.memory_space<vmem>>
    %dma_start3A_41 = tpu.memref_squeeze %dma_start3A_40 : memref<1x16x512xf32, #tpu.memory_space<vmem>> -> memref<16x512xf32, #tpu.memory_space<vmem>>
    %dma_start3A_42 = arith.constant 0 : i32
    %dma_start3A_43 = tpu.memref_slice %arg2[%add3A_22, %dma_start3A, %select_n3A_36, %dma_start3A_42] : memref<16x1x512x512xf32, #tpu.memory_space<hbm>> -> memref<1x1x16x512xf32, #tpu.memory_space<hbm>>
    %dma_start3A_44 = tpu.memref_squeeze %dma_start3A_43 : memref<1x1x16x512xf32, #tpu.memory_space<hbm>> -> memref<16x512xf32, #tpu.memory_space<hbm>>
    %dma_start3A_45 = arith.constant 0 : i32
    %dma_start3A_46 = arith.constant 0 : i32
    %dma_start3A_47 = tpu.memref_slice %arg6[%dma_start3A_37, %dma_start3A_45, %dma_start3A_46] : memref<3x16x512xf32, #tpu.memory_space<vmem>> -> memref<1x16x512xf32, #tpu.memory_space<vmem>>
    %dma_start3A_48 = tpu.memref_squeeze %dma_start3A_47 : memref<1x16x512xf32, #tpu.memory_space<vmem>> -> memref<16x512xf32, #tpu.memory_space<vmem>>
    %dma_start3A_49 = arith.constant 0 : i32
    %dma_start3A_50 = tpu.memref_slice %arg2[%add3A_22, %dma_start3A, %select_n3A_36, %dma_start3A_49] : memref<16x1x512x512xf32, #tpu.memory_space<hbm>> -> memref<1x1x16x512xf32, #tpu.memory_space<hbm>>
    %dma_start3A_51 = tpu.memref_squeeze %dma_start3A_50 : memref<1x1x16x512xf32, #tpu.memory_space<hbm>> -> memref<16x512xf32, #tpu.memory_space<hbm>>
    tpu.enqueue_dma source(%dma_start3A_51 : memref<16x512xf32, #tpu.memory_space<hbm>>) target(%dma_start3A_48 : memref<16x512xf32, #tpu.memory_space<vmem>>) target_semaphore(%arg10 : memref<!tpu.dma_semaphore, #tpu.memory_space<semaphore_mem>>)
    %mul3A_52 = arith.constant 64 : i32
    %mul3A_53 = arith.muli %add3A, %mul3A_52 : i32
    %add3A_54 = arith.constant 0 : i32
    %add3A_55 = arith.addi %mul3A_53, %add3A_54 : i32
    %jit3A_56 = arith.constant 512 : i32
    %div3A_57 = arith.divsi %add3A_55, %jit3A_56 : i32
    %sign3A_58 = arith.constant 0 : i32
    %sign3A_59 = arith.cmpi sgt, %add3A_55, %sign3A_58 : i32
    %sign3A_60 = arith.extui %sign3A_59 : i1 to i32
    %sign3A_61 = arith.constant 0 : i32
    %sign3A_62 = arith.cmpi slt, %add3A_55, %sign3A_61 : i32
    %sign3A_63 = arith.extui %sign3A_62 : i1 to i32
    %sign3A_64 = arith.subi %sign3A_60, %sign3A_63 : i32
    %sign3A_65 = arith.constant 0 : i32
    %sign3A_66 = arith.cmpi sgt, %jit3A_56, %sign3A_65 : i32
    %sign3A_67 = arith.extui %sign3A_66 : i1 to i32
    %sign3A_68 = arith.constant 0 : i32
    %sign3A_69 = arith.cmpi slt, %jit3A_56, %sign3A_68 : i32
    %sign3A_70 = arith.extui %sign3A_69 : i1 to i32
    %sign3A_71 = arith.subi %sign3A_67, %sign3A_70 : i32
    %ne3A_72 = arith.cmpi ne, %sign3A_64, %sign3A_71 : i32
    %rem3A_73 = arith.remsi %add3A_55, %jit3A_56 : i32
    %ne3A_74 = arith.constant 0 : i32
    %ne3A_75 = arith.cmpi ne, %rem3A_73, %ne3A_74 : i32
    %and3A_76 = arith.andi %ne3A_72, %ne3A_75 : i1
    %sub3A_77 = arith.constant 1 : i32
    %sub3A_78 = arith.subi %div3A_57, %sub3A_77 : i32
    %select_n3A_79 = arith.select %and3A_76, %sub3A_78, %div3A_57 : i32
    %add3A_80 = arith.constant 12 : i32
    %add3A_81 = arith.addi %add3A_80, %select_n3A_79 : i32
    %jit3A_82 = arith.constant 512 : i32
    %eq3A_83 = arith.constant 0 : i32
    %eq3A_84 = arith.cmpi eq, %jit3A_82, %eq3A_83 : i32
    %jit3A_85 = arith.constant 1 : i32
    %select_n3A_86 = arith.select %eq3A_84, %jit3A_85, %jit3A_82 : i32
    %rem3A_87 = arith.remsi %add3A_55, %select_n3A_86 : i32
    %ne3A_88 = arith.constant 0 : i32
    %ne3A_89 = arith.cmpi ne, %rem3A_87, %ne3A_88 : i32
    %lt3A_90 = arith.constant 0 : i32
    %lt3A_91 = arith.cmpi slt, %rem3A_87, %lt3A_90 : i32
    %lt3A_92 = arith.constant 0 : i32
    %lt3A_93 = arith.cmpi slt, %select_n3A_86, %lt3A_92 : i32
    %ne3A_94 = arith.xori %lt3A_91, %lt3A_93 : i1
    %and3A_95 = arith.andi %ne3A_94, %ne3A_89 : i1
    %add3A_96 = arith.addi %rem3A_87, %select_n3A_86 : i32
    %select_n3A_97 = arith.select %and3A_95, %add3A_96, %rem3A_87 : i32
    %dma_start3A_98 = arith.constant 0 : i32
    %dma_start3A_99 = arith.constant 0 : i32
    %dma_start3A_100 = arith.constant 0 : i32
    %dma_start3A_101 = arith.constant 0 : i32
    %dma_start3A_102 = tpu.memref_slice %arg7[%dma_start3A_99, %dma_start3A_100, %dma_start3A_101] : memref<3x16x512xf32, #tpu.memory_space<vmem>> -> memref<1x16x512xf32, #tpu.memory_space<vmem>>
    %dma_start3A_103 = tpu.memref_squeeze %dma_start3A_102 : memref<1x16x512xf32, #tpu.memory_space<vmem>> -> memref<16x512xf32, #tpu.memory_space<vmem>>
    %dma_start3A_104 = arith.constant 0 : i32
    %dma_start3A_105 = tpu.memref_slice %arg3[%add3A_81, %dma_start3A_98, %select_n3A_97, %dma_start3A_104] : memref<16x1x512x512xf32, #tpu.memory_space<hbm>> -> memref<1x1x16x512xf32, #tpu.memory_space<hbm>>
    %dma_start3A_106 = tpu.memref_squeeze %dma_start3A_105 : memref<1x1x16x512xf32, #tpu.memory_space<hbm>> -> memref<16x512xf32, #tpu.memory_space<hbm>>
    %dma_start3A_107 = arith.constant 0 : i32
    %dma_start3A_108 = arith.constant 0 : i32
    %dma_start3A_109 = tpu.memref_slice %arg7[%dma_start3A_99, %dma_start3A_107, %dma_start3A_108] : memref<3x16x512xf32, #tpu.memory_space<vmem>> -> memref<1x16x512xf32, #tpu.memory_space<vmem>>
    %dma_start3A_110 = tpu.memref_squeeze %dma_start3A_109 : memref<1x16x512xf32, #tpu.memory_space<vmem>> -> memref<16x512xf32, #tpu.memory_space<vmem>>
    %dma_start3A_111 = arith.constant 0 : i32
    %dma_start3A_112 = tpu.memref_slice %arg3[%add3A_81, %dma_start3A_98, %select_n3A_97, %dma_start3A_111] : memref<16x1x512x512xf32, #tpu.memory_space<hbm>> -> memref<1x1x16x512xf32, #tpu.memory_space<hbm>>
    %dma_start3A_113 = tpu.memref_squeeze %dma_start3A_112 : memref<1x1x16x512xf32, #tpu.memory_space<hbm>> -> memref<16x512xf32, #tpu.memory_space<hbm>>
    tpu.enqueue_dma source(%dma_start3A_113 : memref<16x512xf32, #tpu.memory_space<hbm>>) target(%dma_start3A_110 : memref<16x512xf32, #tpu.memory_space<vmem>>) target_semaphore(%arg10 : memref<!tpu.dma_semaphore, #tpu.memory_space<semaphore_mem>>)
    %mul3A_114 = arith.constant 64 : i32
    %mul3A_115 = arith.muli %add3A, %mul3A_114 : i32
    %add3A_116 = arith.constant 0 : i32
    %add3A_117 = arith.addi %mul3A_115, %add3A_116 : i32
    %jit3A_118 = arith.constant 512 : i32
    %div3A_119 = arith.divsi %add3A_117, %jit3A_118 : i32
    %sign3A_120 = arith.constant 0 : i32
    %sign3A_121 = arith.cmpi sgt, %add3A_117, %sign3A_120 : i32
    %sign3A_122 = arith.extui %sign3A_121 : i1 to i32
    %sign3A_123 = arith.constant 0 : i32
    %sign3A_124 = arith.cmpi slt, %add3A_117, %sign3A_123 : i32
    %sign3A_125 = arith.extui %sign3A_124 : i1 to i32
    %sign3A_126 = arith.subi %sign3A_122, %sign3A_125 : i32
    %sign3A_127 = arith.constant 0 : i32
    %sign3A_128 = arith.cmpi sgt, %jit3A_118, %sign3A_127 : i32
    %sign3A_129 = arith.extui %sign3A_128 : i1 to i32
    %sign3A_130 = arith.constant 0 : i32
    %sign3A_131 = arith.cmpi slt, %jit3A_118, %sign3A_130 : i32
    %sign3A_132 = arith.extui %sign3A_131 : i1 to i32
    %sign3A_133 = arith.subi %sign3A_129, %sign3A_132 : i32
    %ne3A_134 = arith.cmpi ne, %sign3A_126, %sign3A_133 : i32
    %rem3A_135 = arith.remsi %add3A_117, %jit3A_118 : i32
    %ne3A_136 = arith.constant 0 : i32
    %ne3A_137 = arith.cmpi ne, %rem3A_135, %ne3A_136 : i32
    %and3A_138 = arith.andi %ne3A_134, %ne3A_137 : i1
    %sub3A_139 = arith.constant 1 : i32
    %sub3A_140 = arith.subi %div3A_119, %sub3A_139 : i32
    %select_n3A_141 = arith.select %and3A_138, %sub3A_140, %div3A_119 : i32
    %add3A_142 = arith.constant 12 : i32
    %add3A_143 = arith.addi %add3A_142, %select_n3A_141 : i32
    %jit3A_144 = arith.constant 512 : i32
    %eq3A_145 = arith.constant 0 : i32
    %eq3A_146 = arith.cmpi eq, %jit3A_144, %eq3A_145 : i32
    %jit3A_147 = arith.constant 1 : i32
    %select_n3A_148 = arith.select %eq3A_146, %jit3A_147, %jit3A_144 : i32
    %rem3A_149 = arith.remsi %add3A_117, %select_n3A_148 : i32
    %ne3A_150 = arith.constant 0 : i32
    %ne3A_151 = arith.cmpi ne, %rem3A_149, %ne3A_150 : i32
    %lt3A_152 = arith.constant 0 : i32
    %lt3A_153 = arith.cmpi slt, %rem3A_149, %lt3A_152 : i32
    %lt3A_154 = arith.constant 0 : i32
    %lt3A_155 = arith.cmpi slt, %select_n3A_148, %lt3A_154 : i32
    %ne3A_156 = arith.xori %lt3A_153, %lt3A_155 : i1
    %and3A_157 = arith.andi %ne3A_156, %ne3A_151 : i1
    %add3A_158 = arith.addi %rem3A_149, %select_n3A_148 : i32
    %select_n3A_159 = arith.select %and3A_157, %add3A_158, %rem3A_149 : i32
    %dma_start3A_160 = arith.constant 0 : i32
    %dma_start3A_161 = arith.constant 0 : i32
    %dma_start3A_162 = arith.constant 0 : i32
    %dma_start3A_163 = arith.constant 0 : i32
    %dma_start3A_164 = tpu.memref_slice %arg8[%dma_start3A_161, %dma_start3A_162, %dma_start3A_163] : memref<3x16x512xf32, #tpu.memory_space<vmem>> -> memref<1x16x512xf32, #tpu.memory_space<vmem>>
    %dma_start3A_165 = tpu.memref_squeeze %dma_start3A_164 : memref<1x16x512xf32, #tpu.memory_space<vmem>> -> memref<16x512xf32, #tpu.memory_space<vmem>>
    %dma_start3A_166 = arith.constant 0 : i32
    %dma_start3A_167 = tpu.memref_slice %arg4[%add3A_143, %dma_start3A_160, %select_n3A_159, %dma_start3A_166] : memref<16x1x512x512xf32, #tpu.memory_space<hbm>> -> memref<1x1x16x512xf32, #tpu.memory_space<hbm>>
    %dma_start3A_168 = tpu.memref_squeeze %dma_start3A_167 : memref<1x1x16x512xf32, #tpu.memory_space<hbm>> -> memref<16x512xf32, #tpu.memory_space<hbm>>
    %dma_start3A_169 = arith.constant 0 : i32
    %dma_start3A_170 = arith.constant 0 : i32
    %dma_start3A_171 = tpu.memref_slice %arg8[%dma_start3A_161, %dma_start3A_169, %dma_start3A_170] : memref<3x16x512xf32, #tpu.memory_space<vmem>> -> memref<1x16x512xf32, #tpu.memory_space<vmem>>
    %dma_start3A_172 = tpu.memref_squeeze %dma_start3A_171 : memref<1x16x512xf32, #tpu.memory_space<vmem>> -> memref<16x512xf32, #tpu.memory_space<vmem>>
    %dma_start3A_173 = arith.constant 0 : i32
    %dma_start3A_174 = tpu.memref_slice %arg4[%add3A_143, %dma_start3A_160, %select_n3A_159, %dma_start3A_173] : memref<16x1x512x512xf32, #tpu.memory_space<hbm>> -> memref<1x1x16x512xf32, #tpu.memory_space<hbm>>
    %dma_start3A_175 = tpu.memref_squeeze %dma_start3A_174 : memref<1x1x16x512xf32, #tpu.memory_space<hbm>> -> memref<16x512xf32, #tpu.memory_space<hbm>>
    tpu.enqueue_dma source(%dma_start3A_175 : memref<16x512xf32, #tpu.memory_space<hbm>>) target(%dma_start3A_172 : memref<16x512xf32, #tpu.memory_space<vmem>>) target_semaphore(%arg10 : memref<!tpu.dma_semaphore, #tpu.memory_space<semaphore_mem>>)
    %mul3A_176 = arith.constant 64 : i32
    %mul3A_177 = arith.muli %add3A, %mul3A_176 : i32
    %add3A_178 = arith.constant 16 : i32
    %add3A_179 = arith.addi %mul3A_177, %add3A_178 : i32
    %jit3A_180 = arith.constant 512 : i32
    %div3A_181 = arith.divsi %add3A_179, %jit3A_180 : i32
    %sign3A_182 = arith.constant 0 : i32
    %sign3A_183 = arith.cmpi sgt, %add3A_179, %sign3A_182 : i32
    %sign3A_184 = arith.extui %sign3A_183 : i1 to i32
    %sign3A_185 = arith.constant 0 : i32
    %sign3A_186 = arith.cmpi slt, %add3A_179, %sign3A_185 : i32
    %sign3A_187 = arith.extui %sign3A_186 : i1 to i32
    %sign3A_188 = arith.subi %sign3A_184, %sign3A_187 : i32
    %sign3A_189 = arith.constant 0 : i32
    %sign3A_190 = arith.cmpi sgt, %jit3A_180, %sign3A_189 : i32
    %sign3A_191 = arith.extui %sign3A_190 : i1 to i32
    %sign3A_192 = arith.constant 0 : i32
    %sign3A_193 = arith.cmpi slt, %jit3A_180, %sign3A_192 : i32
    %sign3A_194 = arith.extui %sign3A_193 : i1 to i32
    %sign3A_195 = arith.subi %sign3A_191, %sign3A_194 : i32
    %ne3A_196 = arith.cmpi ne, %sign3A_188, %sign3A_195 : i32
    %rem3A_197 = arith.remsi %add3A_179, %jit3A_180 : i32
    %ne3A_198 = arith.constant 0 : i32
    %ne3A_199 = arith.cmpi ne, %rem3A_197, %ne3A_198 : i32
    %and3A_200 = arith.andi %ne3A_196, %ne3A_199 : i1
    %sub3A_201 = arith.constant 1 : i32
    %sub3A_202 = arith.subi %div3A_181, %sub3A_201 : i32
    %select_n3A_203 = arith.select %and3A_200, %sub3A_202, %div3A_181 : i32
    %add3A_204 = arith.constant 12 : i32
    %add3A_205 = arith.addi %add3A_204, %select_n3A_203 : i32
    %jit3A_206 = arith.constant 512 : i32
    %eq3A_207 = arith.constant 0 : i32
    %eq3A_208 = arith.cmpi eq, %jit3A_206, %eq3A_207 : i32
    %jit3A_209 = arith.constant 1 : i32
    %select_n3A_210 = arith.select %eq3A_208, %jit3A_209, %jit3A_206 : i32
    %rem3A_211 = arith.remsi %add3A_179, %select_n3A_210 : i32
    %ne3A_212 = arith.constant 0 : i32
    %ne3A_213 = arith.cmpi ne, %rem3A_211, %ne3A_212 : i32
    %lt3A_214 = arith.constant 0 : i32
    %lt3A_215 = arith.cmpi slt, %rem3A_211, %lt3A_214 : i32
    %lt3A_216 = arith.constant 0 : i32
    %lt3A_217 = arith.cmpi slt, %select_n3A_210, %lt3A_216 : i32
    %ne3A_218 = arith.xori %lt3A_215, %lt3A_217 : i1
    %and3A_219 = arith.andi %ne3A_218, %ne3A_213 : i1
    %add3A_220 = arith.addi %rem3A_211, %select_n3A_210 : i32
    %select_n3A_221 = arith.select %and3A_219, %add3A_220, %rem3A_211 : i32
    %dma_start3A_222 = arith.constant 0 : i32
    %dma_start3A_223 = arith.constant 1 : i32
    %dma_start3A_224 = arith.constant 0 : i32
    %dma_start3A_225 = arith.constant 0 : i32
    %dma_start3A_226 = tpu.memref_slice %arg6[%dma_start3A_223, %dma_start3A_224, %dma_start3A_225] : memref<3x16x512xf32, #tpu.memory_space<vmem>> -> memref<1x16x512xf32, #tpu.memory_space<vmem>>
    %dma_start3A_227 = tpu.memref_squeeze %dma_start3A_226 : memref<1x16x512xf32, #tpu.memory_space<vmem>> -> memref<16x512xf32, #tpu.memory_space<vmem>>
    %dma_start3A_228 = arith.constant 0 : i32
    %dma_start3A_229 = tpu.memref_slice %arg2[%add3A_205, %dma_start3A_222, %select_n3A_221, %dma_start3A_228] : memref<16x1x512x512xf32, #tpu.memory_space<hbm>> -> memref<1x1x16x512xf32, #tpu.memory_space<hbm>>
    %dma_start3A_230 = tpu.memref_squeeze %dma_start3A_229 : memref<1x1x16x512xf32, #tpu.memory_space<hbm>> -> memref<16x512xf32, #tpu.memory_space<hbm>>
    %dma_start3A_231 = arith.constant 0 : i32
    %dma_start3A_232 = arith.constant 0 : i32
    %dma_start3A_233 = tpu.memref_slice %arg6[%dma_start3A_223, %dma_start3A_231, %dma_start3A_232] : memref<3x16x512xf32, #tpu.memory_space<vmem>> -> memref<1x16x512xf32, #tpu.memory_space<vmem>>
    %dma_start3A_234 = tpu.memref_squeeze %dma_start3A_233 : memref<1x16x512xf32, #tpu.memory_space<vmem>> -> memref<16x512xf32, #tpu.memory_space<vmem>>
    %dma_start3A_235 = arith.constant 0 : i32
    %dma_start3A_236 = tpu.memref_slice %arg2[%add3A_205, %dma_start3A_222, %select_n3A_221, %dma_start3A_235] : memref<16x1x512x512xf32, #tpu.memory_space<hbm>> -> memref<1x1x16x512xf32, #tpu.memory_space<hbm>>
    %dma_start3A_237 = tpu.memref_squeeze %dma_start3A_236 : memref<1x1x16x512xf32, #tpu.memory_space<hbm>> -> memref<16x512xf32, #tpu.memory_space<hbm>>
    tpu.enqueue_dma source(%dma_start3A_237 : memref<16x512xf32, #tpu.memory_space<hbm>>) target(%dma_start3A_234 : memref<16x512xf32, #tpu.memory_space<vmem>>) target_semaphore(%arg11 : memref<!tpu.dma_semaphore, #tpu.memory_space<semaphore_mem>>)
    %mul3A_238 = arith.constant 64 : i32
    %mul3A_239 = arith.muli %add3A, %mul3A_238 : i32
    %add3A_240 = arith.constant 16 : i32
    %add3A_241 = arith.addi %mul3A_239, %add3A_240 : i32
    %jit3A_242 = arith.constant 512 : i32
    %div3A_243 = arith.divsi %add3A_241, %jit3A_242 : i32
    %sign3A_244 = arith.constant 0 : i32
    %sign3A_245 = arith.cmpi sgt, %add3A_241, %sign3A_244 : i32
    %sign3A_246 = arith.extui %sign3A_245 : i1 to i32
    %sign3A_247 = arith.constant 0 : i32
    %sign3A_248 = arith.cmpi slt, %add3A_241, %sign3A_247 : i32
    %sign3A_249 = arith.extui %sign3A_248 : i1 to i32
    %sign3A_250 = arith.subi %sign3A_246, %sign3A_249 : i32
    %sign3A_251 = arith.constant 0 : i32
    %sign3A_252 = arith.cmpi sgt, %jit3A_242, %sign3A_251 : i32
    %sign3A_253 = arith.extui %sign3A_252 : i1 to i32
    %sign3A_254 = arith.constant 0 : i32
    %sign3A_255 = arith.cmpi slt, %jit3A_242, %sign3A_254 : i32
    %sign3A_256 = arith.extui %sign3A_255 : i1 to i32
    %sign3A_257 = arith.subi %sign3A_253, %sign3A_256 : i32
    %ne3A_258 = arith.cmpi ne, %sign3A_250, %sign3A_257 : i32
    %rem3A_259 = arith.remsi %add3A_241, %jit3A_242 : i32
    %ne3A_260 = arith.constant 0 : i32
    %ne3A_261 = arith.cmpi ne, %rem3A_259, %ne3A_260 : i32
    %and3A_262 = arith.andi %ne3A_258, %ne3A_261 : i1
    %sub3A_263 = arith.constant 1 : i32
    %sub3A_264 = arith.subi %div3A_243, %sub3A_263 : i32
    %select_n3A_265 = arith.select %and3A_262, %sub3A_264, %div3A_243 : i32
    %add3A_266 = arith.constant 12 : i32
    %add3A_267 = arith.addi %add3A_266, %select_n3A_265 : i32
    %jit3A_268 = arith.constant 512 : i32
    %eq3A_269 = arith.constant 0 : i32
    %eq3A_270 = arith.cmpi eq, %jit3A_268, %eq3A_269 : i32
    %jit3A_271 = arith.constant 1 : i32
    %select_n3A_272 = arith.select %eq3A_270, %jit3A_271, %jit3A_268 : i32
    %rem3A_273 = arith.remsi %add3A_241, %select_n3A_272 : i32
    %ne3A_274 = arith.constant 0 : i32
    %ne3A_275 = arith.cmpi ne, %rem3A_273, %ne3A_274 : i32
    %lt3A_276 = arith.constant 0 : i32
    %lt3A_277 = arith.cmpi slt, %rem3A_273, %lt3A_276 : i32
    %lt3A_278 = arith.constant 0 : i32
    %lt3A_279 = arith.cmpi slt, %select_n3A_272, %lt3A_278 : i32
    %ne3A_280 = arith.xori %lt3A_277, %lt3A_279 : i1
    %and3A_281 = arith.andi %ne3A_280, %ne3A_275 : i1
    %add3A_282 = arith.addi %rem3A_273, %select_n3A_272 : i32
    %select_n3A_283 = arith.select %and3A_281, %add3A_282, %rem3A_273 : i32
    %dma_start3A_284 = arith.constant 0 : i32
    %dma_start3A_285 = arith.constant 1 : i32
    %dma_start3A_286 = arith.constant 0 : i32
    %dma_start3A_287 = arith.constant 0 : i32
    %dma_start3A_288 = tpu.memref_slice %arg7[%dma_start3A_285, %dma_start3A_286, %dma_start3A_287] : memref<3x16x512xf32, #tpu.memory_space<vmem>> -> memref<1x16x512xf32, #tpu.memory_space<vmem>>
    %dma_start3A_289 = tpu.memref_squeeze %dma_start3A_288 : memref<1x16x512xf32, #tpu.memory_space<vmem>> -> memref<16x512xf32, #tpu.memory_space<vmem>>
    %dma_start3A_290 = arith.constant 0 : i32
    %dma_start3A_291 = tpu.memref_slice %arg3[%add3A_267, %dma_start3A_284, %select_n3A_283, %dma_start3A_290] : memref<16x1x512x512xf32, #tpu.memory_space<hbm>> -> memref<1x1x16x512xf32, #tpu.memory_space<hbm>>
    %dma_start3A_292 = tpu.memref_squeeze %dma_start3A_291 : memref<1x1x16x512xf32, #tpu.memory_space<hbm>> -> memref<16x512xf32, #tpu.memory_space<hbm>>
    %dma_start3A_293 = arith.constant 0 : i32
    %dma_start3A_294 = arith.constant 0 : i32
    %dma_start3A_295 = tpu.memref_slice %arg7[%dma_start3A_285, %dma_start3A_293, %dma_start3A_294] : memref<3x16x512xf32, #tpu.memory_space<vmem>> -> memref<1x16x512xf32, #tpu.memory_space<vmem>>
    %dma_start3A_296 = tpu.memref_squeeze %dma_start3A_295 : memref<1x16x512xf32, #tpu.memory_space<vmem>> -> memref<16x512xf32, #tpu.memory_space<vmem>>
    %dma_start3A_297 = arith.constant 0 : i32
    %dma_start3A_298 = tpu.memref_slice %arg3[%add3A_267, %dma_start3A_284, %select_n3A_283, %dma_start3A_297] : memref<16x1x512x512xf32, #tpu.memory_space<hbm>> -> memref<1x1x16x512xf32, #tpu.memory_space<hbm>>
    %dma_start3A_299 = tpu.memref_squeeze %dma_start3A_298 : memref<1x1x16x512xf32, #tpu.memory_space<hbm>> -> memref<16x512xf32, #tpu.memory_space<hbm>>
    tpu.enqueue_dma source(%dma_start3A_299 : memref<16x512xf32, #tpu.memory_space<hbm>>) target(%dma_start3A_296 : memref<16x512xf32, #tpu.memory_space<vmem>>) target_semaphore(%arg11 : memref<!tpu.dma_semaphore, #tpu.memory_space<semaphore_mem>>)
    %mul3A_300 = arith.constant 64 : i32
    %mul3A_301 = arith.muli %add3A, %mul3A_300 : i32
    %add3A_302 = arith.constant 16 : i32
    %add3A_303 = arith.addi %mul3A_301, %add3A_302 : i32
    %jit3A_304 = arith.constant 512 : i32
    %div3A_305 = arith.divsi %add3A_303, %jit3A_304 : i32
    %sign3A_306 = arith.constant 0 : i32
    %sign3A_307 = arith.cmpi sgt, %add3A_303, %sign3A_306 : i32
    %sign3A_308 = arith.extui %sign3A_307 : i1 to i32
    %sign3A_309 = arith.constant 0 : i32
    %sign3A_310 = arith.cmpi slt, %add3A_303, %sign3A_309 : i32
    %sign3A_311 = arith.extui %sign3A_310 : i1 to i32
    %sign3A_312 = arith.subi %sign3A_308, %sign3A_311 : i32
    %sign3A_313 = arith.constant 0 : i32
    %sign3A_314 = arith.cmpi sgt, %jit3A_304, %sign3A_313 : i32
    %sign3A_315 = arith.extui %sign3A_314 : i1 to i32
    %sign3A_316 = arith.constant 0 : i32
    %sign3A_317 = arith.cmpi slt, %jit3A_304, %sign3A_316 : i32
    %sign3A_318 = arith.extui %sign3A_317 : i1 to i32
    %sign3A_319 = arith.subi %sign3A_315, %sign3A_318 : i32
    %ne3A_320 = arith.cmpi ne, %sign3A_312, %sign3A_319 : i32
    %rem3A_321 = arith.remsi %add3A_303, %jit3A_304 : i32
    %ne3A_322 = arith.constant 0 : i32
    %ne3A_323 = arith.cmpi ne, %rem3A_321, %ne3A_322 : i32
    %and3A_324 = arith.andi %ne3A_320, %ne3A_323 : i1
    %sub3A_325 = arith.constant 1 : i32
    %sub3A_326 = arith.subi %div3A_305, %sub3A_325 : i32
    %select_n3A_327 = arith.select %and3A_324, %sub3A_326, %div3A_305 : i32
    %add3A_328 = arith.constant 12 : i32
    %add3A_329 = arith.addi %add3A_328, %select_n3A_327 : i32
    %jit3A_330 = arith.constant 512 : i32
    %eq3A_331 = arith.constant 0 : i32
    %eq3A_332 = arith.cmpi eq, %jit3A_330, %eq3A_331 : i32
    %jit3A_333 = arith.constant 1 : i32
    %select_n3A_334 = arith.select %eq3A_332, %jit3A_333, %jit3A_330 : i32
    %rem3A_335 = arith.remsi %add3A_303, %select_n3A_334 : i32
    %ne3A_336 = arith.constant 0 : i32
    %ne3A_337 = arith.cmpi ne, %rem3A_335, %ne3A_336 : i32
    %lt3A_338 = arith.constant 0 : i32
    %lt3A_339 = arith.cmpi slt, %rem3A_335, %lt3A_338 : i32
    %lt3A_340 = arith.constant 0 : i32
    %lt3A_341 = arith.cmpi slt, %select_n3A_334, %lt3A_340 : i32
    %ne3A_342 = arith.xori %lt3A_339, %lt3A_341 : i1
    %and3A_343 = arith.andi %ne3A_342, %ne3A_337 : i1
    %add3A_344 = arith.addi %rem3A_335, %select_n3A_334 : i32
    %select_n3A_345 = arith.select %and3A_343, %add3A_344, %rem3A_335 : i32
    %dma_start3A_346 = arith.constant 0 : i32
    %dma_start3A_347 = arith.constant 1 : i32
    %dma_start3A_348 = arith.constant 0 : i32
    %dma_start3A_349 = arith.constant 0 : i32
    %dma_start3A_350 = tpu.memref_slice %arg8[%dma_start3A_347, %dma_start3A_348, %dma_start3A_349] : memref<3x16x512xf32, #tpu.memory_space<vmem>> -> memref<1x16x512xf32, #tpu.memory_space<vmem>>
    %dma_start3A_351 = tpu.memref_squeeze %dma_start3A_350 : memref<1x16x512xf32, #tpu.memory_space<vmem>> -> memref<16x512xf32, #tpu.memory_space<vmem>>
    %dma_start3A_352 = arith.constant 0 : i32
    %dma_start3A_353 = tpu.memref_slice %arg4[%add3A_329, %dma_start3A_346, %select_n3A_345, %dma_start3A_352] : memref<16x1x512x512xf32, #tpu.memory_space<hbm>> -> memref<1x1x16x512xf32, #tpu.memory_space<hbm>>
    %dma_start3A_354 = tpu.memref_squeeze %dma_start3A_353 : memref<1x1x16x512xf32, #tpu.memory_space<hbm>> -> memref<16x512xf32, #tpu.memory_space<hbm>>
    %dma_start3A_355 = arith.constant 0 : i32
    %dma_start3A_356 = arith.constant 0 : i32
    %dma_start3A_357 = tpu.memref_slice %arg8[%dma_start3A_347, %dma_start3A_355, %dma_start3A_356] : memref<3x16x512xf32, #tpu.memory_space<vmem>> -> memref<1x16x512xf32, #tpu.memory_space<vmem>>
    %dma_start3A_358 = tpu.memref_squeeze %dma_start3A_357 : memref<1x16x512xf32, #tpu.memory_space<vmem>> -> memref<16x512xf32, #tpu.memory_space<vmem>>
    %dma_start3A_359 = arith.constant 0 : i32
    %dma_start3A_360 = tpu.memref_slice %arg4[%add3A_329, %dma_start3A_346, %select_n3A_345, %dma_start3A_359] : memref<16x1x512x512xf32, #tpu.memory_space<hbm>> -> memref<1x1x16x512xf32, #tpu.memory_space<hbm>>
    %dma_start3A_361 = tpu.memref_squeeze %dma_start3A_360 : memref<1x1x16x512xf32, #tpu.memory_space<hbm>> -> memref<16x512xf32, #tpu.memory_space<hbm>>
    tpu.enqueue_dma source(%dma_start3A_361 : memref<16x512xf32, #tpu.memory_space<hbm>>) target(%dma_start3A_358 : memref<16x512xf32, #tpu.memory_space<vmem>>) target_semaphore(%arg11 : memref<!tpu.dma_semaphore, #tpu.memory_space<semaphore_mem>>)
    %broadcast_in_dim3A = arith.constant 0.000000e+00 : f32
    %broadcast_in_dim3A_362 = vector.broadcast %broadcast_in_dim3A : f32 to vector<16xf32>
    %broadcast_in_dim3A_363 = arith.constant 0 : i32
    %broadcast_in_dim3A_364 = vector.broadcast %broadcast_in_dim3A_363 : i32 to vector<16xi32>
    %mul3A_365 = arith.constant 64 : i32
    %mul3A_366 = arith.muli %add3A, %mul3A_365 : i32
    %add3A_367 = arith.constant 32 : i32
    %add3A_368 = arith.addi %mul3A_366, %add3A_367 : i32
    %jit3A_369 = arith.constant 512 : i32
    %div3A_370 = arith.divsi %add3A_368, %jit3A_369 : i32
    %sign3A_371 = arith.constant 0 : i32
    %sign3A_372 = arith.cmpi sgt, %add3A_368, %sign3A_371 : i32
    %sign3A_373 = arith.extui %sign3A_372 : i1 to i32
    %sign3A_374 = arith.constant 0 : i32
    %sign3A_375 = arith.cmpi slt, %add3A_368, %sign3A_374 : i32
    %sign3A_376 = arith.extui %sign3A_375 : i1 to i32
    %sign3A_377 = arith.subi %sign3A_373, %sign3A_376 : i32
    %sign3A_378 = arith.constant 0 : i32
    %sign3A_379 = arith.cmpi sgt, %jit3A_369, %sign3A_378 : i32
    %sign3A_380 = arith.extui %sign3A_379 : i1 to i32
    %sign3A_381 = arith.constant 0 : i32
    %sign3A_382 = arith.cmpi slt, %jit3A_369, %sign3A_381 : i32
    %sign3A_383 = arith.extui %sign3A_382 : i1 to i32
    %sign3A_384 = arith.subi %sign3A_380, %sign3A_383 : i32
    %ne3A_385 = arith.cmpi ne, %sign3A_377, %sign3A_384 : i32
    %rem3A_386 = arith.remsi %add3A_368, %jit3A_369 : i32
    %ne3A_387 = arith.constant 0 : i32
    %ne3A_388 = arith.cmpi ne, %rem3A_386, %ne3A_387 : i32
    %and3A_389 = arith.andi %ne3A_385, %ne3A_388 : i1
    %sub3A_390 = arith.constant 1 : i32
    %sub3A_391 = arith.subi %div3A_370, %sub3A_390 : i32
    %select_n3A_392 = arith.select %and3A_389, %sub3A_391, %div3A_370 : i32
    %add3A_393 = arith.constant 12 : i32
    %add3A_394 = arith.addi %add3A_393, %select_n3A_392 : i32
    %jit3A_395 = arith.constant 512 : i32
    %eq3A_396 = arith.constant 0 : i32
    %eq3A_397 = arith.cmpi eq, %jit3A_395, %eq3A_396 : i32
    %jit3A_398 = arith.constant 1 : i32
    %select_n3A_399 = arith.select %eq3A_397, %jit3A_398, %jit3A_395 : i32
    %rem3A_400 = arith.remsi %add3A_368, %select_n3A_399 : i32
    %ne3A_401 = arith.constant 0 : i32
    %ne3A_402 = arith.cmpi ne, %rem3A_400, %ne3A_401 : i32
    %lt3A_403 = arith.constant 0 : i32
    %lt3A_404 = arith.cmpi slt, %rem3A_400, %lt3A_403 : i32
    %lt3A_405 = arith.constant 0 : i32
    %lt3A_406 = arith.cmpi slt, %select_n3A_399, %lt3A_405 : i32
    %ne3A_407 = arith.xori %lt3A_404, %lt3A_406 : i1
    %and3A_408 = arith.andi %ne3A_407, %ne3A_402 : i1
    %add3A_409 = arith.addi %rem3A_400, %select_n3A_399 : i32
    %select_n3A_410 = arith.select %and3A_408, %add3A_409, %rem3A_400 : i32
    %dma_start3A_411 = arith.constant 0 : i32
    %dma_start3A_412 = arith.constant 2 : i32
    %dma_start3A_413 = arith.constant 0 : i32
    %dma_start3A_414 = arith.constant 0 : i32
    %dma_start3A_415 = tpu.memref_slice %arg6[%dma_start3A_412, %dma_start3A_413, %dma_start3A_414] : memref<3x16x512xf32, #tpu.memory_space<vmem>> -> memref<1x16x512xf32, #tpu.memory_space<vmem>>
    %dma_start3A_416 = tpu.memref_squeeze %dma_start3A_415 : memref<1x16x512xf32, #tpu.memory_space<vmem>> -> memref<16x512xf32, #tpu.memory_space<vmem>>
    %dma_start3A_417 = arith.constant 0 : i32
    %dma_start3A_418 = tpu.memref_slice %arg2[%add3A_394, %dma_start3A_411, %select_n3A_410, %dma_start3A_417] : memref<16x1x512x512xf32, #tpu.memory_space<hbm>> -> memref<1x1x16x512xf32, #tpu.memory_space<hbm>>
    %dma_start3A_419 = tpu.memref_squeeze %dma_start3A_418 : memref<1x1x16x512xf32, #tpu.memory_space<hbm>> -> memref<16x512xf32, #tpu.memory_space<hbm>>
    %dma_start3A_420 = arith.constant 0 : i32
    %dma_start3A_421 = arith.constant 0 : i32
    %dma_start3A_422 = tpu.memref_slice %arg6[%dma_start3A_412, %dma_start3A_420, %dma_start3A_421] : memref<3x16x512xf32, #tpu.memory_space<vmem>> -> memref<1x16x512xf32, #tpu.memory_space<vmem>>
    %dma_start3A_423 = tpu.memref_squeeze %dma_start3A_422 : memref<1x16x512xf32, #tpu.memory_space<vmem>> -> memref<16x512xf32, #tpu.memory_space<vmem>>
    %dma_start3A_424 = arith.constant 0 : i32
    %dma_start3A_425 = tpu.memref_slice %arg2[%add3A_394, %dma_start3A_411, %select_n3A_410, %dma_start3A_424] : memref<16x1x512x512xf32, #tpu.memory_space<hbm>> -> memref<1x1x16x512xf32, #tpu.memory_space<hbm>>
    %dma_start3A_426 = tpu.memref_squeeze %dma_start3A_425 : memref<1x1x16x512xf32, #tpu.memory_space<hbm>> -> memref<16x512xf32, #tpu.memory_space<hbm>>
    tpu.enqueue_dma source(%dma_start3A_426 : memref<16x512xf32, #tpu.memory_space<hbm>>) target(%dma_start3A_423 : memref<16x512xf32, #tpu.memory_space<vmem>>) target_semaphore(%arg12 : memref<!tpu.dma_semaphore, #tpu.memory_space<semaphore_mem>>)
    %mul3A_427 = arith.constant 64 : i32
    %mul3A_428 = arith.muli %add3A, %mul3A_427 : i32
    %add3A_429 = arith.constant 32 : i32
    %add3A_430 = arith.addi %mul3A_428, %add3A_429 : i32
    %jit3A_431 = arith.constant 512 : i32
    %div3A_432 = arith.divsi %add3A_430, %jit3A_431 : i32
    %sign3A_433 = arith.constant 0 : i32
    %sign3A_434 = arith.cmpi sgt, %add3A_430, %sign3A_433 : i32
    %sign3A_435 = arith.extui %sign3A_434 : i1 to i32
    %sign3A_436 = arith.constant 0 : i32
    %sign3A_437 = arith.cmpi slt, %add3A_430, %sign3A_436 : i32
    %sign3A_438 = arith.extui %sign3A_437 : i1 to i32
    %sign3A_439 = arith.subi %sign3A_435, %sign3A_438 : i32
    %sign3A_440 = arith.constant 0 : i32
    %sign3A_441 = arith.cmpi sgt, %jit3A_431, %sign3A_440 : i32
    %sign3A_442 = arith.extui %sign3A_441 : i1 to i32
    %sign3A_443 = arith.constant 0 : i32
    %sign3A_444 = arith.cmpi slt, %jit3A_431, %sign3A_443 : i32
    %sign3A_445 = arith.extui %sign3A_444 : i1 to i32
    %sign3A_446 = arith.subi %sign3A_442, %sign3A_445 : i32
    %ne3A_447 = arith.cmpi ne, %sign3A_439, %sign3A_446 : i32
    %rem3A_448 = arith.remsi %add3A_430, %jit3A_431 : i32
    %ne3A_449 = arith.constant 0 : i32
    %ne3A_450 = arith.cmpi ne, %rem3A_448, %ne3A_449 : i32
    %and3A_451 = arith.andi %ne3A_447, %ne3A_450 : i1
    %sub3A_452 = arith.constant 1 : i32
    %sub3A_453 = arith.subi %div3A_432, %sub3A_452 : i32
    %select_n3A_454 = arith.select %and3A_451, %sub3A_453, %div3A_432 : i32
    %add3A_455 = arith.constant 12 : i32
    %add3A_456 = arith.addi %add3A_455, %select_n3A_454 : i32
    %jit3A_457 = arith.constant 512 : i32
    %eq3A_458 = arith.constant 0 : i32
    %eq3A_459 = arith.cmpi eq, %jit3A_457, %eq3A_458 : i32
    %jit3A_460 = arith.constant 1 : i32
    %select_n3A_461 = arith.select %eq3A_459, %jit3A_460, %jit3A_457 : i32
    %rem3A_462 = arith.remsi %add3A_430, %select_n3A_461 : i32
    %ne3A_463 = arith.constant 0 : i32
    %ne3A_464 = arith.cmpi ne, %rem3A_462, %ne3A_463 : i32
    %lt3A_465 = arith.constant 0 : i32
    %lt3A_466 = arith.cmpi slt, %rem3A_462, %lt3A_465 : i32
    %lt3A_467 = arith.constant 0 : i32
    %lt3A_468 = arith.cmpi slt, %select_n3A_461, %lt3A_467 : i32
    %ne3A_469 = arith.xori %lt3A_466, %lt3A_468 : i1
    %and3A_470 = arith.andi %ne3A_469, %ne3A_464 : i1
    %add3A_471 = arith.addi %rem3A_462, %select_n3A_461 : i32
    %select_n3A_472 = arith.select %and3A_470, %add3A_471, %rem3A_462 : i32
    %dma_start3A_473 = arith.constant 0 : i32
    %dma_start3A_474 = arith.constant 2 : i32
    %dma_start3A_475 = arith.constant 0 : i32
    %dma_start3A_476 = arith.constant 0 : i32
    %dma_start3A_477 = tpu.memref_slice %arg7[%dma_start3A_474, %dma_start3A_475, %dma_start3A_476] : memref<3x16x512xf32, #tpu.memory_space<vmem>> -> memref<1x16x512xf32, #tpu.memory_space<vmem>>
    %dma_start3A_478 = tpu.memref_squeeze %dma_start3A_477 : memref<1x16x512xf32, #tpu.memory_space<vmem>> -> memref<16x512xf32, #tpu.memory_space<vmem>>
    %dma_start3A_479 = arith.constant 0 : i32
    %dma_start3A_480 = tpu.memref_slice %arg3[%add3A_456, %dma_start3A_473, %select_n3A_472, %dma_start3A_479] : memref<16x1x512x512xf32, #tpu.memory_space<hbm>> -> memref<1x1x16x512xf32, #tpu.memory_space<hbm>>
    %dma_start3A_481 = tpu.memref_squeeze %dma_start3A_480 : memref<1x1x16x512xf32, #tpu.memory_space<hbm>> -> memref<16x512xf32, #tpu.memory_space<hbm>>
    %dma_start3A_482 = arith.constant 0 : i32
    %dma_start3A_483 = arith.constant 0 : i32
    %dma_start3A_484 = tpu.memref_slice %arg7[%dma_start3A_474, %dma_start3A_482, %dma_start3A_483] : memref<3x16x512xf32, #tpu.memory_space<vmem>> -> memref<1x16x512xf32, #tpu.memory_space<vmem>>
    %dma_start3A_485 = tpu.memref_squeeze %dma_start3A_484 : memref<1x16x512xf32, #tpu.memory_space<vmem>> -> memref<16x512xf32, #tpu.memory_space<vmem>>
    %dma_start3A_486 = arith.constant 0 : i32
    %dma_start3A_487 = tpu.memref_slice %arg3[%add3A_456, %dma_start3A_473, %select_n3A_472, %dma_start3A_486] : memref<16x1x512x512xf32, #tpu.memory_space<hbm>> -> memref<1x1x16x512xf32, #tpu.memory_space<hbm>>
    %dma_start3A_488 = tpu.memref_squeeze %dma_start3A_487 : memref<1x1x16x512xf32, #tpu.memory_space<hbm>> -> memref<16x512xf32, #tpu.memory_space<hbm>>
    tpu.enqueue_dma source(%dma_start3A_488 : memref<16x512xf32, #tpu.memory_space<hbm>>) target(%dma_start3A_485 : memref<16x512xf32, #tpu.memory_space<vmem>>) target_semaphore(%arg12 : memref<!tpu.dma_semaphore, #tpu.memory_space<semaphore_mem>>)
    %mul3A_489 = arith.constant 64 : i32
    %mul3A_490 = arith.muli %add3A, %mul3A_489 : i32
    %add3A_491 = arith.constant 32 : i32
    %add3A_492 = arith.addi %mul3A_490, %add3A_491 : i32
    %jit3A_493 = arith.constant 512 : i32
    %div3A_494 = arith.divsi %add3A_492, %jit3A_493 : i32
    %sign3A_495 = arith.constant 0 : i32
    %sign3A_496 = arith.cmpi sgt, %add3A_492, %sign3A_495 : i32
    %sign3A_497 = arith.extui %sign3A_496 : i1 to i32
    %sign3A_498 = arith.constant 0 : i32
    %sign3A_499 = arith.cmpi slt, %add3A_492, %sign3A_498 : i32
    %sign3A_500 = arith.extui %sign3A_499 : i1 to i32
    %sign3A_501 = arith.subi %sign3A_497, %sign3A_500 : i32
    %sign3A_502 = arith.constant 0 : i32
    %sign3A_503 = arith.cmpi sgt, %jit3A_493, %sign3A_502 : i32
    %sign3A_504 = arith.extui %sign3A_503 : i1 to i32
    %sign3A_505 = arith.constant 0 : i32
    %sign3A_506 = arith.cmpi slt, %jit3A_493, %sign3A_505 : i32
    %sign3A_507 = arith.extui %sign3A_506 : i1 to i32
    %sign3A_508 = arith.subi %sign3A_504, %sign3A_507 : i32
    %ne3A_509 = arith.cmpi ne, %sign3A_501, %sign3A_508 : i32
    %rem3A_510 = arith.remsi %add3A_492, %jit3A_493 : i32
    %ne3A_511 = arith.constant 0 : i32
    %ne3A_512 = arith.cmpi ne, %rem3A_510, %ne3A_511 : i32
    %and3A_513 = arith.andi %ne3A_509, %ne3A_512 : i1
    %sub3A_514 = arith.constant 1 : i32
    %sub3A_515 = arith.subi %div3A_494, %sub3A_514 : i32
    %select_n3A_516 = arith.select %and3A_513, %sub3A_515, %div3A_494 : i32
    %add3A_517 = arith.constant 12 : i32
    %add3A_518 = arith.addi %add3A_517, %select_n3A_516 : i32
    %jit3A_519 = arith.constant 512 : i32
    %eq3A_520 = arith.constant 0 : i32
    %eq3A_521 = arith.cmpi eq, %jit3A_519, %eq3A_520 : i32
    %jit3A_522 = arith.constant 1 : i32
    %select_n3A_523 = arith.select %eq3A_521, %jit3A_522, %jit3A_519 : i32
    %rem3A_524 = arith.remsi %add3A_492, %select_n3A_523 : i32
    %ne3A_525 = arith.constant 0 : i32
    %ne3A_526 = arith.cmpi ne, %rem3A_524, %ne3A_525 : i32
    %lt3A_527 = arith.constant 0 : i32
    %lt3A_528 = arith.cmpi slt, %rem3A_524, %lt3A_527 : i32
    %lt3A_529 = arith.constant 0 : i32
    %lt3A_530 = arith.cmpi slt, %select_n3A_523, %lt3A_529 : i32
    %ne3A_531 = arith.xori %lt3A_528, %lt3A_530 : i1
    %and3A_532 = arith.andi %ne3A_531, %ne3A_526 : i1
    %add3A_533 = arith.addi %rem3A_524, %select_n3A_523 : i32
    %select_n3A_534 = arith.select %and3A_532, %add3A_533, %rem3A_524 : i32
    %dma_start3A_535 = arith.constant 0 : i32
    %dma_start3A_536 = arith.constant 2 : i32
    %dma_start3A_537 = arith.constant 0 : i32
    %dma_start3A_538 = arith.constant 0 : i32
    %dma_start3A_539 = tpu.memref_slice %arg8[%dma_start3A_536, %dma_start3A_537, %dma_start3A_538] : memref<3x16x512xf32, #tpu.memory_space<vmem>> -> memref<1x16x512xf32, #tpu.memory_space<vmem>>
    %dma_start3A_540 = tpu.memref_squeeze %dma_start3A_539 : memref<1x16x512xf32, #tpu.memory_space<vmem>> -> memref<16x512xf32, #tpu.memory_space<vmem>>
    %dma_start3A_541 = arith.constant 0 : i32
    %dma_start3A_542 = tpu.memref_slice %arg4[%add3A_518, %dma_start3A_535, %select_n3A_534, %dma_start3A_541] : memref<16x1x512x512xf32, #tpu.memory_space<hbm>> -> memref<1x1x16x512xf32, #tpu.memory_space<hbm>>
    %dma_start3A_543 = tpu.memref_squeeze %dma_start3A_542 : memref<1x1x16x512xf32, #tpu.memory_space<hbm>> -> memref<16x512xf32, #tpu.memory_space<hbm>>
    %dma_start3A_544 = arith.constant 0 : i32
    %dma_start3A_545 = arith.constant 0 : i32
    %dma_start3A_546 = tpu.memref_slice %arg8[%dma_start3A_536, %dma_start3A_544, %dma_start3A_545] : memref<3x16x512xf32, #tpu.memory_space<vmem>> -> memref<1x16x512xf32, #tpu.memory_space<vmem>>
    %dma_start3A_547 = tpu.memref_squeeze %dma_start3A_546 : memref<1x16x512xf32, #tpu.memory_space<vmem>> -> memref<16x512xf32, #tpu.memory_space<vmem>>
    %dma_start3A_548 = arith.constant 0 : i32
    %dma_start3A_549 = tpu.memref_slice %arg4[%add3A_518, %dma_start3A_535, %select_n3A_534, %dma_start3A_548] : memref<16x1x512x512xf32, #tpu.memory_space<hbm>> -> memref<1x1x16x512xf32, #tpu.memory_space<hbm>>
    %dma_start3A_550 = tpu.memref_squeeze %dma_start3A_549 : memref<1x1x16x512xf32, #tpu.memory_space<hbm>> -> memref<16x512xf32, #tpu.memory_space<hbm>>
    tpu.enqueue_dma source(%dma_start3A_550 : memref<16x512xf32, #tpu.memory_space<hbm>>) target(%dma_start3A_547 : memref<16x512xf32, #tpu.memory_space<vmem>>) target_semaphore(%arg12 : memref<!tpu.dma_semaphore, #tpu.memory_space<semaphore_mem>>)
    %mul3A_551 = arith.constant 64 : i32
    %mul3A_552 = arith.muli %add3A, %mul3A_551 : i32
    %add3A_553 = arith.constant 0 : i32
    %add3A_554 = arith.addi %mul3A_552, %add3A_553 : i32
    %jit3A_555 = arith.constant 512 : i32
    %div3A_556 = arith.divsi %add3A_554, %jit3A_555 : i32
    %sign3A_557 = arith.constant 0 : i32
    %sign3A_558 = arith.cmpi sgt, %add3A_554, %sign3A_557 : i32
    %sign3A_559 = arith.extui %sign3A_558 : i1 to i32
    %sign3A_560 = arith.constant 0 : i32
    %sign3A_561 = arith.cmpi slt, %add3A_554, %sign3A_560 : i32
    %sign3A_562 = arith.extui %sign3A_561 : i1 to i32
    %sign3A_563 = arith.subi %sign3A_559, %sign3A_562 : i32
    %sign3A_564 = arith.constant 0 : i32
    %sign3A_565 = arith.cmpi sgt, %jit3A_555, %sign3A_564 : i32
    %sign3A_566 = arith.extui %sign3A_565 : i1 to i32
    %sign3A_567 = arith.constant 0 : i32
    %sign3A_568 = arith.cmpi slt, %jit3A_555, %sign3A_567 : i32
    %sign3A_569 = arith.extui %sign3A_568 : i1 to i32
    %sign3A_570 = arith.subi %sign3A_566, %sign3A_569 : i32
    %ne3A_571 = arith.cmpi ne, %sign3A_563, %sign3A_570 : i32
    %rem3A_572 = arith.remsi %add3A_554, %jit3A_555 : i32
    %ne3A_573 = arith.constant 0 : i32
    %ne3A_574 = arith.cmpi ne, %rem3A_572, %ne3A_573 : i32
    %and3A_575 = arith.andi %ne3A_571, %ne3A_574 : i1
    %sub3A_576 = arith.constant 1 : i32
    %sub3A_577 = arith.subi %div3A_556, %sub3A_576 : i32
    %select_n3A_578 = arith.select %and3A_575, %sub3A_577, %div3A_556 : i32
    %add3A_579 = arith.constant 12 : i32
    %add3A_580 = arith.addi %add3A_579, %select_n3A_578 : i32
    %jit3A_581 = arith.constant 512 : i32
    %eq3A_582 = arith.constant 0 : i32
    %eq3A_583 = arith.cmpi eq, %jit3A_581, %eq3A_582 : i32
    %jit3A_584 = arith.constant 1 : i32
    %select_n3A_585 = arith.select %eq3A_583, %jit3A_584, %jit3A_581 : i32
    %rem3A_586 = arith.remsi %add3A_554, %select_n3A_585 : i32
    %ne3A_587 = arith.constant 0 : i32
    %ne3A_588 = arith.cmpi ne, %rem3A_586, %ne3A_587 : i32
    %lt3A_589 = arith.constant 0 : i32
    %lt3A_590 = arith.cmpi slt, %rem3A_586, %lt3A_589 : i32
    %lt3A_591 = arith.constant 0 : i32
    %lt3A_592 = arith.cmpi slt, %select_n3A_585, %lt3A_591 : i32
    %ne3A_593 = arith.xori %lt3A_590, %lt3A_592 : i1
    %and3A_594 = arith.andi %ne3A_593, %ne3A_588 : i1
    %add3A_595 = arith.addi %rem3A_586, %select_n3A_585 : i32
    %select_n3A_596 = arith.select %and3A_594, %add3A_595, %rem3A_586 : i32
    %dma_wait3A = arith.constant 0 : i32
    %dma_wait3A_597 = arith.constant 0 : i32
    %dma_wait3A_598 = arith.constant 0 : i32
    %dma_wait3A_599 = arith.constant 0 : i32
    %dma_wait3A_600 = tpu.memref_slice %arg6[%dma_wait3A_597, %dma_wait3A_598, %dma_wait3A_599] : memref<3x16x512xf32, #tpu.memory_space<vmem>> -> memref<1x16x512xf32, #tpu.memory_space<vmem>>
    %dma_wait3A_601 = tpu.memref_squeeze %dma_wait3A_600 : memref<1x16x512xf32, #tpu.memory_space<vmem>> -> memref<16x512xf32, #tpu.memory_space<vmem>>
    %dma_wait3A_602 = arith.constant 0 : i32
    %dma_wait3A_603 = tpu.memref_slice %arg2[%add3A_580, %dma_wait3A, %select_n3A_596, %dma_wait3A_602] : memref<16x1x512x512xf32, #tpu.memory_space<hbm>> -> memref<1x1x16x512xf32, #tpu.memory_space<hbm>>
    %dma_wait3A_604 = tpu.memref_squeeze %dma_wait3A_603 : memref<1x1x16x512xf32, #tpu.memory_space<hbm>> -> memref<16x512xf32, #tpu.memory_space<hbm>>
    %dma_wait3A_605 = arith.constant 0 : i32
    %dma_wait3A_606 = arith.constant 0 : i32
    %dma_wait3A_607 = tpu.memref_slice %arg6[%dma_wait3A_597, %dma_wait3A_605, %dma_wait3A_606] : memref<3x16x512xf32, #tpu.memory_space<vmem>> -> memref<1x16x512xf32, #tpu.memory_space<vmem>>
    %dma_wait3A_608 = tpu.memref_squeeze %dma_wait3A_607 : memref<1x16x512xf32, #tpu.memory_space<vmem>> -> memref<16x512xf32, #tpu.memory_space<vmem>>
    %dma_wait3A_609 = arith.constant 0 : i32
    %dma_wait3A_610 = tpu.memref_slice %arg2[%add3A_580, %dma_wait3A, %select_n3A_596, %dma_wait3A_609] : memref<16x1x512x512xf32, #tpu.memory_space<hbm>> -> memref<1x1x16x512xf32, #tpu.memory_space<hbm>>
    %dma_wait3A_611 = tpu.memref_squeeze %dma_wait3A_610 : memref<1x1x16x512xf32, #tpu.memory_space<hbm>> -> memref<16x512xf32, #tpu.memory_space<hbm>>
    tpu.wait_dma2 semaphore(%arg10 : memref<!tpu.dma_semaphore, #tpu.memory_space<semaphore_mem>>) src(%dma_wait3A_611 : memref<16x512xf32, #tpu.memory_space<hbm>>) dst(%dma_wait3A_608 : memref<16x512xf32, #tpu.memory_space<vmem>>)
    %mul3A_612 = arith.constant 64 : i32
    %mul3A_613 = arith.muli %add3A, %mul3A_612 : i32
    %add3A_614 = arith.constant 0 : i32
    %add3A_615 = arith.addi %mul3A_613, %add3A_614 : i32
    %jit3A_616 = arith.constant 512 : i32
    %div3A_617 = arith.divsi %add3A_615, %jit3A_616 : i32
    %sign3A_618 = arith.constant 0 : i32
    %sign3A_619 = arith.cmpi sgt, %add3A_615, %sign3A_618 : i32
    %sign3A_620 = arith.extui %sign3A_619 : i1 to i32
    %sign3A_621 = arith.constant 0 : i32
    %sign3A_622 = arith.cmpi slt, %add3A_615, %sign3A_621 : i32
    %sign3A_623 = arith.extui %sign3A_622 : i1 to i32
    %sign3A_624 = arith.subi %sign3A_620, %sign3A_623 : i32
    %sign3A_625 = arith.constant 0 : i32
    %sign3A_626 = arith.cmpi sgt, %jit3A_616, %sign3A_625 : i32
    %sign3A_627 = arith.extui %sign3A_626 : i1 to i32
    %sign3A_628 = arith.constant 0 : i32
    %sign3A_629 = arith.cmpi slt, %jit3A_616, %sign3A_628 : i32
    %sign3A_630 = arith.extui %sign3A_629 : i1 to i32
    %sign3A_631 = arith.subi %sign3A_627, %sign3A_630 : i32
    %ne3A_632 = arith.cmpi ne, %sign3A_624, %sign3A_631 : i32
    %rem3A_633 = arith.remsi %add3A_615, %jit3A_616 : i32
    %ne3A_634 = arith.constant 0 : i32
    %ne3A_635 = arith.cmpi ne, %rem3A_633, %ne3A_634 : i32
    %and3A_636 = arith.andi %ne3A_632, %ne3A_635 : i1
    %sub3A_637 = arith.constant 1 : i32
    %sub3A_638 = arith.subi %div3A_617, %sub3A_637 : i32
    %select_n3A_639 = arith.select %and3A_636, %sub3A_638, %div3A_617 : i32
    %add3A_640 = arith.constant 12 : i32
    %add3A_641 = arith.addi %add3A_640, %select_n3A_639 : i32
    %jit3A_642 = arith.constant 512 : i32
    %eq3A_643 = arith.constant 0 : i32
    %eq3A_644 = arith.cmpi eq, %jit3A_642, %eq3A_643 : i32
    %jit3A_645 = arith.constant 1 : i32
    %select_n3A_646 = arith.select %eq3A_644, %jit3A_645, %jit3A_642 : i32
    %rem3A_647 = arith.remsi %add3A_615, %select_n3A_646 : i32
    %ne3A_648 = arith.constant 0 : i32
    %ne3A_649 = arith.cmpi ne, %rem3A_647, %ne3A_648 : i32
    %lt3A_650 = arith.constant 0 : i32
    %lt3A_651 = arith.cmpi slt, %rem3A_647, %lt3A_650 : i32
    %lt3A_652 = arith.constant 0 : i32
    %lt3A_653 = arith.cmpi slt, %select_n3A_646, %lt3A_652 : i32
    %ne3A_654 = arith.xori %lt3A_651, %lt3A_653 : i1
    %and3A_655 = arith.andi %ne3A_654, %ne3A_649 : i1
    %add3A_656 = arith.addi %rem3A_647, %select_n3A_646 : i32
    %select_n3A_657 = arith.select %and3A_655, %add3A_656, %rem3A_647 : i32
    %dma_wait3A_658 = arith.constant 0 : i32
    %dma_wait3A_659 = arith.constant 0 : i32
    %dma_wait3A_660 = arith.constant 0 : i32
    %dma_wait3A_661 = arith.constant 0 : i32
    %dma_wait3A_662 = tpu.memref_slice %arg7[%dma_wait3A_659, %dma_wait3A_660, %dma_wait3A_661] : memref<3x16x512xf32, #tpu.memory_space<vmem>> -> memref<1x16x512xf32, #tpu.memory_space<vmem>>
    %dma_wait3A_663 = tpu.memref_squeeze %dma_wait3A_662 : memref<1x16x512xf32, #tpu.memory_space<vmem>> -> memref<16x512xf32, #tpu.memory_space<vmem>>
    %dma_wait3A_664 = arith.constant 0 : i32
    %dma_wait3A_665 = tpu.memref_slice %arg3[%add3A_641, %dma_wait3A_658, %select_n3A_657, %dma_wait3A_664] : memref<16x1x512x512xf32, #tpu.memory_space<hbm>> -> memref<1x1x16x512xf32, #tpu.memory_space<hbm>>
    %dma_wait3A_666 = tpu.memref_squeeze %dma_wait3A_665 : memref<1x1x16x512xf32, #tpu.memory_space<hbm>> -> memref<16x512xf32, #tpu.memory_space<hbm>>
    %dma_wait3A_667 = arith.constant 0 : i32
    %dma_wait3A_668 = arith.constant 0 : i32
    %dma_wait3A_669 = tpu.memref_slice %arg7[%dma_wait3A_659, %dma_wait3A_667, %dma_wait3A_668] : memref<3x16x512xf32, #tpu.memory_space<vmem>> -> memref<1x16x512xf32, #tpu.memory_space<vmem>>
    %dma_wait3A_670 = tpu.memref_squeeze %dma_wait3A_669 : memref<1x16x512xf32, #tpu.memory_space<vmem>> -> memref<16x512xf32, #tpu.memory_space<vmem>>
    %dma_wait3A_671 = arith.constant 0 : i32
    %dma_wait3A_672 = tpu.memref_slice %arg3[%add3A_641, %dma_wait3A_658, %select_n3A_657, %dma_wait3A_671] : memref<16x1x512x512xf32, #tpu.memory_space<hbm>> -> memref<1x1x16x512xf32, #tpu.memory_space<hbm>>
    %dma_wait3A_673 = tpu.memref_squeeze %dma_wait3A_672 : memref<1x1x16x512xf32, #tpu.memory_space<hbm>> -> memref<16x512xf32, #tpu.memory_space<hbm>>
    tpu.wait_dma2 semaphore(%arg10 : memref<!tpu.dma_semaphore, #tpu.memory_space<semaphore_mem>>) src(%dma_wait3A_673 : memref<16x512xf32, #tpu.memory_space<hbm>>) dst(%dma_wait3A_670 : memref<16x512xf32, #tpu.memory_space<vmem>>)
    %mul3A_674 = arith.constant 64 : i32
    %mul3A_675 = arith.muli %add3A, %mul3A_674 : i32
    %add3A_676 = arith.constant 0 : i32
    %add3A_677 = arith.addi %mul3A_675, %add3A_676 : i32
    %jit3A_678 = arith.constant 512 : i32
    %div3A_679 = arith.divsi %add3A_677, %jit3A_678 : i32
    %sign3A_680 = arith.constant 0 : i32
    %sign3A_681 = arith.cmpi sgt, %add3A_677, %sign3A_680 : i32
    %sign3A_682 = arith.extui %sign3A_681 : i1 to i32
    %sign3A_683 = arith.constant 0 : i32
    %sign3A_684 = arith.cmpi slt, %add3A_677, %sign3A_683 : i32
    %sign3A_685 = arith.extui %sign3A_684 : i1 to i32
    %sign3A_686 = arith.subi %sign3A_682, %sign3A_685 : i32
    %sign3A_687 = arith.constant 0 : i32
    %sign3A_688 = arith.cmpi sgt, %jit3A_678, %sign3A_687 : i32
    %sign3A_689 = arith.extui %sign3A_688 : i1 to i32
    %sign3A_690 = arith.constant 0 : i32
    %sign3A_691 = arith.cmpi slt, %jit3A_678, %sign3A_690 : i32
    %sign3A_692 = arith.extui %sign3A_691 : i1 to i32
    %sign3A_693 = arith.subi %sign3A_689, %sign3A_692 : i32
    %ne3A_694 = arith.cmpi ne, %sign3A_686, %sign3A_693 : i32
    %rem3A_695 = arith.remsi %add3A_677, %jit3A_678 : i32
    %ne3A_696 = arith.constant 0 : i32
    %ne3A_697 = arith.cmpi ne, %rem3A_695, %ne3A_696 : i32
    %and3A_698 = arith.andi %ne3A_694, %ne3A_697 : i1
    %sub3A_699 = arith.constant 1 : i32
    %sub3A_700 = arith.subi %div3A_679, %sub3A_699 : i32
    %select_n3A_701 = arith.select %and3A_698, %sub3A_700, %div3A_679 : i32
    %add3A_702 = arith.constant 12 : i32
    %add3A_703 = arith.addi %add3A_702, %select_n3A_701 : i32
    %jit3A_704 = arith.constant 512 : i32
    %eq3A_705 = arith.constant 0 : i32
    %eq3A_706 = arith.cmpi eq, %jit3A_704, %eq3A_705 : i32
    %jit3A_707 = arith.constant 1 : i32
    %select_n3A_708 = arith.select %eq3A_706, %jit3A_707, %jit3A_704 : i32
    %rem3A_709 = arith.remsi %add3A_677, %select_n3A_708 : i32
    %ne3A_710 = arith.constant 0 : i32
    %ne3A_711 = arith.cmpi ne, %rem3A_709, %ne3A_710 : i32
    %lt3A_712 = arith.constant 0 : i32
    %lt3A_713 = arith.cmpi slt, %rem3A_709, %lt3A_712 : i32
    %lt3A_714 = arith.constant 0 : i32
    %lt3A_715 = arith.cmpi slt, %select_n3A_708, %lt3A_714 : i32
    %ne3A_716 = arith.xori %lt3A_713, %lt3A_715 : i1
    %and3A_717 = arith.andi %ne3A_716, %ne3A_711 : i1
    %add3A_718 = arith.addi %rem3A_709, %select_n3A_708 : i32
    %select_n3A_719 = arith.select %and3A_717, %add3A_718, %rem3A_709 : i32
    %dma_wait3A_720 = arith.constant 0 : i32
    %dma_wait3A_721 = arith.constant 0 : i32
    %dma_wait3A_722 = arith.constant 0 : i32
    %dma_wait3A_723 = arith.constant 0 : i32
    %dma_wait3A_724 = tpu.memref_slice %arg8[%dma_wait3A_721, %dma_wait3A_722, %dma_wait3A_723] : memref<3x16x512xf32, #tpu.memory_space<vmem>> -> memref<1x16x512xf32, #tpu.memory_space<vmem>>
    %dma_wait3A_725 = tpu.memref_squeeze %dma_wait3A_724 : memref<1x16x512xf32, #tpu.memory_space<vmem>> -> memref<16x512xf32, #tpu.memory_space<vmem>>
    %dma_wait3A_726 = arith.constant 0 : i32
    %dma_wait3A_727 = tpu.memref_slice %arg4[%add3A_703, %dma_wait3A_720, %select_n3A_719, %dma_wait3A_726] : memref<16x1x512x512xf32, #tpu.memory_space<hbm>> -> memref<1x1x16x512xf32, #tpu.memory_space<hbm>>
    %dma_wait3A_728 = tpu.memref_squeeze %dma_wait3A_727 : memref<1x1x16x512xf32, #tpu.memory_space<hbm>> -> memref<16x512xf32, #tpu.memory_space<hbm>>
    %dma_wait3A_729 = arith.constant 0 : i32
    %dma_wait3A_730 = arith.constant 0 : i32
    %dma_wait3A_731 = tpu.memref_slice %arg8[%dma_wait3A_721, %dma_wait3A_729, %dma_wait3A_730] : memref<3x16x512xf32, #tpu.memory_space<vmem>> -> memref<1x16x512xf32, #tpu.memory_space<vmem>>
    %dma_wait3A_732 = tpu.memref_squeeze %dma_wait3A_731 : memref<1x16x512xf32, #tpu.memory_space<vmem>> -> memref<16x512xf32, #tpu.memory_space<vmem>>
    %dma_wait3A_733 = arith.constant 0 : i32
    %dma_wait3A_734 = tpu.memref_slice %arg4[%add3A_703, %dma_wait3A_720, %select_n3A_719, %dma_wait3A_733] : memref<16x1x512x512xf32, #tpu.memory_space<hbm>> -> memref<1x1x16x512xf32, #tpu.memory_space<hbm>>
    %dma_wait3A_735 = tpu.memref_squeeze %dma_wait3A_734 : memref<1x1x16x512xf32, #tpu.memory_space<hbm>> -> memref<16x512xf32, #tpu.memory_space<hbm>>
    tpu.wait_dma2 semaphore(%arg10 : memref<!tpu.dma_semaphore, #tpu.memory_space<semaphore_mem>>) src(%dma_wait3A_735 : memref<16x512xf32, #tpu.memory_space<hbm>>) dst(%dma_wait3A_732 : memref<16x512xf32, #tpu.memory_space<vmem>>)
    %scan3A = arith.constant 0 : i32
    %scan3A_736 = arith.constant 0 : i32
    %scan3A_737 = arith.constant 0 : i32
    %scan3A_738 = arith.constant 0 : i32
    %scan3A_739 = arith.constant 64 : i32
    %scan3A_740 = arith.addi %scan3A_738, %scan3A_739 : i32
    %scan3A_741 = arith.constant 1 : i32
    %scan3A_742:16 = scf.for %scan3A_1538 = %scan3A_738 to %scan3A_740 step %scan3A_741 iter_args(%scan3A_1539 = %broadcast_in_dim3A_362, %scan3A_1540 = %broadcast_in_dim3A_362, %scan3A_1541 = %broadcast_in_dim3A_362, %scan3A_1542 = %broadcast_in_dim3A_362, %scan3A_1543 = %broadcast_in_dim3A_362, %scan3A_1544 = %broadcast_in_dim3A_362, %scan3A_1545 = %broadcast_in_dim3A_362, %scan3A_1546 = %broadcast_in_dim3A_362, %scan3A_1547 = %broadcast_in_dim3A_364, %scan3A_1548 = %broadcast_in_dim3A_364, %scan3A_1549 = %broadcast_in_dim3A_364, %scan3A_1550 = %broadcast_in_dim3A_364, %scan3A_1551 = %broadcast_in_dim3A_364, %scan3A_1552 = %broadcast_in_dim3A_364, %scan3A_1553 = %broadcast_in_dim3A_364, %scan3A_1554 = %broadcast_in_dim3A_364) -> (vector<16xf32>, vector<16xf32>, vector<16xf32>, vector<16xf32>, vector<16xf32>, vector<16xf32>, vector<16xf32>, vector<16xf32>, vector<16xi32>, vector<16xi32>, vector<16xi32>, vector<16xi32>, vector<16xi32>, vector<16xi32>, vector<16xi32>, vector<16xi32>)  : i32 {
      %jit3A_1555 = arith.constant 4 : i32
      %div3A_1556 = arith.divsi %scan3A_1538, %jit3A_1555 : i32
      %sign3A_1557 = arith.constant 0 : i32
      %sign3A_1558 = arith.cmpi sgt, %scan3A_1538, %sign3A_1557 : i32
      %sign3A_1559 = arith.extui %sign3A_1558 : i1 to i32
      %sign3A_1560 = arith.constant 0 : i32
      %sign3A_1561 = arith.cmpi slt, %scan3A_1538, %sign3A_1560 : i32
      %sign3A_1562 = arith.extui %sign3A_1561 : i1 to i32
      %sign3A_1563 = arith.subi %sign3A_1559, %sign3A_1562 : i32
      %sign3A_1564 = arith.constant 0 : i32
      %sign3A_1565 = arith.cmpi sgt, %jit3A_1555, %sign3A_1564 : i32
      %sign3A_1566 = arith.extui %sign3A_1565 : i1 to i32
      %sign3A_1567 = arith.constant 0 : i32
      %sign3A_1568 = arith.cmpi slt, %jit3A_1555, %sign3A_1567 : i32
      %sign3A_1569 = arith.extui %sign3A_1568 : i1 to i32
      %sign3A_1570 = arith.subi %sign3A_1566, %sign3A_1569 : i32
      %ne3A_1571 = arith.cmpi ne, %sign3A_1563, %sign3A_1570 : i32
      %rem3A_1572 = arith.remsi %scan3A_1538, %jit3A_1555 : i32
      %ne3A_1573 = arith.constant 0 : i32
      %ne3A_1574 = arith.cmpi ne, %rem3A_1572, %ne3A_1573 : i32
      %and3A_1575 = arith.andi %ne3A_1571, %ne3A_1574 : i1
      %sub3A_1576 = arith.constant 1 : i32
      %sub3A_1577 = arith.subi %div3A_1556, %sub3A_1576 : i32
      %select_n3A_1578 = arith.select %and3A_1575, %sub3A_1577, %div3A_1556 : i32
      %jit3A_1579 = arith.constant 4 : i32
      %eq3A_1580 = arith.constant 0 : i32
      %eq3A_1581 = arith.cmpi eq, %jit3A_1579, %eq3A_1580 : i32
      %jit3A_1582 = arith.constant 1 : i32
      %select_n3A_1583 = arith.select %eq3A_1581, %jit3A_1582, %jit3A_1579 : i32
      %rem3A_1584 = arith.remsi %scan3A_1538, %select_n3A_1583 : i32
      %ne3A_1585 = arith.constant 0 : i32
      %ne3A_1586 = arith.cmpi ne, %rem3A_1584, %ne3A_1585 : i32
      %lt3A_1587 = arith.constant 0 : i32
      %lt3A_1588 = arith.cmpi slt, %rem3A_1584, %lt3A_1587 : i32
      %lt3A_1589 = arith.constant 0 : i32
      %lt3A_1590 = arith.cmpi slt, %select_n3A_1583, %lt3A_1589 : i32
      %ne3A_1591 = arith.xori %lt3A_1588, %lt3A_1590 : i1
      %and3A_1592 = arith.andi %ne3A_1591, %ne3A_1586 : i1
      %add3A_1593 = arith.addi %rem3A_1584, %select_n3A_1583 : i32
      %select_n3A_1594 = arith.select %and3A_1592, %add3A_1593, %rem3A_1584 : i32
      %mul3A_1595 = arith.constant 128 : i32
      %mul3A_1596 = arith.muli %select_n3A_1594, %mul3A_1595 : i32
      %add3A_1597 = arith.constant 0 : i32
      %add3A_1598 = arith.addi %mul3A_1596, %add3A_1597 : i32
      %get3A = arith.constant 0 : i32
      %get3A_1599 = arith.constant 0 : i32
      %get3A_1600 = tpu.memref_slice %arg6[%scan3A, %get3A, %get3A_1599] : memref<3x16x512xf32, #tpu.memory_space<vmem>> -> memref<1x16x512xf32, #tpu.memory_space<vmem>>
      %get3A_1601 = tpu.memref_squeeze %get3A_1600 : memref<1x16x512xf32, #tpu.memory_space<vmem>> -> memref<16x512xf32, #tpu.memory_space<vmem>>
      %get3A_1602 = arith.index_cast %select_n3A_1578 : i32 to index
      %get3A_1603 = arith.index_cast %add3A_1598 : i32 to index
      %get3A_1604 = tpu.vector_load %get3A_1601[%get3A_1602, %get3A_1603] {strides = array<i32>} : memref<16x512xf32, #tpu.memory_space<vmem>>, vector<1x16xf32>,
      %get3A_1605 = vector.shape_cast %get3A_1604 : vector<1x16xf32> to vector<16xf32>
      %get3A_1606 = arith.constant 0 : i32
      %get3A_1607 = arith.constant 0 : i32
      %get3A_1608 = tpu.memref_slice %arg7[%scan3A_736, %get3A_1606, %get3A_1607] : memref<3x16x512xf32, #tpu.memory_space<vmem>> -> memref<1x16x512xf32, #tpu.memory_space<vmem>>
      %get3A_1609 = tpu.memref_squeeze %get3A_1608 : memref<1x16x512xf32, #tpu.memory_space<vmem>> -> memref<16x512xf32, #tpu.memory_space<vmem>>
      %get3A_1610 = arith.index_cast %select_n3A_1578 : i32 to index
      %get3A_1611 = arith.index_cast %add3A_1598 : i32 to index
      %get3A_1612 = tpu.vector_load %get3A_1609[%get3A_1610, %get3A_1611] {strides = array<i32>} : memref<16x512xf32, #tpu.memory_space<vmem>>, vector<1x16xf32>,
      %get3A_1613 = vector.shape_cast %get3A_1612 : vector<1x16xf32> to vector<16xf32>
      %get3A_1614 = arith.constant 0 : i32
      %get3A_1615 = arith.constant 0 : i32
      %get3A_1616 = tpu.memref_slice %arg8[%scan3A_737, %get3A_1614, %get3A_1615] : memref<3x16x512xf32, #tpu.memory_space<vmem>> -> memref<1x16x512xf32, #tpu.memory_space<vmem>>
      %get3A_1617 = tpu.memref_squeeze %get3A_1616 : memref<1x16x512xf32, #tpu.memory_space<vmem>> -> memref<16x512xf32, #tpu.memory_space<vmem>>
      %get3A_1618 = arith.index_cast %select_n3A_1578 : i32 to index
      %get3A_1619 = arith.index_cast %add3A_1598 : i32 to index
      %get3A_1620 = tpu.vector_load %get3A_1617[%get3A_1618, %get3A_1619] {strides = array<i32>} : memref<16x512xf32, #tpu.memory_space<vmem>>, vector<1x16xf32>,
      %get3A_1621 = vector.shape_cast %get3A_1620 : vector<1x16xf32> to vector<16xf32>
      %mul3A_1622 = arith.constant 1.000000e+01 : f32
      %mul3A_1623 = vector.broadcast %mul3A_1622 : f32 to vector<16xf32>
      %mul3A_1624 = arith.mulf %get3A_1613, %mul3A_1623 : vector<16xf32>
      %convert_element_type3A_1625 = arith.fptosi %mul3A_1624 : vector<16xf32> to vector<16xi32>
      %convert_element_type3A_1626 = arith.sitofp %convert_element_type3A_1625 : vector<16xi32> to vector<16xf32>
      %gt3A = arith.constant 0.000000e+00 : f32
      %gt3A_1627 = vector.broadcast %gt3A : f32 to vector<16xf32>
      %gt3A_1628 = arith.cmpf ogt, %get3A_1621, %gt3A_1627 : vector<16xf32>
      %jit3A_1629 = arith.constant 0.000000e+00 : f32
      %broadcast_in_dim3A_1630 = vector.broadcast %jit3A_1629 : f32 to vector<16xf32>
      %select_n3A_1631 = arith.select %gt3A_1628, %convert_element_type3A_1626, %broadcast_in_dim3A_1630 : vector<16xi1>, vector<16xf32>
      %sub3A_1632 = arith.subf %get3A_1605, %get3A_1613 : vector<16xf32>
      %mul3A_1633 = arith.mulf %sub3A_1632, %sub3A_1632 : vector<16xf32>
      %mul3A_1634 = arith.mulf %select_n3A_1631, %mul3A_1633 : vector<16xf32>
      %add3A_1635 = arith.addf %scan3A_1539, %mul3A_1634 : vector<16xf32>
      %jit3A_1636 = arith.constant 1 : i32
      %jit3A_1637 = arith.constant 0 : i32
      %broadcast_in_dim3A_1638 = vector.broadcast %jit3A_1636 : i32 to vector<16xi32>
      %broadcast_in_dim3A_1639 = vector.broadcast %jit3A_1637 : i32 to vector<16xi32>
      %select_n3A_1640 = arith.select %gt3A_1628, %broadcast_in_dim3A_1638, %broadcast_in_dim3A_1639 : vector<16xi1>, vector<16xi32>
      %add3A_1641 = arith.addi %scan3A_1547, %select_n3A_1640 : vector<16xi32>
      %add3A_1642 = arith.constant 16 : i32
      %add3A_1643 = arith.addi %mul3A_1596, %add3A_1642 : i32
      %get3A_1644 = arith.constant 0 : i32
      %get3A_1645 = arith.constant 0 : i32
      %get3A_1646 = tpu.memref_slice %arg6[%scan3A, %get3A_1644, %get3A_1645] : memref<3x16x512xf32, #tpu.memory_space<vmem>> -> memref<1x16x512xf32, #tpu.memory_space<vmem>>
      %get3A_1647 = tpu.memref_squeeze %get3A_1646 : memref<1x16x512xf32, #tpu.memory_space<vmem>> -> memref<16x512xf32, #tpu.memory_space<vmem>>
      %get3A_1648 = arith.index_cast %select_n3A_1578 : i32 to index
      %get3A_1649 = arith.index_cast %add3A_1643 : i32 to index
      %get3A_1650 = tpu.vector_load %get3A_1647[%get3A_1648, %get3A_1649] {strides = array<i32>} : memref<16x512xf32, #tpu.memory_space<vmem>>, vector<1x16xf32>,
      %get3A_1651 = vector.shape_cast %get3A_1650 : vector<1x16xf32> to vector<16xf32>
      %get3A_1652 = arith.constant 0 : i32
      %get3A_1653 = arith.constant 0 : i32
      %get3A_1654 = tpu.memref_slice %arg7[%scan3A_736, %get3A_1652, %get3A_1653] : memref<3x16x512xf32, #tpu.memory_space<vmem>> -> memref<1x16x512xf32, #tpu.memory_space<vmem>>
      %get3A_1655 = tpu.memref_squeeze %get3A_1654 : memref<1x16x512xf32, #tpu.memory_space<vmem>> -> memref<16x512xf32, #tpu.memory_space<vmem>>
      %get3A_1656 = arith.index_cast %select_n3A_1578 : i32 to index
      %get3A_1657 = arith.index_cast %add3A_1643 : i32 to index
      %get3A_1658 = tpu.vector_load %get3A_1655[%get3A_1656, %get3A_1657] {strides = array<i32>} : memref<16x512xf32, #tpu.memory_space<vmem>>, vector<1x16xf32>,
      %get3A_1659 = vector.shape_cast %get3A_1658 : vector<1x16xf32> to vector<16xf32>
      %get3A_1660 = arith.constant 0 : i32
      %get3A_1661 = arith.constant 0 : i32
      %get3A_1662 = tpu.memref_slice %arg8[%scan3A_737, %get3A_1660, %get3A_1661] : memref<3x16x512xf32, #tpu.memory_space<vmem>> -> memref<1x16x512xf32, #tpu.memory_space<vmem>>
      %get3A_1663 = tpu.memref_squeeze %get3A_1662 : memref<1x16x512xf32, #tpu.memory_space<vmem>> -> memref<16x512xf32, #tpu.memory_space<vmem>>
      %get3A_1664 = arith.index_cast %select_n3A_1578 : i32 to index
      %get3A_1665 = arith.index_cast %add3A_1643 : i32 to index
      %get3A_1666 = tpu.vector_load %get3A_1663[%get3A_1664, %get3A_1665] {strides = array<i32>} : memref<16x512xf32, #tpu.memory_space<vmem>>, vector<1x16xf32>,
      %get3A_1667 = vector.shape_cast %get3A_1666 : vector<1x16xf32> to vector<16xf32>
      %mul3A_1668 = arith.constant 1.000000e+01 : f32
      %mul3A_1669 = vector.broadcast %mul3A_1668 : f32 to vector<16xf32>
      %mul3A_1670 = arith.mulf %get3A_1659, %mul3A_1669 : vector<16xf32>
      %convert_element_type3A_1671 = arith.fptosi %mul3A_1670 : vector<16xf32> to vector<16xi32>
      %convert_element_type3A_1672 = arith.sitofp %convert_element_type3A_1671 : vector<16xi32> to vector<16xf32>
      %gt3A_1673 = arith.constant 0.000000e+00 : f32
      %gt3A_1674 = vector.broadcast %gt3A_1673 : f32 to vector<16xf32>
      %gt3A_1675 = arith.cmpf ogt, %get3A_1667, %gt3A_1674 : vector<16xf32>
      %jit3A_1676 = arith.constant 0.000000e+00 : f32
      %broadcast_in_dim3A_1677 = vector.broadcast %jit3A_1676 : f32 to vector<16xf32>
      %select_n3A_1678 = arith.select %gt3A_1675, %convert_element_type3A_1672, %broadcast_in_dim3A_1677 : vector<16xi1>, vector<16xf32>
      %sub3A_1679 = arith.subf %get3A_1651, %get3A_1659 : vector<16xf32>
      %mul3A_1680 = arith.mulf %sub3A_1679, %sub3A_1679 : vector<16xf32>
      %mul3A_1681 = arith.mulf %select_n3A_1678, %mul3A_1680 : vector<16xf32>
      %add3A_1682 = arith.addf %scan3A_1540, %mul3A_1681 : vector<16xf32>
      %jit3A_1683 = arith.constant 1 : i32
      %jit3A_1684 = arith.constant 0 : i32
      %broadcast_in_dim3A_1685 = vector.broadcast %jit3A_1683 : i32 to vector<16xi32>
      %broadcast_in_dim3A_1686 = vector.broadcast %jit3A_1684 : i32 to vector<16xi32>
      %select_n3A_1687 = arith.select %gt3A_1675, %broadcast_in_dim3A_1685, %broadcast_in_dim3A_1686 : vector<16xi1>, vector<16xi32>
      %add3A_1688 = arith.addi %scan3A_1548, %select_n3A_1687 : vector<16xi32>
      %add3A_1689 = arith.constant 32 : i32
      %add3A_1690 = arith.addi %mul3A_1596, %add3A_1689 : i32
      %get3A_1691 = arith.constant 0 : i32
      %get3A_1692 = arith.constant 0 : i32
      %get3A_1693 = tpu.memref_slice %arg6[%scan3A, %get3A_1691, %get3A_1692] : memref<3x16x512xf32, #tpu.memory_space<vmem>> -> memref<1x16x512xf32, #tpu.memory_space<vmem>>
      %get3A_1694 = tpu.memref_squeeze %get3A_1693 : memref<1x16x512xf32, #tpu.memory_space<vmem>> -> memref<16x512xf32, #tpu.memory_space<vmem>>
      %get3A_1695 = arith.index_cast %select_n3A_1578 : i32 to index
      %get3A_1696 = arith.index_cast %add3A_1690 : i32 to index
      %get3A_1697 = tpu.vector_load %get3A_1694[%get3A_1695, %get3A_1696] {strides = array<i32>} : memref<16x512xf32, #tpu.memory_space<vmem>>, vector<1x16xf32>,
      %get3A_1698 = vector.shape_cast %get3A_1697 : vector<1x16xf32> to vector<16xf32>
      %get3A_1699 = arith.constant 0 : i32
      %get3A_1700 = arith.constant 0 : i32
      %get3A_1701 = tpu.memref_slice %arg7[%scan3A_736, %get3A_1699, %get3A_1700] : memref<3x16x512xf32, #tpu.memory_space<vmem>> -> memref<1x16x512xf32, #tpu.memory_space<vmem>>
      %get3A_1702 = tpu.memref_squeeze %get3A_1701 : memref<1x16x512xf32, #tpu.memory_space<vmem>> -> memref<16x512xf32, #tpu.memory_space<vmem>>
      %get3A_1703 = arith.index_cast %select_n3A_1578 : i32 to index
      %get3A_1704 = arith.index_cast %add3A_1690 : i32 to index
      %get3A_1705 = tpu.vector_load %get3A_1702[%get3A_1703, %get3A_1704] {strides = array<i32>} : memref<16x512xf32, #tpu.memory_space<vmem>>, vector<1x16xf32>,
      %get3A_1706 = vector.shape_cast %get3A_1705 : vector<1x16xf32> to vector<16xf32>
      %get3A_1707 = arith.constant 0 : i32
      %get3A_1708 = arith.constant 0 : i32
      %get3A_1709 = tpu.memref_slice %arg8[%scan3A_737, %get3A_1707, %get3A_1708] : memref<3x16x512xf32, #tpu.memory_space<vmem>> -> memref<1x16x512xf32, #tpu.memory_space<vmem>>
      %get3A_1710 = tpu.memref_squeeze %get3A_1709 : memref<1x16x512xf32, #tpu.memory_space<vmem>> -> memref<16x512xf32, #tpu.memory_space<vmem>>
      %get3A_1711 = arith.index_cast %select_n3A_1578 : i32 to index
      %get3A_1712 = arith.index_cast %add3A_1690 : i32 to index
      %get3A_1713 = tpu.vector_load %get3A_1710[%get3A_1711, %get3A_1712] {strides = array<i32>} : memref<16x512xf32, #tpu.memory_space<vmem>>, vector<1x16xf32>,
      %get3A_1714 = vector.shape_cast %get3A_1713 : vector<1x16xf32> to vector<16xf32>
      %mul3A_1715 = arith.constant 1.000000e+01 : f32
      %mul3A_1716 = vector.broadcast %mul3A_1715 : f32 to vector<16xf32>
      %mul3A_1717 = arith.mulf %get3A_1706, %mul3A_1716 : vector<16xf32>
      %convert_element_type3A_1718 = arith.fptosi %mul3A_1717 : vector<16xf32> to vector<16xi32>
      %convert_element_type3A_1719 = arith.sitofp %convert_element_type3A_1718 : vector<16xi32> to vector<16xf32>
      %gt3A_1720 = arith.constant 0.000000e+00 : f32
      %gt3A_1721 = vector.broadcast %gt3A_1720 : f32 to vector<16xf32>
      %gt3A_1722 = arith.cmpf ogt, %get3A_1714, %gt3A_1721 : vector<16xf32>
      %jit3A_1723 = arith.constant 0.000000e+00 : f32
      %broadcast_in_dim3A_1724 = vector.broadcast %jit3A_1723 : f32 to vector<16xf32>
      %select_n3A_1725 = arith.select %gt3A_1722, %convert_element_type3A_1719, %broadcast_in_dim3A_1724 : vector<16xi1>, vector<16xf32>
      %sub3A_1726 = arith.subf %get3A_1698, %get3A_1706 : vector<16xf32>
      %mul3A_1727 = arith.mulf %sub3A_1726, %sub3A_1726 : vector<16xf32>
      %mul3A_1728 = arith.mulf %select_n3A_1725, %mul3A_1727 : vector<16xf32>
      %add3A_1729 = arith.addf %scan3A_1541, %mul3A_1728 : vector<16xf32>
      %jit3A_1730 = arith.constant 1 : i32
      %jit3A_1731 = arith.constant 0 : i32
      %broadcast_in_dim3A_1732 = vector.broadcast %jit3A_1730 : i32 to vector<16xi32>
      %broadcast_in_dim3A_1733 = vector.broadcast %jit3A_1731 : i32 to vector<16xi32>
      %select_n3A_1734 = arith.select %gt3A_1722, %broadcast_in_dim3A_1732, %broadcast_in_dim3A_1733 : vector<16xi1>, vector<16xi32>
      %add3A_1735 = arith.addi %scan3A_1549, %select_n3A_1734 : vector<16xi32>
      %add3A_1736 = arith.constant 48 : i32
      %add3A_1737 = arith.addi %mul3A_1596, %add3A_1736 : i32
      %get3A_1738 = arith.constant 0 : i32
      %get3A_1739 = arith.constant 0 : i32
      %get3A_1740 = tpu.memref_slice %arg6[%scan3A, %get3A_1738, %get3A_1739] : memref<3x16x512xf32, #tpu.memory_space<vmem>> -> memref<1x16x512xf32, #tpu.memory_space<vmem>>
      %get3A_1741 = tpu.memref_squeeze %get3A_1740 : memref<1x16x512xf32, #tpu.memory_space<vmem>> -> memref<16x512xf32, #tpu.memory_space<vmem>>
      %get3A_1742 = arith.index_cast %select_n3A_1578 : i32 to index
      %get3A_1743 = arith.index_cast %add3A_1737 : i32 to index
      %get3A_1744 = tpu.vector_load %get3A_1741[%get3A_1742, %get3A_1743] {strides = array<i32>} : memref<16x512xf32, #tpu.memory_space<vmem>>, vector<1x16xf32>,
      %get3A_1745 = vector.shape_cast %get3A_1744 : vector<1x16xf32> to vector<16xf32>
      %get3A_1746 = arith.constant 0 : i32
      %get3A_1747 = arith.constant 0 : i32
      %get3A_1748 = tpu.memref_slice %arg7[%scan3A_736, %get3A_1746, %get3A_1747] : memref<3x16x512xf32, #tpu.memory_space<vmem>> -> memref<1x16x512xf32, #tpu.memory_space<vmem>>
      %get3A_1749 = tpu.memref_squeeze %get3A_1748 : memref<1x16x512xf32, #tpu.memory_space<vmem>> -> memref<16x512xf32, #tpu.memory_space<vmem>>
      %get3A_1750 = arith.index_cast %select_n3A_1578 : i32 to index
      %get3A_1751 = arith.index_cast %add3A_1737 : i32 to index
      %get3A_1752 = tpu.vector_load %get3A_1749[%get3A_1750, %get3A_1751] {strides = array<i32>} : memref<16x512xf32, #tpu.memory_space<vmem>>, vector<1x16xf32>,
      %get3A_1753 = vector.shape_cast %get3A_1752 : vector<1x16xf32> to vector<16xf32>
      %get3A_1754 = arith.constant 0 : i32
      %get3A_1755 = arith.constant 0 : i32
      %get3A_1756 = tpu.memref_slice %arg8[%scan3A_737, %get3A_1754, %get3A_1755] : memref<3x16x512xf32, #tpu.memory_space<vmem>> -> memref<1x16x512xf32, #tpu.memory_space<vmem>>
      %get3A_1757 = tpu.memref_squeeze %get3A_1756 : memref<1x16x512xf32, #tpu.memory_space<vmem>> -> memref<16x512xf32, #tpu.memory_space<vmem>>
      %get3A_1758 = arith.index_cast %select_n3A_1578 : i32 to index
      %get3A_1759 = arith.index_cast %add3A_1737 : i32 to index
      %get3A_1760 = tpu.vector_load %get3A_1757[%get3A_1758, %get3A_1759] {strides = array<i32>} : memref<16x512xf32, #tpu.memory_space<vmem>>, vector<1x16xf32>,
      %get3A_1761 = vector.shape_cast %get3A_1760 : vector<1x16xf32> to vector<16xf32>
      %mul3A_1762 = arith.constant 1.000000e+01 : f32
      %mul3A_1763 = vector.broadcast %mul3A_1762 : f32 to vector<16xf32>
      %mul3A_1764 = arith.mulf %get3A_1753, %mul3A_1763 : vector<16xf32>
      %convert_element_type3A_1765 = arith.fptosi %mul3A_1764 : vector<16xf32> to vector<16xi32>
      %convert_element_type3A_1766 = arith.sitofp %convert_element_type3A_1765 : vector<16xi32> to vector<16xf32>
      %gt3A_1767 = arith.constant 0.000000e+00 : f32
      %gt3A_1768 = vector.broadcast %gt3A_1767 : f32 to vector<16xf32>
      %gt3A_1769 = arith.cmpf ogt, %get3A_1761, %gt3A_1768 : vector<16xf32>
      %jit3A_1770 = arith.constant 0.000000e+00 : f32
      %broadcast_in_dim3A_1771 = vector.broadcast %jit3A_1770 : f32 to vector<16xf32>
      %select_n3A_1772 = arith.select %gt3A_1769, %convert_element_type3A_1766, %broadcast_in_dim3A_1771 : vector<16xi1>, vector<16xf32>
      %sub3A_1773 = arith.subf %get3A_1745, %get3A_1753 : vector<16xf32>
      %mul3A_1774 = arith.mulf %sub3A_1773, %sub3A_1773 : vector<16xf32>
      %mul3A_1775 = arith.mulf %select_n3A_1772, %mul3A_1774 : vector<16xf32>
      %add3A_1776 = arith.addf %scan3A_1542, %mul3A_1775 : vector<16xf32>
      %jit3A_1777 = arith.constant 1 : i32
      %jit3A_1778 = arith.constant 0 : i32
      %broadcast_in_dim3A_1779 = vector.broadcast %jit3A_1777 : i32 to vector<16xi32>
      %broadcast_in_dim3A_1780 = vector.broadcast %jit3A_1778 : i32 to vector<16xi32>
      %select_n3A_1781 = arith.select %gt3A_1769, %broadcast_in_dim3A_1779, %broadcast_in_dim3A_1780 : vector<16xi1>, vector<16xi32>
      %add3A_1782 = arith.addi %scan3A_1550, %select_n3A_1781 : vector<16xi32>
      %add3A_1783 = arith.constant 64 : i32
      %add3A_1784 = arith.addi %mul3A_1596, %add3A_1783 : i32
      %get3A_1785 = arith.constant 0 : i32
      %get3A_1786 = arith.constant 0 : i32
      %get3A_1787 = tpu.memref_slice %arg6[%scan3A, %get3A_1785, %get3A_1786] : memref<3x16x512xf32, #tpu.memory_space<vmem>> -> memref<1x16x512xf32, #tpu.memory_space<vmem>>
      %get3A_1788 = tpu.memref_squeeze %get3A_1787 : memref<1x16x512xf32, #tpu.memory_space<vmem>> -> memref<16x512xf32, #tpu.memory_space<vmem>>
      %get3A_1789 = arith.index_cast %select_n3A_1578 : i32 to index
      %get3A_1790 = arith.index_cast %add3A_1784 : i32 to index
      %get3A_1791 = tpu.vector_load %get3A_1788[%get3A_1789, %get3A_1790] {strides = array<i32>} : memref<16x512xf32, #tpu.memory_space<vmem>>, vector<1x16xf32>,
      %get3A_1792 = vector.shape_cast %get3A_1791 : vector<1x16xf32> to vector<16xf32>
      %get3A_1793 = arith.constant 0 : i32
      %get3A_1794 = arith.constant 0 : i32
      %get3A_1795 = tpu.memref_slice %arg7[%scan3A_736, %get3A_1793, %get3A_1794] : memref<3x16x512xf32, #tpu.memory_space<vmem>> -> memref<1x16x512xf32, #tpu.memory_space<vmem>>
      %get3A_1796 = tpu.memref_squeeze %get3A_1795 : memref<1x16x512xf32, #tpu.memory_space<vmem>> -> memref<16x512xf32, #tpu.memory_space<vmem>>
      %get3A_1797 = arith.index_cast %select_n3A_1578 : i32 to index
      %get3A_1798 = arith.index_cast %add3A_1784 : i32 to index
      %get3A_1799 = tpu.vector_load %get3A_1796[%get3A_1797, %get3A_1798] {strides = array<i32>} : memref<16x512xf32, #tpu.memory_space<vmem>>, vector<1x16xf32>,
      %get3A_1800 = vector.shape_cast %get3A_1799 : vector<1x16xf32> to vector<16xf32>
      %get3A_1801 = arith.constant 0 : i32
      %get3A_1802 = arith.constant 0 : i32
      %get3A_1803 = tpu.memref_slice %arg8[%scan3A_737, %get3A_1801, %get3A_1802] : memref<3x16x512xf32, #tpu.memory_space<vmem>> -> memref<1x16x512xf32, #tpu.memory_space<vmem>>
      %get3A_1804 = tpu.memref_squeeze %get3A_1803 : memref<1x16x512xf32, #tpu.memory_space<vmem>> -> memref<16x512xf32, #tpu.memory_space<vmem>>
      %get3A_1805 = arith.index_cast %select_n3A_1578 : i32 to index
      %get3A_1806 = arith.index_cast %add3A_1784 : i32 to index
      %get3A_1807 = tpu.vector_load %get3A_1804[%get3A_1805, %get3A_1806] {strides = array<i32>} : memref<16x512xf32, #tpu.memory_space<vmem>>, vector<1x16xf32>,
      %get3A_1808 = vector.shape_cast %get3A_1807 : vector<1x16xf32> to vector<16xf32>
      %mul3A_1809 = arith.constant 1.000000e+01 : f32
      %mul3A_1810 = vector.broadcast %mul3A_1809 : f32 to vector<16xf32>
      %mul3A_1811 = arith.mulf %get3A_1800, %mul3A_1810 : vector<16xf32>
      %convert_element_type3A_1812 = arith.fptosi %mul3A_1811 : vector<16xf32> to vector<16xi32>
      %convert_element_type3A_1813 = arith.sitofp %convert_element_type3A_1812 : vector<16xi32> to vector<16xf32>
      %gt3A_1814 = arith.constant 0.000000e+00 : f32
      %gt3A_1815 = vector.broadcast %gt3A_1814 : f32 to vector<16xf32>
      %gt3A_1816 = arith.cmpf ogt, %get3A_1808, %gt3A_1815 : vector<16xf32>
      %jit3A_1817 = arith.constant 0.000000e+00 : f32
      %broadcast_in_dim3A_1818 = vector.broadcast %jit3A_1817 : f32 to vector<16xf32>
      %select_n3A_1819 = arith.select %gt3A_1816, %convert_element_type3A_1813, %broadcast_in_dim3A_1818 : vector<16xi1>, vector<16xf32>
      %sub3A_1820 = arith.subf %get3A_1792, %get3A_1800 : vector<16xf32>
      %mul3A_1821 = arith.mulf %sub3A_1820, %sub3A_1820 : vector<16xf32>
      %mul3A_1822 = arith.mulf %select_n3A_1819, %mul3A_1821 : vector<16xf32>
      %add3A_1823 = arith.addf %scan3A_1543, %mul3A_1822 : vector<16xf32>
      %jit3A_1824 = arith.constant 1 : i32
      %jit3A_1825 = arith.constant 0 : i32
      %broadcast_in_dim3A_1826 = vector.broadcast %jit3A_1824 : i32 to vector<16xi32>
      %broadcast_in_dim3A_1827 = vector.broadcast %jit3A_1825 : i32 to vector<16xi32>
      %select_n3A_1828 = arith.select %gt3A_1816, %broadcast_in_dim3A_1826, %broadcast_in_dim3A_1827 : vector<16xi1>, vector<16xi32>
      %add3A_1829 = arith.addi %scan3A_1551, %select_n3A_1828 : vector<16xi32>
      %add3A_1830 = arith.constant 80 : i32
      %add3A_1831 = arith.addi %mul3A_1596, %add3A_1830 : i32
      %get3A_1832 = arith.constant 0 : i32
      %get3A_1833 = arith.constant 0 : i32
      %get3A_1834 = tpu.memref_slice %arg6[%scan3A, %get3A_1832, %get3A_1833] : memref<3x16x512xf32, #tpu.memory_space<vmem>> -> memref<1x16x512xf32, #tpu.memory_space<vmem>>
      %get3A_1835 = tpu.memref_squeeze %get3A_1834 : memref<1x16x512xf32, #tpu.memory_space<vmem>> -> memref<16x512xf32, #tpu.memory_space<vmem>>
      %get3A_1836 = arith.index_cast %select_n3A_1578 : i32 to index
      %get3A_1837 = arith.index_cast %add3A_1831 : i32 to index
      %get3A_1838 = tpu.vector_load %get3A_1835[%get3A_1836, %get3A_1837] {strides = array<i32>} : memref<16x512xf32, #tpu.memory_space<vmem>>, vector<1x16xf32>,
      %get3A_1839 = vector.shape_cast %get3A_1838 : vector<1x16xf32> to vector<16xf32>
      %get3A_1840 = arith.constant 0 : i32
      %get3A_1841 = arith.constant 0 : i32
      %get3A_1842 = tpu.memref_slice %arg7[%scan3A_736, %get3A_1840, %get3A_1841] : memref<3x16x512xf32, #tpu.memory_space<vmem>> -> memref<1x16x512xf32, #tpu.memory_space<vmem>>
      %get3A_1843 = tpu.memref_squeeze %get3A_1842 : memref<1x16x512xf32, #tpu.memory_space<vmem>> -> memref<16x512xf32, #tpu.memory_space<vmem>>
      %get3A_1844 = arith.index_cast %select_n3A_1578 : i32 to index
      %get3A_1845 = arith.index_cast %add3A_1831 : i32 to index
      %get3A_1846 = tpu.vector_load %get3A_1843[%get3A_1844, %get3A_1845] {strides = array<i32>} : memref<16x512xf32, #tpu.memory_space<vmem>>, vector<1x16xf32>,
      %get3A_1847 = vector.shape_cast %get3A_1846 : vector<1x16xf32> to vector<16xf32>
      %get3A_1848 = arith.constant 0 : i32
      %get3A_1849 = arith.constant 0 : i32
      %get3A_1850 = tpu.memref_slice %arg8[%scan3A_737, %get3A_1848, %get3A_1849] : memref<3x16x512xf32, #tpu.memory_space<vmem>> -> memref<1x16x512xf32, #tpu.memory_space<vmem>>
      %get3A_1851 = tpu.memref_squeeze %get3A_1850 : memref<1x16x512xf32, #tpu.memory_space<vmem>> -> memref<16x512xf32, #tpu.memory_space<vmem>>
      %get3A_1852 = arith.index_cast %select_n3A_1578 : i32 to index
      %get3A_1853 = arith.index_cast %add3A_1831 : i32 to index
      %get3A_1854 = tpu.vector_load %get3A_1851[%get3A_1852, %get3A_1853] {strides = array<i32>} : memref<16x512xf32, #tpu.memory_space<vmem>>, vector<1x16xf32>,
      %get3A_1855 = vector.shape_cast %get3A_1854 : vector<1x16xf32> to vector<16xf32>
      %mul3A_1856 = arith.constant 1.000000e+01 : f32
      %mul3A_1857 = vector.broadcast %mul3A_1856 : f32 to vector<16xf32>
      %mul3A_1858 = arith.mulf %get3A_1847, %mul3A_1857 : vector<16xf32>
      %convert_element_type3A_1859 = arith.fptosi %mul3A_1858 : vector<16xf32> to vector<16xi32>
      %convert_element_type3A_1860 = arith.sitofp %convert_element_type3A_1859 : vector<16xi32> to vector<16xf32>
      %gt3A_1861 = arith.constant 0.000000e+00 : f32
      %gt3A_1862 = vector.broadcast %gt3A_1861 : f32 to vector<16xf32>
      %gt3A_1863 = arith.cmpf ogt, %get3A_1855, %gt3A_1862 : vector<16xf32>
      %jit3A_1864 = arith.constant 0.000000e+00 : f32
      %broadcast_in_dim3A_1865 = vector.broadcast %jit3A_1864 : f32 to vector<16xf32>
      %select_n3A_1866 = arith.select %gt3A_1863, %convert_element_type3A_1860, %broadcast_in_dim3A_1865 : vector<16xi1>, vector<16xf32>
      %sub3A_1867 = arith.subf %get3A_1839, %get3A_1847 : vector<16xf32>
      %mul3A_1868 = arith.mulf %sub3A_1867, %sub3A_1867 : vector<16xf32>
      %mul3A_1869 = arith.mulf %select_n3A_1866, %mul3A_1868 : vector<16xf32>
      %add3A_1870 = arith.addf %scan3A_1544, %mul3A_1869 : vector<16xf32>
      %jit3A_1871 = arith.constant 1 : i32
      %jit3A_1872 = arith.constant 0 : i32
      %broadcast_in_dim3A_1873 = vector.broadcast %jit3A_1871 : i32 to vector<16xi32>
      %broadcast_in_dim3A_1874 = vector.broadcast %jit3A_1872 : i32 to vector<16xi32>
      %select_n3A_1875 = arith.select %gt3A_1863, %broadcast_in_dim3A_1873, %broadcast_in_dim3A_1874 : vector<16xi1>, vector<16xi32>
      %add3A_1876 = arith.addi %scan3A_1552, %select_n3A_1875 : vector<16xi32>
      %add3A_1877 = arith.constant 96 : i32
      %add3A_1878 = arith.addi %mul3A_1596, %add3A_1877 : i32
      %get3A_1879 = arith.constant 0 : i32
      %get3A_1880 = arith.constant 0 : i32
      %get3A_1881 = tpu.memref_slice %arg6[%scan3A, %get3A_1879, %get3A_1880] : memref<3x16x512xf32, #tpu.memory_space<vmem>> -> memref<1x16x512xf32, #tpu.memory_space<vmem>>
      %get3A_1882 = tpu.memref_squeeze %get3A_1881 : memref<1x16x512xf32, #tpu.memory_space<vmem>> -> memref<16x512xf32, #tpu.memory_space<vmem>>
      %get3A_1883 = arith.index_cast %select_n3A_1578 : i32 to index
      %get3A_1884 = arith.index_cast %add3A_1878 : i32 to index
      %get3A_1885 = tpu.vector_load %get3A_1882[%get3A_1883, %get3A_1884] {strides = array<i32>} : memref<16x512xf32, #tpu.memory_space<vmem>>, vector<1x16xf32>,
      %get3A_1886 = vector.shape_cast %get3A_1885 : vector<1x16xf32> to vector<16xf32>
      %get3A_1887 = arith.constant 0 : i32
      %get3A_1888 = arith.constant 0 : i32
      %get3A_1889 = tpu.memref_slice %arg7[%scan3A_736, %get3A_1887, %get3A_1888] : memref<3x16x512xf32, #tpu.memory_space<vmem>> -> memref<1x16x512xf32, #tpu.memory_space<vmem>>
      %get3A_1890 = tpu.memref_squeeze %get3A_1889 : memref<1x16x512xf32, #tpu.memory_space<vmem>> -> memref<16x512xf32, #tpu.memory_space<vmem>>
      %get3A_1891 = arith.index_cast %select_n3A_1578 : i32 to index
      %get3A_1892 = arith.index_cast %add3A_1878 : i32 to index
      %get3A_1893 = tpu.vector_load %get3A_1890[%get3A_1891, %get3A_1892] {strides = array<i32>} : memref<16x512xf32, #tpu.memory_space<vmem>>, vector<1x16xf32>,
      %get3A_1894 = vector.shape_cast %get3A_1893 : vector<1x16xf32> to vector<16xf32>
      %get3A_1895 = arith.constant 0 : i32
      %get3A_1896 = arith.constant 0 : i32
      %get3A_1897 = tpu.memref_slice %arg8[%scan3A_737, %get3A_1895, %get3A_1896] : memref<3x16x512xf32, #tpu.memory_space<vmem>> -> memref<1x16x512xf32, #tpu.memory_space<vmem>>
      %get3A_1898 = tpu.memref_squeeze %get3A_1897 : memref<1x16x512xf32, #tpu.memory_space<vmem>> -> memref<16x512xf32, #tpu.memory_space<vmem>>
      %get3A_1899 = arith.index_cast %select_n3A_1578 : i32 to index
      %get3A_1900 = arith.index_cast %add3A_1878 : i32 to index
      %get3A_1901 = tpu.vector_load %get3A_1898[%get3A_1899, %get3A_1900] {strides = array<i32>} : memref<16x512xf32, #tpu.memory_space<vmem>>, vector<1x16xf32>,
      %get3A_1902 = vector.shape_cast %get3A_1901 : vector<1x16xf32> to vector<16xf32>
      %mul3A_1903 = arith.constant 1.000000e+01 : f32
      %mul3A_1904 = vector.broadcast %mul3A_1903 : f32 to vector<16xf32>
      %mul3A_1905 = arith.mulf %get3A_1894, %mul3A_1904 : vector<16xf32>
      %convert_element_type3A_1906 = arith.fptosi %mul3A_1905 : vector<16xf32> to vector<16xi32>
      %convert_element_type3A_1907 = arith.sitofp %convert_element_type3A_1906 : vector<16xi32> to vector<16xf32>
      %gt3A_1908 = arith.constant 0.000000e+00 : f32
      %gt3A_1909 = vector.broadcast %gt3A_1908 : f32 to vector<16xf32>
      %gt3A_1910 = arith.cmpf ogt, %get3A_1902, %gt3A_1909 : vector<16xf32>
      %jit3A_1911 = arith.constant 0.000000e+00 : f32
      %broadcast_in_dim3A_1912 = vector.broadcast %jit3A_1911 : f32 to vector<16xf32>
      %select_n3A_1913 = arith.select %gt3A_1910, %convert_element_type3A_1907, %broadcast_in_dim3A_1912 : vector<16xi1>, vector<16xf32>
      %sub3A_1914 = arith.subf %get3A_1886, %get3A_1894 : vector<16xf32>
      %mul3A_1915 = arith.mulf %sub3A_1914, %sub3A_1914 : vector<16xf32>
      %mul3A_1916 = arith.mulf %select_n3A_1913, %mul3A_1915 : vector<16xf32>
      %add3A_1917 = arith.addf %scan3A_1545, %mul3A_1916 : vector<16xf32>
      %jit3A_1918 = arith.constant 1 : i32
      %jit3A_1919 = arith.constant 0 : i32
      %broadcast_in_dim3A_1920 = vector.broadcast %jit3A_1918 : i32 to vector<16xi32>
      %broadcast_in_dim3A_1921 = vector.broadcast %jit3A_1919 : i32 to vector<16xi32>
      %select_n3A_1922 = arith.select %gt3A_1910, %broadcast_in_dim3A_1920, %broadcast_in_dim3A_1921 : vector<16xi1>, vector<16xi32>
      %add3A_1923 = arith.addi %scan3A_1553, %select_n3A_1922 : vector<16xi32>
      %add3A_1924 = arith.constant 112 : i32
      %add3A_1925 = arith.addi %mul3A_1596, %add3A_1924 : i32
      %get3A_1926 = arith.constant 0 : i32
      %get3A_1927 = arith.constant 0 : i32
      %get3A_1928 = tpu.memref_slice %arg6[%scan3A, %get3A_1926, %get3A_1927] : memref<3x16x512xf32, #tpu.memory_space<vmem>> -> memref<1x16x512xf32, #tpu.memory_space<vmem>>
      %get3A_1929 = tpu.memref_squeeze %get3A_1928 : memref<1x16x512xf32, #tpu.memory_space<vmem>> -> memref<16x512xf32, #tpu.memory_space<vmem>>
      %get3A_1930 = arith.index_cast %select_n3A_1578 : i32 to index
      %get3A_1931 = arith.index_cast %add3A_1925 : i32 to index
      %get3A_1932 = tpu.vector_load %get3A_1929[%get3A_1930, %get3A_1931] {strides = array<i32>} : memref<16x512xf32, #tpu.memory_space<vmem>>, vector<1x16xf32>,
      %get3A_1933 = vector.shape_cast %get3A_1932 : vector<1x16xf32> to vector<16xf32>
      %get3A_1934 = arith.constant 0 : i32
      %get3A_1935 = arith.constant 0 : i32
      %get3A_1936 = tpu.memref_slice %arg7[%scan3A_736, %get3A_1934, %get3A_1935] : memref<3x16x512xf32, #tpu.memory_space<vmem>> -> memref<1x16x512xf32, #tpu.memory_space<vmem>>
      %get3A_1937 = tpu.memref_squeeze %get3A_1936 : memref<1x16x512xf32, #tpu.memory_space<vmem>> -> memref<16x512xf32, #tpu.memory_space<vmem>>
      %get3A_1938 = arith.index_cast %select_n3A_1578 : i32 to index
      %get3A_1939 = arith.index_cast %add3A_1925 : i32 to index
      %get3A_1940 = tpu.vector_load %get3A_1937[%get3A_1938, %get3A_1939] {strides = array<i32>} : memref<16x512xf32, #tpu.memory_space<vmem>>, vector<1x16xf32>,
      %get3A_1941 = vector.shape_cast %get3A_1940 : vector<1x16xf32> to vector<16xf32>
      %get3A_1942 = arith.constant 0 : i32
      %get3A_1943 = arith.constant 0 : i32
      %get3A_1944 = tpu.memref_slice %arg8[%scan3A_737, %get3A_1942, %get3A_1943] : memref<3x16x512xf32, #tpu.memory_space<vmem>> -> memref<1x16x512xf32, #tpu.memory_space<vmem>>
      %get3A_1945 = tpu.memref_squeeze %get3A_1944 : memref<1x16x512xf32, #tpu.memory_space<vmem>> -> memref<16x512xf32, #tpu.memory_space<vmem>>
      %get3A_1946 = arith.index_cast %select_n3A_1578 : i32 to index
      %get3A_1947 = arith.index_cast %add3A_1925 : i32 to index
      %get3A_1948 = tpu.vector_load %get3A_1945[%get3A_1946, %get3A_1947] {strides = array<i32>} : memref<16x512xf32, #tpu.memory_space<vmem>>, vector<1x16xf32>,
      %get3A_1949 = vector.shape_cast %get3A_1948 : vector<1x16xf32> to vector<16xf32>
      %mul3A_1950 = arith.constant 1.000000e+01 : f32
      %mul3A_1951 = vector.broadcast %mul3A_1950 : f32 to vector<16xf32>
      %mul3A_1952 = arith.mulf %get3A_1941, %mul3A_1951 : vector<16xf32>
      %convert_element_type3A_1953 = arith.fptosi %mul3A_1952 : vector<16xf32> to vector<16xi32>
      %convert_element_type3A_1954 = arith.sitofp %convert_element_type3A_1953 : vector<16xi32> to vector<16xf32>
      %gt3A_1955 = arith.constant 0.000000e+00 : f32
      %gt3A_1956 = vector.broadcast %gt3A_1955 : f32 to vector<16xf32>
      %gt3A_1957 = arith.cmpf ogt, %get3A_1949, %gt3A_1956 : vector<16xf32>
      %jit3A_1958 = arith.constant 0.000000e+00 : f32
      %broadcast_in_dim3A_1959 = vector.broadcast %jit3A_1958 : f32 to vector<16xf32>
      %select_n3A_1960 = arith.select %gt3A_1957, %convert_element_type3A_1954, %broadcast_in_dim3A_1959 : vector<16xi1>, vector<16xf32>
      %sub3A_1961 = arith.subf %get3A_1933, %get3A_1941 : vector<16xf32>
      %mul3A_1962 = arith.mulf %sub3A_1961, %sub3A_1961 : vector<16xf32>
      %mul3A_1963 = arith.mulf %select_n3A_1960, %mul3A_1962 : vector<16xf32>
      %add3A_1964 = arith.addf %scan3A_1546, %mul3A_1963 : vector<16xf32>
      %jit3A_1965 = arith.constant 1 : i32
      %jit3A_1966 = arith.constant 0 : i32
      %broadcast_in_dim3A_1967 = vector.broadcast %jit3A_1965 : i32 to vector<16xi32>
      %broadcast_in_dim3A_1968 = vector.broadcast %jit3A_1966 : i32 to vector<16xi32>
      %select_n3A_1969 = arith.select %gt3A_1957, %broadcast_in_dim3A_1967, %broadcast_in_dim3A_1968 : vector<16xi1>, vector<16xi32>
      %add3A_1970 = arith.addi %scan3A_1554, %select_n3A_1969 : vector<16xi32>
      scf.yield %add3A_1635, %add3A_1682, %add3A_1729, %add3A_1776, %add3A_1823, %add3A_1870, %add3A_1917, %add3A_1964, %add3A_1641, %add3A_1688, %add3A_1735, %add3A_1782, %add3A_1829, %add3A_1876, %add3A_1923, %add3A_1970 : vector<16xf32>, vector<16xf32>, vector<16xf32>, vector<16xf32>, vector<16xf32>, vector<16xf32>, vector<16xf32>, vector<16xf32>, vector<16xi32>, vector<16xi32>, vector<16xi32>, vector<16xi32>, vector<16xi32>, vector<16xi32>, vector<16xi32>, vector<16xi32>
    }
    %scan3A_743 = arith.constant 64 : i32
    %mul3A_744 = arith.constant 64 : i32
    %mul3A_745 = arith.muli %add3A, %mul3A_744 : i32
    %add3A_746 = arith.constant 48 : i32
    %add3A_747 = arith.addi %mul3A_745, %add3A_746 : i32
    %jit3A_748 = arith.constant 512 : i32
    %div3A_749 = arith.divsi %add3A_747, %jit3A_748 : i32
    %sign3A_750 = arith.constant 0 : i32
    %sign3A_751 = arith.cmpi sgt, %add3A_747, %sign3A_750 : i32
    %sign3A_752 = arith.extui %sign3A_751 : i1 to i32
    %sign3A_753 = arith.constant 0 : i32
    %sign3A_754 = arith.cmpi slt, %add3A_747, %sign3A_753 : i32
    %sign3A_755 = arith.extui %sign3A_754 : i1 to i32
    %sign3A_756 = arith.subi %sign3A_752, %sign3A_755 : i32
    %sign3A_757 = arith.constant 0 : i32
    %sign3A_758 = arith.cmpi sgt, %jit3A_748, %sign3A_757 : i32
    %sign3A_759 = arith.extui %sign3A_758 : i1 to i32
    %sign3A_760 = arith.constant 0 : i32
    %sign3A_761 = arith.cmpi slt, %jit3A_748, %sign3A_760 : i32
    %sign3A_762 = arith.extui %sign3A_761 : i1 to i32
    %sign3A_763 = arith.subi %sign3A_759, %sign3A_762 : i32
    %ne3A_764 = arith.cmpi ne, %sign3A_756, %sign3A_763 : i32
    %rem3A_765 = arith.remsi %add3A_747, %jit3A_748 : i32
    %ne3A_766 = arith.constant 0 : i32
    %ne3A_767 = arith.cmpi ne, %rem3A_765, %ne3A_766 : i32
    %and3A_768 = arith.andi %ne3A_764, %ne3A_767 : i1
    %sub3A_769 = arith.constant 1 : i32
    %sub3A_770 = arith.subi %div3A_749, %sub3A_769 : i32
    %select_n3A_771 = arith.select %and3A_768, %sub3A_770, %div3A_749 : i32
    %add3A_772 = arith.constant 12 : i32
    %add3A_773 = arith.addi %add3A_772, %select_n3A_771 : i32
    %jit3A_774 = arith.constant 512 : i32
    %eq3A_775 = arith.constant 0 : i32
    %eq3A_776 = arith.cmpi eq, %jit3A_774, %eq3A_775 : i32
    %jit3A_777 = arith.constant 1 : i32
    %select_n3A_778 = arith.select %eq3A_776, %jit3A_777, %jit3A_774 : i32
    %rem3A_779 = arith.remsi %add3A_747, %select_n3A_778 : i32
    %ne3A_780 = arith.constant 0 : i32
    %ne3A_781 = arith.cmpi ne, %rem3A_779, %ne3A_780 : i32
    %lt3A_782 = arith.constant 0 : i32
    %lt3A_783 = arith.cmpi slt, %rem3A_779, %lt3A_782 : i32
    %lt3A_784 = arith.constant 0 : i32
    %lt3A_785 = arith.cmpi slt, %select_n3A_778, %lt3A_784 : i32
    %ne3A_786 = arith.xori %lt3A_783, %lt3A_785 : i1
    %and3A_787 = arith.andi %ne3A_786, %ne3A_781 : i1
    %add3A_788 = arith.addi %rem3A_779, %select_n3A_778 : i32
    %select_n3A_789 = arith.select %and3A_787, %add3A_788, %rem3A_779 : i32
    %dma_start3A_790 = arith.constant 0 : i32
    %dma_start3A_791 = arith.constant 0 : i32
    %dma_start3A_792 = arith.constant 0 : i32
    %dma_start3A_793 = arith.constant 0 : i32
    %dma_start3A_794 = tpu.memref_slice %arg6[%dma_start3A_791, %dma_start3A_792, %dma_start3A_793] : memref<3x16x512xf32, #tpu.memory_space<vmem>> -> memref<1x16x512xf32, #tpu.memory_space<vmem>>
    %dma_start3A_795 = tpu.memref_squeeze %dma_start3A_794 : memref<1x16x512xf32, #tpu.memory_space<vmem>> -> memref<16x512xf32, #tpu.memory_space<vmem>>
    %dma_start3A_796 = arith.constant 0 : i32
    %dma_start3A_797 = tpu.memref_slice %arg2[%add3A_773, %dma_start3A_790, %select_n3A_789, %dma_start3A_796] : memref<16x1x512x512xf32, #tpu.memory_space<hbm>> -> memref<1x1x16x512xf32, #tpu.memory_space<hbm>>
    %dma_start3A_798 = tpu.memref_squeeze %dma_start3A_797 : memref<1x1x16x512xf32, #tpu.memory_space<hbm>> -> memref<16x512xf32, #tpu.memory_space<hbm>>
    %dma_start3A_799 = arith.constant 0 : i32
    %dma_start3A_800 = arith.constant 0 : i32
    %dma_start3A_801 = tpu.memref_slice %arg6[%dma_start3A_791, %dma_start3A_799, %dma_start3A_800] : memref<3x16x512xf32, #tpu.memory_space<vmem>> -> memref<1x16x512xf32, #tpu.memory_space<vmem>>
    %dma_start3A_802 = tpu.memref_squeeze %dma_start3A_801 : memref<1x16x512xf32, #tpu.memory_space<vmem>> -> memref<16x512xf32, #tpu.memory_space<vmem>>
    %dma_start3A_803 = arith.constant 0 : i32
    %dma_start3A_804 = tpu.memref_slice %arg2[%add3A_773, %dma_start3A_790, %select_n3A_789, %dma_start3A_803] : memref<16x1x512x512xf32, #tpu.memory_space<hbm>> -> memref<1x1x16x512xf32, #tpu.memory_space<hbm>>
    %dma_start3A_805 = tpu.memref_squeeze %dma_start3A_804 : memref<1x1x16x512xf32, #tpu.memory_space<hbm>> -> memref<16x512xf32, #tpu.memory_space<hbm>>
    tpu.enqueue_dma source(%dma_start3A_805 : memref<16x512xf32, #tpu.memory_space<hbm>>) target(%dma_start3A_802 : memref<16x512xf32, #tpu.memory_space<vmem>>) target_semaphore(%arg10 : memref<!tpu.dma_semaphore, #tpu.memory_space<semaphore_mem>>)
    %mul3A_806 = arith.constant 64 : i32
    %mul3A_807 = arith.muli %add3A, %mul3A_806 : i32
    %add3A_808 = arith.constant 48 : i32
    %add3A_809 = arith.addi %mul3A_807, %add3A_808 : i32
    %jit3A_810 = arith.constant 512 : i32
    %div3A_811 = arith.divsi %add3A_809, %jit3A_810 : i32
    %sign3A_812 = arith.constant 0 : i32
    %sign3A_813 = arith.cmpi sgt, %add3A_809, %sign3A_812 : i32
    %sign3A_814 = arith.extui %sign3A_813 : i1 to i32
    %sign3A_815 = arith.constant 0 : i32
    %sign3A_816 = arith.cmpi slt, %add3A_809, %sign3A_815 : i32
    %sign3A_817 = arith.extui %sign3A_816 : i1 to i32
    %sign3A_818 = arith.subi %sign3A_814, %sign3A_817 : i32
    %sign3A_819 = arith.constant 0 : i32
    %sign3A_820 = arith.cmpi sgt, %jit3A_810, %sign3A_819 : i32
    %sign3A_821 = arith.extui %sign3A_820 : i1 to i32
    %sign3A_822 = arith.constant 0 : i32
    %sign3A_823 = arith.cmpi slt, %jit3A_810, %sign3A_822 : i32
    %sign3A_824 = arith.extui %sign3A_823 : i1 to i32
    %sign3A_825 = arith.subi %sign3A_821, %sign3A_824 : i32
    %ne3A_826 = arith.cmpi ne, %sign3A_818, %sign3A_825 : i32
    %rem3A_827 = arith.remsi %add3A_809, %jit3A_810 : i32
    %ne3A_828 = arith.constant 0 : i32
    %ne3A_829 = arith.cmpi ne, %rem3A_827, %ne3A_828 : i32
    %and3A_830 = arith.andi %ne3A_826, %ne3A_829 : i1
    %sub3A_831 = arith.constant 1 : i32
    %sub3A_832 = arith.subi %div3A_811, %sub3A_831 : i32
    %select_n3A_833 = arith.select %and3A_830, %sub3A_832, %div3A_811 : i32
    %add3A_834 = arith.constant 12 : i32
    %add3A_835 = arith.addi %add3A_834, %select_n3A_833 : i32
    %jit3A_836 = arith.constant 512 : i32
    %eq3A_837 = arith.constant 0 : i32
    %eq3A_838 = arith.cmpi eq, %jit3A_836, %eq3A_837 : i32
    %jit3A_839 = arith.constant 1 : i32
    %select_n3A_840 = arith.select %eq3A_838, %jit3A_839, %jit3A_836 : i32
    %rem3A_841 = arith.remsi %add3A_809, %select_n3A_840 : i32
    %ne3A_842 = arith.constant 0 : i32
    %ne3A_843 = arith.cmpi ne, %rem3A_841, %ne3A_842 : i32
    %lt3A_844 = arith.constant 0 : i32
    %lt3A_845 = arith.cmpi slt, %rem3A_841, %lt3A_844 : i32
    %lt3A_846 = arith.constant 0 : i32
    %lt3A_847 = arith.cmpi slt, %select_n3A_840, %lt3A_846 : i32
    %ne3A_848 = arith.xori %lt3A_845, %lt3A_847 : i1
    %and3A_849 = arith.andi %ne3A_848, %ne3A_843 : i1
    %add3A_850 = arith.addi %rem3A_841, %select_n3A_840 : i32
    %select_n3A_851 = arith.select %and3A_849, %add3A_850, %rem3A_841 : i32
    %dma_start3A_852 = arith.constant 0 : i32
    %dma_start3A_853 = arith.constant 0 : i32
    %dma_start3A_854 = arith.constant 0 : i32
    %dma_start3A_855 = arith.constant 0 : i32
    %dma_start3A_856 = tpu.memref_slice %arg7[%dma_start3A_853, %dma_start3A_854, %dma_start3A_855] : memref<3x16x512xf32, #tpu.memory_space<vmem>> -> memref<1x16x512xf32, #tpu.memory_space<vmem>>
    %dma_start3A_857 = tpu.memref_squeeze %dma_start3A_856 : memref<1x16x512xf32, #tpu.memory_space<vmem>> -> memref<16x512xf32, #tpu.memory_space<vmem>>
    %dma_start3A_858 = arith.constant 0 : i32
    %dma_start3A_859 = tpu.memref_slice %arg3[%add3A_835, %dma_start3A_852, %select_n3A_851, %dma_start3A_858] : memref<16x1x512x512xf32, #tpu.memory_space<hbm>> -> memref<1x1x16x512xf32, #tpu.memory_space<hbm>>
    %dma_start3A_860 = tpu.memref_squeeze %dma_start3A_859 : memref<1x1x16x512xf32, #tpu.memory_space<hbm>> -> memref<16x512xf32, #tpu.memory_space<hbm>>
    %dma_start3A_861 = arith.constant 0 : i32
    %dma_start3A_862 = arith.constant 0 : i32
    %dma_start3A_863 = tpu.memref_slice %arg7[%dma_start3A_853, %dma_start3A_861, %dma_start3A_862] : memref<3x16x512xf32, #tpu.memory_space<vmem>> -> memref<1x16x512xf32, #tpu.memory_space<vmem>>
    %dma_start3A_864 = tpu.memref_squeeze %dma_start3A_863 : memref<1x16x512xf32, #tpu.memory_space<vmem>> -> memref<16x512xf32, #tpu.memory_space<vmem>>
    %dma_start3A_865 = arith.constant 0 : i32
    %dma_start3A_866 = tpu.memref_slice %arg3[%add3A_835, %dma_start3A_852, %select_n3A_851, %dma_start3A_865] : memref<16x1x512x512xf32, #tpu.memory_space<hbm>> -> memref<1x1x16x512xf32, #tpu.memory_space<hbm>>
    %dma_start3A_867 = tpu.memref_squeeze %dma_start3A_866 : memref<1x1x16x512xf32, #tpu.memory_space<hbm>> -> memref<16x512xf32, #tpu.memory_space<hbm>>
    tpu.enqueue_dma source(%dma_start3A_867 : memref<16x512xf32, #tpu.memory_space<hbm>>) target(%dma_start3A_864 : memref<16x512xf32, #tpu.memory_space<vmem>>) target_semaphore(%arg10 : memref<!tpu.dma_semaphore, #tpu.memory_space<semaphore_mem>>)
    %mul3A_868 = arith.constant 64 : i32
    %mul3A_869 = arith.muli %add3A, %mul3A_868 : i32
    %add3A_870 = arith.constant 48 : i32
    %add3A_871 = arith.addi %mul3A_869, %add3A_870 : i32
    %jit3A_872 = arith.constant 512 : i32
    %div3A_873 = arith.divsi %add3A_871, %jit3A_872 : i32
    %sign3A_874 = arith.constant 0 : i32
    %sign3A_875 = arith.cmpi sgt, %add3A_871, %sign3A_874 : i32
    %sign3A_876 = arith.extui %sign3A_875 : i1 to i32
    %sign3A_877 = arith.constant 0 : i32
    %sign3A_878 = arith.cmpi slt, %add3A_871, %sign3A_877 : i32
    %sign3A_879 = arith.extui %sign3A_878 : i1 to i32
    %sign3A_880 = arith.subi %sign3A_876, %sign3A_879 : i32
    %sign3A_881 = arith.constant 0 : i32
    %sign3A_882 = arith.cmpi sgt, %jit3A_872, %sign3A_881 : i32
    %sign3A_883 = arith.extui %sign3A_882 : i1 to i32
    %sign3A_884 = arith.constant 0 : i32
    %sign3A_885 = arith.cmpi slt, %jit3A_872, %sign3A_884 : i32
    %sign3A_886 = arith.extui %sign3A_885 : i1 to i32
    %sign3A_887 = arith.subi %sign3A_883, %sign3A_886 : i32
    %ne3A_888 = arith.cmpi ne, %sign3A_880, %sign3A_887 : i32
    %rem3A_889 = arith.remsi %add3A_871, %jit3A_872 : i32
    %ne3A_890 = arith.constant 0 : i32
    %ne3A_891 = arith.cmpi ne, %rem3A_889, %ne3A_890 : i32
    %and3A_892 = arith.andi %ne3A_888, %ne3A_891 : i1
    %sub3A_893 = arith.constant 1 : i32
    %sub3A_894 = arith.subi %div3A_873, %sub3A_893 : i32
    %select_n3A_895 = arith.select %and3A_892, %sub3A_894, %div3A_873 : i32
    %add3A_896 = arith.constant 12 : i32
    %add3A_897 = arith.addi %add3A_896, %select_n3A_895 : i32
    %jit3A_898 = arith.constant 512 : i32
    %eq3A_899 = arith.constant 0 : i32
    %eq3A_900 = arith.cmpi eq, %jit3A_898, %eq3A_899 : i32
    %jit3A_901 = arith.constant 1 : i32
    %select_n3A_902 = arith.select %eq3A_900, %jit3A_901, %jit3A_898 : i32
    %rem3A_903 = arith.remsi %add3A_871, %select_n3A_902 : i32
    %ne3A_904 = arith.constant 0 : i32
    %ne3A_905 = arith.cmpi ne, %rem3A_903, %ne3A_904 : i32
    %lt3A_906 = arith.constant 0 : i32
    %lt3A_907 = arith.cmpi slt, %rem3A_903, %lt3A_906 : i32
    %lt3A_908 = arith.constant 0 : i32
    %lt3A_909 = arith.cmpi slt, %select_n3A_902, %lt3A_908 : i32
    %ne3A_910 = arith.xori %lt3A_907, %lt3A_909 : i1
    %and3A_911 = arith.andi %ne3A_910, %ne3A_905 : i1
    %add3A_912 = arith.addi %rem3A_903, %select_n3A_902 : i32
    %select_n3A_913 = arith.select %and3A_911, %add3A_912, %rem3A_903 : i32
    %dma_start3A_914 = arith.constant 0 : i32
    %dma_start3A_915 = arith.constant 0 : i32
    %dma_start3A_916 = arith.constant 0 : i32
    %dma_start3A_917 = arith.constant 0 : i32
    %dma_start3A_918 = tpu.memref_slice %arg8[%dma_start3A_915, %dma_start3A_916, %dma_start3A_917] : memref<3x16x512xf32, #tpu.memory_space<vmem>> -> memref<1x16x512xf32, #tpu.memory_space<vmem>>
    %dma_start3A_919 = tpu.memref_squeeze %dma_start3A_918 : memref<1x16x512xf32, #tpu.memory_space<vmem>> -> memref<16x512xf32, #tpu.memory_space<vmem>>
    %dma_start3A_920 = arith.constant 0 : i32
    %dma_start3A_921 = tpu.memref_slice %arg4[%add3A_897, %dma_start3A_914, %select_n3A_913, %dma_start3A_920] : memref<16x1x512x512xf32, #tpu.memory_space<hbm>> -> memref<1x1x16x512xf32, #tpu.memory_space<hbm>>
    %dma_start3A_922 = tpu.memref_squeeze %dma_start3A_921 : memref<1x1x16x512xf32, #tpu.memory_space<hbm>> -> memref<16x512xf32, #tpu.memory_space<hbm>>
    %dma_start3A_923 = arith.constant 0 : i32
    %dma_start3A_924 = arith.constant 0 : i32
    %dma_start3A_925 = tpu.memref_slice %arg8[%dma_start3A_915, %dma_start3A_923, %dma_start3A_924] : memref<3x16x512xf32, #tpu.memory_space<vmem>> -> memref<1x16x512xf32, #tpu.memory_space<vmem>>
    %dma_start3A_926 = tpu.memref_squeeze %dma_start3A_925 : memref<1x16x512xf32, #tpu.memory_space<vmem>> -> memref<16x512xf32, #tpu.memory_space<vmem>>
    %dma_start3A_927 = arith.constant 0 : i32
    %dma_start3A_928 = tpu.memref_slice %arg4[%add3A_897, %dma_start3A_914, %select_n3A_913, %dma_start3A_927] : memref<16x1x512x512xf32, #tpu.memory_space<hbm>> -> memref<1x1x16x512xf32, #tpu.memory_space<hbm>>
    %dma_start3A_929 = tpu.memref_squeeze %dma_start3A_928 : memref<1x1x16x512xf32, #tpu.memory_space<hbm>> -> memref<16x512xf32, #tpu.memory_space<hbm>>
    tpu.enqueue_dma source(%dma_start3A_929 : memref<16x512xf32, #tpu.memory_space<hbm>>) target(%dma_start3A_926 : memref<16x512xf32, #tpu.memory_space<vmem>>) target_semaphore(%arg10 : memref<!tpu.dma_semaphore, #tpu.memory_space<semaphore_mem>>)
    %mul3A_930 = arith.constant 64 : i32
    %mul3A_931 = arith.muli %add3A, %mul3A_930 : i32
    %add3A_932 = arith.constant 16 : i32
    %add3A_933 = arith.addi %mul3A_931, %add3A_932 : i32
    %jit3A_934 = arith.constant 512 : i32
    %div3A_935 = arith.divsi %add3A_933, %jit3A_934 : i32
    %sign3A_936 = arith.constant 0 : i32
    %sign3A_937 = arith.cmpi sgt, %add3A_933, %sign3A_936 : i32
    %sign3A_938 = arith.extui %sign3A_937 : i1 to i32
    %sign3A_939 = arith.constant 0 : i32
    %sign3A_940 = arith.cmpi slt, %add3A_933, %sign3A_939 : i32
    %sign3A_941 = arith.extui %sign3A_940 : i1 to i32
    %sign3A_942 = arith.subi %sign3A_938, %sign3A_941 : i32
    %sign3A_943 = arith.constant 0 : i32
    %sign3A_944 = arith.cmpi sgt, %jit3A_934, %sign3A_943 : i32
    %sign3A_945 = arith.extui %sign3A_944 : i1 to i32
    %sign3A_946 = arith.constant 0 : i32
    %sign3A_947 = arith.cmpi slt, %jit3A_934, %sign3A_946 : i32
    %sign3A_948 = arith.extui %sign3A_947 : i1 to i32
    %sign3A_949 = arith.subi %sign3A_945, %sign3A_948 : i32
    %ne3A_950 = arith.cmpi ne, %sign3A_942, %sign3A_949 : i32
    %rem3A_951 = arith.remsi %add3A_933, %jit3A_934 : i32
    %ne3A_952 = arith.constant 0 : i32
    %ne3A_953 = arith.cmpi ne, %rem3A_951, %ne3A_952 : i32
    %and3A_954 = arith.andi %ne3A_950, %ne3A_953 : i1
    %sub3A_955 = arith.constant 1 : i32
    %sub3A_956 = arith.subi %div3A_935, %sub3A_955 : i32
    %select_n3A_957 = arith.select %and3A_954, %sub3A_956, %div3A_935 : i32
    %add3A_958 = arith.constant 12 : i32
    %add3A_959 = arith.addi %add3A_958, %select_n3A_957 : i32
    %jit3A_960 = arith.constant 512 : i32
    %eq3A_961 = arith.constant 0 : i32
    %eq3A_962 = arith.cmpi eq, %jit3A_960, %eq3A_961 : i32
    %jit3A_963 = arith.constant 1 : i32
    %select_n3A_964 = arith.select %eq3A_962, %jit3A_963, %jit3A_960 : i32
    %rem3A_965 = arith.remsi %add3A_933, %select_n3A_964 : i32
    %ne3A_966 = arith.constant 0 : i32
    %ne3A_967 = arith.cmpi ne, %rem3A_965, %ne3A_966 : i32
    %lt3A_968 = arith.constant 0 : i32
    %lt3A_969 = arith.cmpi slt, %rem3A_965, %lt3A_968 : i32
    %lt3A_970 = arith.constant 0 : i32
    %lt3A_971 = arith.cmpi slt, %select_n3A_964, %lt3A_970 : i32
    %ne3A_972 = arith.xori %lt3A_969, %lt3A_971 : i1
    %and3A_973 = arith.andi %ne3A_972, %ne3A_967 : i1
    %add3A_974 = arith.addi %rem3A_965, %select_n3A_964 : i32
    %select_n3A_975 = arith.select %and3A_973, %add3A_974, %rem3A_965 : i32
    %dma_wait3A_976 = arith.constant 0 : i32
    %dma_wait3A_977 = arith.constant 1 : i32
    %dma_wait3A_978 = arith.constant 0 : i32
    %dma_wait3A_979 = arith.constant 0 : i32
    %dma_wait3A_980 = tpu.memref_slice %arg6[%dma_wait3A_977, %dma_wait3A_978, %dma_wait3A_979] : memref<3x16x512xf32, #tpu.memory_space<vmem>> -> memref<1x16x512xf32, #tpu.memory_space<vmem>>
    %dma_wait3A_981 = tpu.memref_squeeze %dma_wait3A_980 : memref<1x16x512xf32, #tpu.memory_space<vmem>> -> memref<16x512xf32, #tpu.memory_space<vmem>>
    %dma_wait3A_982 = arith.constant 0 : i32
    %dma_wait3A_983 = tpu.memref_slice %arg2[%add3A_959, %dma_wait3A_976, %select_n3A_975, %dma_wait3A_982] : memref<16x1x512x512xf32, #tpu.memory_space<hbm>> -> memref<1x1x16x512xf32, #tpu.memory_space<hbm>>
    %dma_wait3A_984 = tpu.memref_squeeze %dma_wait3A_983 : memref<1x1x16x512xf32, #tpu.memory_space<hbm>> -> memref<16x512xf32, #tpu.memory_space<hbm>>
    %dma_wait3A_985 = arith.constant 0 : i32
    %dma_wait3A_986 = arith.constant 0 : i32
    %dma_wait3A_987 = tpu.memref_slice %arg6[%dma_wait3A_977, %dma_wait3A_985, %dma_wait3A_986] : memref<3x16x512xf32, #tpu.memory_space<vmem>> -> memref<1x16x512xf32, #tpu.memory_space<vmem>>
    %dma_wait3A_988 = tpu.memref_squeeze %dma_wait3A_987 : memref<1x16x512xf32, #tpu.memory_space<vmem>> -> memref<16x512xf32, #tpu.memory_space<vmem>>
    %dma_wait3A_989 = arith.constant 0 : i32
    %dma_wait3A_990 = tpu.memref_slice %arg2[%add3A_959, %dma_wait3A_976, %select_n3A_975, %dma_wait3A_989] : memref<16x1x512x512xf32, #tpu.memory_space<hbm>> -> memref<1x1x16x512xf32, #tpu.memory_space<hbm>>
    %dma_wait3A_991 = tpu.memref_squeeze %dma_wait3A_990 : memref<1x1x16x512xf32, #tpu.memory_space<hbm>> -> memref<16x512xf32, #tpu.memory_space<hbm>>
    tpu.wait_dma2 semaphore(%arg11 : memref<!tpu.dma_semaphore, #tpu.memory_space<semaphore_mem>>) src(%dma_wait3A_991 : memref<16x512xf32, #tpu.memory_space<hbm>>) dst(%dma_wait3A_988 : memref<16x512xf32, #tpu.memory_space<vmem>>)
    %mul3A_992 = arith.constant 64 : i32
    %mul3A_993 = arith.muli %add3A, %mul3A_992 : i32
    %add3A_994 = arith.constant 16 : i32
    %add3A_995 = arith.addi %mul3A_993, %add3A_994 : i32
    %jit3A_996 = arith.constant 512 : i32
    %div3A_997 = arith.divsi %add3A_995, %jit3A_996 : i32
    %sign3A_998 = arith.constant 0 : i32
    %sign3A_999 = arith.cmpi sgt, %add3A_995, %sign3A_998 : i32
    %sign3A_1000 = arith.extui %sign3A_999 : i1 to i32
    %sign3A_1001 = arith.constant 0 : i32
    %sign3A_1002 = arith.cmpi slt, %add3A_995, %sign3A_1001 : i32
    %sign3A_1003 = arith.extui %sign3A_1002 : i1 to i32
    %sign3A_1004 = arith.subi %sign3A_1000, %sign3A_1003 : i32
    %sign3A_1005 = arith.constant 0 : i32
    %sign3A_1006 = arith.cmpi sgt, %jit3A_996, %sign3A_1005 : i32
    %sign3A_1007 = arith.extui %sign3A_1006 : i1 to i32
    %sign3A_1008 = arith.constant 0 : i32
    %sign3A_1009 = arith.cmpi slt, %jit3A_996, %sign3A_1008 : i32
    %sign3A_1010 = arith.extui %sign3A_1009 : i1 to i32
    %sign3A_1011 = arith.subi %sign3A_1007, %sign3A_1010 : i32
    %ne3A_1012 = arith.cmpi ne, %sign3A_1004, %sign3A_1011 : i32
    %rem3A_1013 = arith.remsi %add3A_995, %jit3A_996 : i32
    %ne3A_1014 = arith.constant 0 : i32
    %ne3A_1015 = arith.cmpi ne, %rem3A_1013, %ne3A_1014 : i32
    %and3A_1016 = arith.andi %ne3A_1012, %ne3A_1015 : i1
    %sub3A_1017 = arith.constant 1 : i32
    %sub3A_1018 = arith.subi %div3A_997, %sub3A_1017 : i32
    %select_n3A_1019 = arith.select %and3A_1016, %sub3A_1018, %div3A_997 : i32
    %add3A_1020 = arith.constant 12 : i32
    %add3A_1021 = arith.addi %add3A_1020, %select_n3A_1019 : i32
    %jit3A_1022 = arith.constant 512 : i32
    %eq3A_1023 = arith.constant 0 : i32
    %eq3A_1024 = arith.cmpi eq, %jit3A_1022, %eq3A_1023 : i32
    %jit3A_1025 = arith.constant 1 : i32
    %select_n3A_1026 = arith.select %eq3A_1024, %jit3A_1025, %jit3A_1022 : i32
    %rem3A_1027 = arith.remsi %add3A_995, %select_n3A_1026 : i32
    %ne3A_1028 = arith.constant 0 : i32
    %ne3A_1029 = arith.cmpi ne, %rem3A_1027, %ne3A_1028 : i32
    %lt3A_1030 = arith.constant 0 : i32
    %lt3A_1031 = arith.cmpi slt, %rem3A_1027, %lt3A_1030 : i32
    %lt3A_1032 = arith.constant 0 : i32
    %lt3A_1033 = arith.cmpi slt, %select_n3A_1026, %lt3A_1032 : i32
    %ne3A_1034 = arith.xori %lt3A_1031, %lt3A_1033 : i1
    %and3A_1035 = arith.andi %ne3A_1034, %ne3A_1029 : i1
    %add3A_1036 = arith.addi %rem3A_1027, %select_n3A_1026 : i32
    %select_n3A_1037 = arith.select %and3A_1035, %add3A_1036, %rem3A_1027 : i32
    %dma_wait3A_1038 = arith.constant 0 : i32
    %dma_wait3A_1039 = arith.constant 1 : i32
    %dma_wait3A_1040 = arith.constant 0 : i32
    %dma_wait3A_1041 = arith.constant 0 : i32
    %dma_wait3A_1042 = tpu.memref_slice %arg7[%dma_wait3A_1039, %dma_wait3A_1040, %dma_wait3A_1041] : memref<3x16x512xf32, #tpu.memory_space<vmem>> -> memref<1x16x512xf32, #tpu.memory_space<vmem>>
    %dma_wait3A_1043 = tpu.memref_squeeze %dma_wait3A_1042 : memref<1x16x512xf32, #tpu.memory_space<vmem>> -> memref<16x512xf32, #tpu.memory_space<vmem>>
    %dma_wait3A_1044 = arith.constant 0 : i32
    %dma_wait3A_1045 = tpu.memref_slice %arg3[%add3A_1021, %dma_wait3A_1038, %select_n3A_1037, %dma_wait3A_1044] : memref<16x1x512x512xf32, #tpu.memory_space<hbm>> -> memref<1x1x16x512xf32, #tpu.memory_space<hbm>>
    %dma_wait3A_1046 = tpu.memref_squeeze %dma_wait3A_1045 : memref<1x1x16x512xf32, #tpu.memory_space<hbm>> -> memref<16x512xf32, #tpu.memory_space<hbm>>
    %dma_wait3A_1047 = arith.constant 0 : i32
    %dma_wait3A_1048 = arith.constant 0 : i32
    %dma_wait3A_1049 = tpu.memref_slice %arg7[%dma_wait3A_1039, %dma_wait3A_1047, %dma_wait3A_1048] : memref<3x16x512xf32, #tpu.memory_space<vmem>> -> memref<1x16x512xf32, #tpu.memory_space<vmem>>
    %dma_wait3A_1050 = tpu.memref_squeeze %dma_wait3A_1049 : memref<1x16x512xf32, #tpu.memory_space<vmem>> -> memref<16x512xf32, #tpu.memory_space<vmem>>
    %dma_wait3A_1051 = arith.constant 0 : i32
    %dma_wait3A_1052 = tpu.memref_slice %arg3[%add3A_1021, %dma_wait3A_1038, %select_n3A_1037, %dma_wait3A_1051] : memref<16x1x512x512xf32, #tpu.memory_space<hbm>> -> memref<1x1x16x512xf32, #tpu.memory_space<hbm>>
    %dma_wait3A_1053 = tpu.memref_squeeze %dma_wait3A_1052 : memref<1x1x16x512xf32, #tpu.memory_space<hbm>> -> memref<16x512xf32, #tpu.memory_space<hbm>>
    tpu.wait_dma2 semaphore(%arg11 : memref<!tpu.dma_semaphore, #tpu.memory_space<semaphore_mem>>) src(%dma_wait3A_1053 : memref<16x512xf32, #tpu.memory_space<hbm>>) dst(%dma_wait3A_1050 : memref<16x512xf32, #tpu.memory_space<vmem>>)
    %mul3A_1054 = arith.constant 64 : i32
    %mul3A_1055 = arith.muli %add3A, %mul3A_1054 : i32
    %add3A_1056 = arith.constant 16 : i32
    %add3A_1057 = arith.addi %mul3A_1055, %add3A_1056 : i32
    %jit3A_1058 = arith.constant 512 : i32
    %div3A_1059 = arith.divsi %add3A_1057, %jit3A_1058 : i32
    %sign3A_1060 = arith.constant 0 : i32
    %sign3A_1061 = arith.cmpi sgt, %add3A_1057, %sign3A_1060 : i32
    %sign3A_1062 = arith.extui %sign3A_1061 : i1 to i32
    %sign3A_1063 = arith.constant 0 : i32
    %sign3A_1064 = arith.cmpi slt, %add3A_1057, %sign3A_1063 : i32
    %sign3A_1065 = arith.extui %sign3A_1064 : i1 to i32
    %sign3A_1066 = arith.subi %sign3A_1062, %sign3A_1065 : i32
    %sign3A_1067 = arith.constant 0 : i32
    %sign3A_1068 = arith.cmpi sgt, %jit3A_1058, %sign3A_1067 : i32
    %sign3A_1069 = arith.extui %sign3A_1068 : i1 to i32
    %sign3A_1070 = arith.constant 0 : i32
    %sign3A_1071 = arith.cmpi slt, %jit3A_1058, %sign3A_1070 : i32
    %sign3A_1072 = arith.extui %sign3A_1071 : i1 to i32
    %sign3A_1073 = arith.subi %sign3A_1069, %sign3A_1072 : i32
    %ne3A_1074 = arith.cmpi ne, %sign3A_1066, %sign3A_1073 : i32
    %rem3A_1075 = arith.remsi %add3A_1057, %jit3A_1058 : i32
    %ne3A_1076 = arith.constant 0 : i32
    %ne3A_1077 = arith.cmpi ne, %rem3A_1075, %ne3A_1076 : i32
    %and3A_1078 = arith.andi %ne3A_1074, %ne3A_1077 : i1
    %sub3A_1079 = arith.constant 1 : i32
    %sub3A_1080 = arith.subi %div3A_1059, %sub3A_1079 : i32
    %select_n3A_1081 = arith.select %and3A_1078, %sub3A_1080, %div3A_1059 : i32
    %add3A_1082 = arith.constant 12 : i32
    %add3A_1083 = arith.addi %add3A_1082, %select_n3A_1081 : i32
    %jit3A_1084 = arith.constant 512 : i32
    %eq3A_1085 = arith.constant 0 : i32
    %eq3A_1086 = arith.cmpi eq, %jit3A_1084, %eq3A_1085 : i32
    %jit3A_1087 = arith.constant 1 : i32
    %select_n3A_1088 = arith.select %eq3A_1086, %jit3A_1087, %jit3A_1084 : i32
    %rem3A_1089 = arith.remsi %add3A_1057, %select_n3A_1088 : i32
    %ne3A_1090 = arith.constant 0 : i32
    %ne3A_1091 = arith.cmpi ne, %rem3A_1089, %ne3A_1090 : i32
    %lt3A_1092 = arith.constant 0 : i32
    %lt3A_1093 = arith.cmpi slt, %rem3A_1089, %lt3A_1092 : i32
    %lt3A_1094 = arith.constant 0 : i32
    %lt3A_1095 = arith.cmpi slt, %select_n3A_1088, %lt3A_1094 : i32
    %ne3A_1096 = arith.xori %lt3A_1093, %lt3A_1095 : i1
    %and3A_1097 = arith.andi %ne3A_1096, %ne3A_1091 : i1
    %add3A_1098 = arith.addi %rem3A_1089, %select_n3A_1088 : i32
    %select_n3A_1099 = arith.select %and3A_1097, %add3A_1098, %rem3A_1089 : i32
    %dma_wait3A_1100 = arith.constant 0 : i32
    %dma_wait3A_1101 = arith.constant 1 : i32
    %dma_wait3A_1102 = arith.constant 0 : i32
    %dma_wait3A_1103 = arith.constant 0 : i32
    %dma_wait3A_1104 = tpu.memref_slice %arg8[%dma_wait3A_1101, %dma_wait3A_1102, %dma_wait3A_1103] : memref<3x16x512xf32, #tpu.memory_space<vmem>> -> memref<1x16x512xf32, #tpu.memory_space<vmem>>
    %dma_wait3A_1105 = tpu.memref_squeeze %dma_wait3A_1104 : memref<1x16x512xf32, #tpu.memory_space<vmem>> -> memref<16x512xf32, #tpu.memory_space<vmem>>
    %dma_wait3A_1106 = arith.constant 0 : i32
    %dma_wait3A_1107 = tpu.memref_slice %arg4[%add3A_1083, %dma_wait3A_1100, %select_n3A_1099, %dma_wait3A_1106] : memref<16x1x512x512xf32, #tpu.memory_space<hbm>> -> memref<1x1x16x512xf32, #tpu.memory_space<hbm>>
    %dma_wait3A_1108 = tpu.memref_squeeze %dma_wait3A_1107 : memref<1x1x16x512xf32, #tpu.memory_space<hbm>> -> memref<16x512xf32, #tpu.memory_space<hbm>>
    %dma_wait3A_1109 = arith.constant 0 : i32
    %dma_wait3A_1110 = arith.constant 0 : i32
    %dma_wait3A_1111 = tpu.memref_slice %arg8[%dma_wait3A_1101, %dma_wait3A_1109, %dma_wait3A_1110] : memref<3x16x512xf32, #tpu.memory_space<vmem>> -> memref<1x16x512xf32, #tpu.memory_space<vmem>>
    %dma_wait3A_1112 = tpu.memref_squeeze %dma_wait3A_1111 : memref<1x16x512xf32, #tpu.memory_space<vmem>> -> memref<16x512xf32, #tpu.memory_space<vmem>>
    %dma_wait3A_1113 = arith.constant 0 : i32
    %dma_wait3A_1114 = tpu.memref_slice %arg4[%add3A_1083, %dma_wait3A_1100, %select_n3A_1099, %dma_wait3A_1113] : memref<16x1x512x512xf32, #tpu.memory_space<hbm>> -> memref<1x1x16x512xf32, #tpu.memory_space<hbm>>
    %dma_wait3A_1115 = tpu.memref_squeeze %dma_wait3A_1114 : memref<1x1x16x512xf32, #tpu.memory_space<hbm>> -> memref<16x512xf32, #tpu.memory_space<hbm>>
    tpu.wait_dma2 semaphore(%arg11 : memref<!tpu.dma_semaphore, #tpu.memory_space<semaphore_mem>>) src(%dma_wait3A_1115 : memref<16x512xf32, #tpu.memory_space<hbm>>) dst(%dma_wait3A_1112 : memref<16x512xf32, #tpu.memory_space<vmem>>)
    %scan3A_1116 = arith.constant 1 : i32
    %scan3A_1117 = arith.constant 1 : i32
    %scan3A_1118 = arith.constant 1 : i32
    %scan3A_1119 = arith.constant 0 : i32
    %scan3A_1120 = arith.constant 64 : i32
    %scan3A_1121 = arith.addi %scan3A_1119, %scan3A_1120 : i32
    %scan3A_1122 = arith.constant 1 : i32
    %scan3A_1123:16 = scf.for %scan3A_1538 = %scan3A_1119 to %scan3A_1121 step %scan3A_1122 iter_args(%scan3A_1539 = %scan3A_742#0, %scan3A_1540 = %scan3A_742#1, %scan3A_1541 = %scan3A_742#2, %scan3A_1542 = %scan3A_742#3, %scan3A_1543 = %scan3A_742#4, %scan3A_1544 = %scan3A_742#5, %scan3A_1545 = %scan3A_742#6, %scan3A_1546 = %scan3A_742#7, %scan3A_1547 = %scan3A_742#8, %scan3A_1548 = %scan3A_742#9, %scan3A_1549 = %scan3A_742#10, %scan3A_1550 = %scan3A_742#11, %scan3A_1551 = %scan3A_742#12, %scan3A_1552 = %scan3A_742#13, %scan3A_1553 = %scan3A_742#14, %scan3A_1554 = %scan3A_742#15) -> (vector<16xf32>, vector<16xf32>, vector<16xf32>, vector<16xf32>, vector<16xf32>, vector<16xf32>, vector<16xf32>, vector<16xf32>, vector<16xi32>, vector<16xi32>, vector<16xi32>, vector<16xi32>, vector<16xi32>, vector<16xi32>, vector<16xi32>, vector<16xi32>)  : i32 {
      %jit3A_1555 = arith.constant 4 : i32
      %div3A_1556 = arith.divsi %scan3A_1538, %jit3A_1555 : i32
      %sign3A_1557 = arith.constant 0 : i32
      %sign3A_1558 = arith.cmpi sgt, %scan3A_1538, %sign3A_1557 : i32
      %sign3A_1559 = arith.extui %sign3A_1558 : i1 to i32
      %sign3A_1560 = arith.constant 0 : i32
      %sign3A_1561 = arith.cmpi slt, %scan3A_1538, %sign3A_1560 : i32
      %sign3A_1562 = arith.extui %sign3A_1561 : i1 to i32
      %sign3A_1563 = arith.subi %sign3A_1559, %sign3A_1562 : i32
      %sign3A_1564 = arith.constant 0 : i32
      %sign3A_1565 = arith.cmpi sgt, %jit3A_1555, %sign3A_1564 : i32
      %sign3A_1566 = arith.extui %sign3A_1565 : i1 to i32
      %sign3A_1567 = arith.constant 0 : i32
      %sign3A_1568 = arith.cmpi slt, %jit3A_1555, %sign3A_1567 : i32
      %sign3A_1569 = arith.extui %sign3A_1568 : i1 to i32
      %sign3A_1570 = arith.subi %sign3A_1566, %sign3A_1569 : i32
      %ne3A_1571 = arith.cmpi ne, %sign3A_1563, %sign3A_1570 : i32
      %rem3A_1572 = arith.remsi %scan3A_1538, %jit3A_1555 : i32
      %ne3A_1573 = arith.constant 0 : i32
      %ne3A_1574 = arith.cmpi ne, %rem3A_1572, %ne3A_1573 : i32
      %and3A_1575 = arith.andi %ne3A_1571, %ne3A_1574 : i1
      %sub3A_1576 = arith.constant 1 : i32
      %sub3A_1577 = arith.subi %div3A_1556, %sub3A_1576 : i32
      %select_n3A_1578 = arith.select %and3A_1575, %sub3A_1577, %div3A_1556 : i32
      %jit3A_1579 = arith.constant 4 : i32
      %eq3A_1580 = arith.constant 0 : i32
      %eq3A_1581 = arith.cmpi eq, %jit3A_1579, %eq3A_1580 : i32
      %jit3A_1582 = arith.constant 1 : i32
      %select_n3A_1583 = arith.select %eq3A_1581, %jit3A_1582, %jit3A_1579 : i32
      %rem3A_1584 = arith.remsi %scan3A_1538, %select_n3A_1583 : i32
      %ne3A_1585 = arith.constant 0 : i32
      %ne3A_1586 = arith.cmpi ne, %rem3A_1584, %ne3A_1585 : i32
      %lt3A_1587 = arith.constant 0 : i32
      %lt3A_1588 = arith.cmpi slt, %rem3A_1584, %lt3A_1587 : i32
      %lt3A_1589 = arith.constant 0 : i32
      %lt3A_1590 = arith.cmpi slt, %select_n3A_1583, %lt3A_1589 : i32
      %ne3A_1591 = arith.xori %lt3A_1588, %lt3A_1590 : i1
      %and3A_1592 = arith.andi %ne3A_1591, %ne3A_1586 : i1
      %add3A_1593 = arith.addi %rem3A_1584, %select_n3A_1583 : i32
      %select_n3A_1594 = arith.select %and3A_1592, %add3A_1593, %rem3A_1584 : i32
      %mul3A_1595 = arith.constant 128 : i32
      %mul3A_1596 = arith.muli %select_n3A_1594, %mul3A_1595 : i32
      %add3A_1597 = arith.constant 0 : i32
      %add3A_1598 = arith.addi %mul3A_1596, %add3A_1597 : i32
      %get3A = arith.constant 0 : i32
      %get3A_1599 = arith.constant 0 : i32
      %get3A_1600 = tpu.memref_slice %arg6[%scan3A_1116, %get3A, %get3A_1599] : memref<3x16x512xf32, #tpu.memory_space<vmem>> -> memref<1x16x512xf32, #tpu.memory_space<vmem>>
      %get3A_1601 = tpu.memref_squeeze %get3A_1600 : memref<1x16x512xf32, #tpu.memory_space<vmem>> -> memref<16x512xf32, #tpu.memory_space<vmem>>
      %get3A_1602 = arith.index_cast %select_n3A_1578 : i32 to index
      %get3A_1603 = arith.index_cast %add3A_1598 : i32 to index
      %get3A_1604 = tpu.vector_load %get3A_1601[%get3A_1602, %get3A_1603] {strides = array<i32>} : memref<16x512xf32, #tpu.memory_space<vmem>>, vector<1x16xf32>,
      %get3A_1605 = vector.shape_cast %get3A_1604 : vector<1x16xf32> to vector<16xf32>
      %get3A_1606 = arith.constant 0 : i32
      %get3A_1607 = arith.constant 0 : i32
      %get3A_1608 = tpu.memref_slice %arg7[%scan3A_1117, %get3A_1606, %get3A_1607] : memref<3x16x512xf32, #tpu.memory_space<vmem>> -> memref<1x16x512xf32, #tpu.memory_space<vmem>>
      %get3A_1609 = tpu.memref_squeeze %get3A_1608 : memref<1x16x512xf32, #tpu.memory_space<vmem>> -> memref<16x512xf32, #tpu.memory_space<vmem>>
      %get3A_1610 = arith.index_cast %select_n3A_1578 : i32 to index
      %get3A_1611 = arith.index_cast %add3A_1598 : i32 to index
      %get3A_1612 = tpu.vector_load %get3A_1609[%get3A_1610, %get3A_1611] {strides = array<i32>} : memref<16x512xf32, #tpu.memory_space<vmem>>, vector<1x16xf32>,
      %get3A_1613 = vector.shape_cast %get3A_1612 : vector<1x16xf32> to vector<16xf32>
      %get3A_1614 = arith.constant 0 : i32
      %get3A_1615 = arith.constant 0 : i32
      %get3A_1616 = tpu.memref_slice %arg8[%scan3A_1118, %get3A_1614, %get3A_1615] : memref<3x16x512xf32, #tpu.memory_space<vmem>> -> memref<1x16x512xf32, #tpu.memory_space<vmem>>
      %get3A_1617 = tpu.memref_squeeze %get3A_1616 : memref<1x16x512xf32, #tpu.memory_space<vmem>> -> memref<16x512xf32, #tpu.memory_space<vmem>>
      %get3A_1618 = arith.index_cast %select_n3A_1578 : i32 to index
      %get3A_1619 = arith.index_cast %add3A_1598 : i32 to index
      %get3A_1620 = tpu.vector_load %get3A_1617[%get3A_1618, %get3A_1619] {strides = array<i32>} : memref<16x512xf32, #tpu.memory_space<vmem>>, vector<1x16xf32>,
      %get3A_1621 = vector.shape_cast %get3A_1620 : vector<1x16xf32> to vector<16xf32>
      %mul3A_1622 = arith.constant 1.000000e+01 : f32
      %mul3A_1623 = vector.broadcast %mul3A_1622 : f32 to vector<16xf32>
      %mul3A_1624 = arith.mulf %get3A_1613, %mul3A_1623 : vector<16xf32>
      %convert_element_type3A_1625 = arith.fptosi %mul3A_1624 : vector<16xf32> to vector<16xi32>
      %convert_element_type3A_1626 = arith.sitofp %convert_element_type3A_1625 : vector<16xi32> to vector<16xf32>
      %gt3A = arith.constant 0.000000e+00 : f32
      %gt3A_1627 = vector.broadcast %gt3A : f32 to vector<16xf32>
      %gt3A_1628 = arith.cmpf ogt, %get3A_1621, %gt3A_1627 : vector<16xf32>
      %jit3A_1629 = arith.constant 0.000000e+00 : f32
      %broadcast_in_dim3A_1630 = vector.broadcast %jit3A_1629 : f32 to vector<16xf32>
      %select_n3A_1631 = arith.select %gt3A_1628, %convert_element_type3A_1626, %broadcast_in_dim3A_1630 : vector<16xi1>, vector<16xf32>
      %sub3A_1632 = arith.subf %get3A_1605, %get3A_1613 : vector<16xf32>
      %mul3A_1633 = arith.mulf %sub3A_1632, %sub3A_1632 : vector<16xf32>
      %mul3A_1634 = arith.mulf %select_n3A_1631, %mul3A_1633 : vector<16xf32>
      %add3A_1635 = arith.addf %scan3A_1539, %mul3A_1634 : vector<16xf32>
      %jit3A_1636 = arith.constant 1 : i32
      %jit3A_1637 = arith.constant 0 : i32
      %broadcast_in_dim3A_1638 = vector.broadcast %jit3A_1636 : i32 to vector<16xi32>
      %broadcast_in_dim3A_1639 = vector.broadcast %jit3A_1637 : i32 to vector<16xi32>
      %select_n3A_1640 = arith.select %gt3A_1628, %broadcast_in_dim3A_1638, %broadcast_in_dim3A_1639 : vector<16xi1>, vector<16xi32>
      %add3A_1641 = arith.addi %scan3A_1547, %select_n3A_1640 : vector<16xi32>
      %add3A_1642 = arith.constant 16 : i32
      %add3A_1643 = arith.addi %mul3A_1596, %add3A_1642 : i32
      %get3A_1644 = arith.constant 0 : i32
      %get3A_1645 = arith.constant 0 : i32
      %get3A_1646 = tpu.memref_slice %arg6[%scan3A_1116, %get3A_1644, %get3A_1645] : memref<3x16x512xf32, #tpu.memory_space<vmem>> -> memref<1x16x512xf32, #tpu.memory_space<vmem>>
      %get3A_1647 = tpu.memref_squeeze %get3A_1646 : memref<1x16x512xf32, #tpu.memory_space<vmem>> -> memref<16x512xf32, #tpu.memory_space<vmem>>
      %get3A_1648 = arith.index_cast %select_n3A_1578 : i32 to index
      %get3A_1649 = arith.index_cast %add3A_1643 : i32 to index
      %get3A_1650 = tpu.vector_load %get3A_1647[%get3A_1648, %get3A_1649] {strides = array<i32>} : memref<16x512xf32, #tpu.memory_space<vmem>>, vector<1x16xf32>,
      %get3A_1651 = vector.shape_cast %get3A_1650 : vector<1x16xf32> to vector<16xf32>
      %get3A_1652 = arith.constant 0 : i32
      %get3A_1653 = arith.constant 0 : i32
      %get3A_1654 = tpu.memref_slice %arg7[%scan3A_1117, %get3A_1652, %get3A_1653] : memref<3x16x512xf32, #tpu.memory_space<vmem>> -> memref<1x16x512xf32, #tpu.memory_space<vmem>>
      %get3A_1655 = tpu.memref_squeeze %get3A_1654 : memref<1x16x512xf32, #tpu.memory_space<vmem>> -> memref<16x512xf32, #tpu.memory_space<vmem>>
      %get3A_1656 = arith.index_cast %select_n3A_1578 : i32 to index
      %get3A_1657 = arith.index_cast %add3A_1643 : i32 to index
      %get3A_1658 = tpu.vector_load %get3A_1655[%get3A_1656, %get3A_1657] {strides = array<i32>} : memref<16x512xf32, #tpu.memory_space<vmem>>, vector<1x16xf32>,
      %get3A_1659 = vector.shape_cast %get3A_1658 : vector<1x16xf32> to vector<16xf32>
      %get3A_1660 = arith.constant 0 : i32
      %get3A_1661 = arith.constant 0 : i32
      %get3A_1662 = tpu.memref_slice %arg8[%scan3A_1118, %get3A_1660, %get3A_1661] : memref<3x16x512xf32, #tpu.memory_space<vmem>> -> memref<1x16x512xf32, #tpu.memory_space<vmem>>
      %get3A_1663 = tpu.memref_squeeze %get3A_1662 : memref<1x16x512xf32, #tpu.memory_space<vmem>> -> memref<16x512xf32, #tpu.memory_space<vmem>>
      %get3A_1664 = arith.index_cast %select_n3A_1578 : i32 to index
      %get3A_1665 = arith.index_cast %add3A_1643 : i32 to index
      %get3A_1666 = tpu.vector_load %get3A_1663[%get3A_1664, %get3A_1665] {strides = array<i32>} : memref<16x512xf32, #tpu.memory_space<vmem>>, vector<1x16xf32>,
      %get3A_1667 = vector.shape_cast %get3A_1666 : vector<1x16xf32> to vector<16xf32>
      %mul3A_1668 = arith.constant 1.000000e+01 : f32
      %mul3A_1669 = vector.broadcast %mul3A_1668 : f32 to vector<16xf32>
      %mul3A_1670 = arith.mulf %get3A_1659, %mul3A_1669 : vector<16xf32>
      %convert_element_type3A_1671 = arith.fptosi %mul3A_1670 : vector<16xf32> to vector<16xi32>
      %convert_element_type3A_1672 = arith.sitofp %convert_element_type3A_1671 : vector<16xi32> to vector<16xf32>
      %gt3A_1673 = arith.constant 0.000000e+00 : f32
      %gt3A_1674 = vector.broadcast %gt3A_1673 : f32 to vector<16xf32>
      %gt3A_1675 = arith.cmpf ogt, %get3A_1667, %gt3A_1674 : vector<16xf32>
      %jit3A_1676 = arith.constant 0.000000e+00 : f32
      %broadcast_in_dim3A_1677 = vector.broadcast %jit3A_1676 : f32 to vector<16xf32>
      %select_n3A_1678 = arith.select %gt3A_1675, %convert_element_type3A_1672, %broadcast_in_dim3A_1677 : vector<16xi1>, vector<16xf32>
      %sub3A_1679 = arith.subf %get3A_1651, %get3A_1659 : vector<16xf32>
      %mul3A_1680 = arith.mulf %sub3A_1679, %sub3A_1679 : vector<16xf32>
      %mul3A_1681 = arith.mulf %select_n3A_1678, %mul3A_1680 : vector<16xf32>
      %add3A_1682 = arith.addf %scan3A_1540, %mul3A_1681 : vector<16xf32>
      %jit3A_1683 = arith.constant 1 : i32
      %jit3A_1684 = arith.constant 0 : i32
      %broadcast_in_dim3A_1685 = vector.broadcast %jit3A_1683 : i32 to vector<16xi32>
      %broadcast_in_dim3A_1686 = vector.broadcast %jit3A_1684 : i32 to vector<16xi32>
      %select_n3A_1687 = arith.select %gt3A_1675, %broadcast_in_dim3A_1685, %broadcast_in_dim3A_1686 : vector<16xi1>, vector<16xi32>
      %add3A_1688 = arith.addi %scan3A_1548, %select_n3A_1687 : vector<16xi32>
      %add3A_1689 = arith.constant 32 : i32
      %add3A_1690 = arith.addi %mul3A_1596, %add3A_1689 : i32
      %get3A_1691 = arith.constant 0 : i32
      %get3A_1692 = arith.constant 0 : i32
      %get3A_1693 = tpu.memref_slice %arg6[%scan3A_1116, %get3A_1691, %get3A_1692] : memref<3x16x512xf32, #tpu.memory_space<vmem>> -> memref<1x16x512xf32, #tpu.memory_space<vmem>>
      %get3A_1694 = tpu.memref_squeeze %get3A_1693 : memref<1x16x512xf32, #tpu.memory_space<vmem>> -> memref<16x512xf32, #tpu.memory_space<vmem>>
      %get3A_1695 = arith.index_cast %select_n3A_1578 : i32 to index
      %get3A_1696 = arith.index_cast %add3A_1690 : i32 to index
      %get3A_1697 = tpu.vector_load %get3A_1694[%get3A_1695, %get3A_1696] {strides = array<i32>} : memref<16x512xf32, #tpu.memory_space<vmem>>, vector<1x16xf32>,
      %get3A_1698 = vector.shape_cast %get3A_1697 : vector<1x16xf32> to vector<16xf32>
      %get3A_1699 = arith.constant 0 : i32
      %get3A_1700 = arith.constant 0 : i32
      %get3A_1701 = tpu.memref_slice %arg7[%scan3A_1117, %get3A_1699, %get3A_1700] : memref<3x16x512xf32, #tpu.memory_space<vmem>> -> memref<1x16x512xf32, #tpu.memory_space<vmem>>
      %get3A_1702 = tpu.memref_squeeze %get3A_1701 : memref<1x16x512xf32, #tpu.memory_space<vmem>> -> memref<16x512xf32, #tpu.memory_space<vmem>>
      %get3A_1703 = arith.index_cast %select_n3A_1578 : i32 to index
      %get3A_1704 = arith.index_cast %add3A_1690 : i32 to index
      %get3A_1705 = tpu.vector_load %get3A_1702[%get3A_1703, %get3A_1704] {strides = array<i32>} : memref<16x512xf32, #tpu.memory_space<vmem>>, vector<1x16xf32>,
      %get3A_1706 = vector.shape_cast %get3A_1705 : vector<1x16xf32> to vector<16xf32>
      %get3A_1707 = arith.constant 0 : i32
      %get3A_1708 = arith.constant 0 : i32
      %get3A_1709 = tpu.memref_slice %arg8[%scan3A_1118, %get3A_1707, %get3A_1708] : memref<3x16x512xf32, #tpu.memory_space<vmem>> -> memref<1x16x512xf32, #tpu.memory_space<vmem>>
      %get3A_1710 = tpu.memref_squeeze %get3A_1709 : memref<1x16x512xf32, #tpu.memory_space<vmem>> -> memref<16x512xf32, #tpu.memory_space<vmem>>
      %get3A_1711 = arith.index_cast %select_n3A_1578 : i32 to index
      %get3A_1712 = arith.index_cast %add3A_1690 : i32 to index
      %get3A_1713 = tpu.vector_load %get3A_1710[%get3A_1711, %get3A_1712] {strides = array<i32>} : memref<16x512xf32, #tpu.memory_space<vmem>>, vector<1x16xf32>,
      %get3A_1714 = vector.shape_cast %get3A_1713 : vector<1x16xf32> to vector<16xf32>
      %mul3A_1715 = arith.constant 1.000000e+01 : f32
      %mul3A_1716 = vector.broadcast %mul3A_1715 : f32 to vector<16xf32>
      %mul3A_1717 = arith.mulf %get3A_1706, %mul3A_1716 : vector<16xf32>
      %convert_element_type3A_1718 = arith.fptosi %mul3A_1717 : vector<16xf32> to vector<16xi32>
      %convert_element_type3A_1719 = arith.sitofp %convert_element_type3A_1718 : vector<16xi32> to vector<16xf32>
      %gt3A_1720 = arith.constant 0.000000e+00 : f32
      %gt3A_1721 = vector.broadcast %gt3A_1720 : f32 to vector<16xf32>
      %gt3A_1722 = arith.cmpf ogt, %get3A_1714, %gt3A_1721 : vector<16xf32>
      %jit3A_1723 = arith.constant 0.000000e+00 : f32
      %broadcast_in_dim3A_1724 = vector.broadcast %jit3A_1723 : f32 to vector<16xf32>
      %select_n3A_1725 = arith.select %gt3A_1722, %convert_element_type3A_1719, %broadcast_in_dim3A_1724 : vector<16xi1>, vector<16xf32>
      %sub3A_1726 = arith.subf %get3A_1698, %get3A_1706 : vector<16xf32>
      %mul3A_1727 = arith.mulf %sub3A_1726, %sub3A_1726 : vector<16xf32>
      %mul3A_1728 = arith.mulf %select_n3A_1725, %mul3A_1727 : vector<16xf32>
      %add3A_1729 = arith.addf %scan3A_1541, %mul3A_1728 : vector<16xf32>
      %jit3A_1730 = arith.constant 1 : i32
      %jit3A_1731 = arith.constant 0 : i32
      %broadcast_in_dim3A_1732 = vector.broadcast %jit3A_1730 : i32 to vector<16xi32>
      %broadcast_in_dim3A_1733 = vector.broadcast %jit3A_1731 : i32 to vector<16xi32>
      %select_n3A_1734 = arith.select %gt3A_1722, %broadcast_in_dim3A_1732, %broadcast_in_dim3A_1733 : vector<16xi1>, vector<16xi32>
      %add3A_1735 = arith.addi %scan3A_1549, %select_n3A_1734 : vector<16xi32>
      %add3A_1736 = arith.constant 48 : i32
      %add3A_1737 = arith.addi %mul3A_1596, %add3A_1736 : i32
      %get3A_1738 = arith.constant 0 : i32
      %get3A_1739 = arith.constant 0 : i32
      %get3A_1740 = tpu.memref_slice %arg6[%scan3A_1116, %get3A_1738, %get3A_1739] : memref<3x16x512xf32, #tpu.memory_space<vmem>> -> memref<1x16x512xf32, #tpu.memory_space<vmem>>
      %get3A_1741 = tpu.memref_squeeze %get3A_1740 : memref<1x16x512xf32, #tpu.memory_space<vmem>> -> memref<16x512xf32, #tpu.memory_space<vmem>>
      %get3A_1742 = arith.index_cast %select_n3A_1578 : i32 to index
      %get3A_1743 = arith.index_cast %add3A_1737 : i32 to index
      %get3A_1744 = tpu.vector_load %get3A_1741[%get3A_1742, %get3A_1743] {strides = array<i32>} : memref<16x512xf32, #tpu.memory_space<vmem>>, vector<1x16xf32>,
      %get3A_1745 = vector.shape_cast %get3A_1744 : vector<1x16xf32> to vector<16xf32>
      %get3A_1746 = arith.constant 0 : i32
      %get3A_1747 = arith.constant 0 : i32
      %get3A_1748 = tpu.memref_slice %arg7[%scan3A_1117, %get3A_1746, %get3A_1747] : memref<3x16x512xf32, #tpu.memory_space<vmem>> -> memref<1x16x512xf32, #tpu.memory_space<vmem>>
      %get3A_1749 = tpu.memref_squeeze %get3A_1748 : memref<1x16x512xf32, #tpu.memory_space<vmem>> -> memref<16x512xf32, #tpu.memory_space<vmem>>
      %get3A_1750 = arith.index_cast %select_n3A_1578 : i32 to index
      %get3A_1751 = arith.index_cast %add3A_1737 : i32 to index
      %get3A_1752 = tpu.vector_load %get3A_1749[%get3A_1750, %get3A_1751] {strides = array<i32>} : memref<16x512xf32, #tpu.memory_space<vmem>>, vector<1x16xf32>,
      %get3A_1753 = vector.shape_cast %get3A_1752 : vector<1x16xf32> to vector<16xf32>
      %get3A_1754 = arith.constant 0 : i32
      %get3A_1755 = arith.constant 0 : i32
      %get3A_1756 = tpu.memref_slice %arg8[%scan3A_1118, %get3A_1754, %get3A_1755] : memref<3x16x512xf32, #tpu.memory_space<vmem>> -> memref<1x16x512xf32, #tpu.memory_space<vmem>>
      %get3A_1757 = tpu.memref_squeeze %get3A_1756 : memref<1x16x512xf32, #tpu.memory_space<vmem>> -> memref<16x512xf32, #tpu.memory_space<vmem>>
      %get3A_1758 = arith.index_cast %select_n3A_1578 : i32 to index
      %get3A_1759 = arith.index_cast %add3A_1737 : i32 to index
      %get3A_1760 = tpu.vector_load %get3A_1757[%get3A_1758, %get3A_1759] {strides = array<i32>} : memref<16x512xf32, #tpu.memory_space<vmem>>, vector<1x16xf32>,
      %get3A_1761 = vector.shape_cast %get3A_1760 : vector<1x16xf32> to vector<16xf32>
      %mul3A_1762 = arith.constant 1.000000e+01 : f32
      %mul3A_1763 = vector.broadcast %mul3A_1762 : f32 to vector<16xf32>
      %mul3A_1764 = arith.mulf %get3A_1753, %mul3A_1763 : vector<16xf32>
      %convert_element_type3A_1765 = arith.fptosi %mul3A_1764 : vector<16xf32> to vector<16xi32>
      %convert_element_type3A_1766 = arith.sitofp %convert_element_type3A_1765 : vector<16xi32> to vector<16xf32>
      %gt3A_1767 = arith.constant 0.000000e+00 : f32
      %gt3A_1768 = vector.broadcast %gt3A_1767 : f32 to vector<16xf32>
      %gt3A_1769 = arith.cmpf ogt, %get3A_1761, %gt3A_1768 : vector<16xf32>
      %jit3A_1770 = arith.constant 0.000000e+00 : f32
      %broadcast_in_dim3A_1771 = vector.broadcast %jit3A_1770 : f32 to vector<16xf32>
      %select_n3A_1772 = arith.select %gt3A_1769, %convert_element_type3A_1766, %broadcast_in_dim3A_1771 : vector<16xi1>, vector<16xf32>
      %sub3A_1773 = arith.subf %get3A_1745, %get3A_1753 : vector<16xf32>
      %mul3A_1774 = arith.mulf %sub3A_1773, %sub3A_1773 : vector<16xf32>
      %mul3A_1775 = arith.mulf %select_n3A_1772, %mul3A_1774 : vector<16xf32>
      %add3A_1776 = arith.addf %scan3A_1542, %mul3A_1775 : vector<16xf32>
      %jit3A_1777 = arith.constant 1 : i32
      %jit3A_1778 = arith.constant 0 : i32
      %broadcast_in_dim3A_1779 = vector.broadcast %jit3A_1777 : i32 to vector<16xi32>
      %broadcast_in_dim3A_1780 = vector.broadcast %jit3A_1778 : i32 to vector<16xi32>
      %select_n3A_1781 = arith.select %gt3A_1769, %broadcast_in_dim3A_1779, %broadcast_in_dim3A_1780 : vector<16xi1>, vector<16xi32>
      %add3A_1782 = arith.addi %scan3A_1550, %select_n3A_1781 : vector<16xi32>
      %add3A_1783 = arith.constant 64 : i32
      %add3A_1784 = arith.addi %mul3A_1596, %add3A_1783 : i32
      %get3A_1785 = arith.constant 0 : i32
      %get3A_1786 = arith.constant 0 : i32
      %get3A_1787 = tpu.memref_slice %arg6[%scan3A_1116, %get3A_1785, %get3A_1786] : memref<3x16x512xf32, #tpu.memory_space<vmem>> -> memref<1x16x512xf32, #tpu.memory_space<vmem>>
      %get3A_1788 = tpu.memref_squeeze %get3A_1787 : memref<1x16x512xf32, #tpu.memory_space<vmem>> -> memref<16x512xf32, #tpu.memory_space<vmem>>
      %get3A_1789 = arith.index_cast %select_n3A_1578 : i32 to index
      %get3A_1790 = arith.index_cast %add3A_1784 : i32 to index
      %get3A_1791 = tpu.vector_load %get3A_1788[%get3A_1789, %get3A_1790] {strides = array<i32>} : memref<16x512xf32, #tpu.memory_space<vmem>>, vector<1x16xf32>,
      %get3A_1792 = vector.shape_cast %get3A_1791 : vector<1x16xf32> to vector<16xf32>
      %get3A_1793 = arith.constant 0 : i32
      %get3A_1794 = arith.constant 0 : i32
      %get3A_1795 = tpu.memref_slice %arg7[%scan3A_1117, %get3A_1793, %get3A_1794] : memref<3x16x512xf32, #tpu.memory_space<vmem>> -> memref<1x16x512xf32, #tpu.memory_space<vmem>>
      %get3A_1796 = tpu.memref_squeeze %get3A_1795 : memref<1x16x512xf32, #tpu.memory_space<vmem>> -> memref<16x512xf32, #tpu.memory_space<vmem>>
      %get3A_1797 = arith.index_cast %select_n3A_1578 : i32 to index
      %get3A_1798 = arith.index_cast %add3A_1784 : i32 to index
      %get3A_1799 = tpu.vector_load %get3A_1796[%get3A_1797, %get3A_1798] {strides = array<i32>} : memref<16x512xf32, #tpu.memory_space<vmem>>, vector<1x16xf32>,
      %get3A_1800 = vector.shape_cast %get3A_1799 : vector<1x16xf32> to vector<16xf32>
      %get3A_1801 = arith.constant 0 : i32
      %get3A_1802 = arith.constant 0 : i32
      %get3A_1803 = tpu.memref_slice %arg8[%scan3A_1118, %get3A_1801, %get3A_1802] : memref<3x16x512xf32, #tpu.memory_space<vmem>> -> memref<1x16x512xf32, #tpu.memory_space<vmem>>
      %get3A_1804 = tpu.memref_squeeze %get3A_1803 : memref<1x16x512xf32, #tpu.memory_space<vmem>> -> memref<16x512xf32, #tpu.memory_space<vmem>>
      %get3A_1805 = arith.index_cast %select_n3A_1578 : i32 to index
      %get3A_1806 = arith.index_cast %add3A_1784 : i32 to index
      %get3A_1807 = tpu.vector_load %get3A_1804[%get3A_1805, %get3A_1806] {strides = array<i32>} : memref<16x512xf32, #tpu.memory_space<vmem>>, vector<1x16xf32>,
      %get3A_1808 = vector.shape_cast %get3A_1807 : vector<1x16xf32> to vector<16xf32>
      %mul3A_1809 = arith.constant 1.000000e+01 : f32
      %mul3A_1810 = vector.broadcast %mul3A_1809 : f32 to vector<16xf32>
      %mul3A_1811 = arith.mulf %get3A_1800, %mul3A_1810 : vector<16xf32>
      %convert_element_type3A_1812 = arith.fptosi %mul3A_1811 : vector<16xf32> to vector<16xi32>
      %convert_element_type3A_1813 = arith.sitofp %convert_element_type3A_1812 : vector<16xi32> to vector<16xf32>
      %gt3A_1814 = arith.constant 0.000000e+00 : f32
      %gt3A_1815 = vector.broadcast %gt3A_1814 : f32 to vector<16xf32>
      %gt3A_1816 = arith.cmpf ogt, %get3A_1808, %gt3A_1815 : vector<16xf32>
      %jit3A_1817 = arith.constant 0.000000e+00 : f32
      %broadcast_in_dim3A_1818 = vector.broadcast %jit3A_1817 : f32 to vector<16xf32>
      %select_n3A_1819 = arith.select %gt3A_1816, %convert_element_type3A_1813, %broadcast_in_dim3A_1818 : vector<16xi1>, vector<16xf32>
      %sub3A_1820 = arith.subf %get3A_1792, %get3A_1800 : vector<16xf32>
      %mul3A_1821 = arith.mulf %sub3A_1820, %sub3A_1820 : vector<16xf32>
      %mul3A_1822 = arith.mulf %select_n3A_1819, %mul3A_1821 : vector<16xf32>
      %add3A_1823 = arith.addf %scan3A_1543, %mul3A_1822 : vector<16xf32>
      %jit3A_1824 = arith.constant 1 : i32
      %jit3A_1825 = arith.constant 0 : i32
      %broadcast_in_dim3A_1826 = vector.broadcast %jit3A_1824 : i32 to vector<16xi32>
      %broadcast_in_dim3A_1827 = vector.broadcast %jit3A_1825 : i32 to vector<16xi32>
      %select_n3A_1828 = arith.select %gt3A_1816, %broadcast_in_dim3A_1826, %broadcast_in_dim3A_1827 : vector<16xi1>, vector<16xi32>
      %add3A_1829 = arith.addi %scan3A_1551, %select_n3A_1828 : vector<16xi32>
      %add3A_1830 = arith.constant 80 : i32
      %add3A_1831 = arith.addi %mul3A_1596, %add3A_1830 : i32
      %get3A_1832 = arith.constant 0 : i32
      %get3A_1833 = arith.constant 0 : i32
      %get3A_1834 = tpu.memref_slice %arg6[%scan3A_1116, %get3A_1832, %get3A_1833] : memref<3x16x512xf32, #tpu.memory_space<vmem>> -> memref<1x16x512xf32, #tpu.memory_space<vmem>>
      %get3A_1835 = tpu.memref_squeeze %get3A_1834 : memref<1x16x512xf32, #tpu.memory_space<vmem>> -> memref<16x512xf32, #tpu.memory_space<vmem>>
      %get3A_1836 = arith.index_cast %select_n3A_1578 : i32 to index
      %get3A_1837 = arith.index_cast %add3A_1831 : i32 to index
      %get3A_1838 = tpu.vector_load %get3A_1835[%get3A_1836, %get3A_1837] {strides = array<i32>} : memref<16x512xf32, #tpu.memory_space<vmem>>, vector<1x16xf32>,
      %get3A_1839 = vector.shape_cast %get3A_1838 : vector<1x16xf32> to vector<16xf32>
      %get3A_1840 = arith.constant 0 : i32
      %get3A_1841 = arith.constant 0 : i32
      %get3A_1842 = tpu.memref_slice %arg7[%scan3A_1117, %get3A_1840, %get3A_1841] : memref<3x16x512xf32, #tpu.memory_space<vmem>> -> memref<1x16x512xf32, #tpu.memory_space<vmem>>
      %get3A_1843 = tpu.memref_squeeze %get3A_1842 : memref<1x16x512xf32, #tpu.memory_space<vmem>> -> memref<16x512xf32, #tpu.memory_space<vmem>>
      %get3A_1844 = arith.index_cast %select_n3A_1578 : i32 to index
      %get3A_1845 = arith.index_cast %add3A_1831 : i32 to index
      %get3A_1846 = tpu.vector_load %get3A_1843[%get3A_1844, %get3A_1845] {strides = array<i32>} : memref<16x512xf32, #tpu.memory_space<vmem>>, vector<1x16xf32>,
      %get3A_1847 = vector.shape_cast %get3A_1846 : vector<1x16xf32> to vector<16xf32>
      %get3A_1848 = arith.constant 0 : i32
      %get3A_1849 = arith.constant 0 : i32
      %get3A_1850 = tpu.memref_slice %arg8[%scan3A_1118, %get3A_1848, %get3A_1849] : memref<3x16x512xf32, #tpu.memory_space<vmem>> -> memref<1x16x512xf32, #tpu.memory_space<vmem>>
      %get3A_1851 = tpu.memref_squeeze %get3A_1850 : memref<1x16x512xf32, #tpu.memory_space<vmem>> -> memref<16x512xf32, #tpu.memory_space<vmem>>
      %get3A_1852 = arith.index_cast %select_n3A_1578 : i32 to index
      %get3A_1853 = arith.index_cast %add3A_1831 : i32 to index
      %get3A_1854 = tpu.vector_load %get3A_1851[%get3A_1852, %get3A_1853] {strides = array<i32>} : memref<16x512xf32, #tpu.memory_space<vmem>>, vector<1x16xf32>,
      %get3A_1855 = vector.shape_cast %get3A_1854 : vector<1x16xf32> to vector<16xf32>
      %mul3A_1856 = arith.constant 1.000000e+01 : f32
      %mul3A_1857 = vector.broadcast %mul3A_1856 : f32 to vector<16xf32>
      %mul3A_1858 = arith.mulf %get3A_1847, %mul3A_1857 : vector<16xf32>
      %convert_element_type3A_1859 = arith.fptosi %mul3A_1858 : vector<16xf32> to vector<16xi32>
      %convert_element_type3A_1860 = arith.sitofp %convert_element_type3A_1859 : vector<16xi32> to vector<16xf32>
      %gt3A_1861 = arith.constant 0.000000e+00 : f32
      %gt3A_1862 = vector.broadcast %gt3A_1861 : f32 to vector<16xf32>
      %gt3A_1863 = arith.cmpf ogt, %get3A_1855, %gt3A_1862 : vector<16xf32>
      %jit3A_1864 = arith.constant 0.000000e+00 : f32
      %broadcast_in_dim3A_1865 = vector.broadcast %jit3A_1864 : f32 to vector<16xf32>
      %select_n3A_1866 = arith.select %gt3A_1863, %convert_element_type3A_1860, %broadcast_in_dim3A_1865 : vector<16xi1>, vector<16xf32>
      %sub3A_1867 = arith.subf %get3A_1839, %get3A_1847 : vector<16xf32>
      %mul3A_1868 = arith.mulf %sub3A_1867, %sub3A_1867 : vector<16xf32>
      %mul3A_1869 = arith.mulf %select_n3A_1866, %mul3A_1868 : vector<16xf32>
      %add3A_1870 = arith.addf %scan3A_1544, %mul3A_1869 : vector<16xf32>
      %jit3A_1871 = arith.constant 1 : i32
      %jit3A_1872 = arith.constant 0 : i32
      %broadcast_in_dim3A_1873 = vector.broadcast %jit3A_1871 : i32 to vector<16xi32>
      %broadcast_in_dim3A_1874 = vector.broadcast %jit3A_1872 : i32 to vector<16xi32>
      %select_n3A_1875 = arith.select %gt3A_1863, %broadcast_in_dim3A_1873, %broadcast_in_dim3A_1874 : vector<16xi1>, vector<16xi32>
      %add3A_1876 = arith.addi %scan3A_1552, %select_n3A_1875 : vector<16xi32>
      %add3A_1877 = arith.constant 96 : i32
      %add3A_1878 = arith.addi %mul3A_1596, %add3A_1877 : i32
      %get3A_1879 = arith.constant 0 : i32
      %get3A_1880 = arith.constant 0 : i32
      %get3A_1881 = tpu.memref_slice %arg6[%scan3A_1116, %get3A_1879, %get3A_1880] : memref<3x16x512xf32, #tpu.memory_space<vmem>> -> memref<1x16x512xf32, #tpu.memory_space<vmem>>
      %get3A_1882 = tpu.memref_squeeze %get3A_1881 : memref<1x16x512xf32, #tpu.memory_space<vmem>> -> memref<16x512xf32, #tpu.memory_space<vmem>>
      %get3A_1883 = arith.index_cast %select_n3A_1578 : i32 to index
      %get3A_1884 = arith.index_cast %add3A_1878 : i32 to index
      %get3A_1885 = tpu.vector_load %get3A_1882[%get3A_1883, %get3A_1884] {strides = array<i32>} : memref<16x512xf32, #tpu.memory_space<vmem>>, vector<1x16xf32>,
      %get3A_1886 = vector.shape_cast %get3A_1885 : vector<1x16xf32> to vector<16xf32>
      %get3A_1887 = arith.constant 0 : i32
      %get3A_1888 = arith.constant 0 : i32
      %get3A_1889 = tpu.memref_slice %arg7[%scan3A_1117, %get3A_1887, %get3A_1888] : memref<3x16x512xf32, #tpu.memory_space<vmem>> -> memref<1x16x512xf32, #tpu.memory_space<vmem>>
      %get3A_1890 = tpu.memref_squeeze %get3A_1889 : memref<1x16x512xf32, #tpu.memory_space<vmem>> -> memref<16x512xf32, #tpu.memory_space<vmem>>
      %get3A_1891 = arith.index_cast %select_n3A_1578 : i32 to index
      %get3A_1892 = arith.index_cast %add3A_1878 : i32 to index
      %get3A_1893 = tpu.vector_load %get3A_1890[%get3A_1891, %get3A_1892] {strides = array<i32>} : memref<16x512xf32, #tpu.memory_space<vmem>>, vector<1x16xf32>,
      %get3A_1894 = vector.shape_cast %get3A_1893 : vector<1x16xf32> to vector<16xf32>
      %get3A_1895 = arith.constant 0 : i32
      %get3A_1896 = arith.constant 0 : i32
      %get3A_1897 = tpu.memref_slice %arg8[%scan3A_1118, %get3A_1895, %get3A_1896] : memref<3x16x512xf32, #tpu.memory_space<vmem>> -> memref<1x16x512xf32, #tpu.memory_space<vmem>>
      %get3A_1898 = tpu.memref_squeeze %get3A_1897 : memref<1x16x512xf32, #tpu.memory_space<vmem>> -> memref<16x512xf32, #tpu.memory_space<vmem>>
      %get3A_1899 = arith.index_cast %select_n3A_1578 : i32 to index
      %get3A_1900 = arith.index_cast %add3A_1878 : i32 to index
      %get3A_1901 = tpu.vector_load %get3A_1898[%get3A_1899, %get3A_1900] {strides = array<i32>} : memref<16x512xf32, #tpu.memory_space<vmem>>, vector<1x16xf32>,
      %get3A_1902 = vector.shape_cast %get3A_1901 : vector<1x16xf32> to vector<16xf32>
      %mul3A_1903 = arith.constant 1.000000e+01 : f32
      %mul3A_1904 = vector.broadcast %mul3A_1903 : f32 to vector<16xf32>
      %mul3A_1905 = arith.mulf %get3A_1894, %mul3A_1904 : vector<16xf32>
      %convert_element_type3A_1906 = arith.fptosi %mul3A_1905 : vector<16xf32> to vector<16xi32>
      %convert_element_type3A_1907 = arith.sitofp %convert_element_type3A_1906 : vector<16xi32> to vector<16xf32>
      %gt3A_1908 = arith.constant 0.000000e+00 : f32
      %gt3A_1909 = vector.broadcast %gt3A_1908 : f32 to vector<16xf32>
      %gt3A_1910 = arith.cmpf ogt, %get3A_1902, %gt3A_1909 : vector<16xf32>
      %jit3A_1911 = arith.constant 0.000000e+00 : f32
      %broadcast_in_dim3A_1912 = vector.broadcast %jit3A_1911 : f32 to vector<16xf32>
      %select_n3A_1913 = arith.select %gt3A_1910, %convert_element_type3A_1907, %broadcast_in_dim3A_1912 : vector<16xi1>, vector<16xf32>
      %sub3A_1914 = arith.subf %get3A_1886, %get3A_1894 : vector<16xf32>
      %mul3A_1915 = arith.mulf %sub3A_1914, %sub3A_1914 : vector<16xf32>
      %mul3A_1916 = arith.mulf %select_n3A_1913, %mul3A_1915 : vector<16xf32>
      %add3A_1917 = arith.addf %scan3A_1545, %mul3A_1916 : vector<16xf32>
      %jit3A_1918 = arith.constant 1 : i32
      %jit3A_1919 = arith.constant 0 : i32
      %broadcast_in_dim3A_1920 = vector.broadcast %jit3A_1918 : i32 to vector<16xi32>
      %broadcast_in_dim3A_1921 = vector.broadcast %jit3A_1919 : i32 to vector<16xi32>
      %select_n3A_1922 = arith.select %gt3A_1910, %broadcast_in_dim3A_1920, %broadcast_in_dim3A_1921 : vector<16xi1>, vector<16xi32>
      %add3A_1923 = arith.addi %scan3A_1553, %select_n3A_1922 : vector<16xi32>
      %add3A_1924 = arith.constant 112 : i32
      %add3A_1925 = arith.addi %mul3A_1596, %add3A_1924 : i32
      %get3A_1926 = arith.constant 0 : i32
      %get3A_1927 = arith.constant 0 : i32
      %get3A_1928 = tpu.memref_slice %arg6[%scan3A_1116, %get3A_1926, %get3A_1927] : memref<3x16x512xf32, #tpu.memory_space<vmem>> -> memref<1x16x512xf32, #tpu.memory_space<vmem>>
      %get3A_1929 = tpu.memref_squeeze %get3A_1928 : memref<1x16x512xf32, #tpu.memory_space<vmem>> -> memref<16x512xf32, #tpu.memory_space<vmem>>
      %get3A_1930 = arith.index_cast %select_n3A_1578 : i32 to index
      %get3A_1931 = arith.index_cast %add3A_1925 : i32 to index
      %get3A_1932 = tpu.vector_load %get3A_1929[%get3A_1930, %get3A_1931] {strides = array<i32>} : memref<16x512xf32, #tpu.memory_space<vmem>>, vector<1x16xf32>,
      %get3A_1933 = vector.shape_cast %get3A_1932 : vector<1x16xf32> to vector<16xf32>
      %get3A_1934 = arith.constant 0 : i32
      %get3A_1935 = arith.constant 0 : i32
      %get3A_1936 = tpu.memref_slice %arg7[%scan3A_1117, %get3A_1934, %get3A_1935] : memref<3x16x512xf32, #tpu.memory_space<vmem>> -> memref<1x16x512xf32, #tpu.memory_space<vmem>>
      %get3A_1937 = tpu.memref_squeeze %get3A_1936 : memref<1x16x512xf32, #tpu.memory_space<vmem>> -> memref<16x512xf32, #tpu.memory_space<vmem>>
      %get3A_1938 = arith.index_cast %select_n3A_1578 : i32 to index
      %get3A_1939 = arith.index_cast %add3A_1925 : i32 to index
      %get3A_1940 = tpu.vector_load %get3A_1937[%get3A_1938, %get3A_1939] {strides = array<i32>} : memref<16x512xf32, #tpu.memory_space<vmem>>, vector<1x16xf32>,
      %get3A_1941 = vector.shape_cast %get3A_1940 : vector<1x16xf32> to vector<16xf32>
      %get3A_1942 = arith.constant 0 : i32
      %get3A_1943 = arith.constant 0 : i32
      %get3A_1944 = tpu.memref_slice %arg8[%scan3A_1118, %get3A_1942, %get3A_1943] : memref<3x16x512xf32, #tpu.memory_space<vmem>> -> memref<1x16x512xf32, #tpu.memory_space<vmem>>
      %get3A_1945 = tpu.memref_squeeze %get3A_1944 : memref<1x16x512xf32, #tpu.memory_space<vmem>> -> memref<16x512xf32, #tpu.memory_space<vmem>>
      %get3A_1946 = arith.index_cast %select_n3A_1578 : i32 to index
      %get3A_1947 = arith.index_cast %add3A_1925 : i32 to index
      %get3A_1948 = tpu.vector_load %get3A_1945[%get3A_1946, %get3A_1947] {strides = array<i32>} : memref<16x512xf32, #tpu.memory_space<vmem>>, vector<1x16xf32>,
      %get3A_1949 = vector.shape_cast %get3A_1948 : vector<1x16xf32> to vector<16xf32>
      %mul3A_1950 = arith.constant 1.000000e+01 : f32
      %mul3A_1951 = vector.broadcast %mul3A_1950 : f32 to vector<16xf32>
      %mul3A_1952 = arith.mulf %get3A_1941, %mul3A_1951 : vector<16xf32>
      %convert_element_type3A_1953 = arith.fptosi %mul3A_1952 : vector<16xf32> to vector<16xi32>
      %convert_element_type3A_1954 = arith.sitofp %convert_element_type3A_1953 : vector<16xi32> to vector<16xf32>
      %gt3A_1955 = arith.constant 0.000000e+00 : f32
      %gt3A_1956 = vector.broadcast %gt3A_1955 : f32 to vector<16xf32>
      %gt3A_1957 = arith.cmpf ogt, %get3A_1949, %gt3A_1956 : vector<16xf32>
      %jit3A_1958 = arith.constant 0.000000e+00 : f32
      %broadcast_in_dim3A_1959 = vector.broadcast %jit3A_1958 : f32 to vector<16xf32>
      %select_n3A_1960 = arith.select %gt3A_1957, %convert_element_type3A_1954, %broadcast_in_dim3A_1959 : vector<16xi1>, vector<16xf32>
      %sub3A_1961 = arith.subf %get3A_1933, %get3A_1941 : vector<16xf32>
      %mul3A_1962 = arith.mulf %sub3A_1961, %sub3A_1961 : vector<16xf32>
      %mul3A_1963 = arith.mulf %select_n3A_1960, %mul3A_1962 : vector<16xf32>
      %add3A_1964 = arith.addf %scan3A_1546, %mul3A_1963 : vector<16xf32>
      %jit3A_1965 = arith.constant 1 : i32
      %jit3A_1966 = arith.constant 0 : i32
      %broadcast_in_dim3A_1967 = vector.broadcast %jit3A_1965 : i32 to vector<16xi32>
      %broadcast_in_dim3A_1968 = vector.broadcast %jit3A_1966 : i32 to vector<16xi32>
      %select_n3A_1969 = arith.select %gt3A_1957, %broadcast_in_dim3A_1967, %broadcast_in_dim3A_1968 : vector<16xi1>, vector<16xi32>
      %add3A_1970 = arith.addi %scan3A_1554, %select_n3A_1969 : vector<16xi32>
      scf.yield %add3A_1635, %add3A_1682, %add3A_1729, %add3A_1776, %add3A_1823, %add3A_1870, %add3A_1917, %add3A_1964, %add3A_1641, %add3A_1688, %add3A_1735, %add3A_1782, %add3A_1829, %add3A_1876, %add3A_1923, %add3A_1970 : vector<16xf32>, vector<16xf32>, vector<16xf32>, vector<16xf32>, vector<16xf32>, vector<16xf32>, vector<16xf32>, vector<16xf32>, vector<16xi32>, vector<16xi32>, vector<16xi32>, vector<16xi32>, vector<16xi32>, vector<16xi32>, vector<16xi32>, vector<16xi32>
    }
    %scan3A_1124 = arith.constant 64 : i32
    %mul3A_1125 = arith.constant 64 : i32
    %mul3A_1126 = arith.muli %add3A, %mul3A_1125 : i32
    %add3A_1127 = arith.constant 32 : i32
    %add3A_1128 = arith.addi %mul3A_1126, %add3A_1127 : i32
    %jit3A_1129 = arith.constant 512 : i32
    %div3A_1130 = arith.divsi %add3A_1128, %jit3A_1129 : i32
    %sign3A_1131 = arith.constant 0 : i32
    %sign3A_1132 = arith.cmpi sgt, %add3A_1128, %sign3A_1131 : i32
    %sign3A_1133 = arith.extui %sign3A_1132 : i1 to i32
    %sign3A_1134 = arith.constant 0 : i32
    %sign3A_1135 = arith.cmpi slt, %add3A_1128, %sign3A_1134 : i32
    %sign3A_1136 = arith.extui %sign3A_1135 : i1 to i32
    %sign3A_1137 = arith.subi %sign3A_1133, %sign3A_1136 : i32
    %sign3A_1138 = arith.constant 0 : i32
    %sign3A_1139 = arith.cmpi sgt, %jit3A_1129, %sign3A_1138 : i32
    %sign3A_1140 = arith.extui %sign3A_1139 : i1 to i32
    %sign3A_1141 = arith.constant 0 : i32
    %sign3A_1142 = arith.cmpi slt, %jit3A_1129, %sign3A_1141 : i32
    %sign3A_1143 = arith.extui %sign3A_1142 : i1 to i32
    %sign3A_1144 = arith.subi %sign3A_1140, %sign3A_1143 : i32
    %ne3A_1145 = arith.cmpi ne, %sign3A_1137, %sign3A_1144 : i32
    %rem3A_1146 = arith.remsi %add3A_1128, %jit3A_1129 : i32
    %ne3A_1147 = arith.constant 0 : i32
    %ne3A_1148 = arith.cmpi ne, %rem3A_1146, %ne3A_1147 : i32
    %and3A_1149 = arith.andi %ne3A_1145, %ne3A_1148 : i1
    %sub3A_1150 = arith.constant 1 : i32
    %sub3A_1151 = arith.subi %div3A_1130, %sub3A_1150 : i32
    %select_n3A_1152 = arith.select %and3A_1149, %sub3A_1151, %div3A_1130 : i32
    %add3A_1153 = arith.constant 12 : i32
    %add3A_1154 = arith.addi %add3A_1153, %select_n3A_1152 : i32
    %jit3A_1155 = arith.constant 512 : i32
    %eq3A_1156 = arith.constant 0 : i32
    %eq3A_1157 = arith.cmpi eq, %jit3A_1155, %eq3A_1156 : i32
    %jit3A_1158 = arith.constant 1 : i32
    %select_n3A_1159 = arith.select %eq3A_1157, %jit3A_1158, %jit3A_1155 : i32
    %rem3A_1160 = arith.remsi %add3A_1128, %select_n3A_1159 : i32
    %ne3A_1161 = arith.constant 0 : i32
    %ne3A_1162 = arith.cmpi ne, %rem3A_1160, %ne3A_1161 : i32
    %lt3A_1163 = arith.constant 0 : i32
    %lt3A_1164 = arith.cmpi slt, %rem3A_1160, %lt3A_1163 : i32
    %lt3A_1165 = arith.constant 0 : i32
    %lt3A_1166 = arith.cmpi slt, %select_n3A_1159, %lt3A_1165 : i32
    %ne3A_1167 = arith.xori %lt3A_1164, %lt3A_1166 : i1
    %and3A_1168 = arith.andi %ne3A_1167, %ne3A_1162 : i1
    %add3A_1169 = arith.addi %rem3A_1160, %select_n3A_1159 : i32
    %select_n3A_1170 = arith.select %and3A_1168, %add3A_1169, %rem3A_1160 : i32
    %dma_wait3A_1171 = arith.constant 0 : i32
    %dma_wait3A_1172 = arith.constant 2 : i32
    %dma_wait3A_1173 = arith.constant 0 : i32
    %dma_wait3A_1174 = arith.constant 0 : i32
    %dma_wait3A_1175 = tpu.memref_slice %arg6[%dma_wait3A_1172, %dma_wait3A_1173, %dma_wait3A_1174] : memref<3x16x512xf32, #tpu.memory_space<vmem>> -> memref<1x16x512xf32, #tpu.memory_space<vmem>>
    %dma_wait3A_1176 = tpu.memref_squeeze %dma_wait3A_1175 : memref<1x16x512xf32, #tpu.memory_space<vmem>> -> memref<16x512xf32, #tpu.memory_space<vmem>>
    %dma_wait3A_1177 = arith.constant 0 : i32
    %dma_wait3A_1178 = tpu.memref_slice %arg2[%add3A_1154, %dma_wait3A_1171, %select_n3A_1170, %dma_wait3A_1177] : memref<16x1x512x512xf32, #tpu.memory_space<hbm>> -> memref<1x1x16x512xf32, #tpu.memory_space<hbm>>
    %dma_wait3A_1179 = tpu.memref_squeeze %dma_wait3A_1178 : memref<1x1x16x512xf32, #tpu.memory_space<hbm>> -> memref<16x512xf32, #tpu.memory_space<hbm>>
    %dma_wait3A_1180 = arith.constant 0 : i32
    %dma_wait3A_1181 = arith.constant 0 : i32
    %dma_wait3A_1182 = tpu.memref_slice %arg6[%dma_wait3A_1172, %dma_wait3A_1180, %dma_wait3A_1181] : memref<3x16x512xf32, #tpu.memory_space<vmem>> -> memref<1x16x512xf32, #tpu.memory_space<vmem>>
    %dma_wait3A_1183 = tpu.memref_squeeze %dma_wait3A_1182 : memref<1x16x512xf32, #tpu.memory_space<vmem>> -> memref<16x512xf32, #tpu.memory_space<vmem>>
    %dma_wait3A_1184 = arith.constant 0 : i32
    %dma_wait3A_1185 = tpu.memref_slice %arg2[%add3A_1154, %dma_wait3A_1171, %select_n3A_1170, %dma_wait3A_1184] : memref<16x1x512x512xf32, #tpu.memory_space<hbm>> -> memref<1x1x16x512xf32, #tpu.memory_space<hbm>>
    %dma_wait3A_1186 = tpu.memref_squeeze %dma_wait3A_1185 : memref<1x1x16x512xf32, #tpu.memory_space<hbm>> -> memref<16x512xf32, #tpu.memory_space<hbm>>
    tpu.wait_dma2 semaphore(%arg12 : memref<!tpu.dma_semaphore, #tpu.memory_space<semaphore_mem>>) src(%dma_wait3A_1186 : memref<16x512xf32, #tpu.memory_space<hbm>>) dst(%dma_wait3A_1183 : memref<16x512xf32, #tpu.memory_space<vmem>>)
    %mul3A_1187 = arith.constant 64 : i32
    %mul3A_1188 = arith.muli %add3A, %mul3A_1187 : i32
    %add3A_1189 = arith.constant 32 : i32
    %add3A_1190 = arith.addi %mul3A_1188, %add3A_1189 : i32
    %jit3A_1191 = arith.constant 512 : i32
    %div3A_1192 = arith.divsi %add3A_1190, %jit3A_1191 : i32
    %sign3A_1193 = arith.constant 0 : i32
    %sign3A_1194 = arith.cmpi sgt, %add3A_1190, %sign3A_1193 : i32
    %sign3A_1195 = arith.extui %sign3A_1194 : i1 to i32
    %sign3A_1196 = arith.constant 0 : i32
    %sign3A_1197 = arith.cmpi slt, %add3A_1190, %sign3A_1196 : i32
    %sign3A_1198 = arith.extui %sign3A_1197 : i1 to i32
    %sign3A_1199 = arith.subi %sign3A_1195, %sign3A_1198 : i32
    %sign3A_1200 = arith.constant 0 : i32
    %sign3A_1201 = arith.cmpi sgt, %jit3A_1191, %sign3A_1200 : i32
    %sign3A_1202 = arith.extui %sign3A_1201 : i1 to i32
    %sign3A_1203 = arith.constant 0 : i32
    %sign3A_1204 = arith.cmpi slt, %jit3A_1191, %sign3A_1203 : i32
    %sign3A_1205 = arith.extui %sign3A_1204 : i1 to i32
    %sign3A_1206 = arith.subi %sign3A_1202, %sign3A_1205 : i32
    %ne3A_1207 = arith.cmpi ne, %sign3A_1199, %sign3A_1206 : i32
    %rem3A_1208 = arith.remsi %add3A_1190, %jit3A_1191 : i32
    %ne3A_1209 = arith.constant 0 : i32
    %ne3A_1210 = arith.cmpi ne, %rem3A_1208, %ne3A_1209 : i32
    %and3A_1211 = arith.andi %ne3A_1207, %ne3A_1210 : i1
    %sub3A_1212 = arith.constant 1 : i32
    %sub3A_1213 = arith.subi %div3A_1192, %sub3A_1212 : i32
    %select_n3A_1214 = arith.select %and3A_1211, %sub3A_1213, %div3A_1192 : i32
    %add3A_1215 = arith.constant 12 : i32
    %add3A_1216 = arith.addi %add3A_1215, %select_n3A_1214 : i32
    %jit3A_1217 = arith.constant 512 : i32
    %eq3A_1218 = arith.constant 0 : i32
    %eq3A_1219 = arith.cmpi eq, %jit3A_1217, %eq3A_1218 : i32
    %jit3A_1220 = arith.constant 1 : i32
    %select_n3A_1221 = arith.select %eq3A_1219, %jit3A_1220, %jit3A_1217 : i32
    %rem3A_1222 = arith.remsi %add3A_1190, %select_n3A_1221 : i32
    %ne3A_1223 = arith.constant 0 : i32
    %ne3A_1224 = arith.cmpi ne, %rem3A_1222, %ne3A_1223 : i32
    %lt3A_1225 = arith.constant 0 : i32
    %lt3A_1226 = arith.cmpi slt, %rem3A_1222, %lt3A_1225 : i32
    %lt3A_1227 = arith.constant 0 : i32
    %lt3A_1228 = arith.cmpi slt, %select_n3A_1221, %lt3A_1227 : i32
    %ne3A_1229 = arith.xori %lt3A_1226, %lt3A_1228 : i1
    %and3A_1230 = arith.andi %ne3A_1229, %ne3A_1224 : i1
    %add3A_1231 = arith.addi %rem3A_1222, %select_n3A_1221 : i32
    %select_n3A_1232 = arith.select %and3A_1230, %add3A_1231, %rem3A_1222 : i32
    %dma_wait3A_1233 = arith.constant 0 : i32
    %dma_wait3A_1234 = arith.constant 2 : i32
    %dma_wait3A_1235 = arith.constant 0 : i32
    %dma_wait3A_1236 = arith.constant 0 : i32
    %dma_wait3A_1237 = tpu.memref_slice %arg7[%dma_wait3A_1234, %dma_wait3A_1235, %dma_wait3A_1236] : memref<3x16x512xf32, #tpu.memory_space<vmem>> -> memref<1x16x512xf32, #tpu.memory_space<vmem>>
    %dma_wait3A_1238 = tpu.memref_squeeze %dma_wait3A_1237 : memref<1x16x512xf32, #tpu.memory_space<vmem>> -> memref<16x512xf32, #tpu.memory_space<vmem>>
    %dma_wait3A_1239 = arith.constant 0 : i32
    %dma_wait3A_1240 = tpu.memref_slice %arg3[%add3A_1216, %dma_wait3A_1233, %select_n3A_1232, %dma_wait3A_1239] : memref<16x1x512x512xf32, #tpu.memory_space<hbm>> -> memref<1x1x16x512xf32, #tpu.memory_space<hbm>>
    %dma_wait3A_1241 = tpu.memref_squeeze %dma_wait3A_1240 : memref<1x1x16x512xf32, #tpu.memory_space<hbm>> -> memref<16x512xf32, #tpu.memory_space<hbm>>
    %dma_wait3A_1242 = arith.constant 0 : i32
    %dma_wait3A_1243 = arith.constant 0 : i32
    %dma_wait3A_1244 = tpu.memref_slice %arg7[%dma_wait3A_1234, %dma_wait3A_1242, %dma_wait3A_1243] : memref<3x16x512xf32, #tpu.memory_space<vmem>> -> memref<1x16x512xf32, #tpu.memory_space<vmem>>
    %dma_wait3A_1245 = tpu.memref_squeeze %dma_wait3A_1244 : memref<1x16x512xf32, #tpu.memory_space<vmem>> -> memref<16x512xf32, #tpu.memory_space<vmem>>
    %dma_wait3A_1246 = arith.constant 0 : i32
    %dma_wait3A_1247 = tpu.memref_slice %arg3[%add3A_1216, %dma_wait3A_1233, %select_n3A_1232, %dma_wait3A_1246] : memref<16x1x512x512xf32, #tpu.memory_space<hbm>> -> memref<1x1x16x512xf32, #tpu.memory_space<hbm>>
    %dma_wait3A_1248 = tpu.memref_squeeze %dma_wait3A_1247 : memref<1x1x16x512xf32, #tpu.memory_space<hbm>> -> memref<16x512xf32, #tpu.memory_space<hbm>>
    tpu.wait_dma2 semaphore(%arg12 : memref<!tpu.dma_semaphore, #tpu.memory_space<semaphore_mem>>) src(%dma_wait3A_1248 : memref<16x512xf32, #tpu.memory_space<hbm>>) dst(%dma_wait3A_1245 : memref<16x512xf32, #tpu.memory_space<vmem>>)
    %mul3A_1249 = arith.constant 64 : i32
    %mul3A_1250 = arith.muli %add3A, %mul3A_1249 : i32
    %add3A_1251 = arith.constant 32 : i32
    %add3A_1252 = arith.addi %mul3A_1250, %add3A_1251 : i32
    %jit3A_1253 = arith.constant 512 : i32
    %div3A_1254 = arith.divsi %add3A_1252, %jit3A_1253 : i32
    %sign3A_1255 = arith.constant 0 : i32
    %sign3A_1256 = arith.cmpi sgt, %add3A_1252, %sign3A_1255 : i32
    %sign3A_1257 = arith.extui %sign3A_1256 : i1 to i32
    %sign3A_1258 = arith.constant 0 : i32
    %sign3A_1259 = arith.cmpi slt, %add3A_1252, %sign3A_1258 : i32
    %sign3A_1260 = arith.extui %sign3A_1259 : i1 to i32
    %sign3A_1261 = arith.subi %sign3A_1257, %sign3A_1260 : i32
    %sign3A_1262 = arith.constant 0 : i32
    %sign3A_1263 = arith.cmpi sgt, %jit3A_1253, %sign3A_1262 : i32
    %sign3A_1264 = arith.extui %sign3A_1263 : i1 to i32
    %sign3A_1265 = arith.constant 0 : i32
    %sign3A_1266 = arith.cmpi slt, %jit3A_1253, %sign3A_1265 : i32
    %sign3A_1267 = arith.extui %sign3A_1266 : i1 to i32
    %sign3A_1268 = arith.subi %sign3A_1264, %sign3A_1267 : i32
    %ne3A_1269 = arith.cmpi ne, %sign3A_1261, %sign3A_1268 : i32
    %rem3A_1270 = arith.remsi %add3A_1252, %jit3A_1253 : i32
    %ne3A_1271 = arith.constant 0 : i32
    %ne3A_1272 = arith.cmpi ne, %rem3A_1270, %ne3A_1271 : i32
    %and3A_1273 = arith.andi %ne3A_1269, %ne3A_1272 : i1
    %sub3A_1274 = arith.constant 1 : i32
    %sub3A_1275 = arith.subi %div3A_1254, %sub3A_1274 : i32
    %select_n3A_1276 = arith.select %and3A_1273, %sub3A_1275, %div3A_1254 : i32
    %add3A_1277 = arith.constant 12 : i32
    %add3A_1278 = arith.addi %add3A_1277, %select_n3A_1276 : i32
    %jit3A_1279 = arith.constant 512 : i32
    %eq3A_1280 = arith.constant 0 : i32
    %eq3A_1281 = arith.cmpi eq, %jit3A_1279, %eq3A_1280 : i32
    %jit3A_1282 = arith.constant 1 : i32
    %select_n3A_1283 = arith.select %eq3A_1281, %jit3A_1282, %jit3A_1279 : i32
    %rem3A_1284 = arith.remsi %add3A_1252, %select_n3A_1283 : i32
    %ne3A_1285 = arith.constant 0 : i32
    %ne3A_1286 = arith.cmpi ne, %rem3A_1284, %ne3A_1285 : i32
    %lt3A_1287 = arith.constant 0 : i32
    %lt3A_1288 = arith.cmpi slt, %rem3A_1284, %lt3A_1287 : i32
    %lt3A_1289 = arith.constant 0 : i32
    %lt3A_1290 = arith.cmpi slt, %select_n3A_1283, %lt3A_1289 : i32
    %ne3A_1291 = arith.xori %lt3A_1288, %lt3A_1290 : i1
    %and3A_1292 = arith.andi %ne3A_1291, %ne3A_1286 : i1
    %add3A_1293 = arith.addi %rem3A_1284, %select_n3A_1283 : i32
    %select_n3A_1294 = arith.select %and3A_1292, %add3A_1293, %rem3A_1284 : i32
    %dma_wait3A_1295 = arith.constant 0 : i32
    %dma_wait3A_1296 = arith.constant 2 : i32
    %dma_wait3A_1297 = arith.constant 0 : i32
    %dma_wait3A_1298 = arith.constant 0 : i32
    %dma_wait3A_1299 = tpu.memref_slice %arg8[%dma_wait3A_1296, %dma_wait3A_1297, %dma_wait3A_1298] : memref<3x16x512xf32, #tpu.memory_space<vmem>> -> memref<1x16x512xf32, #tpu.memory_space<vmem>>
    %dma_wait3A_1300 = tpu.memref_squeeze %dma_wait3A_1299 : memref<1x16x512xf32, #tpu.memory_space<vmem>> -> memref<16x512xf32, #tpu.memory_space<vmem>>
    %dma_wait3A_1301 = arith.constant 0 : i32
    %dma_wait3A_1302 = tpu.memref_slice %arg4[%add3A_1278, %dma_wait3A_1295, %select_n3A_1294, %dma_wait3A_1301] : memref<16x1x512x512xf32, #tpu.memory_space<hbm>> -> memref<1x1x16x512xf32, #tpu.memory_space<hbm>>
    %dma_wait3A_1303 = tpu.memref_squeeze %dma_wait3A_1302 : memref<1x1x16x512xf32, #tpu.memory_space<hbm>> -> memref<16x512xf32, #tpu.memory_space<hbm>>
    %dma_wait3A_1304 = arith.constant 0 : i32
    %dma_wait3A_1305 = arith.constant 0 : i32
    %dma_wait3A_1306 = tpu.memref_slice %arg8[%dma_wait3A_1296, %dma_wait3A_1304, %dma_wait3A_1305] : memref<3x16x512xf32, #tpu.memory_space<vmem>> -> memref<1x16x512xf32, #tpu.memory_space<vmem>>
    %dma_wait3A_1307 = tpu.memref_squeeze %dma_wait3A_1306 : memref<1x16x512xf32, #tpu.memory_space<vmem>> -> memref<16x512xf32, #tpu.memory_space<vmem>>
    %dma_wait3A_1308 = arith.constant 0 : i32
    %dma_wait3A_1309 = tpu.memref_slice %arg4[%add3A_1278, %dma_wait3A_1295, %select_n3A_1294, %dma_wait3A_1308] : memref<16x1x512x512xf32, #tpu.memory_space<hbm>> -> memref<1x1x16x512xf32, #tpu.memory_space<hbm>>
    %dma_wait3A_1310 = tpu.memref_squeeze %dma_wait3A_1309 : memref<1x1x16x512xf32, #tpu.memory_space<hbm>> -> memref<16x512xf32, #tpu.memory_space<hbm>>
    tpu.wait_dma2 semaphore(%arg12 : memref<!tpu.dma_semaphore, #tpu.memory_space<semaphore_mem>>) src(%dma_wait3A_1310 : memref<16x512xf32, #tpu.memory_space<hbm>>) dst(%dma_wait3A_1307 : memref<16x512xf32, #tpu.memory_space<vmem>>)
    %scan3A_1311 = arith.constant 2 : i32
    %scan3A_1312 = arith.constant 2 : i32
    %scan3A_1313 = arith.constant 2 : i32
    %scan3A_1314 = arith.constant 0 : i32
    %scan3A_1315 = arith.constant 64 : i32
    %scan3A_1316 = arith.addi %scan3A_1314, %scan3A_1315 : i32
    %scan3A_1317 = arith.constant 1 : i32
    %scan3A_1318:16 = scf.for %scan3A_1538 = %scan3A_1314 to %scan3A_1316 step %scan3A_1317 iter_args(%scan3A_1539 = %scan3A_1123#0, %scan3A_1540 = %scan3A_1123#1, %scan3A_1541 = %scan3A_1123#2, %scan3A_1542 = %scan3A_1123#3, %scan3A_1543 = %scan3A_1123#4, %scan3A_1544 = %scan3A_1123#5, %scan3A_1545 = %scan3A_1123#6, %scan3A_1546 = %scan3A_1123#7, %scan3A_1547 = %scan3A_1123#8, %scan3A_1548 = %scan3A_1123#9, %scan3A_1549 = %scan3A_1123#10, %scan3A_1550 = %scan3A_1123#11, %scan3A_1551 = %scan3A_1123#12, %scan3A_1552 = %scan3A_1123#13, %scan3A_1553 = %scan3A_1123#14, %scan3A_1554 = %scan3A_1123#15) -> (vector<16xf32>, vector<16xf32>, vector<16xf32>, vector<16xf32>, vector<16xf32>, vector<16xf32>, vector<16xf32>, vector<16xf32>, vector<16xi32>, vector<16xi32>, vector<16xi32>, vector<16xi32>, vector<16xi32>, vector<16xi32>, vector<16xi32>, vector<16xi32>)  : i32 {
      %jit3A_1555 = arith.constant 4 : i32
      %div3A_1556 = arith.divsi %scan3A_1538, %jit3A_1555 : i32
      %sign3A_1557 = arith.constant 0 : i32
      %sign3A_1558 = arith.cmpi sgt, %scan3A_1538, %sign3A_1557 : i32
      %sign3A_1559 = arith.extui %sign3A_1558 : i1 to i32
      %sign3A_1560 = arith.constant 0 : i32
      %sign3A_1561 = arith.cmpi slt, %scan3A_1538, %sign3A_1560 : i32
      %sign3A_1562 = arith.extui %sign3A_1561 : i1 to i32
      %sign3A_1563 = arith.subi %sign3A_1559, %sign3A_1562 : i32
      %sign3A_1564 = arith.constant 0 : i32
      %sign3A_1565 = arith.cmpi sgt, %jit3A_1555, %sign3A_1564 : i32
      %sign3A_1566 = arith.extui %sign3A_1565 : i1 to i32
      %sign3A_1567 = arith.constant 0 : i32
      %sign3A_1568 = arith.cmpi slt, %jit3A_1555, %sign3A_1567 : i32
      %sign3A_1569 = arith.extui %sign3A_1568 : i1 to i32
      %sign3A_1570 = arith.subi %sign3A_1566, %sign3A_1569 : i32
      %ne3A_1571 = arith.cmpi ne, %sign3A_1563, %sign3A_1570 : i32
      %rem3A_1572 = arith.remsi %scan3A_1538, %jit3A_1555 : i32
      %ne3A_1573 = arith.constant 0 : i32
      %ne3A_1574 = arith.cmpi ne, %rem3A_1572, %ne3A_1573 : i32
      %and3A_1575 = arith.andi %ne3A_1571, %ne3A_1574 : i1
      %sub3A_1576 = arith.constant 1 : i32
      %sub3A_1577 = arith.subi %div3A_1556, %sub3A_1576 : i32
      %select_n3A_1578 = arith.select %and3A_1575, %sub3A_1577, %div3A_1556 : i32
      %jit3A_1579 = arith.constant 4 : i32
      %eq3A_1580 = arith.constant 0 : i32
      %eq3A_1581 = arith.cmpi eq, %jit3A_1579, %eq3A_1580 : i32
      %jit3A_1582 = arith.constant 1 : i32
      %select_n3A_1583 = arith.select %eq3A_1581, %jit3A_1582, %jit3A_1579 : i32
      %rem3A_1584 = arith.remsi %scan3A_1538, %select_n3A_1583 : i32
      %ne3A_1585 = arith.constant 0 : i32
      %ne3A_1586 = arith.cmpi ne, %rem3A_1584, %ne3A_1585 : i32
      %lt3A_1587 = arith.constant 0 : i32
      %lt3A_1588 = arith.cmpi slt, %rem3A_1584, %lt3A_1587 : i32
      %lt3A_1589 = arith.constant 0 : i32
      %lt3A_1590 = arith.cmpi slt, %select_n3A_1583, %lt3A_1589 : i32
      %ne3A_1591 = arith.xori %lt3A_1588, %lt3A_1590 : i1
      %and3A_1592 = arith.andi %ne3A_1591, %ne3A_1586 : i1
      %add3A_1593 = arith.addi %rem3A_1584, %select_n3A_1583 : i32
      %select_n3A_1594 = arith.select %and3A_1592, %add3A_1593, %rem3A_1584 : i32
      %mul3A_1595 = arith.constant 128 : i32
      %mul3A_1596 = arith.muli %select_n3A_1594, %mul3A_1595 : i32
      %add3A_1597 = arith.constant 0 : i32
      %add3A_1598 = arith.addi %mul3A_1596, %add3A_1597 : i32
      %get3A = arith.constant 0 : i32
      %get3A_1599 = arith.constant 0 : i32
      %get3A_1600 = tpu.memref_slice %arg6[%scan3A_1311, %get3A, %get3A_1599] : memref<3x16x512xf32, #tpu.memory_space<vmem>> -> memref<1x16x512xf32, #tpu.memory_space<vmem>>
      %get3A_1601 = tpu.memref_squeeze %get3A_1600 : memref<1x16x512xf32, #tpu.memory_space<vmem>> -> memref<16x512xf32, #tpu.memory_space<vmem>>
      %get3A_1602 = arith.index_cast %select_n3A_1578 : i32 to index
      %get3A_1603 = arith.index_cast %add3A_1598 : i32 to index
      %get3A_1604 = tpu.vector_load %get3A_1601[%get3A_1602, %get3A_1603] {strides = array<i32>} : memref<16x512xf32, #tpu.memory_space<vmem>>, vector<1x16xf32>,
      %get3A_1605 = vector.shape_cast %get3A_1604 : vector<1x16xf32> to vector<16xf32>
      %get3A_1606 = arith.constant 0 : i32
      %get3A_1607 = arith.constant 0 : i32
      %get3A_1608 = tpu.memref_slice %arg7[%scan3A_1312, %get3A_1606, %get3A_1607] : memref<3x16x512xf32, #tpu.memory_space<vmem>> -> memref<1x16x512xf32, #tpu.memory_space<vmem>>
      %get3A_1609 = tpu.memref_squeeze %get3A_1608 : memref<1x16x512xf32, #tpu.memory_space<vmem>> -> memref<16x512xf32, #tpu.memory_space<vmem>>
      %get3A_1610 = arith.index_cast %select_n3A_1578 : i32 to index
      %get3A_1611 = arith.index_cast %add3A_1598 : i32 to index
      %get3A_1612 = tpu.vector_load %get3A_1609[%get3A_1610, %get3A_1611] {strides = array<i32>} : memref<16x512xf32, #tpu.memory_space<vmem>>, vector<1x16xf32>,
      %get3A_1613 = vector.shape_cast %get3A_1612 : vector<1x16xf32> to vector<16xf32>
      %get3A_1614 = arith.constant 0 : i32
      %get3A_1615 = arith.constant 0 : i32
      %get3A_1616 = tpu.memref_slice %arg8[%scan3A_1313, %get3A_1614, %get3A_1615] : memref<3x16x512xf32, #tpu.memory_space<vmem>> -> memref<1x16x512xf32, #tpu.memory_space<vmem>>
      %get3A_1617 = tpu.memref_squeeze %get3A_1616 : memref<1x16x512xf32, #tpu.memory_space<vmem>> -> memref<16x512xf32, #tpu.memory_space<vmem>>
      %get3A_1618 = arith.index_cast %select_n3A_1578 : i32 to index
      %get3A_1619 = arith.index_cast %add3A_1598 : i32 to index
      %get3A_1620 = tpu.vector_load %get3A_1617[%get3A_1618, %get3A_1619] {strides = array<i32>} : memref<16x512xf32, #tpu.memory_space<vmem>>, vector<1x16xf32>,
      %get3A_1621 = vector.shape_cast %get3A_1620 : vector<1x16xf32> to vector<16xf32>
      %mul3A_1622 = arith.constant 1.000000e+01 : f32
      %mul3A_1623 = vector.broadcast %mul3A_1622 : f32 to vector<16xf32>
      %mul3A_1624 = arith.mulf %get3A_1613, %mul3A_1623 : vector<16xf32>
      %convert_element_type3A_1625 = arith.fptosi %mul3A_1624 : vector<16xf32> to vector<16xi32>
      %convert_element_type3A_1626 = arith.sitofp %convert_element_type3A_1625 : vector<16xi32> to vector<16xf32>
      %gt3A = arith.constant 0.000000e+00 : f32
      %gt3A_1627 = vector.broadcast %gt3A : f32 to vector<16xf32>
      %gt3A_1628 = arith.cmpf ogt, %get3A_1621, %gt3A_1627 : vector<16xf32>
      %jit3A_1629 = arith.constant 0.000000e+00 : f32
      %broadcast_in_dim3A_1630 = vector.broadcast %jit3A_1629 : f32 to vector<16xf32>
      %select_n3A_1631 = arith.select %gt3A_1628, %convert_element_type3A_1626, %broadcast_in_dim3A_1630 : vector<16xi1>, vector<16xf32>
      %sub3A_1632 = arith.subf %get3A_1605, %get3A_1613 : vector<16xf32>
      %mul3A_1633 = arith.mulf %sub3A_1632, %sub3A_1632 : vector<16xf32>
      %mul3A_1634 = arith.mulf %select_n3A_1631, %mul3A_1633 : vector<16xf32>
      %add3A_1635 = arith.addf %scan3A_1539, %mul3A_1634 : vector<16xf32>
      %jit3A_1636 = arith.constant 1 : i32
      %jit3A_1637 = arith.constant 0 : i32
      %broadcast_in_dim3A_1638 = vector.broadcast %jit3A_1636 : i32 to vector<16xi32>
      %broadcast_in_dim3A_1639 = vector.broadcast %jit3A_1637 : i32 to vector<16xi32>
      %select_n3A_1640 = arith.select %gt3A_1628, %broadcast_in_dim3A_1638, %broadcast_in_dim3A_1639 : vector<16xi1>, vector<16xi32>
      %add3A_1641 = arith.addi %scan3A_1547, %select_n3A_1640 : vector<16xi32>
      %add3A_1642 = arith.constant 16 : i32
      %add3A_1643 = arith.addi %mul3A_1596, %add3A_1642 : i32
      %get3A_1644 = arith.constant 0 : i32
      %get3A_1645 = arith.constant 0 : i32
      %get3A_1646 = tpu.memref_slice %arg6[%scan3A_1311, %get3A_1644, %get3A_1645] : memref<3x16x512xf32, #tpu.memory_space<vmem>> -> memref<1x16x512xf32, #tpu.memory_space<vmem>>
      %get3A_1647 = tpu.memref_squeeze %get3A_1646 : memref<1x16x512xf32, #tpu.memory_space<vmem>> -> memref<16x512xf32, #tpu.memory_space<vmem>>
      %get3A_1648 = arith.index_cast %select_n3A_1578 : i32 to index
      %get3A_1649 = arith.index_cast %add3A_1643 : i32 to index
      %get3A_1650 = tpu.vector_load %get3A_1647[%get3A_1648, %get3A_1649] {strides = array<i32>} : memref<16x512xf32, #tpu.memory_space<vmem>>, vector<1x16xf32>,
      %get3A_1651 = vector.shape_cast %get3A_1650 : vector<1x16xf32> to vector<16xf32>
      %get3A_1652 = arith.constant 0 : i32
      %get3A_1653 = arith.constant 0 : i32
      %get3A_1654 = tpu.memref_slice %arg7[%scan3A_1312, %get3A_1652, %get3A_1653] : memref<3x16x512xf32, #tpu.memory_space<vmem>> -> memref<1x16x512xf32, #tpu.memory_space<vmem>>
      %get3A_1655 = tpu.memref_squeeze %get3A_1654 : memref<1x16x512xf32, #tpu.memory_space<vmem>> -> memref<16x512xf32, #tpu.memory_space<vmem>>
      %get3A_1656 = arith.index_cast %select_n3A_1578 : i32 to index
      %get3A_1657 = arith.index_cast %add3A_1643 : i32 to index
      %get3A_1658 = tpu.vector_load %get3A_1655[%get3A_1656, %get3A_1657] {strides = array<i32>} : memref<16x512xf32, #tpu.memory_space<vmem>>, vector<1x16xf32>,
      %get3A_1659 = vector.shape_cast %get3A_1658 : vector<1x16xf32> to vector<16xf32>
      %get3A_1660 = arith.constant 0 : i32
      %get3A_1661 = arith.constant 0 : i32
      %get3A_1662 = tpu.memref_slice %arg8[%scan3A_1313, %get3A_1660, %get3A_1661] : memref<3x16x512xf32, #tpu.memory_space<vmem>> -> memref<1x16x512xf32, #tpu.memory_space<vmem>>
      %get3A_1663 = tpu.memref_squeeze %get3A_1662 : memref<1x16x512xf32, #tpu.memory_space<vmem>> -> memref<16x512xf32, #tpu.memory_space<vmem>>
      %get3A_1664 = arith.index_cast %select_n3A_1578 : i32 to index
      %get3A_1665 = arith.index_cast %add3A_1643 : i32 to index
      %get3A_1666 = tpu.vector_load %get3A_1663[%get3A_1664, %get3A_1665] {strides = array<i32>} : memref<16x512xf32, #tpu.memory_space<vmem>>, vector<1x16xf32>,
      %get3A_1667 = vector.shape_cast %get3A_1666 : vector<1x16xf32> to vector<16xf32>
      %mul3A_1668 = arith.constant 1.000000e+01 : f32
      %mul3A_1669 = vector.broadcast %mul3A_1668 : f32 to vector<16xf32>
      %mul3A_1670 = arith.mulf %get3A_1659, %mul3A_1669 : vector<16xf32>
      %convert_element_type3A_1671 = arith.fptosi %mul3A_1670 : vector<16xf32> to vector<16xi32>
      %convert_element_type3A_1672 = arith.sitofp %convert_element_type3A_1671 : vector<16xi32> to vector<16xf32>
      %gt3A_1673 = arith.constant 0.000000e+00 : f32
      %gt3A_1674 = vector.broadcast %gt3A_1673 : f32 to vector<16xf32>
      %gt3A_1675 = arith.cmpf ogt, %get3A_1667, %gt3A_1674 : vector<16xf32>
      %jit3A_1676 = arith.constant 0.000000e+00 : f32
      %broadcast_in_dim3A_1677 = vector.broadcast %jit3A_1676 : f32 to vector<16xf32>
      %select_n3A_1678 = arith.select %gt3A_1675, %convert_element_type3A_1672, %broadcast_in_dim3A_1677 : vector<16xi1>, vector<16xf32>
      %sub3A_1679 = arith.subf %get3A_1651, %get3A_1659 : vector<16xf32>
      %mul3A_1680 = arith.mulf %sub3A_1679, %sub3A_1679 : vector<16xf32>
      %mul3A_1681 = arith.mulf %select_n3A_1678, %mul3A_1680 : vector<16xf32>
      %add3A_1682 = arith.addf %scan3A_1540, %mul3A_1681 : vector<16xf32>
      %jit3A_1683 = arith.constant 1 : i32
      %jit3A_1684 = arith.constant 0 : i32
      %broadcast_in_dim3A_1685 = vector.broadcast %jit3A_1683 : i32 to vector<16xi32>
      %broadcast_in_dim3A_1686 = vector.broadcast %jit3A_1684 : i32 to vector<16xi32>
      %select_n3A_1687 = arith.select %gt3A_1675, %broadcast_in_dim3A_1685, %broadcast_in_dim3A_1686 : vector<16xi1>, vector<16xi32>
      %add3A_1688 = arith.addi %scan3A_1548, %select_n3A_1687 : vector<16xi32>
      %add3A_1689 = arith.constant 32 : i32
      %add3A_1690 = arith.addi %mul3A_1596, %add3A_1689 : i32
      %get3A_1691 = arith.constant 0 : i32
      %get3A_1692 = arith.constant 0 : i32
      %get3A_1693 = tpu.memref_slice %arg6[%scan3A_1311, %get3A_1691, %get3A_1692] : memref<3x16x512xf32, #tpu.memory_space<vmem>> -> memref<1x16x512xf32, #tpu.memory_space<vmem>>
      %get3A_1694 = tpu.memref_squeeze %get3A_1693 : memref<1x16x512xf32, #tpu.memory_space<vmem>> -> memref<16x512xf32, #tpu.memory_space<vmem>>
      %get3A_1695 = arith.index_cast %select_n3A_1578 : i32 to index
      %get3A_1696 = arith.index_cast %add3A_1690 : i32 to index
      %get3A_1697 = tpu.vector_load %get3A_1694[%get3A_1695, %get3A_1696] {strides = array<i32>} : memref<16x512xf32, #tpu.memory_space<vmem>>, vector<1x16xf32>,
      %get3A_1698 = vector.shape_cast %get3A_1697 : vector<1x16xf32> to vector<16xf32>
      %get3A_1699 = arith.constant 0 : i32
      %get3A_1700 = arith.constant 0 : i32
      %get3A_1701 = tpu.memref_slice %arg7[%scan3A_1312, %get3A_1699, %get3A_1700] : memref<3x16x512xf32, #tpu.memory_space<vmem>> -> memref<1x16x512xf32, #tpu.memory_space<vmem>>
      %get3A_1702 = tpu.memref_squeeze %get3A_1701 : memref<1x16x512xf32, #tpu.memory_space<vmem>> -> memref<16x512xf32, #tpu.memory_space<vmem>>
      %get3A_1703 = arith.index_cast %select_n3A_1578 : i32 to index
      %get3A_1704 = arith.index_cast %add3A_1690 : i32 to index
      %get3A_1705 = tpu.vector_load %get3A_1702[%get3A_1703, %get3A_1704] {strides = array<i32>} : memref<16x512xf32, #tpu.memory_space<vmem>>, vector<1x16xf32>,
      %get3A_1706 = vector.shape_cast %get3A_1705 : vector<1x16xf32> to vector<16xf32>
      %get3A_1707 = arith.constant 0 : i32
      %get3A_1708 = arith.constant 0 : i32
      %get3A_1709 = tpu.memref_slice %arg8[%scan3A_1313, %get3A_1707, %get3A_1708] : memref<3x16x512xf32, #tpu.memory_space<vmem>> -> memref<1x16x512xf32, #tpu.memory_space<vmem>>
      %get3A_1710 = tpu.memref_squeeze %get3A_1709 : memref<1x16x512xf32, #tpu.memory_space<vmem>> -> memref<16x512xf32, #tpu.memory_space<vmem>>
      %get3A_1711 = arith.index_cast %select_n3A_1578 : i32 to index
      %get3A_1712 = arith.index_cast %add3A_1690 : i32 to index
      %get3A_1713 = tpu.vector_load %get3A_1710[%get3A_1711, %get3A_1712] {strides = array<i32>} : memref<16x512xf32, #tpu.memory_space<vmem>>, vector<1x16xf32>,
      %get3A_1714 = vector.shape_cast %get3A_1713 : vector<1x16xf32> to vector<16xf32>
      %mul3A_1715 = arith.constant 1.000000e+01 : f32
      %mul3A_1716 = vector.broadcast %mul3A_1715 : f32 to vector<16xf32>
      %mul3A_1717 = arith.mulf %get3A_1706, %mul3A_1716 : vector<16xf32>
      %convert_element_type3A_1718 = arith.fptosi %mul3A_1717 : vector<16xf32> to vector<16xi32>
      %convert_element_type3A_1719 = arith.sitofp %convert_element_type3A_1718 : vector<16xi32> to vector<16xf32>
      %gt3A_1720 = arith.constant 0.000000e+00 : f32
      %gt3A_1721 = vector.broadcast %gt3A_1720 : f32 to vector<16xf32>
      %gt3A_1722 = arith.cmpf ogt, %get3A_1714, %gt3A_1721 : vector<16xf32>
      %jit3A_1723 = arith.constant 0.000000e+00 : f32
      %broadcast_in_dim3A_1724 = vector.broadcast %jit3A_1723 : f32 to vector<16xf32>
      %select_n3A_1725 = arith.select %gt3A_1722, %convert_element_type3A_1719, %broadcast_in_dim3A_1724 : vector<16xi1>, vector<16xf32>
      %sub3A_1726 = arith.subf %get3A_1698, %get3A_1706 : vector<16xf32>
      %mul3A_1727 = arith.mulf %sub3A_1726, %sub3A_1726 : vector<16xf32>
      %mul3A_1728 = arith.mulf %select_n3A_1725, %mul3A_1727 : vector<16xf32>
      %add3A_1729 = arith.addf %scan3A_1541, %mul3A_1728 : vector<16xf32>
      %jit3A_1730 = arith.constant 1 : i32
      %jit3A_1731 = arith.constant 0 : i32
      %broadcast_in_dim3A_1732 = vector.broadcast %jit3A_1730 : i32 to vector<16xi32>
      %broadcast_in_dim3A_1733 = vector.broadcast %jit3A_1731 : i32 to vector<16xi32>
      %select_n3A_1734 = arith.select %gt3A_1722, %broadcast_in_dim3A_1732, %broadcast_in_dim3A_1733 : vector<16xi1>, vector<16xi32>
      %add3A_1735 = arith.addi %scan3A_1549, %select_n3A_1734 : vector<16xi32>
      %add3A_1736 = arith.constant 48 : i32
      %add3A_1737 = arith.addi %mul3A_1596, %add3A_1736 : i32
      %get3A_1738 = arith.constant 0 : i32
      %get3A_1739 = arith.constant 0 : i32
      %get3A_1740 = tpu.memref_slice %arg6[%scan3A_1311, %get3A_1738, %get3A_1739] : memref<3x16x512xf32, #tpu.memory_space<vmem>> -> memref<1x16x512xf32, #tpu.memory_space<vmem>>
      %get3A_1741 = tpu.memref_squeeze %get3A_1740 : memref<1x16x512xf32, #tpu.memory_space<vmem>> -> memref<16x512xf32, #tpu.memory_space<vmem>>
      %get3A_1742 = arith.index_cast %select_n3A_1578 : i32 to index
      %get3A_1743 = arith.index_cast %add3A_1737 : i32 to index
      %get3A_1744 = tpu.vector_load %get3A_1741[%get3A_1742, %get3A_1743] {strides = array<i32>} : memref<16x512xf32, #tpu.memory_space<vmem>>, vector<1x16xf32>,
      %get3A_1745 = vector.shape_cast %get3A_1744 : vector<1x16xf32> to vector<16xf32>
      %get3A_1746 = arith.constant 0 : i32
      %get3A_1747 = arith.constant 0 : i32
      %get3A_1748 = tpu.memref_slice %arg7[%scan3A_1312, %get3A_1746, %get3A_1747] : memref<3x16x512xf32, #tpu.memory_space<vmem>> -> memref<1x16x512xf32, #tpu.memory_space<vmem>>
      %get3A_1749 = tpu.memref_squeeze %get3A_1748 : memref<1x16x512xf32, #tpu.memory_space<vmem>> -> memref<16x512xf32, #tpu.memory_space<vmem>>
      %get3A_1750 = arith.index_cast %select_n3A_1578 : i32 to index
      %get3A_1751 = arith.index_cast %add3A_1737 : i32 to index
      %get3A_1752 = tpu.vector_load %get3A_1749[%get3A_1750, %get3A_1751] {strides = array<i32>} : memref<16x512xf32, #tpu.memory_space<vmem>>, vector<1x16xf32>,
      %get3A_1753 = vector.shape_cast %get3A_1752 : vector<1x16xf32> to vector<16xf32>
      %get3A_1754 = arith.constant 0 : i32
      %get3A_1755 = arith.constant 0 : i32
      %get3A_1756 = tpu.memref_slice %arg8[%scan3A_1313, %get3A_1754, %get3A_1755] : memref<3x16x512xf32, #tpu.memory_space<vmem>> -> memref<1x16x512xf32, #tpu.memory_space<vmem>>
      %get3A_1757 = tpu.memref_squeeze %get3A_1756 : memref<1x16x512xf32, #tpu.memory_space<vmem>> -> memref<16x512xf32, #tpu.memory_space<vmem>>
      %get3A_1758 = arith.index_cast %select_n3A_1578 : i32 to index
      %get3A_1759 = arith.index_cast %add3A_1737 : i32 to index
      %get3A_1760 = tpu.vector_load %get3A_1757[%get3A_1758, %get3A_1759] {strides = array<i32>} : memref<16x512xf32, #tpu.memory_space<vmem>>, vector<1x16xf32>,
      %get3A_1761 = vector.shape_cast %get3A_1760 : vector<1x16xf32> to vector<16xf32>
      %mul3A_1762 = arith.constant 1.000000e+01 : f32
      %mul3A_1763 = vector.broadcast %mul3A_1762 : f32 to vector<16xf32>
      %mul3A_1764 = arith.mulf %get3A_1753, %mul3A_1763 : vector<16xf32>
      %convert_element_type3A_1765 = arith.fptosi %mul3A_1764 : vector<16xf32> to vector<16xi32>
      %convert_element_type3A_1766 = arith.sitofp %convert_element_type3A_1765 : vector<16xi32> to vector<16xf32>
      %gt3A_1767 = arith.constant 0.000000e+00 : f32
      %gt3A_1768 = vector.broadcast %gt3A_1767 : f32 to vector<16xf32>
      %gt3A_1769 = arith.cmpf ogt, %get3A_1761, %gt3A_1768 : vector<16xf32>
      %jit3A_1770 = arith.constant 0.000000e+00 : f32
      %broadcast_in_dim3A_1771 = vector.broadcast %jit3A_1770 : f32 to vector<16xf32>
      %select_n3A_1772 = arith.select %gt3A_1769, %convert_element_type3A_1766, %broadcast_in_dim3A_1771 : vector<16xi1>, vector<16xf32>
      %sub3A_1773 = arith.subf %get3A_1745, %get3A_1753 : vector<16xf32>
      %mul3A_1774 = arith.mulf %sub3A_1773, %sub3A_1773 : vector<16xf32>
      %mul3A_1775 = arith.mulf %select_n3A_1772, %mul3A_1774 : vector<16xf32>
      %add3A_1776 = arith.addf %scan3A_1542, %mul3A_1775 : vector<16xf32>
      %jit3A_1777 = arith.constant 1 : i32
      %jit3A_1778 = arith.constant 0 : i32
      %broadcast_in_dim3A_1779 = vector.broadcast %jit3A_1777 : i32 to vector<16xi32>
      %broadcast_in_dim3A_1780 = vector.broadcast %jit3A_1778 : i32 to vector<16xi32>
      %select_n3A_1781 = arith.select %gt3A_1769, %broadcast_in_dim3A_1779, %broadcast_in_dim3A_1780 : vector<16xi1>, vector<16xi32>
      %add3A_1782 = arith.addi %scan3A_1550, %select_n3A_1781 : vector<16xi32>
      %add3A_1783 = arith.constant 64 : i32
      %add3A_1784 = arith.addi %mul3A_1596, %add3A_1783 : i32
      %get3A_1785 = arith.constant 0 : i32
      %get3A_1786 = arith.constant 0 : i32
      %get3A_1787 = tpu.memref_slice %arg6[%scan3A_1311, %get3A_1785, %get3A_1786] : memref<3x16x512xf32, #tpu.memory_space<vmem>> -> memref<1x16x512xf32, #tpu.memory_space<vmem>>
      %get3A_1788 = tpu.memref_squeeze %get3A_1787 : memref<1x16x512xf32, #tpu.memory_space<vmem>> -> memref<16x512xf32, #tpu.memory_space<vmem>>
      %get3A_1789 = arith.index_cast %select_n3A_1578 : i32 to index
      %get3A_1790 = arith.index_cast %add3A_1784 : i32 to index
      %get3A_1791 = tpu.vector_load %get3A_1788[%get3A_1789, %get3A_1790] {strides = array<i32>} : memref<16x512xf32, #tpu.memory_space<vmem>>, vector<1x16xf32>,
      %get3A_1792 = vector.shape_cast %get3A_1791 : vector<1x16xf32> to vector<16xf32>
      %get3A_1793 = arith.constant 0 : i32
      %get3A_1794 = arith.constant 0 : i32
      %get3A_1795 = tpu.memref_slice %arg7[%scan3A_1312, %get3A_1793, %get3A_1794] : memref<3x16x512xf32, #tpu.memory_space<vmem>> -> memref<1x16x512xf32, #tpu.memory_space<vmem>>
      %get3A_1796 = tpu.memref_squeeze %get3A_1795 : memref<1x16x512xf32, #tpu.memory_space<vmem>> -> memref<16x512xf32, #tpu.memory_space<vmem>>
      %get3A_1797 = arith.index_cast %select_n3A_1578 : i32 to index
      %get3A_1798 = arith.index_cast %add3A_1784 : i32 to index
      %get3A_1799 = tpu.vector_load %get3A_1796[%get3A_1797, %get3A_1798] {strides = array<i32>} : memref<16x512xf32, #tpu.memory_space<vmem>>, vector<1x16xf32>,
      %get3A_1800 = vector.shape_cast %get3A_1799 : vector<1x16xf32> to vector<16xf32>
      %get3A_1801 = arith.constant 0 : i32
      %get3A_1802 = arith.constant 0 : i32
      %get3A_1803 = tpu.memref_slice %arg8[%scan3A_1313, %get3A_1801, %get3A_1802] : memref<3x16x512xf32, #tpu.memory_space<vmem>> -> memref<1x16x512xf32, #tpu.memory_space<vmem>>
      %get3A_1804 = tpu.memref_squeeze %get3A_1803 : memref<1x16x512xf32, #tpu.memory_space<vmem>> -> memref<16x512xf32, #tpu.memory_space<vmem>>
      %get3A_1805 = arith.index_cast %select_n3A_1578 : i32 to index
      %get3A_1806 = arith.index_cast %add3A_1784 : i32 to index
      %get3A_1807 = tpu.vector_load %get3A_1804[%get3A_1805, %get3A_1806] {strides = array<i32>} : memref<16x512xf32, #tpu.memory_space<vmem>>, vector<1x16xf32>,
      %get3A_1808 = vector.shape_cast %get3A_1807 : vector<1x16xf32> to vector<16xf32>
      %mul3A_1809 = arith.constant 1.000000e+01 : f32
      %mul3A_1810 = vector.broadcast %mul3A_1809 : f32 to vector<16xf32>
      %mul3A_1811 = arith.mulf %get3A_1800, %mul3A_1810 : vector<16xf32>
      %convert_element_type3A_1812 = arith.fptosi %mul3A_1811 : vector<16xf32> to vector<16xi32>
      %convert_element_type3A_1813 = arith.sitofp %convert_element_type3A_1812 : vector<16xi32> to vector<16xf32>
      %gt3A_1814 = arith.constant 0.000000e+00 : f32
      %gt3A_1815 = vector.broadcast %gt3A_1814 : f32 to vector<16xf32>
      %gt3A_1816 = arith.cmpf ogt, %get3A_1808, %gt3A_1815 : vector<16xf32>
      %jit3A_1817 = arith.constant 0.000000e+00 : f32
      %broadcast_in_dim3A_1818 = vector.broadcast %jit3A_1817 : f32 to vector<16xf32>
      %select_n3A_1819 = arith.select %gt3A_1816, %convert_element_type3A_1813, %broadcast_in_dim3A_1818 : vector<16xi1>, vector<16xf32>
      %sub3A_1820 = arith.subf %get3A_1792, %get3A_1800 : vector<16xf32>
      %mul3A_1821 = arith.mulf %sub3A_1820, %sub3A_1820 : vector<16xf32>
      %mul3A_1822 = arith.mulf %select_n3A_1819, %mul3A_1821 : vector<16xf32>
      %add3A_1823 = arith.addf %scan3A_1543, %mul3A_1822 : vector<16xf32>
      %jit3A_1824 = arith.constant 1 : i32
      %jit3A_1825 = arith.constant 0 : i32
      %broadcast_in_dim3A_1826 = vector.broadcast %jit3A_1824 : i32 to vector<16xi32>
      %broadcast_in_dim3A_1827 = vector.broadcast %jit3A_1825 : i32 to vector<16xi32>
      %select_n3A_1828 = arith.select %gt3A_1816, %broadcast_in_dim3A_1826, %broadcast_in_dim3A_1827 : vector<16xi1>, vector<16xi32>
      %add3A_1829 = arith.addi %scan3A_1551, %select_n3A_1828 : vector<16xi32>
      %add3A_1830 = arith.constant 80 : i32
      %add3A_1831 = arith.addi %mul3A_1596, %add3A_1830 : i32
      %get3A_1832 = arith.constant 0 : i32
      %get3A_1833 = arith.constant 0 : i32
      %get3A_1834 = tpu.memref_slice %arg6[%scan3A_1311, %get3A_1832, %get3A_1833] : memref<3x16x512xf32, #tpu.memory_space<vmem>> -> memref<1x16x512xf32, #tpu.memory_space<vmem>>
      %get3A_1835 = tpu.memref_squeeze %get3A_1834 : memref<1x16x512xf32, #tpu.memory_space<vmem>> -> memref<16x512xf32, #tpu.memory_space<vmem>>
      %get3A_1836 = arith.index_cast %select_n3A_1578 : i32 to index
      %get3A_1837 = arith.index_cast %add3A_1831 : i32 to index
      %get3A_1838 = tpu.vector_load %get3A_1835[%get3A_1836, %get3A_1837] {strides = array<i32>} : memref<16x512xf32, #tpu.memory_space<vmem>>, vector<1x16xf32>,
      %get3A_1839 = vector.shape_cast %get3A_1838 : vector<1x16xf32> to vector<16xf32>
      %get3A_1840 = arith.constant 0 : i32
      %get3A_1841 = arith.constant 0 : i32
      %get3A_1842 = tpu.memref_slice %arg7[%scan3A_1312, %get3A_1840, %get3A_1841] : memref<3x16x512xf32, #tpu.memory_space<vmem>> -> memref<1x16x512xf32, #tpu.memory_space<vmem>>
      %get3A_1843 = tpu.memref_squeeze %get3A_1842 : memref<1x16x512xf32, #tpu.memory_space<vmem>> -> memref<16x512xf32, #tpu.memory_space<vmem>>
      %get3A_1844 = arith.index_cast %select_n3A_1578 : i32 to index
      %get3A_1845 = arith.index_cast %add3A_1831 : i32 to index
      %get3A_1846 = tpu.vector_load %get3A_1843[%get3A_1844, %get3A_1845] {strides = array<i32>} : memref<16x512xf32, #tpu.memory_space<vmem>>, vector<1x16xf32>,
      %get3A_1847 = vector.shape_cast %get3A_1846 : vector<1x16xf32> to vector<16xf32>
      %get3A_1848 = arith.constant 0 : i32
      %get3A_1849 = arith.constant 0 : i32
      %get3A_1850 = tpu.memref_slice %arg8[%scan3A_1313, %get3A_1848, %get3A_1849] : memref<3x16x512xf32, #tpu.memory_space<vmem>> -> memref<1x16x512xf32, #tpu.memory_space<vmem>>
      %get3A_1851 = tpu.memref_squeeze %get3A_1850 : memref<1x16x512xf32, #tpu.memory_space<vmem>> -> memref<16x512xf32, #tpu.memory_space<vmem>>
      %get3A_1852 = arith.index_cast %select_n3A_1578 : i32 to index
      %get3A_1853 = arith.index_cast %add3A_1831 : i32 to index
      %get3A_1854 = tpu.vector_load %get3A_1851[%get3A_1852, %get3A_1853] {strides = array<i32>} : memref<16x512xf32, #tpu.memory_space<vmem>>, vector<1x16xf32>,
      %get3A_1855 = vector.shape_cast %get3A_1854 : vector<1x16xf32> to vector<16xf32>
      %mul3A_1856 = arith.constant 1.000000e+01 : f32
      %mul3A_1857 = vector.broadcast %mul3A_1856 : f32 to vector<16xf32>
      %mul3A_1858 = arith.mulf %get3A_1847, %mul3A_1857 : vector<16xf32>
      %convert_element_type3A_1859 = arith.fptosi %mul3A_1858 : vector<16xf32> to vector<16xi32>
      %convert_element_type3A_1860 = arith.sitofp %convert_element_type3A_1859 : vector<16xi32> to vector<16xf32>
      %gt3A_1861 = arith.constant 0.000000e+00 : f32
      %gt3A_1862 = vector.broadcast %gt3A_1861 : f32 to vector<16xf32>
      %gt3A_1863 = arith.cmpf ogt, %get3A_1855, %gt3A_1862 : vector<16xf32>
      %jit3A_1864 = arith.constant 0.000000e+00 : f32
      %broadcast_in_dim3A_1865 = vector.broadcast %jit3A_1864 : f32 to vector<16xf32>
      %select_n3A_1866 = arith.select %gt3A_1863, %convert_element_type3A_1860, %broadcast_in_dim3A_1865 : vector<16xi1>, vector<16xf32>
      %sub3A_1867 = arith.subf %get3A_1839, %get3A_1847 : vector<16xf32>
      %mul3A_1868 = arith.mulf %sub3A_1867, %sub3A_1867 : vector<16xf32>
      %mul3A_1869 = arith.mulf %select_n3A_1866, %mul3A_1868 : vector<16xf32>
      %add3A_1870 = arith.addf %scan3A_1544, %mul3A_1869 : vector<16xf32>
      %jit3A_1871 = arith.constant 1 : i32
      %jit3A_1872 = arith.constant 0 : i32
      %broadcast_in_dim3A_1873 = vector.broadcast %jit3A_1871 : i32 to vector<16xi32>
      %broadcast_in_dim3A_1874 = vector.broadcast %jit3A_1872 : i32 to vector<16xi32>
      %select_n3A_1875 = arith.select %gt3A_1863, %broadcast_in_dim3A_1873, %broadcast_in_dim3A_1874 : vector<16xi1>, vector<16xi32>
      %add3A_1876 = arith.addi %scan3A_1552, %select_n3A_1875 : vector<16xi32>
      %add3A_1877 = arith.constant 96 : i32
      %add3A_1878 = arith.addi %mul3A_1596, %add3A_1877 : i32
      %get3A_1879 = arith.constant 0 : i32
      %get3A_1880 = arith.constant 0 : i32
      %get3A_1881 = tpu.memref_slice %arg6[%scan3A_1311, %get3A_1879, %get3A_1880] : memref<3x16x512xf32, #tpu.memory_space<vmem>> -> memref<1x16x512xf32, #tpu.memory_space<vmem>>
      %get3A_1882 = tpu.memref_squeeze %get3A_1881 : memref<1x16x512xf32, #tpu.memory_space<vmem>> -> memref<16x512xf32, #tpu.memory_space<vmem>>
      %get3A_1883 = arith.index_cast %select_n3A_1578 : i32 to index
      %get3A_1884 = arith.index_cast %add3A_1878 : i32 to index
      %get3A_1885 = tpu.vector_load %get3A_1882[%get3A_1883, %get3A_1884] {strides = array<i32>} : memref<16x512xf32, #tpu.memory_space<vmem>>, vector<1x16xf32>,
      %get3A_1886 = vector.shape_cast %get3A_1885 : vector<1x16xf32> to vector<16xf32>
      %get3A_1887 = arith.constant 0 : i32
      %get3A_1888 = arith.constant 0 : i32
      %get3A_1889 = tpu.memref_slice %arg7[%scan3A_1312, %get3A_1887, %get3A_1888] : memref<3x16x512xf32, #tpu.memory_space<vmem>> -> memref<1x16x512xf32, #tpu.memory_space<vmem>>
      %get3A_1890 = tpu.memref_squeeze %get3A_1889 : memref<1x16x512xf32, #tpu.memory_space<vmem>> -> memref<16x512xf32, #tpu.memory_space<vmem>>
      %get3A_1891 = arith.index_cast %select_n3A_1578 : i32 to index
      %get3A_1892 = arith.index_cast %add3A_1878 : i32 to index
      %get3A_1893 = tpu.vector_load %get3A_1890[%get3A_1891, %get3A_1892] {strides = array<i32>} : memref<16x512xf32, #tpu.memory_space<vmem>>, vector<1x16xf32>,
      %get3A_1894 = vector.shape_cast %get3A_1893 : vector<1x16xf32> to vector<16xf32>
      %get3A_1895 = arith.constant 0 : i32
      %get3A_1896 = arith.constant 0 : i32
      %get3A_1897 = tpu.memref_slice %arg8[%scan3A_1313, %get3A_1895, %get3A_1896] : memref<3x16x512xf32, #tpu.memory_space<vmem>> -> memref<1x16x512xf32, #tpu.memory_space<vmem>>
      %get3A_1898 = tpu.memref_squeeze %get3A_1897 : memref<1x16x512xf32, #tpu.memory_space<vmem>> -> memref<16x512xf32, #tpu.memory_space<vmem>>
      %get3A_1899 = arith.index_cast %select_n3A_1578 : i32 to index
      %get3A_1900 = arith.index_cast %add3A_1878 : i32 to index
      %get3A_1901 = tpu.vector_load %get3A_1898[%get3A_1899, %get3A_1900] {strides = array<i32>} : memref<16x512xf32, #tpu.memory_space<vmem>>, vector<1x16xf32>,
      %get3A_1902 = vector.shape_cast %get3A_1901 : vector<1x16xf32> to vector<16xf32>
      %mul3A_1903 = arith.constant 1.000000e+01 : f32
      %mul3A_1904 = vector.broadcast %mul3A_1903 : f32 to vector<16xf32>
      %mul3A_1905 = arith.mulf %get3A_1894, %mul3A_1904 : vector<16xf32>
      %convert_element_type3A_1906 = arith.fptosi %mul3A_1905 : vector<16xf32> to vector<16xi32>
      %convert_element_type3A_1907 = arith.sitofp %convert_element_type3A_1906 : vector<16xi32> to vector<16xf32>
      %gt3A_1908 = arith.constant 0.000000e+00 : f32
      %gt3A_1909 = vector.broadcast %gt3A_1908 : f32 to vector<16xf32>
      %gt3A_1910 = arith.cmpf ogt, %get3A_1902, %gt3A_1909 : vector<16xf32>
      %jit3A_1911 = arith.constant 0.000000e+00 : f32
      %broadcast_in_dim3A_1912 = vector.broadcast %jit3A_1911 : f32 to vector<16xf32>
      %select_n3A_1913 = arith.select %gt3A_1910, %convert_element_type3A_1907, %broadcast_in_dim3A_1912 : vector<16xi1>, vector<16xf32>
      %sub3A_1914 = arith.subf %get3A_1886, %get3A_1894 : vector<16xf32>
      %mul3A_1915 = arith.mulf %sub3A_1914, %sub3A_1914 : vector<16xf32>
      %mul3A_1916 = arith.mulf %select_n3A_1913, %mul3A_1915 : vector<16xf32>
      %add3A_1917 = arith.addf %scan3A_1545, %mul3A_1916 : vector<16xf32>
      %jit3A_1918 = arith.constant 1 : i32
      %jit3A_1919 = arith.constant 0 : i32
      %broadcast_in_dim3A_1920 = vector.broadcast %jit3A_1918 : i32 to vector<16xi32>
      %broadcast_in_dim3A_1921 = vector.broadcast %jit3A_1919 : i32 to vector<16xi32>
      %select_n3A_1922 = arith.select %gt3A_1910, %broadcast_in_dim3A_1920, %broadcast_in_dim3A_1921 : vector<16xi1>, vector<16xi32>
      %add3A_1923 = arith.addi %scan3A_1553, %select_n3A_1922 : vector<16xi32>
      %add3A_1924 = arith.constant 112 : i32
      %add3A_1925 = arith.addi %mul3A_1596, %add3A_1924 : i32
      %get3A_1926 = arith.constant 0 : i32
      %get3A_1927 = arith.constant 0 : i32
      %get3A_1928 = tpu.memref_slice %arg6[%scan3A_1311, %get3A_1926, %get3A_1927] : memref<3x16x512xf32, #tpu.memory_space<vmem>> -> memref<1x16x512xf32, #tpu.memory_space<vmem>>
      %get3A_1929 = tpu.memref_squeeze %get3A_1928 : memref<1x16x512xf32, #tpu.memory_space<vmem>> -> memref<16x512xf32, #tpu.memory_space<vmem>>
      %get3A_1930 = arith.index_cast %select_n3A_1578 : i32 to index
      %get3A_1931 = arith.index_cast %add3A_1925 : i32 to index
      %get3A_1932 = tpu.vector_load %get3A_1929[%get3A_1930, %get3A_1931] {strides = array<i32>} : memref<16x512xf32, #tpu.memory_space<vmem>>, vector<1x16xf32>,
      %get3A_1933 = vector.shape_cast %get3A_1932 : vector<1x16xf32> to vector<16xf32>
      %get3A_1934 = arith.constant 0 : i32
      %get3A_1935 = arith.constant 0 : i32
      %get3A_1936 = tpu.memref_slice %arg7[%scan3A_1312, %get3A_1934, %get3A_1935] : memref<3x16x512xf32, #tpu.memory_space<vmem>> -> memref<1x16x512xf32, #tpu.memory_space<vmem>>
      %get3A_1937 = tpu.memref_squeeze %get3A_1936 : memref<1x16x512xf32, #tpu.memory_space<vmem>> -> memref<16x512xf32, #tpu.memory_space<vmem>>
      %get3A_1938 = arith.index_cast %select_n3A_1578 : i32 to index
      %get3A_1939 = arith.index_cast %add3A_1925 : i32 to index
      %get3A_1940 = tpu.vector_load %get3A_1937[%get3A_1938, %get3A_1939] {strides = array<i32>} : memref<16x512xf32, #tpu.memory_space<vmem>>, vector<1x16xf32>,
      %get3A_1941 = vector.shape_cast %get3A_1940 : vector<1x16xf32> to vector<16xf32>
      %get3A_1942 = arith.constant 0 : i32
      %get3A_1943 = arith.constant 0 : i32
      %get3A_1944 = tpu.memref_slice %arg8[%scan3A_1313, %get3A_1942, %get3A_1943] : memref<3x16x512xf32, #tpu.memory_space<vmem>> -> memref<1x16x512xf32, #tpu.memory_space<vmem>>
      %get3A_1945 = tpu.memref_squeeze %get3A_1944 : memref<1x16x512xf32, #tpu.memory_space<vmem>> -> memref<16x512xf32, #tpu.memory_space<vmem>>
      %get3A_1946 = arith.index_cast %select_n3A_1578 : i32 to index
      %get3A_1947 = arith.index_cast %add3A_1925 : i32 to index
      %get3A_1948 = tpu.vector_load %get3A_1945[%get3A_1946, %get3A_1947] {strides = array<i32>} : memref<16x512xf32, #tpu.memory_space<vmem>>, vector<1x16xf32>,
      %get3A_1949 = vector.shape_cast %get3A_1948 : vector<1x16xf32> to vector<16xf32>
      %mul3A_1950 = arith.constant 1.000000e+01 : f32
      %mul3A_1951 = vector.broadcast %mul3A_1950 : f32 to vector<16xf32>
      %mul3A_1952 = arith.mulf %get3A_1941, %mul3A_1951 : vector<16xf32>
      %convert_element_type3A_1953 = arith.fptosi %mul3A_1952 : vector<16xf32> to vector<16xi32>
      %convert_element_type3A_1954 = arith.sitofp %convert_element_type3A_1953 : vector<16xi32> to vector<16xf32>
      %gt3A_1955 = arith.constant 0.000000e+00 : f32
      %gt3A_1956 = vector.broadcast %gt3A_1955 : f32 to vector<16xf32>
      %gt3A_1957 = arith.cmpf ogt, %get3A_1949, %gt3A_1956 : vector<16xf32>
      %jit3A_1958 = arith.constant 0.000000e+00 : f32
      %broadcast_in_dim3A_1959 = vector.broadcast %jit3A_1958 : f32 to vector<16xf32>
      %select_n3A_1960 = arith.select %gt3A_1957, %convert_element_type3A_1954, %broadcast_in_dim3A_1959 : vector<16xi1>, vector<16xf32>
      %sub3A_1961 = arith.subf %get3A_1933, %get3A_1941 : vector<16xf32>
      %mul3A_1962 = arith.mulf %sub3A_1961, %sub3A_1961 : vector<16xf32>
      %mul3A_1963 = arith.mulf %select_n3A_1960, %mul3A_1962 : vector<16xf32>
      %add3A_1964 = arith.addf %scan3A_1546, %mul3A_1963 : vector<16xf32>
      %jit3A_1965 = arith.constant 1 : i32
      %jit3A_1966 = arith.constant 0 : i32
      %broadcast_in_dim3A_1967 = vector.broadcast %jit3A_1965 : i32 to vector<16xi32>
      %broadcast_in_dim3A_1968 = vector.broadcast %jit3A_1966 : i32 to vector<16xi32>
      %select_n3A_1969 = arith.select %gt3A_1957, %broadcast_in_dim3A_1967, %broadcast_in_dim3A_1968 : vector<16xi1>, vector<16xi32>
      %add3A_1970 = arith.addi %scan3A_1554, %select_n3A_1969 : vector<16xi32>
      scf.yield %add3A_1635, %add3A_1682, %add3A_1729, %add3A_1776, %add3A_1823, %add3A_1870, %add3A_1917, %add3A_1964, %add3A_1641, %add3A_1688, %add3A_1735, %add3A_1782, %add3A_1829, %add3A_1876, %add3A_1923, %add3A_1970 : vector<16xf32>, vector<16xf32>, vector<16xf32>, vector<16xf32>, vector<16xf32>, vector<16xf32>, vector<16xf32>, vector<16xf32>, vector<16xi32>, vector<16xi32>, vector<16xi32>, vector<16xi32>, vector<16xi32>, vector<16xi32>, vector<16xi32>, vector<16xi32>
    }
    %scan3A_1319 = arith.constant 64 : i32
    %mul3A_1320 = arith.constant 64 : i32
    %mul3A_1321 = arith.muli %add3A, %mul3A_1320 : i32
    %add3A_1322 = arith.constant 48 : i32
    %add3A_1323 = arith.addi %mul3A_1321, %add3A_1322 : i32
    %jit3A_1324 = arith.constant 512 : i32
    %div3A_1325 = arith.divsi %add3A_1323, %jit3A_1324 : i32
    %sign3A_1326 = arith.constant 0 : i32
    %sign3A_1327 = arith.cmpi sgt, %add3A_1323, %sign3A_1326 : i32
    %sign3A_1328 = arith.extui %sign3A_1327 : i1 to i32
    %sign3A_1329 = arith.constant 0 : i32
    %sign3A_1330 = arith.cmpi slt, %add3A_1323, %sign3A_1329 : i32
    %sign3A_1331 = arith.extui %sign3A_1330 : i1 to i32
    %sign3A_1332 = arith.subi %sign3A_1328, %sign3A_1331 : i32
    %sign3A_1333 = arith.constant 0 : i32
    %sign3A_1334 = arith.cmpi sgt, %jit3A_1324, %sign3A_1333 : i32
    %sign3A_1335 = arith.extui %sign3A_1334 : i1 to i32
    %sign3A_1336 = arith.constant 0 : i32
    %sign3A_1337 = arith.cmpi slt, %jit3A_1324, %sign3A_1336 : i32
    %sign3A_1338 = arith.extui %sign3A_1337 : i1 to i32
    %sign3A_1339 = arith.subi %sign3A_1335, %sign3A_1338 : i32
    %ne3A_1340 = arith.cmpi ne, %sign3A_1332, %sign3A_1339 : i32
    %rem3A_1341 = arith.remsi %add3A_1323, %jit3A_1324 : i32
    %ne3A_1342 = arith.constant 0 : i32
    %ne3A_1343 = arith.cmpi ne, %rem3A_1341, %ne3A_1342 : i32
    %and3A_1344 = arith.andi %ne3A_1340, %ne3A_1343 : i1
    %sub3A_1345 = arith.constant 1 : i32
    %sub3A_1346 = arith.subi %div3A_1325, %sub3A_1345 : i32
    %select_n3A_1347 = arith.select %and3A_1344, %sub3A_1346, %div3A_1325 : i32
    %add3A_1348 = arith.constant 12 : i32
    %add3A_1349 = arith.addi %add3A_1348, %select_n3A_1347 : i32
    %jit3A_1350 = arith.constant 512 : i32
    %eq3A_1351 = arith.constant 0 : i32
    %eq3A_1352 = arith.cmpi eq, %jit3A_1350, %eq3A_1351 : i32
    %jit3A_1353 = arith.constant 1 : i32
    %select_n3A_1354 = arith.select %eq3A_1352, %jit3A_1353, %jit3A_1350 : i32
    %rem3A_1355 = arith.remsi %add3A_1323, %select_n3A_1354 : i32
    %ne3A_1356 = arith.constant 0 : i32
    %ne3A_1357 = arith.cmpi ne, %rem3A_1355, %ne3A_1356 : i32
    %lt3A_1358 = arith.constant 0 : i32
    %lt3A_1359 = arith.cmpi slt, %rem3A_1355, %lt3A_1358 : i32
    %lt3A_1360 = arith.constant 0 : i32
    %lt3A_1361 = arith.cmpi slt, %select_n3A_1354, %lt3A_1360 : i32
    %ne3A_1362 = arith.xori %lt3A_1359, %lt3A_1361 : i1
    %and3A_1363 = arith.andi %ne3A_1362, %ne3A_1357 : i1
    %add3A_1364 = arith.addi %rem3A_1355, %select_n3A_1354 : i32
    %select_n3A_1365 = arith.select %and3A_1363, %add3A_1364, %rem3A_1355 : i32
    %dma_wait3A_1366 = arith.constant 0 : i32
    %dma_wait3A_1367 = arith.constant 0 : i32
    %dma_wait3A_1368 = arith.constant 0 : i32
    %dma_wait3A_1369 = arith.constant 0 : i32
    %dma_wait3A_1370 = tpu.memref_slice %arg6[%dma_wait3A_1367, %dma_wait3A_1368, %dma_wait3A_1369] : memref<3x16x512xf32, #tpu.memory_space<vmem>> -> memref<1x16x512xf32, #tpu.memory_space<vmem>>
    %dma_wait3A_1371 = tpu.memref_squeeze %dma_wait3A_1370 : memref<1x16x512xf32, #tpu.memory_space<vmem>> -> memref<16x512xf32, #tpu.memory_space<vmem>>
    %dma_wait3A_1372 = arith.constant 0 : i32
    %dma_wait3A_1373 = tpu.memref_slice %arg2[%add3A_1349, %dma_wait3A_1366, %select_n3A_1365, %dma_wait3A_1372] : memref<16x1x512x512xf32, #tpu.memory_space<hbm>> -> memref<1x1x16x512xf32, #tpu.memory_space<hbm>>
    %dma_wait3A_1374 = tpu.memref_squeeze %dma_wait3A_1373 : memref<1x1x16x512xf32, #tpu.memory_space<hbm>> -> memref<16x512xf32, #tpu.memory_space<hbm>>
    %dma_wait3A_1375 = arith.constant 0 : i32
    %dma_wait3A_1376 = arith.constant 0 : i32
    %dma_wait3A_1377 = tpu.memref_slice %arg6[%dma_wait3A_1367, %dma_wait3A_1375, %dma_wait3A_1376] : memref<3x16x512xf32, #tpu.memory_space<vmem>> -> memref<1x16x512xf32, #tpu.memory_space<vmem>>
    %dma_wait3A_1378 = tpu.memref_squeeze %dma_wait3A_1377 : memref<1x16x512xf32, #tpu.memory_space<vmem>> -> memref<16x512xf32, #tpu.memory_space<vmem>>
    %dma_wait3A_1379 = arith.constant 0 : i32
    %dma_wait3A_1380 = tpu.memref_slice %arg2[%add3A_1349, %dma_wait3A_1366, %select_n3A_1365, %dma_wait3A_1379] : memref<16x1x512x512xf32, #tpu.memory_space<hbm>> -> memref<1x1x16x512xf32, #tpu.memory_space<hbm>>
    %dma_wait3A_1381 = tpu.memref_squeeze %dma_wait3A_1380 : memref<1x1x16x512xf32, #tpu.memory_space<hbm>> -> memref<16x512xf32, #tpu.memory_space<hbm>>
    tpu.wait_dma2 semaphore(%arg10 : memref<!tpu.dma_semaphore, #tpu.memory_space<semaphore_mem>>) src(%dma_wait3A_1381 : memref<16x512xf32, #tpu.memory_space<hbm>>) dst(%dma_wait3A_1378 : memref<16x512xf32, #tpu.memory_space<vmem>>)
    %mul3A_1382 = arith.constant 64 : i32
    %mul3A_1383 = arith.muli %add3A, %mul3A_1382 : i32
    %add3A_1384 = arith.constant 48 : i32
    %add3A_1385 = arith.addi %mul3A_1383, %add3A_1384 : i32
    %jit3A_1386 = arith.constant 512 : i32
    %div3A_1387 = arith.divsi %add3A_1385, %jit3A_1386 : i32
    %sign3A_1388 = arith.constant 0 : i32
    %sign3A_1389 = arith.cmpi sgt, %add3A_1385, %sign3A_1388 : i32
    %sign3A_1390 = arith.extui %sign3A_1389 : i1 to i32
    %sign3A_1391 = arith.constant 0 : i32
    %sign3A_1392 = arith.cmpi slt, %add3A_1385, %sign3A_1391 : i32
    %sign3A_1393 = arith.extui %sign3A_1392 : i1 to i32
    %sign3A_1394 = arith.subi %sign3A_1390, %sign3A_1393 : i32
    %sign3A_1395 = arith.constant 0 : i32
    %sign3A_1396 = arith.cmpi sgt, %jit3A_1386, %sign3A_1395 : i32
    %sign3A_1397 = arith.extui %sign3A_1396 : i1 to i32
    %sign3A_1398 = arith.constant 0 : i32
    %sign3A_1399 = arith.cmpi slt, %jit3A_1386, %sign3A_1398 : i32
    %sign3A_1400 = arith.extui %sign3A_1399 : i1 to i32
    %sign3A_1401 = arith.subi %sign3A_1397, %sign3A_1400 : i32
    %ne3A_1402 = arith.cmpi ne, %sign3A_1394, %sign3A_1401 : i32
    %rem3A_1403 = arith.remsi %add3A_1385, %jit3A_1386 : i32
    %ne3A_1404 = arith.constant 0 : i32
    %ne3A_1405 = arith.cmpi ne, %rem3A_1403, %ne3A_1404 : i32
    %and3A_1406 = arith.andi %ne3A_1402, %ne3A_1405 : i1
    %sub3A_1407 = arith.constant 1 : i32
    %sub3A_1408 = arith.subi %div3A_1387, %sub3A_1407 : i32
    %select_n3A_1409 = arith.select %and3A_1406, %sub3A_1408, %div3A_1387 : i32
    %add3A_1410 = arith.constant 12 : i32
    %add3A_1411 = arith.addi %add3A_1410, %select_n3A_1409 : i32
    %jit3A_1412 = arith.constant 512 : i32
    %eq3A_1413 = arith.constant 0 : i32
    %eq3A_1414 = arith.cmpi eq, %jit3A_1412, %eq3A_1413 : i32
    %jit3A_1415 = arith.constant 1 : i32
    %select_n3A_1416 = arith.select %eq3A_1414, %jit3A_1415, %jit3A_1412 : i32
    %rem3A_1417 = arith.remsi %add3A_1385, %select_n3A_1416 : i32
    %ne3A_1418 = arith.constant 0 : i32
    %ne3A_1419 = arith.cmpi ne, %rem3A_1417, %ne3A_1418 : i32
    %lt3A_1420 = arith.constant 0 : i32
    %lt3A_1421 = arith.cmpi slt, %rem3A_1417, %lt3A_1420 : i32
    %lt3A_1422 = arith.constant 0 : i32
    %lt3A_1423 = arith.cmpi slt, %select_n3A_1416, %lt3A_1422 : i32
    %ne3A_1424 = arith.xori %lt3A_1421, %lt3A_1423 : i1
    %and3A_1425 = arith.andi %ne3A_1424, %ne3A_1419 : i1
    %add3A_1426 = arith.addi %rem3A_1417, %select_n3A_1416 : i32
    %select_n3A_1427 = arith.select %and3A_1425, %add3A_1426, %rem3A_1417 : i32
    %dma_wait3A_1428 = arith.constant 0 : i32
    %dma_wait3A_1429 = arith.constant 0 : i32
    %dma_wait3A_1430 = arith.constant 0 : i32
    %dma_wait3A_1431 = arith.constant 0 : i32
    %dma_wait3A_1432 = tpu.memref_slice %arg7[%dma_wait3A_1429, %dma_wait3A_1430, %dma_wait3A_1431] : memref<3x16x512xf32, #tpu.memory_space<vmem>> -> memref<1x16x512xf32, #tpu.memory_space<vmem>>
    %dma_wait3A_1433 = tpu.memref_squeeze %dma_wait3A_1432 : memref<1x16x512xf32, #tpu.memory_space<vmem>> -> memref<16x512xf32, #tpu.memory_space<vmem>>
    %dma_wait3A_1434 = arith.constant 0 : i32
    %dma_wait3A_1435 = tpu.memref_slice %arg3[%add3A_1411, %dma_wait3A_1428, %select_n3A_1427, %dma_wait3A_1434] : memref<16x1x512x512xf32, #tpu.memory_space<hbm>> -> memref<1x1x16x512xf32, #tpu.memory_space<hbm>>
    %dma_wait3A_1436 = tpu.memref_squeeze %dma_wait3A_1435 : memref<1x1x16x512xf32, #tpu.memory_space<hbm>> -> memref<16x512xf32, #tpu.memory_space<hbm>>
    %dma_wait3A_1437 = arith.constant 0 : i32
    %dma_wait3A_1438 = arith.constant 0 : i32
    %dma_wait3A_1439 = tpu.memref_slice %arg7[%dma_wait3A_1429, %dma_wait3A_1437, %dma_wait3A_1438] : memref<3x16x512xf32, #tpu.memory_space<vmem>> -> memref<1x16x512xf32, #tpu.memory_space<vmem>>
    %dma_wait3A_1440 = tpu.memref_squeeze %dma_wait3A_1439 : memref<1x16x512xf32, #tpu.memory_space<vmem>> -> memref<16x512xf32, #tpu.memory_space<vmem>>
    %dma_wait3A_1441 = arith.constant 0 : i32
    %dma_wait3A_1442 = tpu.memref_slice %arg3[%add3A_1411, %dma_wait3A_1428, %select_n3A_1427, %dma_wait3A_1441] : memref<16x1x512x512xf32, #tpu.memory_space<hbm>> -> memref<1x1x16x512xf32, #tpu.memory_space<hbm>>
    %dma_wait3A_1443 = tpu.memref_squeeze %dma_wait3A_1442 : memref<1x1x16x512xf32, #tpu.memory_space<hbm>> -> memref<16x512xf32, #tpu.memory_space<hbm>>
    tpu.wait_dma2 semaphore(%arg10 : memref<!tpu.dma_semaphore, #tpu.memory_space<semaphore_mem>>) src(%dma_wait3A_1443 : memref<16x512xf32, #tpu.memory_space<hbm>>) dst(%dma_wait3A_1440 : memref<16x512xf32, #tpu.memory_space<vmem>>)
    %mul3A_1444 = arith.constant 64 : i32
    %mul3A_1445 = arith.muli %add3A, %mul3A_1444 : i32
    %add3A_1446 = arith.constant 48 : i32
    %add3A_1447 = arith.addi %mul3A_1445, %add3A_1446 : i32
    %jit3A_1448 = arith.constant 512 : i32
    %div3A_1449 = arith.divsi %add3A_1447, %jit3A_1448 : i32
    %sign3A_1450 = arith.constant 0 : i32
    %sign3A_1451 = arith.cmpi sgt, %add3A_1447, %sign3A_1450 : i32
    %sign3A_1452 = arith.extui %sign3A_1451 : i1 to i32
    %sign3A_1453 = arith.constant 0 : i32
    %sign3A_1454 = arith.cmpi slt, %add3A_1447, %sign3A_1453 : i32
    %sign3A_1455 = arith.extui %sign3A_1454 : i1 to i32
    %sign3A_1456 = arith.subi %sign3A_1452, %sign3A_1455 : i32
    %sign3A_1457 = arith.constant 0 : i32
    %sign3A_1458 = arith.cmpi sgt, %jit3A_1448, %sign3A_1457 : i32
    %sign3A_1459 = arith.extui %sign3A_1458 : i1 to i32
    %sign3A_1460 = arith.constant 0 : i32
    %sign3A_1461 = arith.cmpi slt, %jit3A_1448, %sign3A_1460 : i32
    %sign3A_1462 = arith.extui %sign3A_1461 : i1 to i32
    %sign3A_1463 = arith.subi %sign3A_1459, %sign3A_1462 : i32
    %ne3A_1464 = arith.cmpi ne, %sign3A_1456, %sign3A_1463 : i32
    %rem3A_1465 = arith.remsi %add3A_1447, %jit3A_1448 : i32
    %ne3A_1466 = arith.constant 0 : i32
    %ne3A_1467 = arith.cmpi ne, %rem3A_1465, %ne3A_1466 : i32
    %and3A_1468 = arith.andi %ne3A_1464, %ne3A_1467 : i1
    %sub3A_1469 = arith.constant 1 : i32
    %sub3A_1470 = arith.subi %div3A_1449, %sub3A_1469 : i32
    %select_n3A_1471 = arith.select %and3A_1468, %sub3A_1470, %div3A_1449 : i32
    %add3A_1472 = arith.constant 12 : i32
    %add3A_1473 = arith.addi %add3A_1472, %select_n3A_1471 : i32
    %jit3A_1474 = arith.constant 512 : i32
    %eq3A_1475 = arith.constant 0 : i32
    %eq3A_1476 = arith.cmpi eq, %jit3A_1474, %eq3A_1475 : i32
    %jit3A_1477 = arith.constant 1 : i32
    %select_n3A_1478 = arith.select %eq3A_1476, %jit3A_1477, %jit3A_1474 : i32
    %rem3A_1479 = arith.remsi %add3A_1447, %select_n3A_1478 : i32
    %ne3A_1480 = arith.constant 0 : i32
    %ne3A_1481 = arith.cmpi ne, %rem3A_1479, %ne3A_1480 : i32
    %lt3A_1482 = arith.constant 0 : i32
    %lt3A_1483 = arith.cmpi slt, %rem3A_1479, %lt3A_1482 : i32
    %lt3A_1484 = arith.constant 0 : i32
    %lt3A_1485 = arith.cmpi slt, %select_n3A_1478, %lt3A_1484 : i32
    %ne3A_1486 = arith.xori %lt3A_1483, %lt3A_1485 : i1
    %and3A_1487 = arith.andi %ne3A_1486, %ne3A_1481 : i1
    %add3A_1488 = arith.addi %rem3A_1479, %select_n3A_1478 : i32
    %select_n3A_1489 = arith.select %and3A_1487, %add3A_1488, %rem3A_1479 : i32
    %dma_wait3A_1490 = arith.constant 0 : i32
    %dma_wait3A_1491 = arith.constant 0 : i32
    %dma_wait3A_1492 = arith.constant 0 : i32
    %dma_wait3A_1493 = arith.constant 0 : i32
    %dma_wait3A_1494 = tpu.memref_slice %arg8[%dma_wait3A_1491, %dma_wait3A_1492, %dma_wait3A_1493] : memref<3x16x512xf32, #tpu.memory_space<vmem>> -> memref<1x16x512xf32, #tpu.memory_space<vmem>>
    %dma_wait3A_1495 = tpu.memref_squeeze %dma_wait3A_1494 : memref<1x16x512xf32, #tpu.memory_space<vmem>> -> memref<16x512xf32, #tpu.memory_space<vmem>>
    %dma_wait3A_1496 = arith.constant 0 : i32
    %dma_wait3A_1497 = tpu.memref_slice %arg4[%add3A_1473, %dma_wait3A_1490, %select_n3A_1489, %dma_wait3A_1496] : memref<16x1x512x512xf32, #tpu.memory_space<hbm>> -> memref<1x1x16x512xf32, #tpu.memory_space<hbm>>
    %dma_wait3A_1498 = tpu.memref_squeeze %dma_wait3A_1497 : memref<1x1x16x512xf32, #tpu.memory_space<hbm>> -> memref<16x512xf32, #tpu.memory_space<hbm>>
    %dma_wait3A_1499 = arith.constant 0 : i32
    %dma_wait3A_1500 = arith.constant 0 : i32
    %dma_wait3A_1501 = tpu.memref_slice %arg8[%dma_wait3A_1491, %dma_wait3A_1499, %dma_wait3A_1500] : memref<3x16x512xf32, #tpu.memory_space<vmem>> -> memref<1x16x512xf32, #tpu.memory_space<vmem>>
    %dma_wait3A_1502 = tpu.memref_squeeze %dma_wait3A_1501 : memref<1x16x512xf32, #tpu.memory_space<vmem>> -> memref<16x512xf32, #tpu.memory_space<vmem>>
    %dma_wait3A_1503 = arith.constant 0 : i32
    %dma_wait3A_1504 = tpu.memref_slice %arg4[%add3A_1473, %dma_wait3A_1490, %select_n3A_1489, %dma_wait3A_1503] : memref<16x1x512x512xf32, #tpu.memory_space<hbm>> -> memref<1x1x16x512xf32, #tpu.memory_space<hbm>>
    %dma_wait3A_1505 = tpu.memref_squeeze %dma_wait3A_1504 : memref<1x1x16x512xf32, #tpu.memory_space<hbm>> -> memref<16x512xf32, #tpu.memory_space<hbm>>
    tpu.wait_dma2 semaphore(%arg10 : memref<!tpu.dma_semaphore, #tpu.memory_space<semaphore_mem>>) src(%dma_wait3A_1505 : memref<16x512xf32, #tpu.memory_space<hbm>>) dst(%dma_wait3A_1502 : memref<16x512xf32, #tpu.memory_space<vmem>>)
    %scan3A_1506 = arith.constant 0 : i32
    %scan3A_1507 = arith.constant 0 : i32
    %scan3A_1508 = arith.constant 0 : i32
    %scan3A_1509 = arith.constant 0 : i32
    %scan3A_1510 = arith.constant 64 : i32
    %scan3A_1511 = arith.addi %scan3A_1509, %scan3A_1510 : i32
    %scan3A_1512 = arith.constant 1 : i32
    %scan3A_1513:16 = scf.for %scan3A_1538 = %scan3A_1509 to %scan3A_1511 step %scan3A_1512 iter_args(%scan3A_1539 = %scan3A_1318#0, %scan3A_1540 = %scan3A_1318#1, %scan3A_1541 = %scan3A_1318#2, %scan3A_1542 = %scan3A_1318#3, %scan3A_1543 = %scan3A_1318#4, %scan3A_1544 = %scan3A_1318#5, %scan3A_1545 = %scan3A_1318#6, %scan3A_1546 = %scan3A_1318#7, %scan3A_1547 = %scan3A_1318#8, %scan3A_1548 = %scan3A_1318#9, %scan3A_1549 = %scan3A_1318#10, %scan3A_1550 = %scan3A_1318#11, %scan3A_1551 = %scan3A_1318#12, %scan3A_1552 = %scan3A_1318#13, %scan3A_1553 = %scan3A_1318#14, %scan3A_1554 = %scan3A_1318#15) -> (vector<16xf32>, vector<16xf32>, vector<16xf32>, vector<16xf32>, vector<16xf32>, vector<16xf32>, vector<16xf32>, vector<16xf32>, vector<16xi32>, vector<16xi32>, vector<16xi32>, vector<16xi32>, vector<16xi32>, vector<16xi32>, vector<16xi32>, vector<16xi32>)  : i32 {
      %jit3A_1555 = arith.constant 4 : i32
      %div3A_1556 = arith.divsi %scan3A_1538, %jit3A_1555 : i32
      %sign3A_1557 = arith.constant 0 : i32
      %sign3A_1558 = arith.cmpi sgt, %scan3A_1538, %sign3A_1557 : i32
      %sign3A_1559 = arith.extui %sign3A_1558 : i1 to i32
      %sign3A_1560 = arith.constant 0 : i32
      %sign3A_1561 = arith.cmpi slt, %scan3A_1538, %sign3A_1560 : i32
      %sign3A_1562 = arith.extui %sign3A_1561 : i1 to i32
      %sign3A_1563 = arith.subi %sign3A_1559, %sign3A_1562 : i32
      %sign3A_1564 = arith.constant 0 : i32
      %sign3A_1565 = arith.cmpi sgt, %jit3A_1555, %sign3A_1564 : i32
      %sign3A_1566 = arith.extui %sign3A_1565 : i1 to i32
      %sign3A_1567 = arith.constant 0 : i32
      %sign3A_1568 = arith.cmpi slt, %jit3A_1555, %sign3A_1567 : i32
      %sign3A_1569 = arith.extui %sign3A_1568 : i1 to i32
      %sign3A_1570 = arith.subi %sign3A_1566, %sign3A_1569 : i32
      %ne3A_1571 = arith.cmpi ne, %sign3A_1563, %sign3A_1570 : i32
      %rem3A_1572 = arith.remsi %scan3A_1538, %jit3A_1555 : i32
      %ne3A_1573 = arith.constant 0 : i32
      %ne3A_1574 = arith.cmpi ne, %rem3A_1572, %ne3A_1573 : i32
      %and3A_1575 = arith.andi %ne3A_1571, %ne3A_1574 : i1
      %sub3A_1576 = arith.constant 1 : i32
      %sub3A_1577 = arith.subi %div3A_1556, %sub3A_1576 : i32
      %select_n3A_1578 = arith.select %and3A_1575, %sub3A_1577, %div3A_1556 : i32
      %jit3A_1579 = arith.constant 4 : i32
      %eq3A_1580 = arith.constant 0 : i32
      %eq3A_1581 = arith.cmpi eq, %jit3A_1579, %eq3A_1580 : i32
      %jit3A_1582 = arith.constant 1 : i32
      %select_n3A_1583 = arith.select %eq3A_1581, %jit3A_1582, %jit3A_1579 : i32
      %rem3A_1584 = arith.remsi %scan3A_1538, %select_n3A_1583 : i32
      %ne3A_1585 = arith.constant 0 : i32
      %ne3A_1586 = arith.cmpi ne, %rem3A_1584, %ne3A_1585 : i32
      %lt3A_1587 = arith.constant 0 : i32
      %lt3A_1588 = arith.cmpi slt, %rem3A_1584, %lt3A_1587 : i32
      %lt3A_1589 = arith.constant 0 : i32
      %lt3A_1590 = arith.cmpi slt, %select_n3A_1583, %lt3A_1589 : i32
      %ne3A_1591 = arith.xori %lt3A_1588, %lt3A_1590 : i1
      %and3A_1592 = arith.andi %ne3A_1591, %ne3A_1586 : i1
      %add3A_1593 = arith.addi %rem3A_1584, %select_n3A_1583 : i32
      %select_n3A_1594 = arith.select %and3A_1592, %add3A_1593, %rem3A_1584 : i32
      %mul3A_1595 = arith.constant 128 : i32
      %mul3A_1596 = arith.muli %select_n3A_1594, %mul3A_1595 : i32
      %add3A_1597 = arith.constant 0 : i32
      %add3A_1598 = arith.addi %mul3A_1596, %add3A_1597 : i32
      %get3A = arith.constant 0 : i32
      %get3A_1599 = arith.constant 0 : i32
      %get3A_1600 = tpu.memref_slice %arg6[%scan3A_1506, %get3A, %get3A_1599] : memref<3x16x512xf32, #tpu.memory_space<vmem>> -> memref<1x16x512xf32, #tpu.memory_space<vmem>>
      %get3A_1601 = tpu.memref_squeeze %get3A_1600 : memref<1x16x512xf32, #tpu.memory_space<vmem>> -> memref<16x512xf32, #tpu.memory_space<vmem>>
      %get3A_1602 = arith.index_cast %select_n3A_1578 : i32 to index
      %get3A_1603 = arith.index_cast %add3A_1598 : i32 to index
      %get3A_1604 = tpu.vector_load %get3A_1601[%get3A_1602, %get3A_1603] {strides = array<i32>} : memref<16x512xf32, #tpu.memory_space<vmem>>, vector<1x16xf32>,
      %get3A_1605 = vector.shape_cast %get3A_1604 : vector<1x16xf32> to vector<16xf32>
      %get3A_1606 = arith.constant 0 : i32
      %get3A_1607 = arith.constant 0 : i32
      %get3A_1608 = tpu.memref_slice %arg7[%scan3A_1507, %get3A_1606, %get3A_1607] : memref<3x16x512xf32, #tpu.memory_space<vmem>> -> memref<1x16x512xf32, #tpu.memory_space<vmem>>
      %get3A_1609 = tpu.memref_squeeze %get3A_1608 : memref<1x16x512xf32, #tpu.memory_space<vmem>> -> memref<16x512xf32, #tpu.memory_space<vmem>>
      %get3A_1610 = arith.index_cast %select_n3A_1578 : i32 to index
      %get3A_1611 = arith.index_cast %add3A_1598 : i32 to index
      %get3A_1612 = tpu.vector_load %get3A_1609[%get3A_1610, %get3A_1611] {strides = array<i32>} : memref<16x512xf32, #tpu.memory_space<vmem>>, vector<1x16xf32>,
      %get3A_1613 = vector.shape_cast %get3A_1612 : vector<1x16xf32> to vector<16xf32>
      %get3A_1614 = arith.constant 0 : i32
      %get3A_1615 = arith.constant 0 : i32
      %get3A_1616 = tpu.memref_slice %arg8[%scan3A_1508, %get3A_1614, %get3A_1615] : memref<3x16x512xf32, #tpu.memory_space<vmem>> -> memref<1x16x512xf32, #tpu.memory_space<vmem>>
      %get3A_1617 = tpu.memref_squeeze %get3A_1616 : memref<1x16x512xf32, #tpu.memory_space<vmem>> -> memref<16x512xf32, #tpu.memory_space<vmem>>
      %get3A_1618 = arith.index_cast %select_n3A_1578 : i32 to index
      %get3A_1619 = arith.index_cast %add3A_1598 : i32 to index
      %get3A_1620 = tpu.vector_load %get3A_1617[%get3A_1618, %get3A_1619] {strides = array<i32>} : memref<16x512xf32, #tpu.memory_space<vmem>>, vector<1x16xf32>,
      %get3A_1621 = vector.shape_cast %get3A_1620 : vector<1x16xf32> to vector<16xf32>
      %mul3A_1622 = arith.constant 1.000000e+01 : f32
      %mul3A_1623 = vector.broadcast %mul3A_1622 : f32 to vector<16xf32>
      %mul3A_1624 = arith.mulf %get3A_1613, %mul3A_1623 : vector<16xf32>
      %convert_element_type3A_1625 = arith.fptosi %mul3A_1624 : vector<16xf32> to vector<16xi32>
      %convert_element_type3A_1626 = arith.sitofp %convert_element_type3A_1625 : vector<16xi32> to vector<16xf32>
      %gt3A = arith.constant 0.000000e+00 : f32
      %gt3A_1627 = vector.broadcast %gt3A : f32 to vector<16xf32>
      %gt3A_1628 = arith.cmpf ogt, %get3A_1621, %gt3A_1627 : vector<16xf32>
      %jit3A_1629 = arith.constant 0.000000e+00 : f32
      %broadcast_in_dim3A_1630 = vector.broadcast %jit3A_1629 : f32 to vector<16xf32>
      %select_n3A_1631 = arith.select %gt3A_1628, %convert_element_type3A_1626, %broadcast_in_dim3A_1630 : vector<16xi1>, vector<16xf32>
      %sub3A_1632 = arith.subf %get3A_1605, %get3A_1613 : vector<16xf32>
      %mul3A_1633 = arith.mulf %sub3A_1632, %sub3A_1632 : vector<16xf32>
      %mul3A_1634 = arith.mulf %select_n3A_1631, %mul3A_1633 : vector<16xf32>
      %add3A_1635 = arith.addf %scan3A_1539, %mul3A_1634 : vector<16xf32>
      %jit3A_1636 = arith.constant 1 : i32
      %jit3A_1637 = arith.constant 0 : i32
      %broadcast_in_dim3A_1638 = vector.broadcast %jit3A_1636 : i32 to vector<16xi32>
      %broadcast_in_dim3A_1639 = vector.broadcast %jit3A_1637 : i32 to vector<16xi32>
      %select_n3A_1640 = arith.select %gt3A_1628, %broadcast_in_dim3A_1638, %broadcast_in_dim3A_1639 : vector<16xi1>, vector<16xi32>
      %add3A_1641 = arith.addi %scan3A_1547, %select_n3A_1640 : vector<16xi32>
      %add3A_1642 = arith.constant 16 : i32
      %add3A_1643 = arith.addi %mul3A_1596, %add3A_1642 : i32
      %get3A_1644 = arith.constant 0 : i32
      %get3A_1645 = arith.constant 0 : i32
      %get3A_1646 = tpu.memref_slice %arg6[%scan3A_1506, %get3A_1644, %get3A_1645] : memref<3x16x512xf32, #tpu.memory_space<vmem>> -> memref<1x16x512xf32, #tpu.memory_space<vmem>>
      %get3A_1647 = tpu.memref_squeeze %get3A_1646 : memref<1x16x512xf32, #tpu.memory_space<vmem>> -> memref<16x512xf32, #tpu.memory_space<vmem>>
      %get3A_1648 = arith.index_cast %select_n3A_1578 : i32 to index
      %get3A_1649 = arith.index_cast %add3A_1643 : i32 to index
      %get3A_1650 = tpu.vector_load %get3A_1647[%get3A_1648, %get3A_1649] {strides = array<i32>} : memref<16x512xf32, #tpu.memory_space<vmem>>, vector<1x16xf32>,
      %get3A_1651 = vector.shape_cast %get3A_1650 : vector<1x16xf32> to vector<16xf32>
      %get3A_1652 = arith.constant 0 : i32
      %get3A_1653 = arith.constant 0 : i32
      %get3A_1654 = tpu.memref_slice %arg7[%scan3A_1507, %get3A_1652, %get3A_1653] : memref<3x16x512xf32, #tpu.memory_space<vmem>> -> memref<1x16x512xf32, #tpu.memory_space<vmem>>
      %get3A_1655 = tpu.memref_squeeze %get3A_1654 : memref<1x16x512xf32, #tpu.memory_space<vmem>> -> memref<16x512xf32, #tpu.memory_space<vmem>>
      %get3A_1656 = arith.index_cast %select_n3A_1578 : i32 to index
      %get3A_1657 = arith.index_cast %add3A_1643 : i32 to index
      %get3A_1658 = tpu.vector_load %get3A_1655[%get3A_1656, %get3A_1657] {strides = array<i32>} : memref<16x512xf32, #tpu.memory_space<vmem>>, vector<1x16xf32>,
      %get3A_1659 = vector.shape_cast %get3A_1658 : vector<1x16xf32> to vector<16xf32>
      %get3A_1660 = arith.constant 0 : i32
      %get3A_1661 = arith.constant 0 : i32
      %get3A_1662 = tpu.memref_slice %arg8[%scan3A_1508, %get3A_1660, %get3A_1661] : memref<3x16x512xf32, #tpu.memory_space<vmem>> -> memref<1x16x512xf32, #tpu.memory_space<vmem>>
      %get3A_1663 = tpu.memref_squeeze %get3A_1662 : memref<1x16x512xf32, #tpu.memory_space<vmem>> -> memref<16x512xf32, #tpu.memory_space<vmem>>
      %get3A_1664 = arith.index_cast %select_n3A_1578 : i32 to index
      %get3A_1665 = arith.index_cast %add3A_1643 : i32 to index
      %get3A_1666 = tpu.vector_load %get3A_1663[%get3A_1664, %get3A_1665] {strides = array<i32>} : memref<16x512xf32, #tpu.memory_space<vmem>>, vector<1x16xf32>,
      %get3A_1667 = vector.shape_cast %get3A_1666 : vector<1x16xf32> to vector<16xf32>
      %mul3A_1668 = arith.constant 1.000000e+01 : f32
      %mul3A_1669 = vector.broadcast %mul3A_1668 : f32 to vector<16xf32>
      %mul3A_1670 = arith.mulf %get3A_1659, %mul3A_1669 : vector<16xf32>
      %convert_element_type3A_1671 = arith.fptosi %mul3A_1670 : vector<16xf32> to vector<16xi32>
      %convert_element_type3A_1672 = arith.sitofp %convert_element_type3A_1671 : vector<16xi32> to vector<16xf32>
      %gt3A_1673 = arith.constant 0.000000e+00 : f32
      %gt3A_1674 = vector.broadcast %gt3A_1673 : f32 to vector<16xf32>
      %gt3A_1675 = arith.cmpf ogt, %get3A_1667, %gt3A_1674 : vector<16xf32>
      %jit3A_1676 = arith.constant 0.000000e+00 : f32
      %broadcast_in_dim3A_1677 = vector.broadcast %jit3A_1676 : f32 to vector<16xf32>
      %select_n3A_1678 = arith.select %gt3A_1675, %convert_element_type3A_1672, %broadcast_in_dim3A_1677 : vector<16xi1>, vector<16xf32>
      %sub3A_1679 = arith.subf %get3A_1651, %get3A_1659 : vector<16xf32>
      %mul3A_1680 = arith.mulf %sub3A_1679, %sub3A_1679 : vector<16xf32>
      %mul3A_1681 = arith.mulf %select_n3A_1678, %mul3A_1680 : vector<16xf32>
      %add3A_1682 = arith.addf %scan3A_1540, %mul3A_1681 : vector<16xf32>
      %jit3A_1683 = arith.constant 1 : i32
      %jit3A_1684 = arith.constant 0 : i32
      %broadcast_in_dim3A_1685 = vector.broadcast %jit3A_1683 : i32 to vector<16xi32>
      %broadcast_in_dim3A_1686 = vector.broadcast %jit3A_1684 : i32 to vector<16xi32>
      %select_n3A_1687 = arith.select %gt3A_1675, %broadcast_in_dim3A_1685, %broadcast_in_dim3A_1686 : vector<16xi1>, vector<16xi32>
      %add3A_1688 = arith.addi %scan3A_1548, %select_n3A_1687 : vector<16xi32>
      %add3A_1689 = arith.constant 32 : i32
      %add3A_1690 = arith.addi %mul3A_1596, %add3A_1689 : i32
      %get3A_1691 = arith.constant 0 : i32
      %get3A_1692 = arith.constant 0 : i32
      %get3A_1693 = tpu.memref_slice %arg6[%scan3A_1506, %get3A_1691, %get3A_1692] : memref<3x16x512xf32, #tpu.memory_space<vmem>> -> memref<1x16x512xf32, #tpu.memory_space<vmem>>
      %get3A_1694 = tpu.memref_squeeze %get3A_1693 : memref<1x16x512xf32, #tpu.memory_space<vmem>> -> memref<16x512xf32, #tpu.memory_space<vmem>>
      %get3A_1695 = arith.index_cast %select_n3A_1578 : i32 to index
      %get3A_1696 = arith.index_cast %add3A_1690 : i32 to index
      %get3A_1697 = tpu.vector_load %get3A_1694[%get3A_1695, %get3A_1696] {strides = array<i32>} : memref<16x512xf32, #tpu.memory_space<vmem>>, vector<1x16xf32>,
      %get3A_1698 = vector.shape_cast %get3A_1697 : vector<1x16xf32> to vector<16xf32>
      %get3A_1699 = arith.constant 0 : i32
      %get3A_1700 = arith.constant 0 : i32
      %get3A_1701 = tpu.memref_slice %arg7[%scan3A_1507, %get3A_1699, %get3A_1700] : memref<3x16x512xf32, #tpu.memory_space<vmem>> -> memref<1x16x512xf32, #tpu.memory_space<vmem>>
      %get3A_1702 = tpu.memref_squeeze %get3A_1701 : memref<1x16x512xf32, #tpu.memory_space<vmem>> -> memref<16x512xf32, #tpu.memory_space<vmem>>
      %get3A_1703 = arith.index_cast %select_n3A_1578 : i32 to index
      %get3A_1704 = arith.index_cast %add3A_1690 : i32 to index
      %get3A_1705 = tpu.vector_load %get3A_1702[%get3A_1703, %get3A_1704] {strides = array<i32>} : memref<16x512xf32, #tpu.memory_space<vmem>>, vector<1x16xf32>,
      %get3A_1706 = vector.shape_cast %get3A_1705 : vector<1x16xf32> to vector<16xf32>
      %get3A_1707 = arith.constant 0 : i32
      %get3A_1708 = arith.constant 0 : i32
      %get3A_1709 = tpu.memref_slice %arg8[%scan3A_1508, %get3A_1707, %get3A_1708] : memref<3x16x512xf32, #tpu.memory_space<vmem>> -> memref<1x16x512xf32, #tpu.memory_space<vmem>>
      %get3A_1710 = tpu.memref_squeeze %get3A_1709 : memref<1x16x512xf32, #tpu.memory_space<vmem>> -> memref<16x512xf32, #tpu.memory_space<vmem>>
      %get3A_1711 = arith.index_cast %select_n3A_1578 : i32 to index
      %get3A_1712 = arith.index_cast %add3A_1690 : i32 to index
      %get3A_1713 = tpu.vector_load %get3A_1710[%get3A_1711, %get3A_1712] {strides = array<i32>} : memref<16x512xf32, #tpu.memory_space<vmem>>, vector<1x16xf32>,
      %get3A_1714 = vector.shape_cast %get3A_1713 : vector<1x16xf32> to vector<16xf32>
      %mul3A_1715 = arith.constant 1.000000e+01 : f32
      %mul3A_1716 = vector.broadcast %mul3A_1715 : f32 to vector<16xf32>
      %mul3A_1717 = arith.mulf %get3A_1706, %mul3A_1716 : vector<16xf32>
      %convert_element_type3A_1718 = arith.fptosi %mul3A_1717 : vector<16xf32> to vector<16xi32>
      %convert_element_type3A_1719 = arith.sitofp %convert_element_type3A_1718 : vector<16xi32> to vector<16xf32>
      %gt3A_1720 = arith.constant 0.000000e+00 : f32
      %gt3A_1721 = vector.broadcast %gt3A_1720 : f32 to vector<16xf32>
      %gt3A_1722 = arith.cmpf ogt, %get3A_1714, %gt3A_1721 : vector<16xf32>
      %jit3A_1723 = arith.constant 0.000000e+00 : f32
      %broadcast_in_dim3A_1724 = vector.broadcast %jit3A_1723 : f32 to vector<16xf32>
      %select_n3A_1725 = arith.select %gt3A_1722, %convert_element_type3A_1719, %broadcast_in_dim3A_1724 : vector<16xi1>, vector<16xf32>
      %sub3A_1726 = arith.subf %get3A_1698, %get3A_1706 : vector<16xf32>
      %mul3A_1727 = arith.mulf %sub3A_1726, %sub3A_1726 : vector<16xf32>
      %mul3A_1728 = arith.mulf %select_n3A_1725, %mul3A_1727 : vector<16xf32>
      %add3A_1729 = arith.addf %scan3A_1541, %mul3A_1728 : vector<16xf32>
      %jit3A_1730 = arith.constant 1 : i32
      %jit3A_1731 = arith.constant 0 : i32
      %broadcast_in_dim3A_1732 = vector.broadcast %jit3A_1730 : i32 to vector<16xi32>
      %broadcast_in_dim3A_1733 = vector.broadcast %jit3A_1731 : i32 to vector<16xi32>
      %select_n3A_1734 = arith.select %gt3A_1722, %broadcast_in_dim3A_1732, %broadcast_in_dim3A_1733 : vector<16xi1>, vector<16xi32>
      %add3A_1735 = arith.addi %scan3A_1549, %select_n3A_1734 : vector<16xi32>
      %add3A_1736 = arith.constant 48 : i32
      %add3A_1737 = arith.addi %mul3A_1596, %add3A_1736 : i32
      %get3A_1738 = arith.constant 0 : i32
      %get3A_1739 = arith.constant 0 : i32
      %get3A_1740 = tpu.memref_slice %arg6[%scan3A_1506, %get3A_1738, %get3A_1739] : memref<3x16x512xf32, #tpu.memory_space<vmem>> -> memref<1x16x512xf32, #tpu.memory_space<vmem>>
      %get3A_1741 = tpu.memref_squeeze %get3A_1740 : memref<1x16x512xf32, #tpu.memory_space<vmem>> -> memref<16x512xf32, #tpu.memory_space<vmem>>
      %get3A_1742 = arith.index_cast %select_n3A_1578 : i32 to index
      %get3A_1743 = arith.index_cast %add3A_1737 : i32 to index
      %get3A_1744 = tpu.vector_load %get3A_1741[%get3A_1742, %get3A_1743] {strides = array<i32>} : memref<16x512xf32, #tpu.memory_space<vmem>>, vector<1x16xf32>,
      %get3A_1745 = vector.shape_cast %get3A_1744 : vector<1x16xf32> to vector<16xf32>
      %get3A_1746 = arith.constant 0 : i32
      %get3A_1747 = arith.constant 0 : i32
      %get3A_1748 = tpu.memref_slice %arg7[%scan3A_1507, %get3A_1746, %get3A_1747] : memref<3x16x512xf32, #tpu.memory_space<vmem>> -> memref<1x16x512xf32, #tpu.memory_space<vmem>>
      %get3A_1749 = tpu.memref_squeeze %get3A_1748 : memref<1x16x512xf32, #tpu.memory_space<vmem>> -> memref<16x512xf32, #tpu.memory_space<vmem>>
      %get3A_1750 = arith.index_cast %select_n3A_1578 : i32 to index
      %get3A_1751 = arith.index_cast %add3A_1737 : i32 to index
      %get3A_1752 = tpu.vector_load %get3A_1749[%get3A_1750, %get3A_1751] {strides = array<i32>} : memref<16x512xf32, #tpu.memory_space<vmem>>, vector<1x16xf32>,
      %get3A_1753 = vector.shape_cast %get3A_1752 : vector<1x16xf32> to vector<16xf32>
      %get3A_1754 = arith.constant 0 : i32
      %get3A_1755 = arith.constant 0 : i32
      %get3A_1756 = tpu.memref_slice %arg8[%scan3A_1508, %get3A_1754, %get3A_1755] : memref<3x16x512xf32, #tpu.memory_space<vmem>> -> memref<1x16x512xf32, #tpu.memory_space<vmem>>
      %get3A_1757 = tpu.memref_squeeze %get3A_1756 : memref<1x16x512xf32, #tpu.memory_space<vmem>> -> memref<16x512xf32, #tpu.memory_space<vmem>>
      %get3A_1758 = arith.index_cast %select_n3A_1578 : i32 to index
      %get3A_1759 = arith.index_cast %add3A_1737 : i32 to index
      %get3A_1760 = tpu.vector_load %get3A_1757[%get3A_1758, %get3A_1759] {strides = array<i32>} : memref<16x512xf32, #tpu.memory_space<vmem>>, vector<1x16xf32>,
      %get3A_1761 = vector.shape_cast %get3A_1760 : vector<1x16xf32> to vector<16xf32>
      %mul3A_1762 = arith.constant 1.000000e+01 : f32
      %mul3A_1763 = vector.broadcast %mul3A_1762 : f32 to vector<16xf32>
      %mul3A_1764 = arith.mulf %get3A_1753, %mul3A_1763 : vector<16xf32>
      %convert_element_type3A_1765 = arith.fptosi %mul3A_1764 : vector<16xf32> to vector<16xi32>
      %convert_element_type3A_1766 = arith.sitofp %convert_element_type3A_1765 : vector<16xi32> to vector<16xf32>
      %gt3A_1767 = arith.constant 0.000000e+00 : f32
      %gt3A_1768 = vector.broadcast %gt3A_1767 : f32 to vector<16xf32>
      %gt3A_1769 = arith.cmpf ogt, %get3A_1761, %gt3A_1768 : vector<16xf32>
      %jit3A_1770 = arith.constant 0.000000e+00 : f32
      %broadcast_in_dim3A_1771 = vector.broadcast %jit3A_1770 : f32 to vector<16xf32>
      %select_n3A_1772 = arith.select %gt3A_1769, %convert_element_type3A_1766, %broadcast_in_dim3A_1771 : vector<16xi1>, vector<16xf32>
      %sub3A_1773 = arith.subf %get3A_1745, %get3A_1753 : vector<16xf32>
      %mul3A_1774 = arith.mulf %sub3A_1773, %sub3A_1773 : vector<16xf32>
      %mul3A_1775 = arith.mulf %select_n3A_1772, %mul3A_1774 : vector<16xf32>
      %add3A_1776 = arith.addf %scan3A_1542, %mul3A_1775 : vector<16xf32>
      %jit3A_1777 = arith.constant 1 : i32
      %jit3A_1778 = arith.constant 0 : i32
      %broadcast_in_dim3A_1779 = vector.broadcast %jit3A_1777 : i32 to vector<16xi32>
      %broadcast_in_dim3A_1780 = vector.broadcast %jit3A_1778 : i32 to vector<16xi32>
      %select_n3A_1781 = arith.select %gt3A_1769, %broadcast_in_dim3A_1779, %broadcast_in_dim3A_1780 : vector<16xi1>, vector<16xi32>
      %add3A_1782 = arith.addi %scan3A_1550, %select_n3A_1781 : vector<16xi32>
      %add3A_1783 = arith.constant 64 : i32
      %add3A_1784 = arith.addi %mul3A_1596, %add3A_1783 : i32
      %get3A_1785 = arith.constant 0 : i32
      %get3A_1786 = arith.constant 0 : i32
      %get3A_1787 = tpu.memref_slice %arg6[%scan3A_1506, %get3A_1785, %get3A_1786] : memref<3x16x512xf32, #tpu.memory_space<vmem>> -> memref<1x16x512xf32, #tpu.memory_space<vmem>>
      %get3A_1788 = tpu.memref_squeeze %get3A_1787 : memref<1x16x512xf32, #tpu.memory_space<vmem>> -> memref<16x512xf32, #tpu.memory_space<vmem>>
      %get3A_1789 = arith.index_cast %select_n3A_1578 : i32 to index
      %get3A_1790 = arith.index_cast %add3A_1784 : i32 to index
      %get3A_1791 = tpu.vector_load %get3A_1788[%get3A_1789, %get3A_1790] {strides = array<i32>} : memref<16x512xf32, #tpu.memory_space<vmem>>, vector<1x16xf32>,
      %get3A_1792 = vector.shape_cast %get3A_1791 : vector<1x16xf32> to vector<16xf32>
      %get3A_1793 = arith.constant 0 : i32
      %get3A_1794 = arith.constant 0 : i32
      %get3A_1795 = tpu.memref_slice %arg7[%scan3A_1507, %get3A_1793, %get3A_1794] : memref<3x16x512xf32, #tpu.memory_space<vmem>> -> memref<1x16x512xf32, #tpu.memory_space<vmem>>
      %get3A_1796 = tpu.memref_squeeze %get3A_1795 : memref<1x16x512xf32, #tpu.memory_space<vmem>> -> memref<16x512xf32, #tpu.memory_space<vmem>>
      %get3A_1797 = arith.index_cast %select_n3A_1578 : i32 to index
      %get3A_1798 = arith.index_cast %add3A_1784 : i32 to index
      %get3A_1799 = tpu.vector_load %get3A_1796[%get3A_1797, %get3A_1798] {strides = array<i32>} : memref<16x512xf32, #tpu.memory_space<vmem>>, vector<1x16xf32>,
      %get3A_1800 = vector.shape_cast %get3A_1799 : vector<1x16xf32> to vector<16xf32>
      %get3A_1801 = arith.constant 0 : i32
      %get3A_1802 = arith.constant 0 : i32
      %get3A_1803 = tpu.memref_slice %arg8[%scan3A_1508, %get3A_1801, %get3A_1802] : memref<3x16x512xf32, #tpu.memory_space<vmem>> -> memref<1x16x512xf32, #tpu.memory_space<vmem>>
      %get3A_1804 = tpu.memref_squeeze %get3A_1803 : memref<1x16x512xf32, #tpu.memory_space<vmem>> -> memref<16x512xf32, #tpu.memory_space<vmem>>
      %get3A_1805 = arith.index_cast %select_n3A_1578 : i32 to index
      %get3A_1806 = arith.index_cast %add3A_1784 : i32 to index
      %get3A_1807 = tpu.vector_load %get3A_1804[%get3A_1805, %get3A_1806] {strides = array<i32>} : memref<16x512xf32, #tpu.memory_space<vmem>>, vector<1x16xf32>,
      %get3A_1808 = vector.shape_cast %get3A_1807 : vector<1x16xf32> to vector<16xf32>
      %mul3A_1809 = arith.constant 1.000000e+01 : f32
      %mul3A_1810 = vector.broadcast %mul3A_1809 : f32 to vector<16xf32>
      %mul3A_1811 = arith.mulf %get3A_1800, %mul3A_1810 : vector<16xf32>
      %convert_element_type3A_1812 = arith.fptosi %mul3A_1811 : vector<16xf32> to vector<16xi32>
      %convert_element_type3A_1813 = arith.sitofp %convert_element_type3A_1812 : vector<16xi32> to vector<16xf32>
      %gt3A_1814 = arith.constant 0.000000e+00 : f32
      %gt3A_1815 = vector.broadcast %gt3A_1814 : f32 to vector<16xf32>
      %gt3A_1816 = arith.cmpf ogt, %get3A_1808, %gt3A_1815 : vector<16xf32>
      %jit3A_1817 = arith.constant 0.000000e+00 : f32
      %broadcast_in_dim3A_1818 = vector.broadcast %jit3A_1817 : f32 to vector<16xf32>
      %select_n3A_1819 = arith.select %gt3A_1816, %convert_element_type3A_1813, %broadcast_in_dim3A_1818 : vector<16xi1>, vector<16xf32>
      %sub3A_1820 = arith.subf %get3A_1792, %get3A_1800 : vector<16xf32>
      %mul3A_1821 = arith.mulf %sub3A_1820, %sub3A_1820 : vector<16xf32>
      %mul3A_1822 = arith.mulf %select_n3A_1819, %mul3A_1821 : vector<16xf32>
      %add3A_1823 = arith.addf %scan3A_1543, %mul3A_1822 : vector<16xf32>
      %jit3A_1824 = arith.constant 1 : i32
      %jit3A_1825 = arith.constant 0 : i32
      %broadcast_in_dim3A_1826 = vector.broadcast %jit3A_1824 : i32 to vector<16xi32>
      %broadcast_in_dim3A_1827 = vector.broadcast %jit3A_1825 : i32 to vector<16xi32>
      %select_n3A_1828 = arith.select %gt3A_1816, %broadcast_in_dim3A_1826, %broadcast_in_dim3A_1827 : vector<16xi1>, vector<16xi32>
      %add3A_1829 = arith.addi %scan3A_1551, %select_n3A_1828 : vector<16xi32>
      %add3A_1830 = arith.constant 80 : i32
      %add3A_1831 = arith.addi %mul3A_1596, %add3A_1830 : i32
      %get3A_1832 = arith.constant 0 : i32
      %get3A_1833 = arith.constant 0 : i32
      %get3A_1834 = tpu.memref_slice %arg6[%scan3A_1506, %get3A_1832, %get3A_1833] : memref<3x16x512xf32, #tpu.memory_space<vmem>> -> memref<1x16x512xf32, #tpu.memory_space<vmem>>
      %get3A_1835 = tpu.memref_squeeze %get3A_1834 : memref<1x16x512xf32, #tpu.memory_space<vmem>> -> memref<16x512xf32, #tpu.memory_space<vmem>>
      %get3A_1836 = arith.index_cast %select_n3A_1578 : i32 to index
      %get3A_1837 = arith.index_cast %add3A_1831 : i32 to index
      %get3A_1838 = tpu.vector_load %get3A_1835[%get3A_1836, %get3A_1837] {strides = array<i32>} : memref<16x512xf32, #tpu.memory_space<vmem>>, vector<1x16xf32>,
      %get3A_1839 = vector.shape_cast %get3A_1838 : vector<1x16xf32> to vector<16xf32>
      %get3A_1840 = arith.constant 0 : i32
      %get3A_1841 = arith.constant 0 : i32
      %get3A_1842 = tpu.memref_slice %arg7[%scan3A_1507, %get3A_1840, %get3A_1841] : memref<3x16x512xf32, #tpu.memory_space<vmem>> -> memref<1x16x512xf32, #tpu.memory_space<vmem>>
      %get3A_1843 = tpu.memref_squeeze %get3A_1842 : memref<1x16x512xf32, #tpu.memory_space<vmem>> -> memref<16x512xf32, #tpu.memory_space<vmem>>
      %get3A_1844 = arith.index_cast %select_n3A_1578 : i32 to index
      %get3A_1845 = arith.index_cast %add3A_1831 : i32 to index
      %get3A_1846 = tpu.vector_load %get3A_1843[%get3A_1844, %get3A_1845] {strides = array<i32>} : memref<16x512xf32, #tpu.memory_space<vmem>>, vector<1x16xf32>,
      %get3A_1847 = vector.shape_cast %get3A_1846 : vector<1x16xf32> to vector<16xf32>
      %get3A_1848 = arith.constant 0 : i32
      %get3A_1849 = arith.constant 0 : i32
      %get3A_1850 = tpu.memref_slice %arg8[%scan3A_1508, %get3A_1848, %get3A_1849] : memref<3x16x512xf32, #tpu.memory_space<vmem>> -> memref<1x16x512xf32, #tpu.memory_space<vmem>>
      %get3A_1851 = tpu.memref_squeeze %get3A_1850 : memref<1x16x512xf32, #tpu.memory_space<vmem>> -> memref<16x512xf32, #tpu.memory_space<vmem>>
      %get3A_1852 = arith.index_cast %select_n3A_1578 : i32 to index
      %get3A_1853 = arith.index_cast %add3A_1831 : i32 to index
      %get3A_1854 = tpu.vector_load %get3A_1851[%get3A_1852, %get3A_1853] {strides = array<i32>} : memref<16x512xf32, #tpu.memory_space<vmem>>, vector<1x16xf32>,
      %get3A_1855 = vector.shape_cast %get3A_1854 : vector<1x16xf32> to vector<16xf32>
      %mul3A_1856 = arith.constant 1.000000e+01 : f32
      %mul3A_1857 = vector.broadcast %mul3A_1856 : f32 to vector<16xf32>
      %mul3A_1858 = arith.mulf %get3A_1847, %mul3A_1857 : vector<16xf32>
      %convert_element_type3A_1859 = arith.fptosi %mul3A_1858 : vector<16xf32> to vector<16xi32>
      %convert_element_type3A_1860 = arith.sitofp %convert_element_type3A_1859 : vector<16xi32> to vector<16xf32>
      %gt3A_1861 = arith.constant 0.000000e+00 : f32
      %gt3A_1862 = vector.broadcast %gt3A_1861 : f32 to vector<16xf32>
      %gt3A_1863 = arith.cmpf ogt, %get3A_1855, %gt3A_1862 : vector<16xf32>
      %jit3A_1864 = arith.constant 0.000000e+00 : f32
      %broadcast_in_dim3A_1865 = vector.broadcast %jit3A_1864 : f32 to vector<16xf32>
      %select_n3A_1866 = arith.select %gt3A_1863, %convert_element_type3A_1860, %broadcast_in_dim3A_1865 : vector<16xi1>, vector<16xf32>
      %sub3A_1867 = arith.subf %get3A_1839, %get3A_1847 : vector<16xf32>
      %mul3A_1868 = arith.mulf %sub3A_1867, %sub3A_1867 : vector<16xf32>
      %mul3A_1869 = arith.mulf %select_n3A_1866, %mul3A_1868 : vector<16xf32>
      %add3A_1870 = arith.addf %scan3A_1544, %mul3A_1869 : vector<16xf32>
      %jit3A_1871 = arith.constant 1 : i32
      %jit3A_1872 = arith.constant 0 : i32
      %broadcast_in_dim3A_1873 = vector.broadcast %jit3A_1871 : i32 to vector<16xi32>
      %broadcast_in_dim3A_1874 = vector.broadcast %jit3A_1872 : i32 to vector<16xi32>
      %select_n3A_1875 = arith.select %gt3A_1863, %broadcast_in_dim3A_1873, %broadcast_in_dim3A_1874 : vector<16xi1>, vector<16xi32>
      %add3A_1876 = arith.addi %scan3A_1552, %select_n3A_1875 : vector<16xi32>
      %add3A_1877 = arith.constant 96 : i32
      %add3A_1878 = arith.addi %mul3A_1596, %add3A_1877 : i32
      %get3A_1879 = arith.constant 0 : i32
      %get3A_1880 = arith.constant 0 : i32
      %get3A_1881 = tpu.memref_slice %arg6[%scan3A_1506, %get3A_1879, %get3A_1880] : memref<3x16x512xf32, #tpu.memory_space<vmem>> -> memref<1x16x512xf32, #tpu.memory_space<vmem>>
      %get3A_1882 = tpu.memref_squeeze %get3A_1881 : memref<1x16x512xf32, #tpu.memory_space<vmem>> -> memref<16x512xf32, #tpu.memory_space<vmem>>
      %get3A_1883 = arith.index_cast %select_n3A_1578 : i32 to index
      %get3A_1884 = arith.index_cast %add3A_1878 : i32 to index
      %get3A_1885 = tpu.vector_load %get3A_1882[%get3A_1883, %get3A_1884] {strides = array<i32>} : memref<16x512xf32, #tpu.memory_space<vmem>>, vector<1x16xf32>,
      %get3A_1886 = vector.shape_cast %get3A_1885 : vector<1x16xf32> to vector<16xf32>
      %get3A_1887 = arith.constant 0 : i32
      %get3A_1888 = arith.constant 0 : i32
      %get3A_1889 = tpu.memref_slice %arg7[%scan3A_1507, %get3A_1887, %get3A_1888] : memref<3x16x512xf32, #tpu.memory_space<vmem>> -> memref<1x16x512xf32, #tpu.memory_space<vmem>>
      %get3A_1890 = tpu.memref_squeeze %get3A_1889 : memref<1x16x512xf32, #tpu.memory_space<vmem>> -> memref<16x512xf32, #tpu.memory_space<vmem>>
      %get3A_1891 = arith.index_cast %select_n3A_1578 : i32 to index
      %get3A_1892 = arith.index_cast %add3A_1878 : i32 to index
      %get3A_1893 = tpu.vector_load %get3A_1890[%get3A_1891, %get3A_1892] {strides = array<i32>} : memref<16x512xf32, #tpu.memory_space<vmem>>, vector<1x16xf32>,
      %get3A_1894 = vector.shape_cast %get3A_1893 : vector<1x16xf32> to vector<16xf32>
      %get3A_1895 = arith.constant 0 : i32
      %get3A_1896 = arith.constant 0 : i32
      %get3A_1897 = tpu.memref_slice %arg8[%scan3A_1508, %get3A_1895, %get3A_1896] : memref<3x16x512xf32, #tpu.memory_space<vmem>> -> memref<1x16x512xf32, #tpu.memory_space<vmem>>
      %get3A_1898 = tpu.memref_squeeze %get3A_1897 : memref<1x16x512xf32, #tpu.memory_space<vmem>> -> memref<16x512xf32, #tpu.memory_space<vmem>>
      %get3A_1899 = arith.index_cast %select_n3A_1578 : i32 to index
      %get3A_1900 = arith.index_cast %add3A_1878 : i32 to index
      %get3A_1901 = tpu.vector_load %get3A_1898[%get3A_1899, %get3A_1900] {strides = array<i32>} : memref<16x512xf32, #tpu.memory_space<vmem>>, vector<1x16xf32>,
      %get3A_1902 = vector.shape_cast %get3A_1901 : vector<1x16xf32> to vector<16xf32>
      %mul3A_1903 = arith.constant 1.000000e+01 : f32
      %mul3A_1904 = vector.broadcast %mul3A_1903 : f32 to vector<16xf32>
      %mul3A_1905 = arith.mulf %get3A_1894, %mul3A_1904 : vector<16xf32>
      %convert_element_type3A_1906 = arith.fptosi %mul3A_1905 : vector<16xf32> to vector<16xi32>
      %convert_element_type3A_1907 = arith.sitofp %convert_element_type3A_1906 : vector<16xi32> to vector<16xf32>
      %gt3A_1908 = arith.constant 0.000000e+00 : f32
      %gt3A_1909 = vector.broadcast %gt3A_1908 : f32 to vector<16xf32>
      %gt3A_1910 = arith.cmpf ogt, %get3A_1902, %gt3A_1909 : vector<16xf32>
      %jit3A_1911 = arith.constant 0.000000e+00 : f32
      %broadcast_in_dim3A_1912 = vector.broadcast %jit3A_1911 : f32 to vector<16xf32>
      %select_n3A_1913 = arith.select %gt3A_1910, %convert_element_type3A_1907, %broadcast_in_dim3A_1912 : vector<16xi1>, vector<16xf32>
      %sub3A_1914 = arith.subf %get3A_1886, %get3A_1894 : vector<16xf32>
      %mul3A_1915 = arith.mulf %sub3A_1914, %sub3A_1914 : vector<16xf32>
      %mul3A_1916 = arith.mulf %select_n3A_1913, %mul3A_1915 : vector<16xf32>
      %add3A_1917 = arith.addf %scan3A_1545, %mul3A_1916 : vector<16xf32>
      %jit3A_1918 = arith.constant 1 : i32
      %jit3A_1919 = arith.constant 0 : i32
      %broadcast_in_dim3A_1920 = vector.broadcast %jit3A_1918 : i32 to vector<16xi32>
      %broadcast_in_dim3A_1921 = vector.broadcast %jit3A_1919 : i32 to vector<16xi32>
      %select_n3A_1922 = arith.select %gt3A_1910, %broadcast_in_dim3A_1920, %broadcast_in_dim3A_1921 : vector<16xi1>, vector<16xi32>
      %add3A_1923 = arith.addi %scan3A_1553, %select_n3A_1922 : vector<16xi32>
      %add3A_1924 = arith.constant 112 : i32
      %add3A_1925 = arith.addi %mul3A_1596, %add3A_1924 : i32
      %get3A_1926 = arith.constant 0 : i32
      %get3A_1927 = arith.constant 0 : i32
      %get3A_1928 = tpu.memref_slice %arg6[%scan3A_1506, %get3A_1926, %get3A_1927] : memref<3x16x512xf32, #tpu.memory_space<vmem>> -> memref<1x16x512xf32, #tpu.memory_space<vmem>>
      %get3A_1929 = tpu.memref_squeeze %get3A_1928 : memref<1x16x512xf32, #tpu.memory_space<vmem>> -> memref<16x512xf32, #tpu.memory_space<vmem>>
      %get3A_1930 = arith.index_cast %select_n3A_1578 : i32 to index
      %get3A_1931 = arith.index_cast %add3A_1925 : i32 to index
      %get3A_1932 = tpu.vector_load %get3A_1929[%get3A_1930, %get3A_1931] {strides = array<i32>} : memref<16x512xf32, #tpu.memory_space<vmem>>, vector<1x16xf32>,
      %get3A_1933 = vector.shape_cast %get3A_1932 : vector<1x16xf32> to vector<16xf32>
      %get3A_1934 = arith.constant 0 : i32
      %get3A_1935 = arith.constant 0 : i32
      %get3A_1936 = tpu.memref_slice %arg7[%scan3A_1507, %get3A_1934, %get3A_1935] : memref<3x16x512xf32, #tpu.memory_space<vmem>> -> memref<1x16x512xf32, #tpu.memory_space<vmem>>
      %get3A_1937 = tpu.memref_squeeze %get3A_1936 : memref<1x16x512xf32, #tpu.memory_space<vmem>> -> memref<16x512xf32, #tpu.memory_space<vmem>>
      %get3A_1938 = arith.index_cast %select_n3A_1578 : i32 to index
      %get3A_1939 = arith.index_cast %add3A_1925 : i32 to index
      %get3A_1940 = tpu.vector_load %get3A_1937[%get3A_1938, %get3A_1939] {strides = array<i32>} : memref<16x512xf32, #tpu.memory_space<vmem>>, vector<1x16xf32>,
      %get3A_1941 = vector.shape_cast %get3A_1940 : vector<1x16xf32> to vector<16xf32>
      %get3A_1942 = arith.constant 0 : i32
      %get3A_1943 = arith.constant 0 : i32
      %get3A_1944 = tpu.memref_slice %arg8[%scan3A_1508, %get3A_1942, %get3A_1943] : memref<3x16x512xf32, #tpu.memory_space<vmem>> -> memref<1x16x512xf32, #tpu.memory_space<vmem>>
      %get3A_1945 = tpu.memref_squeeze %get3A_1944 : memref<1x16x512xf32, #tpu.memory_space<vmem>> -> memref<16x512xf32, #tpu.memory_space<vmem>>
      %get3A_1946 = arith.index_cast %select_n3A_1578 : i32 to index
      %get3A_1947 = arith.index_cast %add3A_1925 : i32 to index
      %get3A_1948 = tpu.vector_load %get3A_1945[%get3A_1946, %get3A_1947] {strides = array<i32>} : memref<16x512xf32, #tpu.memory_space<vmem>>, vector<1x16xf32>,
      %get3A_1949 = vector.shape_cast %get3A_1948 : vector<1x16xf32> to vector<16xf32>
      %mul3A_1950 = arith.constant 1.000000e+01 : f32
      %mul3A_1951 = vector.broadcast %mul3A_1950 : f32 to vector<16xf32>
      %mul3A_1952 = arith.mulf %get3A_1941, %mul3A_1951 : vector<16xf32>
      %convert_element_type3A_1953 = arith.fptosi %mul3A_1952 : vector<16xf32> to vector<16xi32>
      %convert_element_type3A_1954 = arith.sitofp %convert_element_type3A_1953 : vector<16xi32> to vector<16xf32>
      %gt3A_1955 = arith.constant 0.000000e+00 : f32
      %gt3A_1956 = vector.broadcast %gt3A_1955 : f32 to vector<16xf32>
      %gt3A_1957 = arith.cmpf ogt, %get3A_1949, %gt3A_1956 : vector<16xf32>
      %jit3A_1958 = arith.constant 0.000000e+00 : f32
      %broadcast_in_dim3A_1959 = vector.broadcast %jit3A_1958 : f32 to vector<16xf32>
      %select_n3A_1960 = arith.select %gt3A_1957, %convert_element_type3A_1954, %broadcast_in_dim3A_1959 : vector<16xi1>, vector<16xf32>
      %sub3A_1961 = arith.subf %get3A_1933, %get3A_1941 : vector<16xf32>
      %mul3A_1962 = arith.mulf %sub3A_1961, %sub3A_1961 : vector<16xf32>
      %mul3A_1963 = arith.mulf %select_n3A_1960, %mul3A_1962 : vector<16xf32>
      %add3A_1964 = arith.addf %scan3A_1546, %mul3A_1963 : vector<16xf32>
      %jit3A_1965 = arith.constant 1 : i32
      %jit3A_1966 = arith.constant 0 : i32
      %broadcast_in_dim3A_1967 = vector.broadcast %jit3A_1965 : i32 to vector<16xi32>
      %broadcast_in_dim3A_1968 = vector.broadcast %jit3A_1966 : i32 to vector<16xi32>
      %select_n3A_1969 = arith.select %gt3A_1957, %broadcast_in_dim3A_1967, %broadcast_in_dim3A_1968 : vector<16xi1>, vector<16xi32>
      %add3A_1970 = arith.addi %scan3A_1554, %select_n3A_1969 : vector<16xi32>
      scf.yield %add3A_1635, %add3A_1682, %add3A_1729, %add3A_1776, %add3A_1823, %add3A_1870, %add3A_1917, %add3A_1964, %add3A_1641, %add3A_1688, %add3A_1735, %add3A_1782, %add3A_1829, %add3A_1876, %add3A_1923, %add3A_1970 : vector<16xf32>, vector<16xf32>, vector<16xf32>, vector<16xf32>, vector<16xf32>, vector<16xf32>, vector<16xf32>, vector<16xf32>, vector<16xi32>, vector<16xi32>, vector<16xi32>, vector<16xi32>, vector<16xi32>, vector<16xi32>, vector<16xi32>, vector<16xi32>
    }
    %scan3A_1514 = arith.constant 64 : i32
    %add3A_1515 = arith.addf %scan3A_1513#0, %scan3A_1513#1 : vector<16xf32>
    %add3A_1516 = arith.addf %add3A_1515, %scan3A_1513#2 : vector<16xf32>
    %add3A_1517 = arith.addf %add3A_1516, %scan3A_1513#3 : vector<16xf32>
    %add3A_1518 = arith.addf %add3A_1517, %scan3A_1513#4 : vector<16xf32>
    %add3A_1519 = arith.addf %add3A_1518, %scan3A_1513#5 : vector<16xf32>
    %add3A_1520 = arith.addf %add3A_1519, %scan3A_1513#6 : vector<16xf32>
    %add3A_1521 = arith.addf %add3A_1520, %scan3A_1513#7 : vector<16xf32>
    %add3A_1522 = arith.addi %scan3A_1513#8, %scan3A_1513#9 : vector<16xi32>
    %add3A_1523 = arith.addi %add3A_1522, %scan3A_1513#10 : vector<16xi32>
    %add3A_1524 = arith.addi %add3A_1523, %scan3A_1513#11 : vector<16xi32>
    %add3A_1525 = arith.addi %add3A_1524, %scan3A_1513#12 : vector<16xi32>
    %add3A_1526 = arith.addi %add3A_1525, %scan3A_1513#13 : vector<16xi32>
    %add3A_1527 = arith.addi %add3A_1526, %scan3A_1513#14 : vector<16xi32>
    %add3A_1528 = arith.addi %add3A_1527, %scan3A_1513#15 : vector<16xi32>
    %swap3A = arith.constant 0 : index
    %swap3A_1529 = tpu.vector_load %arg9[%swap3A] {strides = array<i32>} : memref<16xf32, #tpu.memory_space<vmem>>, vector<16xf32>,
    %swap3A_1530 = vector.shape_cast %swap3A_1529 : vector<16xf32> to vector<16xf32>
    %swap3A_1531 = vector.shape_cast %add3A_1521 : vector<16xf32> to vector<16xf32>
    tpu.vector_store %arg9[%swap3A], %swap3A_1531 {strides = array<i32>} : memref<16xf32, #tpu.memory_space<vmem>>, vector<16xf32>,
    "tpu.region"() ({
      %run_scoped3A = tpu.sem_alloc : memref<!tpu.dma_semaphore, #tpu.memory_space<semaphore_mem>>
      %dma_start3A_1538 = arith.constant 0 : i32
      %dma_start3A_1539 = tpu.memref_slice %arg5[%add3A, %dma_start3A_1538] : memref<64x16xf32, #tpu.memory_space<hbm>> -> memref<1x16xf32, #tpu.memory_space<hbm>>
      %dma_start3A_1540 = tpu.memref_squeeze %dma_start3A_1539 : memref<1x16xf32, #tpu.memory_space<hbm>> -> memref<16xf32, #tpu.memory_space<hbm>>
      %dma_start3A_1541 = arith.constant 0 : i32
      %dma_start3A_1542 = tpu.memref_slice %arg5[%add3A, %dma_start3A_1541] : memref<64x16xf32, #tpu.memory_space<hbm>> -> memref<1x16xf32, #tpu.memory_space<hbm>>
      %dma_start3A_1543 = tpu.memref_squeeze %dma_start3A_1542 : memref<1x16xf32, #tpu.memory_space<hbm>> -> memref<16xf32, #tpu.memory_space<hbm>>
      tpu.enqueue_dma source(%arg9 : memref<16xf32, #tpu.memory_space<vmem>>) target(%dma_start3A_1543 : memref<16xf32, #tpu.memory_space<hbm>>) target_semaphore(%run_scoped3A : memref<!tpu.dma_semaphore, #tpu.memory_space<semaphore_mem>>)
      %dma_wait3A_1544 = arith.constant 0 : i32
      %dma_wait3A_1545 = tpu.memref_slice %arg5[%add3A, %dma_wait3A_1544] : memref<64x16xf32, #tpu.memory_space<hbm>> -> memref<1x16xf32, #tpu.memory_space<hbm>>
      %dma_wait3A_1546 = tpu.memref_squeeze %dma_wait3A_1545 : memref<1x16xf32, #tpu.memory_space<hbm>> -> memref<16xf32, #tpu.memory_space<hbm>>
      %dma_wait3A_1547 = arith.constant 0 : i32
      %dma_wait3A_1548 = tpu.memref_slice %arg5[%add3A, %dma_wait3A_1547] : memref<64x16xf32, #tpu.memory_space<hbm>> -> memref<1x16xf32, #tpu.memory_space<hbm>>
      %dma_wait3A_1549 = tpu.memref_squeeze %dma_wait3A_1548 : memref<1x16xf32, #tpu.memory_space<hbm>> -> memref<16xf32, #tpu.memory_space<hbm>>
      tpu.wait_dma2 semaphore(%run_scoped3A : memref<!tpu.dma_semaphore, #tpu.memory_space<semaphore_mem>>) src(%arg9 : memref<16xf32, #tpu.memory_space<vmem>>) dst(%dma_wait3A_1549 : memref<16xf32, #tpu.memory_space<hbm>>)
      tpu.yield
    }) : () -> ()
    %convert_element_type3A = arith.sitofp %add3A_1528 : vector<16xi32> to vector<16xf32>
    %swap3A_1532 = arith.constant 0 : index
    %swap3A_1533 = tpu.vector_load %arg9[%swap3A_1532] {strides = array<i32>} : memref<16xf32, #tpu.memory_space<vmem>>, vector<16xf32>,
    %swap3A_1534 = vector.shape_cast %swap3A_1533 : vector<16xf32> to vector<16xf32>
    %swap3A_1535 = vector.shape_cast %convert_element_type3A : vector<16xf32> to vector<16xf32>
    tpu.vector_store %arg9[%swap3A_1532], %swap3A_1535 {strides = array<i32>} : memref<16xf32, #tpu.memory_space<vmem>>, vector<16xf32>,
    %add3A_1536 = arith.constant 32 : i32
    %add3A_1537 = arith.addi %add3A_1536, %add3A : i32
    "tpu.region"() ({
      %run_scoped3A = tpu.sem_alloc : memref<!tpu.dma_semaphore, #tpu.memory_space<semaphore_mem>>
      %dma_start3A_1538 = arith.constant 0 : i32
      %dma_start3A_1539 = tpu.memref_slice %arg5[%add3A_1537, %dma_start3A_1538] : memref<64x16xf32, #tpu.memory_space<hbm>> -> memref<1x16xf32, #tpu.memory_space<hbm>>
      %dma_start3A_1540 = tpu.memref_squeeze %dma_start3A_1539 : memref<1x16xf32, #tpu.memory_space<hbm>> -> memref<16xf32, #tpu.memory_space<hbm>>
      %dma_start3A_1541 = arith.constant 0 : i32
      %dma_start3A_1542 = tpu.memref_slice %arg5[%add3A_1537, %dma_start3A_1541] : memref<64x16xf32, #tpu.memory_space<hbm>> -> memref<1x16xf32, #tpu.memory_space<hbm>>
      %dma_start3A_1543 = tpu.memref_squeeze %dma_start3A_1542 : memref<1x16xf32, #tpu.memory_space<hbm>> -> memref<16xf32, #tpu.memory_space<hbm>>
      tpu.enqueue_dma source(%arg9 : memref<16xf32, #tpu.memory_space<vmem>>) target(%dma_start3A_1543 : memref<16xf32, #tpu.memory_space<hbm>>) target_semaphore(%run_scoped3A : memref<!tpu.dma_semaphore, #tpu.memory_space<semaphore_mem>>)
      %dma_wait3A_1544 = arith.constant 0 : i32
      %dma_wait3A_1545 = tpu.memref_slice %arg5[%add3A_1537, %dma_wait3A_1544] : memref<64x16xf32, #tpu.memory_space<hbm>> -> memref<1x16xf32, #tpu.memory_space<hbm>>
      %dma_wait3A_1546 = tpu.memref_squeeze %dma_wait3A_1545 : memref<1x16xf32, #tpu.memory_space<hbm>> -> memref<16xf32, #tpu.memory_space<hbm>>
      %dma_wait3A_1547 = arith.constant 0 : i32
      %dma_wait3A_1548 = tpu.memref_slice %arg5[%add3A_1537, %dma_wait3A_1547] : memref<64x16xf32, #tpu.memory_space<hbm>> -> memref<1x16xf32, #tpu.memory_space<hbm>>
      %dma_wait3A_1549 = tpu.memref_squeeze %dma_wait3A_1548 : memref<1x16xf32, #tpu.memory_space<hbm>> -> memref<16xf32, #tpu.memory_space<hbm>>
      tpu.wait_dma2 semaphore(%run_scoped3A : memref<!tpu.dma_semaphore, #tpu.memory_space<semaphore_mem>>) src(%arg9 : memref<16xf32, #tpu.memory_space<vmem>>) dst(%dma_wait3A_1549 : memref<16xf32, #tpu.memory_space<hbm>>)
      tpu.yield
    }) : () -> ()
    return
  }
}

</mosaic_0001>

<sc_bundles>
// kernel: _sc_partials.3.cloned.1.call-start
scs
__scs_entry_jumppad:
0x0: {  	(pc) =	sbr.rel $0x88, $3  }
0x1: {  	(tag) =	ssettag $0x0;
	lr =	simm.s32 $0x1  }
0x2: {  	[smem:$0x3F9E] =	sst lr;
	_ =	strace $0xD0000000  }
0x3: {  	_ = 	snop  }
0x4: {  	_ = 	snop  }
0x5: {  	_ = 	snop  }
0x6: {  	_ = 	snop  }
0x7: {  	_ = 	snop  }
__scs_overlays_trampoline_lowered:
0x8: {  	[smem:$0x3FAD] =	sst s0  }
0x9: {  	[smem:$0x3FAE] =	sst s1  }
0xa: {  	[smem:$0x3FAF] =	sst s2  }
0xb: {  	[smem:$0x3FB0] =	sst s3  }
0xc: {  	[smem:$0x3FB1] =	sst s4  }
0xd: {  	[smem:$0x3FB2] =	sst s5  }
0xe: {  	[smem:$0x3FB3] =	sst s6  }
0xf: {  	[smem:$0x3FB4] =	sst s7  }
0x10: {  	[smem:$0x3FB5] =	sst s8  }
0x11: {  	[smem:$0x3FB6] =	sst s9;
	s0 =	simm.s32 @!p0 $0x0  }
0x12: {  	s1 =	sld [smem:$0x3F9C];
	s0 =	simm.s32 @p0 $0x1  }
0x13: {  	[smem:$0x3FB7] =	sst s0;
	s0 =	simm.s32 @!p1 $0x0  }
0x14: {  	s2 =	sld [smem:$0x3F9B];
	s0 =	simm.s32 @p1 $0x1  }
0x15: {  	[smem:$0x3FB8] =	sst s0;
	s0 =	simm.s32 @!p2 $0x0  }
0x16: {  	s3 =	sld [smem:$0x3FDB];
	s0 =	simm.s32 @p2 $0x1  }
0x17: {  	s4 =	simm.s32 $0x1BF5;
	[smem:$0x3FBA] =	sst s0  }
0x18: {  	s0 =	sld [smem:$0x3F9D];
	_ =	swait.ge [sflag:s4], $0x0  }
0x19: {  	s7 =	sld [smem:$0x3F9E]  }
0x1a: {  	s8 =	sadd.s32 $0xFFFFE003, lr  }
0x1b: {  	s9 =	sadd.s32 $0xFFFFFEF7, lr;
	s5 =	simm.s32 $0xFFFFFFFF;
	p2 =	slt.u32 s8, $0xFFFFF086  }
0x1c: {  	p1 =	slt.u32 s9, $0xF7A;
	s5 =	simm.s32 @!p2 $0x0  }
0x1d: {  	s5 =	simm.s32 @p1 $0x1;
	p0 =	seq.s32 s7, s2  }
0x1e: {  	s7 =	smul.u32 @!p0 $0xF7A, s2;
	p2 =	seq.s32 @!p0 s5, $0x0  }
0x1f: {  	s9 =	smul.u32 $0xF7A, s1;
	s8 =	simm.s32 @!p0 $0x1BF5;
	p2 =	por !p2, p0  }
0x20: {  	[sflag:s8] =	ssyncset.s32 @!p0 $0xFFFFF086;
	s6 =	sadd.s32 @!p0 s3, s7;
	s7 =	simm.s32 @!p0 $0x108  }
0x21: {  	s3 =	sadd.s32 s3, s9;
	s6 =	sadd.s32 @!p0 $0x88, s6;
	s7 =	simm.s32 @p2 $0x1082  }
0x22: {  	[simem:s7], [sflag:s8] =	dma.local @!p0 [hbm:s6], $0xF7A  }
0x23: {  	s9 =	sor.u32 $0xD0000000, s2;
	s6 =	simm.s32 $0x108;
	_ =	swait.ge @!p0 [sflag:s8], $0x0  }
0x24: {  	s3 =	sadd.s32 $0x88, s3;
	s6 =	simm.s32 @!p1 $0x1082;
	[sflag:s4] =	ssyncset.s32 $0xFFFFF086  }
0x25: {  	[simem:s6], [sflag:s4] =	dma.local [hbm:s3], $0xF7A  }
0x26: {  	[smem:$0x3F9E] =	sst s1;
	(tag) =	ssettag s2;
	_ =	strace s9  }
0x27: {  	s1 =	sld [smem:$0x3FAE]  }
0x28: {  	s2 =	sld [smem:$0x3FAF]  }
0x29: {  	s4 =	sld [smem:$0x3FB1]  }
0x2a: {  	p0 =	seq.s32 s5, $0x0;
	s5 =	sld [smem:$0x3FB2]  }
0x2b: {  	s6 =	sld [smem:$0x3FB3]  }
0x2c: {  	s7 =	sld [smem:$0x3FB4]  }
0x2d: {  	s3 =	simm.s32 $0x108;
	s8 =	sld [smem:$0x3FB5]  }
0x2e: {  	s3 =	simm.s32 @!p0 $0x1082;
	s9 =	sld [smem:$0x3FB6]  }
0x2f: {  	lr =	sadd.s32 s0, s3;
	s0 =	sld [smem:$0x3FAD]  }
0x30: {  	s3 =	sld [smem:$0x3FB0]  }
0x31: {  	[smem:$0x3FB9] =	sst s10  }
0x32: {  	s10 =	sld [smem:$0x3FB7];
	_ =	sdelay $0x3  }
0x33: {  	p0 =	seq.s32 s10, $0x1;
	s10 =	sld [smem:$0x3FB9];
	_ =	sdelay $0x3  }
0x34: {  	[smem:$0x3FB9] =	sst s10  }
0x35: {  	s10 =	sld [smem:$0x3FB8];
	_ =	sdelay $0x3  }
0x36: {  	p1 =	seq.s32 s10, $0x1;
	s10 =	sld [smem:$0x3FB9];
	_ =	sdelay $0x3  }
0x37: {  	[smem:$0x3FB9] =	sst s10  }
0x38: {  	s10 =	sld [smem:$0x3FBA]  }
0x39: {  	_ = 	snop;
	(pc) =	sbr.ind lr, $3  }
0x3a: {  	_ = 	snop  }
0x3b: {  	_ = 	snop  }
0x3c: {  	p2 =	seq.s32 s10, $0x1;
	s10 =	sld [smem:$0x3FB9]  }
0x3d: {  	_ =	shalt  }
0x3e: {  	_ =	shalt  }
0x3f: {  	_ =	shalt  }
0x40: {  	_ =	shalt  }
0x41: {  	_ =	shalt  }
0x42: {  	_ =	shalt  }
0x43: {  	_ =	shalt  }
0x44: {  	_ =	shalt  }
0x45: {  	_ =	shalt  }
0x46: {  	_ =	shalt  }
0x47: {  	_ =	shalt  }
0x48: {  	_ =	shalt  }
0x49: {  	_ =	shalt  }
0x4a: {  	_ =	shalt  }
0x4b: {  	_ =	shalt  }
0x4c: {  	_ =	shalt  }
0x4d: {  	_ =	shalt  }
0x4e: {  	_ =	shalt  }
0x4f: {  	_ =	shalt  }
0x50: {  	_ =	shalt  }
0x51: {  	_ =	shalt  }
0x52: {  	_ =	shalt  }
0x53: {  	_ =	shalt  }
0x54: {  	_ =	shalt  }
0x55: {  	_ =	shalt  }
0x56: {  	_ =	shalt  }
0x57: {  	_ =	shalt  }
0x58: {  	_ =	shalt  }
0x59: {  	_ =	shalt  }
0x5a: {  	_ =	shalt  }
0x5b: {  	_ =	shalt  }
0x5c: {  	_ =	shalt  }
0x5d: {  	_ =	shalt  }
0x5e: {  	_ =	shalt  }
0x5f: {  	_ =	shalt  }
0x60: {  	_ =	shalt  }
0x61: {  	_ =	shalt  }
0x62: {  	_ =	shalt  }
0x63: {  	_ =	shalt  }
0x64: {  	_ =	shalt  }
0x65: {  	_ =	shalt  }
0x66: {  	_ =	shalt  }
0x67: {  	_ =	shalt  }
0x68: {  	_ =	shalt  }
0x69: {  	_ =	shalt  }
0x6a: {  	_ =	shalt  }
0x6b: {  	_ =	shalt  }
0x6c: {  	_ =	shalt  }
0x6d: {  	_ =	shalt  }
0x6e: {  	_ =	shalt  }
0x6f: {  	_ =	shalt  }
0x70: {  	_ =	shalt  }
0x71: {  	_ =	shalt  }
0x72: {  	_ =	shalt  }
0x73: {  	_ =	shalt  }
0x74: {  	_ =	shalt  }
0x75: {  	_ =	shalt  }
0x76: {  	_ =	shalt  }
0x77: {  	_ =	shalt  }
0x78: {  	_ =	shalt  }
0x79: {  	_ =	shalt  }
0x7a: {  	_ =	shalt  }
0x7b: {  	_ =	shalt  }
0x7c: {  	_ =	shalt  }
0x7d: {  	_ =	shalt  }
0x7e: {  	_ =	shalt  }
0x7f: {  	_ =	shalt  }
0x80: {  	_ =	shalt  }
0x81: {  	_ =	shalt  }
0x82: {  	_ =	shalt  }
0x83: {  	_ =	shalt  }
0x84: {  	_ =	shalt  }
0x85: {  	_ =	shalt  }
0x86: {  	_ =	shalt  }
0x87: {  	_ =	shalt  }
.Lfunc_end0:
.L_simem_size_0:
called_computation_lowered:
.L_overlay_start_0:
0x88: {  	s2 =	sld [smem:$0x3FD9]  }
0x89: {  	s3 =	sld [smem:$0x3FFE];
	_ =	sdelay $0x1  }
0x8a: {  	s1 =	srdreg.scid  }
0x8b: {  	s0 =	sand.u32 $0x1, s1  }
0x8c: {  	s17 =	sshll.u32 s0, $0xA;
	s2 =	sadd.s32 s3, s2  }
0x8d: {  	s2 =	sadd.s32 s2, s17  }
0x8e: {  	[smem:$0x3FC5] =	sst s2  }
0x8f: {  	_ = 	snop  }
0x90: {  	s2 =	sld [smem:$0x3FC9]  }
0x91: {  	s18 =	sld [smem:$0x3FC8]  }
0x92: {  	s4 =	sld [smem:$0x3FC7];
	(tm) =	ssettm $0x1  }
0x93: {  	s5 =	sld [smem:$0x3FFB];
	_ =	sdelay $0x3  }
0x94: {  	_ =	strace s5  }
0x95: {  	s5 =	sld [smem:$0x3FFC];
	_ =	sdelay $0x3  }
0x96: {  	_ =	strace s5  }
0x97: {  	s5 =	sld [smem:$0x3FFD];
	_ =	sdelay $0x3  }
0x98: {  	_ =	strace s5  }
0x99: {  	_ =	strace $0x8FFFFFFF  }
0x9a: {  	s19 =	sld [smem:$0x3FDB];
	_ =	sdelay $0x1  }
0x9b: {  	s6 =	simm.s32 $_scs_section_size  }
0x9c: {  	s7 =	simm.s32 $_size__tile_overlayer_lowered;
	s8 =	simm.s32 $_tile_overlayer_lowered  }
0x9d: {  	s22 =	simm.s32 $0x1BFF;
	s21 =	sshll.u32 s8, $0x1;
	s5 =	sadd.s32 s6, s19  }
0x9e: {  	s9 =	simm.s32 $0x0;
	s20 =	sshll.u32 s7, $0x1;
	s7 =	sadd.s32 s21, s5  }
0x9f: {  	[timem:s9], [sflag:s22] =	dma.local [hbm:s7], s20  }
0xa0: {  	_ =	swait.ge [sflag:s22], s20  }
0xa1: {  	s6 =	ssub.s32 $0x0, s20;
	[sflag:s22] =	ssyncset.done $0x0  }
0xa2: {  	[sflag:s22] =	ssyncadd.s32 s6;
	_ =	sdelay $0x1  }
0xa3: {  	s23 =	simm.s32 $0x1B8B  }
0xa4: {  	_ =	swait.ge [sflag:s23], $0x1  }
0xa5: {  	[sflag:s23] =	ssyncset.done $0x0  }
0xa6: {  	s25 =	simm.s32 $0x1B8E;
	s24 =	sld [smem:$0x3FFE];
	[sflag:s23] =	ssyncadd.s32 $0xFFFFFFFF  }
0xa7: {  	s26 =	simm.s32 $execute0_lowered;
	[smem:$0x3FD2] =	sst s25  }
0xa8: {  	s7 =	sshll.u32 s26, $0x1;
	_ =	strace $0x80000046;
	[dreg:$0x1] =	wrdreg $0xFFFFFFFF  }
0xa9: {  	s28 =	simm.s32 $_size_execute0_lowered;
	s5 =	sadd.s32 s5, s7;
	[dreg:$0x0] =	wrdreg $0x0  }
0xaa: {  	s7 =	sshll.u32 s28, $0x1;
	[dreg:$0x2] =	wrdreg s5  }
0xab: {  	[dreg:$0x3] =	wrdreg s7  }
0xac: {  	[dreg:$0x4] =	wrdreg $0xC0  }
0xad: {  	_ =	task [dreg:s9], $0x5FFFF  }
0xae: {  	[dreg:$0x1] =	wrdreg $0xFFFFFFFF  }
0xaf: {  	[dreg:$0x0] =	wrdreg $0x60  }
0xb0: {  	[dreg:$0x2] =	wrdreg s2  }
0xb1: {  	[dreg:$0x3] =	wrdreg s18  }
0xb2: {  	[dreg:$0x4] =	wrdreg s4  }
0xb3: {  	[dreg:$0x5] =	wrdreg s24  }
0xb4: {  	[dreg:$0x6] =	wrdreg $0x9  }
0xb5: {  	_ =	task.clear_ibuf [dreg:s9], $0x7FFFF;
	_ =	strace $0x90000046  }
0xb6: {  	s29 =	simm.s32 $0x9;
	_ =	strace $0x80000048  }
0xb7: {  	_ =	swait.ge [sflag:s29], $0x1  }
0xb8: {  	[sflag:s29] =	ssyncadd.s32 $0xFFFFFFFF  }
0xb9: {  	_ =	strace $0x90000048  }
0xba: {  	_ =	sfence  }
0xbb: {  	s30 =	sld [smem:$0x0];
	_ =	sdelay $0x2  }
0xbc: {  	s31 =	sshll.u32 s1, $0xD;
	s1 =	sshrl.u32 s1, $0x2  }
0xbd: {  	s3 =	sand.u32 $0x4000, s31;
	s1 =	sadd.s32 s1, s30  }
0xbe: {  	s0 =	sor.u32 s3, s0;
	s1 =	sshll.u32 s1, $0x11  }
0xbf: {  	s0 =	sor.u32 s1, s0  }
0xc0: {  	s0 =	sadd.s32 $0x8F2B, s0  }
0xc1: {  	[sflag:s0] =	ssyncadd.remote.s32 $0x1  }
0xc2: {  	_ =	sfence.sel $0xFFFF  }
0xc3: {  	[dreg:$0x0] =	wrdreg $0xFFFFFFFF;
	(pc) =	sbr.abs _section_cstart, $3  }
0xc4: {  	[dreg:$0x1] =	wrdreg $0xFFFFFFFF  }
0xc5: {  	_ =	task.clear_ibuf [dreg:s9], $0x2FFFF;
	_ =	strace $0x9FFFFFFF  }
0xc6: {  	(tm) =	ssettm $0x7FFFFFFF  }
0xc7: {  	_ =	shalt  }
tec
execute0_lowered:
.L_overlay_start_1:
0x0: {  	(tag) =	ssettag $0x1  }
0x1: {  	s0 =	rddreg [dreg:$0x0]  }
0x2: {  	s1 =	rddreg [dreg:$0x1]  }
0x3: {  	s14 =	rddreg [dreg:$0x2]  }
0x4: {  	s3 =	rddreg [dreg:$0x3];
	s2 =	simm.s32 $0x0  }
0x5: {  	s4 =	srdreg.scid;
	s5 =	stileid.u32;
	s18 =	simm.s32 $0x6000  }
0x6: {  	s19 =	simm.s32 $0xC000;
	s24 =	simm.s32 $0xA000;
	s25 =	simm.s32 $0x10000  }
0x7: {  	s28 =	simm.s32 $0x2;
	s29 =	simm.s32 $0x3;
	s30 =	simm.s32 $0x12000  }
0x8: {  	[smem:$0x7FF] =	sst s2;
	s4 =	sand.u32 $0x1, s4;
	s5 =	sshll.u32 s5, $0x1  }
0x9: {  	s31 =	simm.s32 $0x4;
	_ =	strace $0x80000047;
	s5 =	sor.u32 s4, s5  }
0xa: {  	s4 =	ssub.s32 $0x2, s4;
	s6 =	sshll.u32 s5, $0x4;
	s11 =	sshll.u32 s5, $0xC  }
0xb: {  	s26 =	sshrl.u32 s4, $0x1;
	s16 =	sadd.s32 s6, s3;
	s5 =	sor.u32 $0x60000, s11  }
0xc: {  	s17 =	ssub.s32 s4, s26;
	s8 =	sor.u32 $0x60400, s11;
	s12 =	sor.u32 $0x60800, s11  }
0xd: {  	s15 =	sor.u32 $0x60C00, s11;
	s26 =	simm.s32 $0x1;
	s3 =	sadd.s32 s0, s5  }
0xe: {  	s4 =	sadd.s32 s1, s5;
	s5 =	sadd.s32 s14, s5;
	s6 =	sadd.s32 s0, s8  }
0xf: {  	s7 =	sadd.s32 s1, s8;
	s8 =	sadd.s32 s14, s8;
	s9 =	sadd.s32 s0, s12  }
0x10: {  	s10 =	sadd.s32 s1, s12;
	s11 =	sadd.s32 s14, s12;
	s12 =	sadd.s32 s0, s15  }
0x11: {  	s13 =	sadd.s32 s1, s15;
	s14 =	sadd.s32 s14, s15;
	s15 =	sadd.s32 $0x400, s16  }
0x12: {  	v0 =	vimm.s32 $0x0;
	s16 =	sadd.s32 $0x600, s16;
	s17 =	smax.u32 s17, $0x1;
	s0 =	simm.s32 $0x0  }
.LBB2_1:
0x13: {  	[tilespmem:s2], [sflag:$0x1] =	stream.linear.gather [hbm4b:s3+s2], $0x2000, $0x38;
	[tilespmem:$0x12080] =	vst v63  }
0x14: {  	_ = 	snop  }
0x15: {  	[tilespmem:s18], [sflag:$0x1] =	stream.linear.gather [hbm4b:s4+s2], $0x2000, $0x38;
	[tilespmem:$0x12080] =	vst v63  }
0x16: {  	_ = 	snop  }
0x17: {  	[tilespmem:s19], [sflag:$0x1] =	stream.linear.gather [hbm4b:s5+s2], $0x2000, $0x38;
	[tilespmem:$0x12080] =	vst v63  }
0x18: {  	s1 =	simm.s32 $0x2000  }
0x19: {  	[tilespmem:s1], [sflag:$0x2] =	stream.linear.gather [hbm4b:s6+s2], $0x2000, $0x38;
	[tilespmem:$0x12080] =	vst v63  }
0x1a: {  	s20 =	simm.s32 $0x8000  }
0x1b: {  	[tilespmem:s20], [sflag:$0x2] =	stream.linear.gather [hbm4b:s7+s2], $0x2000, $0x38;
	[tilespmem:$0x12080] =	vst v63  }
0x1c: {  	s21 =	simm.s32 $0xE000  }
0x1d: {  	[tilespmem:s21], [sflag:$0x2] =	stream.linear.gather [hbm4b:s8+s2], $0x2000, $0x38;
	[tilespmem:$0x12080] =	vst v63  }
0x1e: {  	s22 =	simm.s32 $0x4000  }
0x1f: {  	[tilespmem:s22], [sflag:$0x3] =	stream.linear.gather [hbm4b:s9+s2], $0x2000, $0x38;
	[tilespmem:$0x12080] =	vst v63  }
0x20: {  	_ = 	snop  }
0x21: {  	[tilespmem:s24], [sflag:$0x3] =	stream.linear.gather [hbm4b:s10+s2], $0x2000, $0x38;
	[tilespmem:$0x12080] =	vst v63  }
0x22: {  	_ = 	snop  }
0x23: {  	[tilespmem:s25], [sflag:$0x3] =	stream.linear.gather [hbm4b:s11+s2], $0x2000, $0x38;
	[tilespmem:$0x12080] =	vst v63  }
0x24: {  	_ =	swait.ge [sflag:s26], $0x2000  }
0x25: {  	[sflag:s26] =	ssyncset.done $0x0  }
0x26: {  	[sflag:s26] =	ssyncadd.s32 $0xFFFFE000  }
0x27: {  	_ =	swait.ge [sflag:s26], $0x2000  }
0x28: {  	s23 =	simm.s32 $0x0;
	[sflag:s26] =	ssyncset.done $0x0  }
0x29: {  	s1 =	sand.u32 $0x1000, s23;
	[sflag:s26] =	ssyncadd.s32 $0xFFFFE000  }
0x2a: {  	s20 =	simm.s32 $0x0;
	s21 =	sand.u32 $0xC00, s2;
	_ =	swait.ge [sflag:s26], $0x2000  }
0x2b: {  	s20 =	sand.u32 $0x380, s20;
	s1 =	sor.u32 s21, s1;
	[sflag:s26] =	ssyncset.done $0x0  }
0x2c: {  	s1 =	sor.u32 s20, s1;
	[sflag:s26] =	ssyncadd.s32 $0xFFFFE000  }
0x2d: {  	v1 =	vld [tilespmem:s1+$0x6070]  }
0x2e: {  	v4 =	vld [tilespmem:s1+$0x6000]  }
0x2f: {  	v5 =	vld [tilespmem:s1+$0x6010]  }
0x30: {  	v6 =	vld [tilespmem:s1+$0x6020]  }
0x31: {  	v2 =	vld [tilespmem:s1+$0x70]  }
0x32: {  	v7 =	vld [tilespmem:s1+$0x6030]  }
0x33: {  	v8 =	vld [tilespmem:s1+$0xC070]  }
0x34: {  	v11 =	vld [tilespmem:s1+$0x6040]  }
0x35: {  	v13 =	vld [tilespmem:s1+$0x6050]  }
0x36: {  	v15 =	vld [tilespmem:s1+$0x6060]  }
0x37: {  	v16 =	vld [tilespmem:s1+$0x0]  }
0x38: {  	v17 =	vld [tilespmem:s1+$0x10];
	v3 =	vmul.f32 $1.000000000e+01, v1;
	v9 =	vmul.f32 $1.000000000e+01, v4  }
0x39: {  	v21 =	vld [tilespmem:s1+$0x40];
	v10 =	vmul.f32 $1.000000000e+01, v5;
	v12 =	vmul.f32 $1.000000000e+01, v6  }
0x3a: {  	v23 =	vld [tilespmem:s1+$0x50];
	v1 =	vsub.f32 v2, v1;
	v2 =	vmul.f32 $1.000000000e+01, v7;
	v18 =	vmul.f32 $1.000000000e+01, v11  }
0x3b: {  	v24 =	vld [tilespmem:s1+$0xC000];
	vm0 =	vgt.f32 v8, $0.0e+00;
	v20 =	vmul.f32 $1.000000000e+01, v13;
	v22 =	vmul.f32 $1.000000000e+01, v15  }
0x3c: {  	v25 =	vld [tilespmem:s1+$0xC020];
	v4 =	vsub.f32 v16, v4;
	v3 =	vtrunc.f32 v3;
	v9 =	vtrunc.f32 v9  }
0x3d: {  	v27 =	vld [tilespmem:s1+$0xC040];
	v5 =	vsub.f32 v17, v5;
	v10 =	vtrunc.f32 v10;
	v12 =	vtrunc.f32 v12  }
0x3e: {  	v11 =	vsub.f32 v21, v11;
	v1 =	vmul.f32 v1, v1;
	v19 =	vtrunc.f32 v2  }
0x3f: {  	v8 =	vld [tilespmem:s1+$0x20];
	v13 =	vsub.f32 v23, v13;
	v18 =	vtrunc.f32 v18;
	v20 =	vtrunc.f32 v20  }
0x40: {  	vm1 =	vgt.f32 v24, $0.0e+00;
	v22 =	vtrunc.f32 v22;
	v24 =	vmul.f32 v5, v5  }
0x41: {  	v16 =	vld [tilespmem:s1+$0x60];
	vm3 =	vgt.f32 v25, $0.0e+00;
	v14 =	vcvt.f32.s32 v3;
	v9 =	vcvt.f32.s32 v9  }
0x42: {  	vm4 =	vgt.f32 v27, $0.0e+00;
	v10 =	vcvt.f32.s32 v10;
	v12 =	vcvt.f32.s32 v12  }
0x43: {  	v5 =	vimm.s32 $0x0;
	v17 =	vcvt.f32.s32 v19;
	v14 =	vcvt.s32.f32 v14  }
0x44: {  	v6 =	vsub.f32 v8, v6;
	v8 =	vcvt.f32.s32 v18;
	v18 =	vcvt.f32.s32 v20  }
0x45: {  	v3 =	vimm.f32 $0.0e+00;
	v9 =	vcvt.s32.f32 v9;
	v10 =	vcvt.s32.f32 v10  }
0x46: {  	v19 =	vld [tilespmem:s1+$0xC010];
	v12 =	vcvt.s32.f32 v12;
	v30 =	vcvt.s32.f32 v17;
	v15 =	vsub.f32 v16, v15  }
0x47: {  	v2 =	vnsel vm0, $0x0, v14;
	v14 =	vld [tilespmem:s1+$0x30];
	v20 =	vcvt.s32.f32 v8;
	v23 =	vcvt.s32.f32 v18  }
0x48: {  	v16 =	vimm.f32 $0.0e+00;
	v18 =	vmul.f32 v4, v4;
	v21 =	vmul.f32 v6, v6  }
0x49: {  	v8 =	vld [tilespmem:s1+$0xC050];
	v17 =	vmul.f32 v15, v15;
	v28 =	vnsel vm1, $0x0, v9;
	v29 =	vnsel vm3, $0x0, v12  }
0x4a: {  	v4 =	vld [tilespmem:s1+$0xC060];
	v12 =	vimm.s32 $0x0;
	v15 =	vimm.f32 $0.0e+00;
	v9 =	vimm.s32 $0x0  }
0x4b: {  	v6 =	vimm.s32 $0x0;
	v2 =	vmul.f32 v2, v1;
	v1 =	vsel vm0, $0x1, v0  }
0x4c: {  	vm2 =	vgt.f32 v19, $0.0e+00;
	v7 =	vsub.f32 v14, v7;
	v14 =	vcvt.f32.s32 v22;
	v22 =	vld [tilespmem:s1+$0xC030]  }
0x4d: {  	v19 =	vmul.f32 v11, v11;
	v11 =	vimm.f32 $0.0e+00;
	v1 =	vadd.s32 v1, v0  }
0x4e: {  	v27 =	vnsel vm2, $0x0, v10;
	v10 =	vimm.f32 $0.0e+00;
	v2 =	vadd.f32 v2, v3  }
0x4f: {  	vm5 =	vgt.f32 v8, $0.0e+00;
	vm6 =	vgt.f32 v4, $0.0e+00;
	v8 =	vimm.s32 $0x0  }
0x50: {  	v4 =	vimm.s32 $0x0;
	v26 =	vcvt.s32.f32 v14;
	v25 =	vmul.f32 v7, v7  }
0x51: {  	s21 =	simm.s32 $0x20;
	v14 =	vimm.f32 $0.0e+00;
	v7 =	vimm.s32 $0x0;
	vm0 =	vgt.f32 v22, $0.0e+00  }
0x52: {  	s22 =	simm.s32 $0x80;
	s20 =	simm.s32 $0x2;
	s1 =	simm.s32 $0x400;
	v22 =	vmul.f32 v13, v13;
	v13 =	vimm.f32 $0.0e+00;
	v30 =	vnsel vm0, $0x0, v30  }
.LBB2_2:
0x53: {  	p0 =	sne.s32 s20, $0x3F;
	s23 =	sand.u32 $0xC00, s1;
	s22 =	sand.u32 $0x1000, s22;
	v20 =	vnsel vm4, $0x0, v20;
	v23 =	vnsel vm5, $0x0, v23;
	v26 =	vnsel vm6, $0x0, v26  }
0x54: {  	s21 =	sand.u32 $0x380, s21;
	v18 =	vmul.f32 v28, v18;
	v28 =	vsel vm1, $0x1, v0;
	v24 =	vmul.f32 v27, v24;
	s22 =	sor.u32 s23, s22  }
0x55: {  	v27 =	vsel vm2, $0x1, v0;
	v21 =	vmul.f32 v29, v21;
	v25 =	vmul.f32 v30, v25;
	s21 =	sor.u32 s21, s22  }
0x56: {  	v30 =	vsel vm3, $0x1, v0;
	v19 =	vmul.f32 v20, v19;
	v20 =	vmul.f32 v23, v22;
	v29 =	vld [tilespmem:s21+$0x6070]  }
0x57: {  	v31 =	vsel vm4, $0x1, v0;
	v23 =	vsel vm0, $0x1, v0;
	v17 =	vmul.f32 v26, v17;
	v22 =	vld [tilespmem:s21+$0x6000]  }
0x58: {  	v32 =	vsel vm6, $0x1, v0;
	v3 =	vadd.f32 v18, v3;
	v18 =	vsel vm5, $0x1, v0;
	v26 =	vld [tilespmem:s21+$0x6010]  }
0x59: {  	v12 =	vadd.s32 v28, v12;
	v13 =	vadd.f32 v24, v13;
	v14 =	vadd.f32 v21, v14;
	v33 =	vld [tilespmem:s21+$0x6020]  }
0x5a: {  	v8 =	vadd.s32 v27, v8;
	v15 =	vadd.f32 v25, v15;
	v16 =	vadd.f32 v19, v16;
	v21 =	vld [tilespmem:s21+$0x70]  }
0x5b: {  	v10 =	vadd.f32 v20, v10;
	v11 =	vadd.f32 v17, v11;
	v19 =	vld [tilespmem:s21+$0x6030];
	v24 =	vmul.f32 $1.000000000e+01, v29  }
0x5c: {  	v9 =	vadd.s32 v30, v9;
	v6 =	vadd.s32 v23, v6;
	v17 =	vmul.f32 $1.000000000e+01, v22;
	v20 =	vld [tilespmem:s21+$0xC070]  }
0x5d: {  	v7 =	vadd.s32 v31, v7;
	v23 =	vmul.f32 $1.000000000e+01, v26;
	v25 =	vld [tilespmem:s21+$0x6040];
	v24 =	vtrunc.f32 v24  }
0x5e: {  	v5 =	vadd.s32 v18, v5;
	v27 =	vmul.f32 $1.000000000e+01, v33;
	v28 =	vld [tilespmem:s21+$0x6050];
	v24 =	vcvt.f32.s32 v24  }
0x5f: {  	v17 =	vtrunc.f32 v17;
	v18 =	vtrunc.f32 v23;
	v23 =	vld [tilespmem:s21+$0x6060];
	v21 =	vsub.f32 v21, v29  }
0x60: {  	v4 =	vadd.s32 v32, v4;
	v29 =	vld [tilespmem:s21+$0x0];
	v30 =	vmul.f32 $1.000000000e+01, v19;
	v24 =	vcvt.s32.f32 v24  }
0x61: {  	v27 =	vtrunc.f32 v27;
	v31 =	vld [tilespmem:s21+$0x10];
	vm0 =	vgt.f32 v20, $0.0e+00;
	v20 =	vmul.f32 v21, v21  }
0x62: {  	v21 =	vld [tilespmem:s21+$0x20];
	v30 =	vtrunc.f32 v30;
	v32 =	vmul.f32 $1.000000000e+01, v25;
	v24 =	vnsel vm0, $0x0, v24  }
0x63: {  	v34 =	vld [tilespmem:s21+$0x30];
	v35 =	vmul.f32 $1.000000000e+01, v28;
	v20 =	vmul.f32 v24, v20;
	v24 =	vsel vm0, $0x1, v0  }
0x64: {  	v36 =	vld [tilespmem:s21+$0x40];
	v32 =	vtrunc.f32 v32;
	v37 =	vmul.f32 $1.000000000e+01, v23;
	v1 =	vadd.s32 v24, v1  }
0x65: {  	v17 =	vcvt.f32.s32 v17;
	v24 =	vld [tilespmem:s21+$0x50];
	v35 =	vtrunc.f32 v35;
	v2 =	vadd.f32 v20, v2  }
0x66: {  	v18 =	vcvt.f32.s32 v18;
	v22 =	vsub.f32 v29, v22;
	v20 =	vld [tilespmem:s21+$0x60];
	v29 =	vtrunc.f32 v37  }
0x67: {  	v31 =	vsub.f32 v31, v26;
	v26 =	vcvt.f32.s32 v27;
	v27 =	vcvt.f32.s32 v30;
	v37 =	vld [tilespmem:s21+$0xC000]  }
0x68: {  	v32 =	vcvt.f32.s32 v32;
	v21 =	vsub.f32 v21, v33;
	v33 =	vcvt.f32.s32 v35;
	v30 =	vld [tilespmem:s21+$0xC010]  }
0x69: {  	v19 =	vsub.f32 v34, v19;
	v35 =	vld [tilespmem:s21+$0xC020];
	v34 =	vsub.f32 v36, v25;
	v25 =	vcvt.f32.s32 v29  }
0x6a: {  	v29 =	vcvt.s32.f32 v17;
	v36 =	vcvt.s32.f32 v18;
	v17 =	vld [tilespmem:s21+$0xC030];
	v28 =	vsub.f32 v24, v28  }
0x6b: {  	v38 =	vcvt.s32.f32 v26;
	v39 =	vcvt.s32.f32 v27;
	v27 =	vld [tilespmem:s21+$0xC040];
	v40 =	vsub.f32 v20, v23  }
0x6c: {  	v20 =	vcvt.s32.f32 v32;
	v23 =	vcvt.s32.f32 v33;
	vm1 =	vgt.f32 v37, $0.0e+00;
	v32 =	vld [tilespmem:s21+$0xC050]  }
0x6d: {  	v18 =	vmul.f32 v22, v22;
	v26 =	vcvt.s32.f32 v25;
	vm2 =	vgt.f32 v30, $0.0e+00;
	v33 =	vld [tilespmem:s21+$0xC060]  }
.Ltmp0:
0x6e: {  	v21 =	vmul.f32 v21, v21;
	v24 =	vmul.f32 v31, v31;
	vm3 =	vgt.f32 v35, $0.0e+00;
	(pc) =	sbr.rel @p0 .LBB2_2-.Ltmp0, $4  }
0x6f: {  	v25 =	vmul.f32 v19, v19;
	v19 =	vmul.f32 v34, v34;
	vm0 =	vgt.f32 v17, $0.0e+00  }
0x70: {  	v22 =	vmul.f32 v28, v28;
	v17 =	vmul.f32 v40, v40;
	vm4 =	vgt.f32 v27, $0.0e+00  }
0x71: {  	s1 =	sadd.s32 $0x400, s1;
	v28 =	vnsel vm1, $0x0, v29;
	v27 =	vnsel vm2, $0x0, v36;
	vm5 =	vgt.f32 v32, $0.0e+00  }
0x72: {  	s22 =	sshll.u32 s20, $0x7;
	s21 =	sshll.u32 s20, $0x5;
	s20 =	sadd.s32 $0x1, s20;
	v29 =	vnsel vm3, $0x0, v38;
	v30 =	vnsel vm0, $0x0, v39;
	vm6 =	vgt.f32 v33, $0.0e+00  }
0x73: {  	s1 =	sand.u32 $0xC00, s1;
	s20 =	sand.u32 $0x1000, s22  }
0x74: {  	s23 =	sand.u32 $0x380, s21;
	s1 =	sor.u32 s1, s20  }
0x75: {  	s1 =	sor.u32 s23, s1  }
0x76: {  	v31 =	vld [tilespmem:s1+$0x6070]  }
0x77: {  	v32 =	vld [tilespmem:s1+$0x6000]  }
0x78: {  	v33 =	vld [tilespmem:s1+$0x6010]  }
0x79: {  	v20 =	vnsel vm4, $0x0, v20;
	v34 =	vld [tilespmem:s1+$0x6020]  }
0x7a: {  	v23 =	vnsel vm5, $0x0, v23;
	v26 =	vnsel vm6, $0x0, v26;
	v18 =	vmul.f32 v28, v18;
	v35 =	vld [tilespmem:s1+$0x70]  }
0x7b: {  	v28 =	vsel vm1, $0x1, v0;
	v24 =	vmul.f32 v27, v24;
	v36 =	vsel vm2, $0x1, v0;
	v27 =	vld [tilespmem:s1+$0x6030]  }
0x7c: {  	v21 =	vmul.f32 v29, v21;
	v25 =	vmul.f32 v30, v25;
	v30 =	vsel vm3, $0x1, v0;
	v29 =	vld [tilespmem:s1+$0xC070]  }
0x7d: {  	v38 =	vsel vm4, $0x1, v0;
	v40 =	vsel vm5, $0x1, v0;
	v41 =	vsel vm6, $0x1, v0;
	v37 =	vld [tilespmem:s1+$0x6040]  }
0x7e: {  	v19 =	vmul.f32 v20, v19;
	v20 =	vmul.f32 v23, v22;
	v23 =	vsel vm0, $0x1, v0;
	v39 =	vld [tilespmem:s1+$0x6050]  }
0x7f: {  	v26 =	vmul.f32 v26, v17;
	v12 =	vadd.s32 v28, v12;
	v22 =	vadd.s32 v36, v8;
	v42 =	vld [tilespmem:s1+$0x6060]  }
0x80: {  	v60 =	vadd.s32 v41, v4;
	v17 =	vadd.f32 v18, v3;
	v13 =	vadd.f32 v24, v13;
	v28 =	vld [tilespmem:s1+$0x0]  }
0x81: {  	v18 =	vadd.f32 v21, v14;
	v3 =	vadd.f32 v25, v15;
	v21 =	vadd.s32 v23, v6;
	v25 =	vld [tilespmem:s1+$0x10]  }
0x82: {  	v23 =	vadd.s32 v38, v7;
	v14 =	vadd.f32 v19, v16;
	v8 =	vadd.f32 v20, v10;
	v10 =	vld [tilespmem:s1+$0x20]  }
0x83: {  	v19 =	vadd.f32 v26, v11;
	v26 =	vld [tilespmem:s1+$0x30];
	v15 =	vmul.f32 $1.000000000e+01, v31;
	v11 =	vmul.f32 $1.000000000e+01, v32  }
0x84: {  	v20 =	vadd.s32 v30, v9;
	v30 =	vld [tilespmem:s1+$0x40];
	v6 =	vmul.f32 $1.000000000e+01, v33;
	v7 =	vmul.f32 $1.000000000e+01, v34  }
0x85: {  	v24 =	vadd.s32 v40, v5;
	v59 =	vld [tilespmem:s1+$0xC010];
	v16 =	vmul.f32 $1.000000000e+01, v27;
	v9 =	vtrunc.f32 v15  }
0x86: {  	v61 =	vld [tilespmem:s1+$0xC020];
	vm0 =	vgt.f32 v29, $0.0e+00;
	v4 =	vmul.f32 $1.000000000e+01, v37;
	v9 =	vcvt.f32.s32 v9  }
0x87: {  	v43 =	vld [tilespmem:s1+$0xC030];
	v63 =	vmul.f32 $1.000000000e+01, v39;
	v25 =	vsub.f32 v25, v33;
	v15 =	vsub.f32 v35, v31  }
0x88: {  	v44 =	vld [tilespmem:s1+$0xC060];
	v10 =	vsub.f32 v10, v34;
	v26 =	vsub.f32 v26, v27;
	v9 =	vcvt.s32.f32 v9  }
0x89: {  	v29 =	vld [tilespmem:s1+$0xC000];
	v30 =	vsub.f32 v30, v37;
	v5 =	vtrunc.f32 v11;
	v15 =	vmul.f32 v15, v15  }
0x8a: {  	v31 =	vld [tilespmem:s1+$0x50];
	v6 =	vtrunc.f32 v6;
	v7 =	vtrunc.f32 v7;
	v9 =	vnsel vm0, $0x0, v9  }
0x8b: {  	v11 =	vld [tilespmem:s1+$0x60];
	v62 =	vtrunc.f32 v16;
	v9 =	vmul.f32 v9, v15;
	v15 =	vsel vm0, $0x1, v0  }
0x8c: {  	s20 =	simm.s32 $0x0;
	v4 =	vtrunc.f32 v4;
	v41 =	vtrunc.f32 v63;
	v15 =	vadd.s32 v15, v1;
	v1 =	vld [tilespmem:s1+$0xC040]  }
0x8d: {  	v25 =	vmul.f32 v25, v25;
	v16 =	vadd.f32 v9, v2;
	v9 =	vsub.f32 v28, v32;
	v28 =	vld [tilespmem:s1+$0xC050];
	[tilespmem:s20], [sflag:$0x1] =	stream.linear.gather [hbm4b:s12+s20], $0x2000, $0x38  }
0x8e: {  	v10 =	vmul.f32 v10, v10;
	v26 =	vmul.f32 v26, v26  }
0x8f: {  	v30 =	vmul.f32 v30, v30;
	v5 =	vcvt.f32.s32 v5;
	[tilespmem:s18], [sflag:$0x1] =	stream.linear.gather [hbm4b:s13+s20], $0x2000, $0x38;
	[tilespmem:$0x12080] =	vst v63  }
0x90: {  	vm3 =	vgt.f32 v59, $0.0e+00;
	v6 =	vcvt.f32.s32 v6;
	v7 =	vcvt.f32.s32 v7  }
0x91: {  	vm1 =	vgt.f32 v61, $0.0e+00;
	v27 =	vcvt.f32.s32 v62;
	v4 =	vcvt.f32.s32 v4;
	[tilespmem:s19], [sflag:$0x1] =	stream.linear.gather [hbm4b:s14+s20], $0x2000, $0x38;
	[tilespmem:$0x12080] =	vst v63  }
0x92: {  	vm6 =	vgt.f32 v44, $0.0e+00;
	v5 =	vcvt.s32.f32 v5;
	v6 =	vcvt.s32.f32 v6;
	_ =	swait.ge [sflag:s28], $0x2000  }
0x93: {  	v7 =	vcvt.s32.f32 v7;
	v27 =	vcvt.s32.f32 v27;
	vm2 =	vgt.f32 v29, $0.0e+00;
	[sflag:s28] =	ssyncset.done $0x0  }
0x94: {  	v4 =	vcvt.s32.f32 v4;
	v31 =	vsub.f32 v31, v39;
	v11 =	vsub.f32 v11, v42;
	[sflag:s28] =	ssyncadd.s32 $0xFFFFE000  }
0x95: {  	v5 =	vnsel vm2, $0x0, v5;
	v6 =	vnsel vm3, $0x0, v6;
	v2 =	vmul.f32 $1.000000000e+01, v42;
	_ =	swait.ge [sflag:s28], $0x2000  }
0x96: {  	v7 =	vnsel vm1, $0x0, v7;
	v6 =	vmul.f32 v6, v25;
	v32 =	vcvt.f32.s32 v41;
	[sflag:s28] =	ssyncset.done $0x0  }
0x97: {  	s21 =	simm.s32 $0x0;
	s22 =	simm.s32 $0x0;
	vm0 =	vgt.f32 v43, $0.0e+00;
	v7 =	vmul.f32 v7, v10;
	v2 =	vtrunc.f32 v2;
	[sflag:s28] =	ssyncadd.s32 $0xFFFFE000  }
0x98: {  	v25 =	vsel vm3, $0x1, v0;
	s1 =	sand.u32 $0xC00, s20;
	v29 =	vcvt.s32.f32 v32;
	v2 =	vcvt.f32.s32 v2;
	s20 =	sand.u32 $0x1000, s21;
	_ =	swait.ge [sflag:s28], $0x2000  }
0x99: {  	s23 =	sand.u32 $0x380, s22;
	vm4 =	vgt.f32 v1, $0.0e+00;
	v1 =	vmul.f32 v31, v31;
	vm5 =	vgt.f32 v28, $0.0e+00;
	s1 =	sor.u32 s1, s20;
	[sflag:s28] =	ssyncset.done $0x0  }
0x9a: {  	v11 =	vmul.f32 v11, v11;
	v2 =	vcvt.s32.f32 v2;
	v28 =	vnsel vm5, $0x0, v29;
	s1 =	sor.u32 s23, s1;
	[sflag:s28] =	ssyncadd.s32 $0xFFFFE000  }
0x9b: {  	v27 =	vnsel vm0, $0x0, v27;
	v9 =	vmul.f32 v9, v9;
	v1 =	vmul.f32 v28, v1;
	v28 =	vld [tilespmem:s1+$0x8070]  }
0x9c: {  	v26 =	vmul.f32 v27, v26;
	v27 =	vsel vm1, $0x1, v0;
	v2 =	vnsel vm6, $0x0, v2;
	v46 =	vld [tilespmem:s1+$0x8000]  }
0x9d: {  	v5 =	vmul.f32 v5, v9;
	v29 =	vsel vm2, $0x1, v0;
	v45 =	vmul.f32 v2, v11;
	v48 =	vld [tilespmem:s1+$0x8010]  }
0x9e: {  	v4 =	vnsel vm4, $0x0, v4;
	v10 =	vadd.s32 v29, v12;
	v12 =	vadd.f32 v7, v18;
	v18 =	vld [tilespmem:s1+$0x8020]  }
0x9f: {  	v31 =	vsel vm4, $0x1, v0;
	v4 =	vmul.f32 v4, v30;
	v7 =	vadd.f32 v45, v19;
	v19 =	vld [tilespmem:s1+$0x8030]  }
0xa0: {  	v9 =	vadd.f32 v5, v17;
	v17 =	vsel vm5, $0x1, v0;
	v2 =	vadd.s32 v25, v22;
	v25 =	vld [tilespmem:s1+$0x8040]  }
0xa1: {  	v30 =	vsel vm0, $0x1, v0;
	v14 =	vadd.f32 v4, v14;
	v4 =	vadd.s32 v17, v24;
	v24 =	vld [tilespmem:s1+$0x8050]  }
0xa2: {  	v11 =	vadd.f32 v6, v13;
	v6 =	vadd.f32 v1, v8;
	v8 =	vadd.s32 v27, v20;
	v27 =	vld [tilespmem:s1+$0x8060]  }
0xa3: {  	v5 =	vadd.s32 v30, v21;
	v13 =	vadd.f32 v26, v3;
	v22 =	vld [tilespmem:s1+$0x2070];
	v1 =	vmul.f32 $1.000000000e+01, v28  }
0xa4: {  	v3 =	vadd.s32 v31, v23;
	v21 =	vld [tilespmem:s1+$0xE070];
	v20 =	vmul.f32 $1.000000000e+01, v46;
	v23 =	vmul.f32 $1.000000000e+01, v48  }
0xa5: {  	v30 =	vld [tilespmem:s1+$0x2010];
	v17 =	vmul.f32 $1.000000000e+01, v18;
	v29 =	vmul.f32 $1.000000000e+01, v19  }
0xa6: {  	v49 =	vld [tilespmem:s1+$0x2030];
	v31 =	vmul.f32 $1.000000000e+01, v25;
	v50 =	vmul.f32 $1.000000000e+01, v24  }
0xa7: {  	v47 =	vsel vm6, $0x1, v0;
	v51 =	vld [tilespmem:s1+$0x2040];
	v52 =	vmul.f32 $1.000000000e+01, v27;
	v1 =	vtrunc.f32 v1  }
0xa8: {  	v54 =	vld [tilespmem:s1+$0xE000];
	v22 =	vsub.f32 v22, v28;
	v20 =	vtrunc.f32 v20;
	v23 =	vtrunc.f32 v23  }
0xa9: {  	v55 =	vld [tilespmem:s1+$0xE010];
	vm0 =	vgt.f32 v21, $0.0e+00;
	v17 =	vtrunc.f32 v17;
	v26 =	vcvt.f32.s32 v1  }
0xaa: {  	v56 =	vld [tilespmem:s1+$0xE020];
	v30 =	vsub.f32 v30, v48;
	v21 =	vmul.f32 v22, v22;
	v29 =	vtrunc.f32 v29  }
0xab: {  	v28 =	vld [tilespmem:s1+$0x2000];
	v19 =	vsub.f32 v49, v19;
	v31 =	vtrunc.f32 v31;
	v26 =	vcvt.s32.f32 v26  }
0xac: {  	v57 =	vsub.f32 v51, v25;
	v22 =	vld [tilespmem:s1+$0x2020];
	v34 =	vtrunc.f32 v50;
	v17 =	vcvt.f32.s32 v17  }
0xad: {  	v1 =	vadd.s32 v47, v60;
	v29 =	vcvt.f32.s32 v29;
	v60 =	vld [tilespmem:s1+$0xE030];
	v26 =	vnsel vm0, $0x0, v26  }
0xae: {  	vm2 =	vgt.f32 v55, $0.0e+00;
	v62 =	vcvt.s32.f32 v17;
	v17 =	vld [tilespmem:s1+$0xE040];
	v21 =	vmul.f32 v26, v21  }
0xaf: {  	vm3 =	vgt.f32 v56, $0.0e+00;
	v53 =	vtrunc.f32 v52;
	v63 =	vcvt.s32.f32 v29;
	v29 =	vld [tilespmem:s1+$0xE050]  }
0xb0: {  	v20 =	vcvt.f32.s32 v20;
	v16 =	vadd.f32 v21, v16;
	v21 =	vcvt.f32.s32 v23;
	v23 =	vld [tilespmem:s1+$0x2060]  }
0xb1: {  	v25 =	vcvt.f32.s32 v53;
	v28 =	vsub.f32 v28, v46;
	v26 =	vsel vm0, $0x1, v0  }
0xb2: {  	v58 =	vcvt.s32.f32 v20;
	v22 =	vsub.f32 v22, v18;
	v15 =	vadd.s32 v26, v15;
	v26 =	vld [tilespmem:s1+$0x2050]  }
0xb3: {  	v18 =	vcvt.f32.s32 v31;
	v31 =	vcvt.f32.s32 v34;
	vm0 =	vgt.f32 v54, $0.0e+00  }
0xb4: {  	vm1 =	vgt.f32 v60, $0.0e+00;
	v20 =	vmul.f32 v22, v22;
	vm4 =	vgt.f32 v17, $0.0e+00  }
0xb5: {  	vm5 =	vgt.f32 v29, $0.0e+00;
	v27 =	vsub.f32 v23, v27;
	v23 =	vcvt.s32.f32 v31;
	v31 =	vld [tilespmem:s1+$0xE060]  }
0xb6: {  	v29 =	vnsel vm3, $0x0, v62;
	v59 =	vcvt.s32.f32 v21;
	v21 =	vcvt.s32.f32 v18  }
0xb7: {  	v18 =	vmul.f32 v28, v28;
	v61 =	vsub.f32 v26, v24;
	v26 =	vcvt.s32.f32 v25  }
0xb8: {  	v28 =	vnsel vm0, $0x0, v58;
	v24 =	vmul.f32 v30, v30;
	v25 =	vmul.f32 v19, v19  }
0xb9: {  	s22 =	simm.s32 $0x80;
	v19 =	vmul.f32 v57, v57;
	v30 =	vnsel vm1, $0x0, v63;
	v22 =	vmul.f32 v61, v61  }
0xba: {  	s21 =	simm.s32 $0x20;
	s20 =	simm.s32 $0x2;
	s1 =	simm.s32 $0x400;
	v17 =	vmul.f32 v27, v27;
	v27 =	vnsel vm2, $0x0, v59;
	vm6 =	vgt.f32 v31, $0.0e+00  }
.LBB2_4:
0xbb: {  	p0 =	sne.s32 s20, $0x3F;
	s23 =	sand.u32 $0xC00, s1;
	s22 =	sand.u32 $0x1000, s22;
	v21 =	vnsel vm4, $0x0, v21;
	v23 =	vnsel vm5, $0x0, v23;
	v26 =	vnsel vm6, $0x0, v26  }
0xbc: {  	s21 =	sand.u32 $0x380, s21;
	v18 =	vmul.f32 v28, v18;
	v28 =	vsel vm0, $0x1, v0;
	v24 =	vmul.f32 v27, v24;
	s22 =	sor.u32 s23, s22  }
0xbd: {  	v27 =	vsel vm2, $0x1, v0;
	v20 =	vmul.f32 v29, v20;
	v25 =	vmul.f32 v30, v25;
	s21 =	sor.u32 s21, s22  }
0xbe: {  	v30 =	vsel vm3, $0x1, v0;
	v19 =	vmul.f32 v21, v19;
	v21 =	vmul.f32 v23, v22;
	v29 =	vld [tilespmem:s21+$0x8070]  }
0xbf: {  	v31 =	vsel vm4, $0x1, v0;
	v23 =	vsel vm1, $0x1, v0;
	v17 =	vmul.f32 v26, v17;
	v22 =	vld [tilespmem:s21+$0x8000]  }
0xc0: {  	v32 =	vsel vm6, $0x1, v0;
	v9 =	vadd.f32 v18, v9;
	v18 =	vsel vm5, $0x1, v0;
	v26 =	vld [tilespmem:s21+$0x8010]  }
0xc1: {  	v10 =	vadd.s32 v28, v10;
	v11 =	vadd.f32 v24, v11;
	v12 =	vadd.f32 v20, v12;
	v33 =	vld [tilespmem:s21+$0x8020]  }
0xc2: {  	v2 =	vadd.s32 v27, v2;
	v13 =	vadd.f32 v25, v13;
	v14 =	vadd.f32 v19, v14;
	v20 =	vld [tilespmem:s21+$0x2070]  }
0xc3: {  	v6 =	vadd.f32 v21, v6;
	v7 =	vadd.f32 v17, v7;
	v19 =	vld [tilespmem:s21+$0x8030];
	v24 =	vmul.f32 $1.000000000e+01, v29  }
0xc4: {  	v8 =	vadd.s32 v30, v8;
	v5 =	vadd.s32 v23, v5;
	v17 =	vmul.f32 $1.000000000e+01, v22;
	v21 =	vld [tilespmem:s21+$0xE070]  }
0xc5: {  	v3 =	vadd.s32 v31, v3;
	v23 =	vmul.f32 $1.000000000e+01, v26;
	v25 =	vld [tilespmem:s21+$0x8040];
	v24 =	vtrunc.f32 v24  }
0xc6: {  	v4 =	vadd.s32 v18, v4;
	v27 =	vmul.f32 $1.000000000e+01, v33;
	v28 =	vld [tilespmem:s21+$0x8050];
	v24 =	vcvt.f32.s32 v24  }
0xc7: {  	v17 =	vtrunc.f32 v17;
	v18 =	vtrunc.f32 v23;
	v23 =	vld [tilespmem:s21+$0x8060];
	v20 =	vsub.f32 v20, v29  }
0xc8: {  	v1 =	vadd.s32 v32, v1;
	v29 =	vld [tilespmem:s21+$0x2000];
	v30 =	vmul.f32 $1.000000000e+01, v19;
	v24 =	vcvt.s32.f32 v24  }
0xc9: {  	v27 =	vtrunc.f32 v27;
	v31 =	vld [tilespmem:s21+$0x2010];
	vm0 =	vgt.f32 v21, $0.0e+00;
	v20 =	vmul.f32 v20, v20  }
0xca: {  	v21 =	vld [tilespmem:s21+$0x2020];
	v30 =	vtrunc.f32 v30;
	v32 =	vmul.f32 $1.000000000e+01, v25;
	v24 =	vnsel vm0, $0x0, v24  }
0xcb: {  	v34 =	vld [tilespmem:s21+$0x2030];
	v35 =	vmul.f32 $1.000000000e+01, v28;
	v20 =	vmul.f32 v24, v20;
	v24 =	vsel vm0, $0x1, v0  }
0xcc: {  	v36 =	vld [tilespmem:s21+$0x2040];
	v32 =	vtrunc.f32 v32;
	v37 =	vmul.f32 $1.000000000e+01, v23;
	v15 =	vadd.s32 v24, v15  }
0xcd: {  	v17 =	vcvt.f32.s32 v17;
	v24 =	vld [tilespmem:s21+$0x2050];
	v35 =	vtrunc.f32 v35;
	v16 =	vadd.f32 v20, v16  }
0xce: {  	v18 =	vcvt.f32.s32 v18;
	v20 =	vsub.f32 v29, v22;
	v22 =	vld [tilespmem:s21+$0x2060];
	v29 =	vtrunc.f32 v37  }
0xcf: {  	v31 =	vsub.f32 v31, v26;
	v26 =	vcvt.f32.s32 v27;
	v27 =	vcvt.f32.s32 v30;
	v37 =	vld [tilespmem:s21+$0xE000]  }
0xd0: {  	v33 =	vsub.f32 v21, v33;
	v21 =	vcvt.f32.s32 v32;
	v32 =	vcvt.f32.s32 v35;
	v30 =	vld [tilespmem:s21+$0xE010]  }
0xd1: {  	v19 =	vsub.f32 v34, v19;
	v35 =	vld [tilespmem:s21+$0xE020];
	v34 =	vsub.f32 v36, v25;
	v25 =	vcvt.f32.s32 v29  }
0xd2: {  	v29 =	vcvt.s32.f32 v17;
	v36 =	vcvt.s32.f32 v18;
	v17 =	vld [tilespmem:s21+$0xE030];
	v28 =	vsub.f32 v24, v28  }
0xd3: {  	v38 =	vcvt.s32.f32 v26;
	v39 =	vcvt.s32.f32 v27;
	v27 =	vld [tilespmem:s21+$0xE040];
	v40 =	vsub.f32 v22, v23  }
0xd4: {  	v21 =	vcvt.s32.f32 v21;
	v23 =	vcvt.s32.f32 v32;
	vm0 =	vgt.f32 v37, $0.0e+00;
	v37 =	vld [tilespmem:s21+$0xE050]  }
0xd5: {  	v18 =	vmul.f32 v20, v20;
	v26 =	vcvt.s32.f32 v25;
	vm2 =	vgt.f32 v30, $0.0e+00;
	v32 =	vld [tilespmem:s21+$0xE060]  }
.Ltmp1:
0xd6: {  	v20 =	vmul.f32 v33, v33;
	v24 =	vmul.f32 v31, v31;
	vm3 =	vgt.f32 v35, $0.0e+00;
	(pc) =	sbr.rel @p0 .LBB2_4-.Ltmp1, $4  }
0xd7: {  	v25 =	vmul.f32 v19, v19;
	v19 =	vmul.f32 v34, v34;
	vm1 =	vgt.f32 v17, $0.0e+00  }
0xd8: {  	v22 =	vmul.f32 v28, v28;
	v17 =	vmul.f32 v40, v40;
	vm4 =	vgt.f32 v27, $0.0e+00  }
0xd9: {  	s1 =	sadd.s32 $0x400, s1;
	v28 =	vnsel vm0, $0x0, v29;
	v27 =	vnsel vm2, $0x0, v36;
	vm5 =	vgt.f32 v37, $0.0e+00  }
0xda: {  	s22 =	sshll.u32 s20, $0x7;
	s21 =	sshll.u32 s20, $0x5;
	s20 =	sadd.s32 $0x1, s20;
	v29 =	vnsel vm3, $0x0, v38;
	v30 =	vnsel vm1, $0x0, v39;
	vm6 =	vgt.f32 v32, $0.0e+00  }
0xdb: {  	s1 =	sand.u32 $0xC00, s1;
	s20 =	sand.u32 $0x1000, s22  }
0xdc: {  	s23 =	sand.u32 $0x380, s21;
	s1 =	sor.u32 s1, s20  }
0xdd: {  	s1 =	sor.u32 s23, s1  }
0xde: {  	v21 =	vnsel vm4, $0x0, v21;
	v24 =	vmul.f32 v27, v24;
	v27 =	vld [tilespmem:s1+$0x8070]  }
0xdf: {  	v23 =	vnsel vm5, $0x0, v23;
	v18 =	vmul.f32 v28, v18;
	v20 =	vmul.f32 v29, v20;
	v29 =	vld [tilespmem:s1+$0x8000]  }
0xe0: {  	v26 =	vnsel vm6, $0x0, v26;
	v19 =	vmul.f32 v21, v19;
	v21 =	vmul.f32 v23, v22;
	v22 =	vld [tilespmem:s1+$0x8010]  }
0xe1: {  	v28 =	vsel vm0, $0x1, v0;
	v31 =	vsel vm2, $0x1, v0;
	v17 =	vmul.f32 v26, v17;
	v26 =	vld [tilespmem:s1+$0x8020]  }
0xe2: {  	v25 =	vmul.f32 v30, v25;
	v30 =	vsel vm3, $0x1, v0;
	v32 =	vsel vm4, $0x1, v0;
	v34 =	vld [tilespmem:s1+$0x2070]  }
0xe3: {  	v33 =	vsel vm6, $0x1, v0;
	v23 =	vsel vm1, $0x1, v0;
	v12 =	vadd.f32 v20, v12;
	v20 =	vld [tilespmem:s1+$0x8030]  }
0xe4: {  	v10 =	vadd.s32 v28, v10;
	v2 =	vadd.s32 v31, v2;
	v11 =	vadd.f32 v24, v11;
	v24 =	vld [tilespmem:s1+$0xE070]  }
0xe5: {  	v8 =	vadd.s32 v30, v8;
	v3 =	vadd.s32 v32, v3;
	v7 =	vadd.f32 v17, v7;
	v17 =	vld [tilespmem:s1+$0x8040]  }
0xe6: {  	v13 =	vadd.f32 v25, v13;
	v14 =	vadd.f32 v19, v14;
	v25 =	vld [tilespmem:s1+$0x8050];
	v19 =	vmul.f32 $1.000000000e+01, v27  }
0xe7: {  	v1 =	vadd.s32 v33, v1;
	v9 =	vadd.f32 v18, v9;
	v18 =	vsel vm5, $0x1, v0;
	v28 =	vld [tilespmem:s1+$0x8060]  }
0xe8: {  	v6 =	vadd.f32 v21, v6;
	v31 =	vld [tilespmem:s1+$0x2000];
	v21 =	vmul.f32 $1.000000000e+01, v29;
	v19 =	vtrunc.f32 v19  }
0xe9: {  	v5 =	vadd.s32 v23, v5;
	v43 =	vld [tilespmem:s1+$0x2030];
	v23 =	vmul.f32 $1.000000000e+01, v22;
	v19 =	vcvt.f32.s32 v19  }
0xea: {  	v37 =	vld [tilespmem:s1+$0x2050];
	v30 =	vmul.f32 $1.000000000e+01, v26;
	v27 =	vsub.f32 v34, v27;
	v42 =	vmul.f32 $1.000000000e+01, v20  }
0xeb: {  	v4 =	vadd.s32 v18, v4;
	v46 =	vld [tilespmem:s1+$0xE030];
	v44 =	vmul.f32 $1.000000000e+01, v17;
	v19 =	vcvt.s32.f32 v19  }
0xec: {  	v47 =	vld [tilespmem:s1+$0xE040];
	vm0 =	vgt.f32 v24, $0.0e+00;
	v35 =	vmul.f32 $1.000000000e+01, v25;
	v24 =	vmul.f32 v27, v27  }
0xed: {  	v45 =	vmul.f32 $1.000000000e+01, v28;
	v18 =	vtrunc.f32 v21;
	v21 =	vld [tilespmem:s1+$0x2010];
	v19 =	vnsel vm0, $0x0, v19  }
0xee: {  	v29 =	vsub.f32 v31, v29;
	v20 =	vsub.f32 v43, v20;
	v27 =	vld [tilespmem:s1+$0x2020];
	v19 =	vmul.f32 v19, v24  }
0xef: {  	v48 =	vld [tilespmem:s1+$0xE050];
	v25 =	vsub.f32 v37, v25;
	v36 =	vsel vm0, $0x1, v0;
	v23 =	vtrunc.f32 v23  }
0xf0: {  	v30 =	vtrunc.f32 v30;
	v32 =	vtrunc.f32 v42;
	v16 =	vadd.f32 v19, v16;
	v19 =	vld [tilespmem:s1+$0x2060]  }
0xf1: {  	v31 =	vld [tilespmem:s1+$0xE000];
	v33 =	vtrunc.f32 v44;
	v15 =	vadd.s32 v36, v15;
	v35 =	vtrunc.f32 v35  }
0xf2: {  	v36 =	vtrunc.f32 v45;
	v29 =	vmul.f32 v29, v29;
	v21 =	vsub.f32 v21, v22;
	v22 =	vld [tilespmem:s1+$0xE010]  }
0xf3: {  	v20 =	vmul.f32 v20, v20;
	v25 =	vmul.f32 v25, v25;
	v26 =	vsub.f32 v27, v26;
	v27 =	vld [tilespmem:s1+$0xE020]  }
0xf4: {  	v18 =	vcvt.f32.s32 v18;
	v23 =	vcvt.f32.s32 v23;
	v24 =	vld [tilespmem:s1+$0x2040]  }
0xf5: {  	v30 =	vcvt.f32.s32 v30;
	v32 =	vcvt.f32.s32 v32;
	v19 =	vsub.f32 v19, v28;
	v28 =	vld [tilespmem:s1+$0xE060];
	_ =	swait.ge [sflag:s29], $0x2000  }
0xf6: {  	v33 =	vcvt.f32.s32 v33;
	v35 =	vcvt.f32.s32 v35;
	[sflag:s29] =	ssyncset.done $0x0  }
0xf7: {  	vm4 =	vgt.f32 v47, $0.0e+00;
	v18 =	vcvt.s32.f32 v18;
	v23 =	vcvt.s32.f32 v23;
	[sflag:s29] =	ssyncadd.s32 $0xFFFFE000  }
0xf8: {  	v30 =	vcvt.s32.f32 v30;
	v32 =	vcvt.s32.f32 v32;
	vm2 =	vgt.f32 v31, $0.0e+00;
	_ =	swait.ge [sflag:s29], $0x2000  }
0xf9: {  	s21 =	simm.s32 $0x0;
	v31 =	vcvt.s32.f32 v33;
	v49 =	vcvt.s32.f32 v35;
	vm0 =	vgt.f32 v46, $0.0e+00;
	[sflag:s29] =	ssyncset.done $0x0  }
0xfa: {  	s22 =	simm.s32 $0x0;
	s20 =	simm.s32 $0x0;
	v18 =	vnsel vm2, $0x0, v18;
	v17 =	vsub.f32 v24, v17;
	v24 =	vcvt.f32.s32 v36;
	[sflag:s29] =	ssyncadd.s32 $0xFFFFE000  }
0xfb: {  	v18 =	vmul.f32 v18, v29;
	v21 =	vmul.f32 v21, v21;
	vm3 =	vgt.f32 v22, $0.0e+00;
	s1 =	sand.u32 $0xC00, s20;
	s20 =	sand.u32 $0x1000, s21;
	_ =	swait.ge [sflag:s29], $0x2000  }
0xfc: {  	s23 =	sand.u32 $0x380, s22;
	vm1 =	vgt.f32 v27, $0.0e+00;
	v27 =	vnsel vm0, $0x0, v32;
	v22 =	vcvt.s32.f32 v24;
	s1 =	sor.u32 s1, s20;
	[sflag:s29] =	ssyncset.done $0x0  }
0xfd: {  	v23 =	vnsel vm3, $0x0, v23;
	v19 =	vmul.f32 v19, v19;
	s1 =	sor.u32 s23, s1;
	vm6 =	vgt.f32 v28, $0.0e+00;
	[sflag:s29] =	ssyncadd.s32 $0xFFFFE000  }
0xfe: {  	v20 =	vmul.f32 v27, v20;
	v17 =	vmul.f32 v17, v17;
	v22 =	vnsel vm6, $0x0, v22;
	v27 =	vld [tilespmem:s1+$0xA070]  }
0xff: {  	v21 =	vmul.f32 v23, v21;
	v28 =	vnsel vm4, $0x0, v31;
	v19 =	vmul.f32 v22, v19;
	v22 =	vld [tilespmem:s1+$0xA000]  }
0x100: {  	vm5 =	vgt.f32 v48, $0.0e+00;
	v24 =	vmul.f32 v26, v26;
	v17 =	vmul.f32 v28, v17;
	v50 =	vld [tilespmem:s1+$0xA010]  }
0x101: {  	v29 =	vsel vm2, $0x1, v0;
	v26 =	vnsel vm1, $0x0, v30;
	v11 =	vadd.f32 v21, v11;
	v21 =	vld [tilespmem:s1+$0xA020]  }
0x102: {  	v10 =	vadd.s32 v29, v10;
	v24 =	vmul.f32 v26, v24;
	v14 =	vadd.f32 v17, v14;
	v17 =	vld [tilespmem:s1+$0x4070]  }
0x103: {  	v9 =	vadd.f32 v18, v9;
	v18 =	vsel vm5, $0x1, v0;
	v7 =	vadd.f32 v19, v7;
	v19 =	vld [tilespmem:s1+$0xA030]  }
0x104: {  	v4 =	vadd.s32 v18, v4;
	v26 =	vsel vm1, $0x1, v0;
	v12 =	vadd.f32 v24, v12;
	v24 =	vld [tilespmem:s1+$0x10070]  }
0x105: {  	v23 =	vsel vm3, $0x1, v0;
	v8 =	vadd.s32 v26, v8;
	v28 =	vsel vm0, $0x1, v0;
	v26 =	vld [tilespmem:s1+$0xA040]  }
0x106: {  	v30 =	vnsel vm5, $0x0, v49;
	v2 =	vadd.s32 v23, v2;
	v5 =	vadd.s32 v28, v5;
	v28 =	vld [tilespmem:s1+$0xA050]  }
0x107: {  	v13 =	vadd.f32 v20, v13;
	v25 =	vmul.f32 v30, v25;
	v31 =	vsel vm6, $0x1, v0;
	v29 =	vld [tilespmem:s1+$0xA060]  }
0x108: {  	v30 =	vsel vm4, $0x1, v0;
	v1 =	vadd.s32 v31, v1;
	v31 =	vld [tilespmem:s1+$0x4010];
	v20 =	vmul.f32 $1.000000000e+01, v27  }
0x109: {  	v6 =	vadd.f32 v25, v6;
	v52 =	vld [tilespmem:s1+$0x4030];
	v23 =	vmul.f32 $1.000000000e+01, v22;
	v25 =	vmul.f32 $1.000000000e+01, v50  }
0x10a: {  	v3 =	vadd.s32 v30, v3;
	v54 =	vld [tilespmem:s1+$0x4040];
	v18 =	vmul.f32 $1.000000000e+01, v21;
	v30 =	vmul.f32 $1.000000000e+01, v19  }
0x10b: {  	v57 =	vld [tilespmem:s1+$0x10010];
	v17 =	vsub.f32 v17, v27;
	v51 =	vmul.f32 $1.000000000e+01, v26;
	v53 =	vmul.f32 $1.000000000e+01, v28  }
0x10c: {  	v58 =	vld [tilespmem:s1+$0x10020];
	vm0 =	vgt.f32 v24, $0.0e+00;
	v55 =	vmul.f32 $1.000000000e+01, v29;
	v20 =	vtrunc.f32 v20  }
0x10d: {  	v24 =	vld [tilespmem:s1+$0x4020];
	v31 =	vsub.f32 v31, v50;
	v23 =	vtrunc.f32 v23;
	v25 =	vtrunc.f32 v25  }
0x10e: {  	v19 =	vsub.f32 v52, v19;
	v18 =	vtrunc.f32 v18;
	v20 =	vcvt.f32.s32 v20  }
0x10f: {  	v59 =	vsub.f32 v54, v26;
	v17 =	vmul.f32 v17, v17;
	v30 =	vtrunc.f32 v30  }
0x110: {  	v27 =	vld [tilespmem:s1+$0x4000];
	vm2 =	vgt.f32 v57, $0.0e+00;
	v33 =	vtrunc.f32 v51;
	v20 =	vcvt.s32.f32 v20  }
0x111: {  	v39 =	vld [tilespmem:s1+$0x10040];
	vm3 =	vgt.f32 v58, $0.0e+00;
	v35 =	vtrunc.f32 v53;
	v18 =	vcvt.f32.s32 v18  }
0x112: {  	v62 =	vld [tilespmem:s1+$0x10050];
	v30 =	vcvt.f32.s32 v30;
	v38 =	vsub.f32 v24, v21;
	v20 =	vnsel vm0, $0x0, v20  }
0x113: {  	v63 =	vld [tilespmem:s1+$0x10060];
	v21 =	vcvt.f32.s32 v33;
	v17 =	vmul.f32 v20, v17;
	v20 =	vsel vm0, $0x1, v0  }
0x114: {  	v56 =	vld [tilespmem:s1+$0x10000];
	v24 =	vcvt.f32.s32 v35;
	v15 =	vadd.s32 v20, v15;
	v20 =	vcvt.f32.s32 v23  }
0x115: {  	v23 =	vld [tilespmem:s1+$0x4050];
	v16 =	vadd.f32 v17, v16;
	v17 =	vsub.f32 v27, v22;
	v22 =	vcvt.f32.s32 v25  }
0x116: {  	vm4 =	vgt.f32 v39, $0.0e+00;
	v61 =	vcvt.s32.f32 v18;
	v30 =	vcvt.s32.f32 v30;
	v25 =	vld [tilespmem:s1+$0x4060]  }
0x117: {  	vm5 =	vgt.f32 v62, $0.0e+00;
	v27 =	vtrunc.f32 v55;
	v60 =	vcvt.s32.f32 v22;
	v22 =	vld [tilespmem:s1+$0x10030]  }
0x118: {  	vm6 =	vgt.f32 v63, $0.0e+00;
	v21 =	vcvt.s32.f32 v21;
	v26 =	vcvt.f32.s32 v27  }
0x119: {  	vm0 =	vgt.f32 v56, $0.0e+00;
	v27 =	vcvt.s32.f32 v20;
	v20 =	vmul.f32 v38, v38  }
0x11a: {  	v18 =	vmul.f32 v17, v17;
	v26 =	vcvt.s32.f32 v26;
	v28 =	vsub.f32 v23, v28  }
0x11b: {  	v23 =	vcvt.s32.f32 v24;
	v24 =	vmul.f32 v31, v31;
	v29 =	vsub.f32 v25, v29  }
0x11c: {  	v25 =	vmul.f32 v19, v19;
	v19 =	vmul.f32 v59, v59;
	vm1 =	vgt.f32 v22, $0.0e+00  }
0x11d: {  	s22 =	simm.s32 $0x80;
	v22 =	vmul.f32 v28, v28;
	v17 =	vmul.f32 v29, v29;
	v28 =	vnsel vm0, $0x0, v27  }
0x11e: {  	s21 =	simm.s32 $0x20;
	s20 =	simm.s32 $0x2;
	s1 =	simm.s32 $0x400;
	v27 =	vnsel vm2, $0x0, v60;
	v29 =	vnsel vm3, $0x0, v61;
	v30 =	vnsel vm1, $0x0, v30  }
.LBB2_6:
0x11f: {  	p0 =	sne.s32 s20, $0x3F;
	s23 =	sand.u32 $0xC00, s1;
	s22 =	sand.u32 $0x1000, s22;
	v21 =	vnsel vm4, $0x0, v21;
	v23 =	vnsel vm5, $0x0, v23;
	v26 =	vnsel vm6, $0x0, v26  }
0x120: {  	s21 =	sand.u32 $0x380, s21;
	v18 =	vmul.f32 v28, v18;
	v28 =	vsel vm0, $0x1, v0;
	v24 =	vmul.f32 v27, v24;
	s22 =	sor.u32 s23, s22  }
0x121: {  	v27 =	vsel vm2, $0x1, v0;
	v20 =	vmul.f32 v29, v20;
	v25 =	vmul.f32 v30, v25;
	s21 =	sor.u32 s21, s22  }
0x122: {  	v30 =	vsel vm3, $0x1, v0;
	v19 =	vmul.f32 v21, v19;
	v21 =	vmul.f32 v23, v22;
	v29 =	vld [tilespmem:s21+$0xA070]  }
0x123: {  	v31 =	vsel vm4, $0x1, v0;
	v23 =	vsel vm1, $0x1, v0;
	v17 =	vmul.f32 v26, v17;
	v22 =	vld [tilespmem:s21+$0xA000]  }
0x124: {  	v32 =	vsel vm6, $0x1, v0;
	v9 =	vadd.f32 v18, v9;
	v18 =	vsel vm5, $0x1, v0;
	v26 =	vld [tilespmem:s21+$0xA010]  }
0x125: {  	v10 =	vadd.s32 v28, v10;
	v11 =	vadd.f32 v24, v11;
	v12 =	vadd.f32 v20, v12;
	v33 =	vld [tilespmem:s21+$0xA020]  }
0x126: {  	v2 =	vadd.s32 v27, v2;
	v13 =	vadd.f32 v25, v13;
	v14 =	vadd.f32 v19, v14;
	v20 =	vld [tilespmem:s21+$0x4070]  }
0x127: {  	v6 =	vadd.f32 v21, v6;
	v7 =	vadd.f32 v17, v7;
	v19 =	vld [tilespmem:s21+$0xA030];
	v24 =	vmul.f32 $1.000000000e+01, v29  }
0x128: {  	v8 =	vadd.s32 v30, v8;
	v5 =	vadd.s32 v23, v5;
	v17 =	vmul.f32 $1.000000000e+01, v22;
	v21 =	vld [tilespmem:s21+$0x10070]  }
0x129: {  	v3 =	vadd.s32 v31, v3;
	v23 =	vmul.f32 $1.000000000e+01, v26;
	v25 =	vld [tilespmem:s21+$0xA040];
	v24 =	vtrunc.f32 v24  }
0x12a: {  	v4 =	vadd.s32 v18, v4;
	v27 =	vmul.f32 $1.000000000e+01, v33;
	v28 =	vld [tilespmem:s21+$0xA050];
	v24 =	vcvt.f32.s32 v24  }
0x12b: {  	v17 =	vtrunc.f32 v17;
	v18 =	vtrunc.f32 v23;
	v23 =	vld [tilespmem:s21+$0xA060];
	v20 =	vsub.f32 v20, v29  }
0x12c: {  	v1 =	vadd.s32 v32, v1;
	v29 =	vld [tilespmem:s21+$0x4000];
	v30 =	vmul.f32 $1.000000000e+01, v19;
	v24 =	vcvt.s32.f32 v24  }
0x12d: {  	v27 =	vtrunc.f32 v27;
	v31 =	vld [tilespmem:s21+$0x4010];
	vm0 =	vgt.f32 v21, $0.0e+00;
	v20 =	vmul.f32 v20, v20  }
0x12e: {  	v21 =	vld [tilespmem:s21+$0x4020];
	v30 =	vtrunc.f32 v30;
	v32 =	vmul.f32 $1.000000000e+01, v25;
	v24 =	vnsel vm0, $0x0, v24  }
0x12f: {  	v34 =	vld [tilespmem:s21+$0x4030];
	v35 =	vmul.f32 $1.000000000e+01, v28;
	v20 =	vmul.f32 v24, v20;
	v24 =	vsel vm0, $0x1, v0  }
0x130: {  	v36 =	vld [tilespmem:s21+$0x4040];
	v32 =	vtrunc.f32 v32;
	v37 =	vmul.f32 $1.000000000e+01, v23;
	v15 =	vadd.s32 v24, v15  }
0x131: {  	v17 =	vcvt.f32.s32 v17;
	v24 =	vld [tilespmem:s21+$0x4050];
	v35 =	vtrunc.f32 v35;
	v16 =	vadd.f32 v20, v16  }
0x132: {  	v18 =	vcvt.f32.s32 v18;
	v20 =	vsub.f32 v29, v22;
	v22 =	vld [tilespmem:s21+$0x4060];
	v29 =	vtrunc.f32 v37  }
0x133: {  	v31 =	vsub.f32 v31, v26;
	v26 =	vcvt.f32.s32 v27;
	v27 =	vcvt.f32.s32 v30;
	v37 =	vld [tilespmem:s21+$0x10000]  }
0x134: {  	v33 =	vsub.f32 v21, v33;
	v21 =	vcvt.f32.s32 v32;
	v32 =	vcvt.f32.s32 v35;
	v30 =	vld [tilespmem:s21+$0x10010]  }
0x135: {  	v19 =	vsub.f32 v34, v19;
	v35 =	vld [tilespmem:s21+$0x10020];
	v34 =	vsub.f32 v36, v25;
	v25 =	vcvt.f32.s32 v29  }
0x136: {  	v29 =	vcvt.s32.f32 v17;
	v36 =	vcvt.s32.f32 v18;
	v17 =	vld [tilespmem:s21+$0x10030];
	v28 =	vsub.f32 v24, v28  }
0x137: {  	v38 =	vcvt.s32.f32 v26;
	v39 =	vcvt.s32.f32 v27;
	v27 =	vld [tilespmem:s21+$0x10040];
	v40 =	vsub.f32 v22, v23  }
0x138: {  	v21 =	vcvt.s32.f32 v21;
	v23 =	vcvt.s32.f32 v32;
	vm0 =	vgt.f32 v37, $0.0e+00;
	v37 =	vld [tilespmem:s21+$0x10050]  }
0x139: {  	v18 =	vmul.f32 v20, v20;
	v26 =	vcvt.s32.f32 v25;
	vm2 =	vgt.f32 v30, $0.0e+00;
	v32 =	vld [tilespmem:s21+$0x10060]  }
.Ltmp2:
0x13a: {  	v20 =	vmul.f32 v33, v33;
	v24 =	vmul.f32 v31, v31;
	vm3 =	vgt.f32 v35, $0.0e+00;
	(pc) =	sbr.rel @p0 .LBB2_6-.Ltmp2, $4  }
0x13b: {  	v25 =	vmul.f32 v19, v19;
	v19 =	vmul.f32 v34, v34;
	vm1 =	vgt.f32 v17, $0.0e+00  }
0x13c: {  	v22 =	vmul.f32 v28, v28;
	v17 =	vmul.f32 v40, v40;
	vm4 =	vgt.f32 v27, $0.0e+00  }
0x13d: {  	s1 =	sadd.s32 $0x400, s1;
	v28 =	vnsel vm0, $0x0, v29;
	v27 =	vnsel vm2, $0x0, v36;
	vm5 =	vgt.f32 v37, $0.0e+00  }
0x13e: {  	s22 =	sshll.u32 s20, $0x7;
	s21 =	sshll.u32 s20, $0x5;
	s20 =	sadd.s32 $0x1, s20;
	v29 =	vnsel vm3, $0x0, v38;
	v30 =	vnsel vm1, $0x0, v39;
	vm6 =	vgt.f32 v32, $0.0e+00  }
0x13f: {  	s1 =	sand.u32 $0xC00, s1;
	s20 =	sand.u32 $0x1000, s22  }
0x140: {  	s23 =	sand.u32 $0x380, s21;
	s1 =	sor.u32 s1, s20  }
0x141: {  	s1 =	sor.u32 s23, s1  }
0x142: {  	v21 =	vnsel vm4, $0x0, v21;
	v24 =	vmul.f32 v27, v24;
	v27 =	vld [tilespmem:s1+$0xA070]  }
0x143: {  	v23 =	vnsel vm5, $0x0, v23;
	v26 =	vnsel vm6, $0x0, v26;
	v25 =	vmul.f32 v30, v25;
	v30 =	vld [tilespmem:s1+$0xA000]  }
0x144: {  	v18 =	vmul.f32 v28, v18;
	v28 =	vsel vm0, $0x1, v0;
	v31 =	vsel vm2, $0x1, v0;
	v34 =	vld [tilespmem:s1+$0xA010]  }
0x145: {  	v29 =	vmul.f32 v29, v20;
	v32 =	vsel vm3, $0x1, v0;
	v35 =	vsel vm4, $0x1, v0;
	v36 =	vld [tilespmem:s1+$0xA020]  }
0x146: {  	v37 =	vsel vm5, $0x1, v0;
	v38 =	vsel vm6, $0x1, v0;
	v33 =	vmul.f32 v21, v19;
	v39 =	vld [tilespmem:s1+$0x4070]  }
0x147: {  	v22 =	vmul.f32 v23, v22;
	v26 =	vmul.f32 v26, v17;
	v19 =	vadd.s32 v28, v10;
	v10 =	vld [tilespmem:s1+$0xA030]  }
0x148: {  	v23 =	vsel vm1, $0x1, v0;
	v21 =	vadd.f32 v29, v12;
	v17 =	vadd.f32 v33, v14;
	v12 =	vld [tilespmem:s1+$0x10070]  }
0x149: {  	v14 =	vadd.s32 v31, v2;
	v2 =	vadd.f32 v22, v6;
	v6 =	vadd.f32 v26, v7;
	v7 =	vld [tilespmem:s1+$0xA040]  }
0x14a: {  	v62 =	vadd.s32 v38, v1;
	v18 =	vadd.f32 v18, v9;
	v9 =	vadd.f32 v25, v13;
	v25 =	vld [tilespmem:s1+$0xA060]  }
0x14b: {  	v20 =	vadd.f32 v24, v11;
	v5 =	vadd.s32 v23, v5;
	v28 =	vld [tilespmem:s1+$0x4010];
	v11 =	vmul.f32 $1.000000000e+01, v27  }
0x14c: {  	v23 =	vadd.s32 v35, v3;
	v41 =	vld [tilespmem:s1+$0x4050];
	v13 =	vmul.f32 $1.000000000e+01, v30;
	v24 =	vmul.f32 $1.000000000e+01, v34  }
0x14d: {  	v22 =	vadd.s32 v32, v8;
	v43 =	vld [tilespmem:s1+$0x10010];
	v3 =	vmul.f32 $1.000000000e+01, v36;
	v29 =	vmul.f32 $1.000000000e+01, v10  }
0x14e: {  	v44 =	vld [tilespmem:s1+$0x10020];
	v26 =	vsub.f32 v39, v27;
	v1 =	vmul.f32 $1.000000000e+01, v7;
	v8 =	vtrunc.f32 v11  }
0x14f: {  	v46 =	vld [tilespmem:s1+$0x10050];
	vm0 =	vgt.f32 v12, $0.0e+00;
	v13 =	vtrunc.f32 v13;
	v8 =	vcvt.f32.s32 v8  }
0x150: {  	v27 =	vld [tilespmem:s1+$0x4000];
	v28 =	vsub.f32 v28, v34;
	v24 =	vtrunc.f32 v24;
	v12 =	vmul.f32 v26, v26  }
0x151: {  	v40 =	vsel vm0, $0x1, v0;
	v11 =	vld [tilespmem:s1+$0xA050];
	v31 =	vtrunc.f32 v3;
	v8 =	vcvt.s32.f32 v8  }
0x152: {  	v29 =	vtrunc.f32 v29;
	v42 =	vtrunc.f32 v1;
	v1 =	vadd.s32 v40, v15;
	v15 =	vld [tilespmem:s1+$0x4060]  }
0x153: {  	v28 =	vmul.f32 v28, v28;
	v13 =	vcvt.f32.s32 v13;
	v3 =	vnsel vm0, $0x0, v8;
	v8 =	vld [tilespmem:s1+$0x4030]  }
0x154: {  	vm3 =	vgt.f32 v43, $0.0e+00;
	v24 =	vcvt.f32.s32 v24;
	v3 =	vmul.f32 v3, v12;
	v12 =	vld [tilespmem:s1+$0x4040]  }
0x155: {  	vm1 =	vgt.f32 v44, $0.0e+00;
	v26 =	vld [tilespmem:s1+$0x4020];
	v31 =	vcvt.f32.s32 v31;
	v29 =	vcvt.f32.s32 v29  }
0x156: {  	v27 =	vsub.f32 v27, v30;
	v30 =	vld [tilespmem:s1+$0x10000];
	v3 =	vadd.f32 v3, v16;
	v16 =	vmul.f32 $1.000000000e+01, v25  }
0x157: {  	v45 =	vcvt.f32.s32 v42;
	v13 =	vcvt.s32.f32 v13;
	v15 =	vsub.f32 v15, v25;
	v25 =	vld [tilespmem:s1+$0x10060]  }
0x158: {  	v63 =	vmul.f32 $1.000000000e+01, v11;
	v16 =	vtrunc.f32 v16;
	v8 =	vsub.f32 v8, v10;
	v10 =	vld [tilespmem:s1+$0x10030]  }
0x159: {  	v24 =	vcvt.s32.f32 v24;
	v7 =	vsub.f32 v12, v7;
	v12 =	vcvt.f32.s32 v16;
	v16 =	vld [tilespmem:s1+$0x10040];
	_ =	swait.ge [sflag:s26], $0x2000  }
0x15a: {  	v31 =	vcvt.s32.f32 v31;
	v26 =	vsub.f32 v26, v36;
	v33 =	vtrunc.f32 v63;
	[sflag:s26] =	ssyncset.done $0x0  }
0x15b: {  	vm5 =	vgt.f32 v46, $0.0e+00;
	v29 =	vcvt.s32.f32 v29;
	v33 =	vcvt.f32.s32 v33;
	[sflag:s26] =	ssyncadd.s32 $0xFFFFE000  }
0x15c: {  	v27 =	vmul.f32 v27, v27;
	v26 =	vmul.f32 v26, v26;
	vm2 =	vgt.f32 v30, $0.0e+00;
	_ =	swait.ge [sflag:s26], $0x2000  }
0x15d: {  	s21 =	simm.s32 $0x0;
	v30 =	vcvt.s32.f32 v45;
	v13 =	vnsel vm2, $0x0, v13;
	v33 =	vcvt.s32.f32 v33;
	[sflag:s26] =	ssyncset.done $0x0  }
0x15e: {  	s22 =	simm.s32 $0x0;
	s20 =	simm.s32 $0x0;
	v11 =	vsub.f32 v41, v11;
	v13 =	vmul.f32 v13, v27;
	v8 =	vmul.f32 v8, v8;
	[sflag:s26] =	ssyncadd.s32 $0xFFFFE000  }
0x15f: {  	v27 =	vsel vm2, $0x1, v0;
	s1 =	sand.u32 $0xC00, s20;
	s20 =	sand.u32 $0x1000, s21;
	v12 =	vcvt.s32.f32 v12;
	v7 =	vmul.f32 v7, v7;
	_ =	swait.ge [sflag:s26], $0x2000  }
0x160: {  	s23 =	sand.u32 $0x380, s22;
	s1 =	sor.u32 s1, s20;
	vm6 =	vgt.f32 v25, $0.0e+00;
	vm0 =	vgt.f32 v10, $0.0e+00;
	v10 =	vmul.f32 v11, v11;
	[sflag:s26] =	ssyncset.done $0x0  }
0x161: {  	s1 =	sor.u32 s23, s1;
	v11 =	vmul.f32 v15, v15;
	vm4 =	vgt.f32 v16, $0.0e+00;
	v16 =	vnsel vm1, $0x0, v31;
	[sflag:s26] =	ssyncadd.s32 $0xFFFFE000  }
0x162: {  	v15 =	vnsel vm3, $0x0, v24;
	v12 =	vnsel vm6, $0x0, v12;
	v16 =	vmul.f32 v16, v26;
	v26 =	vld [tilespmem:s1+$0x6070]  }
0x163: {  	v24 =	vnsel vm0, $0x0, v29;
	v15 =	vmul.f32 v15, v28;
	v25 =	vnsel vm4, $0x0, v30;
	v47 =	vld [tilespmem:s1+$0x6000]  }
0x164: {  	v29 =	vnsel vm5, $0x0, v33;
	v31 =	vmul.f32 v12, v11;
	v7 =	vmul.f32 v25, v7;
	v49 =	vld [tilespmem:s1+$0x6010]  }
0x165: {  	v11 =	vadd.s32 v27, v19;
	v25 =	vmul.f32 v29, v10;
	v10 =	vadd.f32 v13, v18;
	v19 =	vld [tilespmem:s1+$0x6020]  }
0x166: {  	v8 =	vmul.f32 v24, v8;
	v13 =	vadd.f32 v16, v21;
	v16 =	vadd.f32 v7, v17;
	v17 =	vld [tilespmem:s1+$0x70]  }
0x167: {  	v24 =	vsel vm1, $0x1, v0;
	v12 =	vadd.f32 v15, v20;
	v20 =	vld [tilespmem:s1+$0x6030]  }
0x168: {  	v15 =	vadd.f32 v8, v9;
	v9 =	vadd.s32 v24, v22;
	v24 =	vld [tilespmem:s1+$0x6040]  }
0x169: {  	v4 =	vadd.s32 v37, v4;
	v28 =	vsel vm3, $0x1, v0;
	v7 =	vadd.f32 v25, v2;
	v25 =	vld [tilespmem:s1+$0x6050]  }
0x16a: {  	v30 =	vsel vm4, $0x1, v0;
	v14 =	vadd.s32 v28, v14;
	v29 =	vsel vm0, $0x1, v0;
	v28 =	vld [tilespmem:s1+$0x6060]  }
0x16b: {  	v18 =	vsel vm5, $0x1, v0;
	v8 =	vadd.f32 v31, v6;
	v6 =	vadd.s32 v29, v5;
	v22 =	vld [tilespmem:s1+$0xC070]  }
0x16c: {  	v5 =	vadd.s32 v30, v23;
	v30 =	vld [tilespmem:s1+$0x10];
	v2 =	vmul.f32 $1.000000000e+01, v26;
	v21 =	vmul.f32 $1.000000000e+01, v47  }
0x16d: {  	v4 =	vadd.s32 v18, v4;
	v50 =	vld [tilespmem:s1+$0x30];
	v23 =	vmul.f32 $1.000000000e+01, v49;
	v18 =	vmul.f32 $1.000000000e+01, v19  }
0x16e: {  	v48 =	vsel vm6, $0x1, v0;
	v52 =	vld [tilespmem:s1+$0x40];
	v29 =	vmul.f32 $1.000000000e+01, v20;
	v31 =	vmul.f32 $1.000000000e+01, v24  }
0x16f: {  	v56 =	vld [tilespmem:s1+$0xC010];
	v17 =	vsub.f32 v17, v26;
	v51 =	vmul.f32 $1.000000000e+01, v25;
	v53 =	vmul.f32 $1.000000000e+01, v28  }
0x170: {  	v40 =	vld [tilespmem:s1+$0xC040];
	vm0 =	vgt.f32 v22, $0.0e+00;
	v2 =	vtrunc.f32 v2;
	v21 =	vtrunc.f32 v21  }
0x171: {  	v30 =	vsub.f32 v30, v49;
	v23 =	vtrunc.f32 v23;
	v18 =	vtrunc.f32 v18  }
0x172: {  	v22 =	vld [tilespmem:s1+$0x20];
	v32 =	vsub.f32 v50, v20;
	v17 =	vmul.f32 v17, v17;
	v29 =	vtrunc.f32 v29  }
0x173: {  	v58 =	vsub.f32 v52, v24;
	v31 =	vtrunc.f32 v31;
	v34 =	vtrunc.f32 v51  }
0x174: {  	v55 =	vld [tilespmem:s1+$0xC000];
	vm2 =	vgt.f32 v56, $0.0e+00;
	v54 =	vtrunc.f32 v53;
	v27 =	vcvt.f32.s32 v2  }
0x175: {  	v63 =	vld [tilespmem:s1+$0xC060];
	vm4 =	vgt.f32 v40, $0.0e+00;
	v21 =	vcvt.f32.s32 v21;
	v23 =	vcvt.f32.s32 v23  }
0x176: {  	v26 =	vld [tilespmem:s1+$0x0];
	v2 =	vadd.s32 v48, v62;
	v18 =	vcvt.f32.s32 v18;
	v27 =	vcvt.s32.f32 v27  }
0x177: {  	v29 =	vcvt.f32.s32 v29;
	v24 =	vcvt.f32.s32 v54;
	v62 =	vld [tilespmem:s1+$0xC050];
	v57 =	vsub.f32 v22, v19  }
0x178: {  	v19 =	vcvt.f32.s32 v31;
	v22 =	vcvt.f32.s32 v34;
	v31 =	vld [tilespmem:s1+$0xC020];
	v27 =	vnsel vm0, $0x0, v27  }
0x179: {  	v59 =	vcvt.s32.f32 v21;
	v21 =	vld [tilespmem:s1+$0xC030];
	v17 =	vmul.f32 v27, v17;
	v27 =	vsel vm0, $0x1, v0  }
0x17a: {  	v60 =	vcvt.s32.f32 v23;
	v61 =	vcvt.s32.f32 v18;
	v1 =	vadd.s32 v27, v1;
	v27 =	vld [tilespmem:s1+$0x50]  }
0x17b: {  	v29 =	vcvt.s32.f32 v29;
	v3 =	vadd.f32 v17, v3;
	v17 =	vsub.f32 v26, v47;
	v26 =	vld [tilespmem:s1+$0x60]  }
0x17c: {  	vm6 =	vgt.f32 v63, $0.0e+00;
	v18 =	vmul.f32 v58, v58;
	v19 =	vcvt.s32.f32 v19  }
0x17d: {  	v20 =	vcvt.s32.f32 v22;
	v23 =	vmul.f32 v57, v57;
	vm0 =	vgt.f32 v55, $0.0e+00  }
0x17e: {  	vm5 =	vgt.f32 v62, $0.0e+00;
	vm3 =	vgt.f32 v31, $0.0e+00;
	vm1 =	vgt.f32 v21, $0.0e+00  }
0x17f: {  	v29 =	vnsel vm1, $0x0, v29;
	v22 =	vmul.f32 v17, v17;
	v27 =	vsub.f32 v27, v25  }
0x180: {  	v25 =	vcvt.s32.f32 v24;
	v24 =	vmul.f32 v32, v32;
	v28 =	vsub.f32 v26, v28  }
0x181: {  	s22 =	simm.s32 $0x80;
	v26 =	vmul.f32 v30, v30;
	v30 =	vnsel vm3, $0x0, v61;
	v21 =	vmul.f32 v27, v27  }
0x182: {  	s21 =	simm.s32 $0x20;
	s20 =	simm.s32 $0x2;
	s1 =	simm.s32 $0x400;
	v27 =	vnsel vm2, $0x0, v60;
	v17 =	vmul.f32 v28, v28;
	v28 =	vnsel vm0, $0x0, v59  }
.LBB2_8:
0x183: {  	p0 =	sne.s32 s20, $0x3F;
	s23 =	sand.u32 $0xC00, s1;
	s22 =	sand.u32 $0x1000, s22;
	v19 =	vnsel vm4, $0x0, v19;
	v20 =	vnsel vm5, $0x0, v20;
	v25 =	vnsel vm6, $0x0, v25  }
0x184: {  	s21 =	sand.u32 $0x380, s21;
	v22 =	vmul.f32 v28, v22;
	v28 =	vsel vm0, $0x1, v0;
	v26 =	vmul.f32 v27, v26;
	s22 =	sor.u32 s23, s22  }
0x185: {  	v27 =	vsel vm2, $0x1, v0;
	v23 =	vmul.f32 v30, v23;
	v24 =	vmul.f32 v29, v24;
	s21 =	sor.u32 s21, s22  }
0x186: {  	v30 =	vsel vm3, $0x1, v0;
	v18 =	vmul.f32 v19, v18;
	v19 =	vmul.f32 v20, v21;
	v29 =	vld [tilespmem:s21+$0x6070]  }
0x187: {  	v31 =	vsel vm4, $0x1, v0;
	v21 =	vsel vm1, $0x1, v0;
	v17 =	vmul.f32 v25, v17;
	v20 =	vld [tilespmem:s21+$0x6000]  }
0x188: {  	v32 =	vsel vm6, $0x1, v0;
	v10 =	vadd.f32 v22, v10;
	v22 =	vsel vm5, $0x1, v0;
	v25 =	vld [tilespmem:s21+$0x6010]  }
0x189: {  	v11 =	vadd.s32 v28, v11;
	v12 =	vadd.f32 v26, v12;
	v13 =	vadd.f32 v23, v13;
	v33 =	vld [tilespmem:s21+$0x6020]  }
0x18a: {  	v14 =	vadd.s32 v27, v14;
	v15 =	vadd.f32 v24, v15;
	v16 =	vadd.f32 v18, v16;
	v23 =	vld [tilespmem:s21+$0x70]  }
0x18b: {  	v7 =	vadd.f32 v19, v7;
	v8 =	vadd.f32 v17, v8;
	v18 =	vld [tilespmem:s21+$0x6030];
	v24 =	vmul.f32 $1.000000000e+01, v29  }
0x18c: {  	v9 =	vadd.s32 v30, v9;
	v6 =	vadd.s32 v21, v6;
	v17 =	vmul.f32 $1.000000000e+01, v20;
	v19 =	vld [tilespmem:s21+$0xC070]  }
0x18d: {  	v5 =	vadd.s32 v31, v5;
	v21 =	vmul.f32 $1.000000000e+01, v25;
	v26 =	vld [tilespmem:s21+$0x6040];
	v24 =	vtrunc.f32 v24  }
0x18e: {  	v4 =	vadd.s32 v22, v4;
	v27 =	vmul.f32 $1.000000000e+01, v33;
	v28 =	vld [tilespmem:s21+$0x6050];
	v24 =	vcvt.f32.s32 v24  }
0x18f: {  	v17 =	vtrunc.f32 v17;
	v21 =	vtrunc.f32 v21;
	v22 =	vld [tilespmem:s21+$0x6060];
	v23 =	vsub.f32 v23, v29  }
0x190: {  	v2 =	vadd.s32 v32, v2;
	v29 =	vld [tilespmem:s21+$0x0];
	v30 =	vmul.f32 $1.000000000e+01, v18;
	v24 =	vcvt.s32.f32 v24  }
0x191: {  	v27 =	vtrunc.f32 v27;
	v31 =	vld [tilespmem:s21+$0x10];
	vm0 =	vgt.f32 v19, $0.0e+00;
	v19 =	vmul.f32 v23, v23  }
0x192: {  	v23 =	vld [tilespmem:s21+$0x20];
	v30 =	vtrunc.f32 v30;
	v32 =	vmul.f32 $1.000000000e+01, v26;
	v24 =	vnsel vm0, $0x0, v24  }
0x193: {  	v34 =	vld [tilespmem:s21+$0x30];
	v35 =	vmul.f32 $1.000000000e+01, v28;
	v19 =	vmul.f32 v24, v19;
	v24 =	vsel vm0, $0x1, v0  }
0x194: {  	v36 =	vld [tilespmem:s21+$0x40];
	v32 =	vtrunc.f32 v32;
	v37 =	vmul.f32 $1.000000000e+01, v22;
	v1 =	vadd.s32 v24, v1  }
0x195: {  	v17 =	vcvt.f32.s32 v17;
	v24 =	vld [tilespmem:s21+$0x50];
	v35 =	vtrunc.f32 v35;
	v3 =	vadd.f32 v19, v3  }
0x196: {  	v29 =	vsub.f32 v29, v20;
	v19 =	vcvt.f32.s32 v21;
	v20 =	vld [tilespmem:s21+$0x60];
	v21 =	vtrunc.f32 v37  }
0x197: {  	v31 =	vsub.f32 v31, v25;
	v25 =	vcvt.f32.s32 v27;
	v27 =	vcvt.f32.s32 v30;
	v37 =	vld [tilespmem:s21+$0xC000]  }
0x198: {  	v32 =	vcvt.f32.s32 v32;
	v23 =	vsub.f32 v23, v33;
	v33 =	vcvt.f32.s32 v35;
	v30 =	vld [tilespmem:s21+$0xC010]  }
0x199: {  	v21 =	vcvt.f32.s32 v21;
	v18 =	vsub.f32 v34, v18;
	v35 =	vld [tilespmem:s21+$0xC020];
	v34 =	vsub.f32 v36, v26  }
0x19a: {  	v38 =	vcvt.s32.f32 v19;
	v36 =	vcvt.s32.f32 v17;
	v17 =	vld [tilespmem:s21+$0xC030];
	v28 =	vsub.f32 v24, v28  }
0x19b: {  	v39 =	vcvt.s32.f32 v25;
	v40 =	vcvt.s32.f32 v27;
	v27 =	vld [tilespmem:s21+$0xC040];
	v41 =	vsub.f32 v20, v22  }
0x19c: {  	v19 =	vcvt.s32.f32 v32;
	v20 =	vcvt.s32.f32 v33;
	vm0 =	vgt.f32 v37, $0.0e+00;
	v32 =	vld [tilespmem:s21+$0xC050]  }
0x19d: {  	v25 =	vcvt.s32.f32 v21;
	v22 =	vmul.f32 v29, v29;
	vm2 =	vgt.f32 v30, $0.0e+00;
	v33 =	vld [tilespmem:s21+$0xC060]  }
.Ltmp3:
0x19e: {  	v26 =	vmul.f32 v31, v31;
	v23 =	vmul.f32 v23, v23;
	vm3 =	vgt.f32 v35, $0.0e+00;
	(pc) =	sbr.rel @p0 .LBB2_8-.Ltmp3, $4  }
0x19f: {  	v24 =	vmul.f32 v18, v18;
	v18 =	vmul.f32 v34, v34;
	vm1 =	vgt.f32 v17, $0.0e+00  }
0x1a0: {  	v21 =	vmul.f32 v28, v28;
	v17 =	vmul.f32 v41, v41;
	vm4 =	vgt.f32 v27, $0.0e+00  }
0x1a1: {  	s1 =	sadd.s32 $0x400, s1;
	v28 =	vnsel vm0, $0x0, v36;
	v27 =	vnsel vm2, $0x0, v38;
	vm5 =	vgt.f32 v32, $0.0e+00  }
0x1a2: {  	s22 =	sshll.u32 s20, $0x7;
	s21 =	sshll.u32 s20, $0x5;
	s20 =	sadd.s32 $0x1, s20;
	v30 =	vnsel vm3, $0x0, v39;
	v29 =	vnsel vm1, $0x0, v40;
	vm6 =	vgt.f32 v33, $0.0e+00  }
0x1a3: {  	s1 =	sand.u32 $0xC00, s1;
	s20 =	sand.u32 $0x1000, s22  }
0x1a4: {  	s23 =	sand.u32 $0x380, s21;
	s1 =	sor.u32 s1, s20  }
0x1a5: {  	s1 =	sor.u32 s23, s1  }
0x1a6: {  	v31 =	vld [tilespmem:s1+$0x6070]  }
0x1a7: {  	v58 =	vld [tilespmem:s1+$0x6000]  }
0x1a8: {  	v22 =	vmul.f32 v28, v22;
	v19 =	vnsel vm4, $0x0, v19;
	v26 =	vmul.f32 v27, v26;
	v59 =	vld [tilespmem:s1+$0x6010]  }
0x1a9: {  	v20 =	vnsel vm5, $0x0, v20;
	v25 =	vnsel vm6, $0x0, v25;
	v23 =	vmul.f32 v30, v23;
	v61 =	vld [tilespmem:s1+$0x6020]  }
0x1aa: {  	v60 =	vsel vm0, $0x1, v0;
	v32 =	vsel vm2, $0x1, v0;
	v24 =	vmul.f32 v29, v24;
	v63 =	vld [tilespmem:s1+$0x70]  }
0x1ab: {  	v33 =	vsel vm3, $0x1, v0;
	v40 =	vsel vm1, $0x1, v0;
	v34 =	vsel vm4, $0x1, v0;
	v41 =	vld [tilespmem:s1+$0x6030]  }
0x1ac: {  	v42 =	vsel vm5, $0x1, v0;
	v35 =	vsel vm6, $0x1, v0;
	v18 =	vmul.f32 v19, v18;
	v36 =	vld [tilespmem:s1+$0x6040]  }
0x1ad: {  	v62 =	vmul.f32 v20, v21;
	v17 =	vmul.f32 v25, v17;
	v11 =	vadd.s32 v60, v11;
	v43 =	vld [tilespmem:s1+$0x6050]  }
0x1ae: {  	v14 =	vadd.s32 v32, v14;
	v9 =	vadd.s32 v33, v9;
	v6 =	vadd.s32 v40, v6;
	v46 =	vld [tilespmem:s1+$0x0]  }
0x1af: {  	v5 =	vadd.s32 v34, v5;
	v4 =	vadd.s32 v42, v4;
	v2 =	vadd.s32 v35, v2;
	v44 =	vld [tilespmem:s1+$0x6060]  }
0x1b0: {  	v12 =	vadd.f32 v26, v12;
	v13 =	vadd.f32 v23, v13;
	v49 =	vld [tilespmem:s1+$0x10];
	v45 =	vmul.f32 $1.000000000e+01, v31  }
0x1b1: {  	v7 =	vadd.f32 v62, v7;
	v52 =	vld [tilespmem:s1+$0x20];
	v47 =	vmul.f32 $1.000000000e+01, v58;
	v48 =	vmul.f32 $1.000000000e+01, v59  }
0x1b2: {  	v8 =	vadd.f32 v17, v8;
	v53 =	vld [tilespmem:s1+$0x30];
	v51 =	vmul.f32 $1.000000000e+01, v61;
	v54 =	vmul.f32 $1.000000000e+01, v41  }
0x1b3: {  	v55 =	vld [tilespmem:s1+$0x40];
	v17 =	vsub.f32 v46, v58;
	v58 =	vmul.f32 $1.000000000e+01, v36;
	v60 =	vmul.f32 $1.000000000e+01, v43  }
0x1b4: {  	v57 =	vld [tilespmem:s1+$0x50];
	v20 =	vsub.f32 v63, v31;
	v62 =	vmul.f32 $1.000000000e+01, v44;
	v50 =	vtrunc.f32 v45  }
0x1b5: {  	v28 =	vsub.f32 v49, v59;
	v19 =	vtrunc.f32 v47;
	v26 =	vtrunc.f32 v48  }
0x1b6: {  	v29 =	vsub.f32 v52, v61;
	v56 =	vtrunc.f32 v51;
	v20 =	vmul.f32 v20, v20  }
0x1b7: {  	v25 =	vsub.f32 v53, v41;
	v31 =	vtrunc.f32 v54;
	v27 =	vtrunc.f32 v58  }
0x1b8: {  	v37 =	vld [tilespmem:s1+$0xC070];
	v34 =	vsub.f32 v55, v36;
	v32 =	vtrunc.f32 v60;
	v36 =	vtrunc.f32 v62  }
0x1b9: {  	v38 =	vld [tilespmem:s1+$0xC030];
	v23 =	vsub.f32 v57, v43;
	v17 =	vmul.f32 v17, v17;
	v39 =	vmul.f32 v28, v28  }
0x1ba: {  	v10 =	vadd.f32 v22, v10;
	v59 =	vld [tilespmem:s1+$0x60];
	v29 =	vmul.f32 v29, v29;
	v46 =	vmul.f32 v25, v25  }
0x1bb: {  	v15 =	vadd.f32 v24, v15;
	v61 =	vld [tilespmem:s1+$0xC000];
	v47 =	vmul.f32 v34, v34;
	v23 =	vmul.f32 v23, v23  }
0x1bc: {  	v16 =	vadd.f32 v18, v16;
	v63 =	vld [tilespmem:s1+$0xC010];
	v21 =	vcvt.f32.s32 v50;
	v19 =	vcvt.f32.s32 v19  }
0x1bd: {  	vm0 =	vgt.f32 v37, $0.0e+00;
	v26 =	vcvt.f32.s32 v26;
	v22 =	vcvt.f32.s32 v56  }
0x1be: {  	v37 =	vld [tilespmem:s1+$0xC020];
	vm12 =	vgt.f32 v38, $0.0e+00;
	v31 =	vcvt.f32.s32 v31;
	v27 =	vcvt.f32.s32 v27  }
0x1bf: {  	v57 =	vsel vm12, $0x1, v0;
	v32 =	vcvt.f32.s32 v32;
	v40 =	vcvt.f32.s32 v36  }
0x1c0: {  	v6 =	vadd.s32 v57, v6;
	v19 =	vcvt.s32.f32 v19;
	v26 =	vcvt.s32.f32 v26  }
0x1c1: {  	v41 =	vld [tilespmem:s1+$0xC040];
	v18 =	vsub.f32 v59, v44;
	vm9 =	vgt.f32 v61, $0.0e+00;
	vm10 =	vgt.f32 v63, $0.0e+00  }
0x1c2: {  	v22 =	vcvt.s32.f32 v22;
	v19 =	vnsel vm9, $0x0, v19;
	v26 =	vnsel vm10, $0x0, v26  }
0x1c3: {  	v43 =	vld [tilespmem:s1+$0xC050];
	vm11 =	vgt.f32 v37, $0.0e+00;
	v17 =	vmul.f32 v19, v17;
	v24 =	vmul.f32 v26, v39  }
0x1c4: {  	v42 =	vcvt.s32.f32 v31;
	v27 =	vcvt.s32.f32 v27;
	v22 =	vnsel vm11, $0x0, v22  }
0x1c5: {  	v45 =	vld [tilespmem:s1+$0xC060];
	v22 =	vmul.f32 v22, v29;
	v10 =	vadd.f32 v17, v10;
	v12 =	vadd.f32 v24, v12  }
0x1c6: {  	v44 =	vcvt.s32.f32 v32;
	vm13 =	vgt.f32 v41, $0.0e+00;
	v48 =	vnsel vm12, $0x0, v42  }
0x1c7: {  	v19 =	vmul.f32 v48, v46;
	v13 =	vadd.f32 v22, v13;
	v10 =	vadd.f32 v12, v10  }
0x1c8: {  	vm14 =	vgt.f32 v43, $0.0e+00;
	v49 =	vmul.f32 v18, v18;
	v50 =	vnsel vm13, $0x0, v27  }
0x1c9: {  	v18 =	vmul.f32 v50, v47;
	v15 =	vadd.f32 v19, v15;
	v10 =	vadd.f32 v13, v10  }
0x1ca: {  	v28 =	vcvt.s32.f32 v40;
	vm15 =	vgt.f32 v45, $0.0e+00;
	v52 =	vnsel vm14, $0x0, v44  }
0x1cb: {  	v17 =	vmul.f32 v52, v23;
	v16 =	vadd.f32 v18, v16;
	v10 =	vadd.f32 v15, v10  }
0x1cc: {  	v21 =	vcvt.s32.f32 v21;
	v51 =	vsel vm9, $0x1, v0;
	v54 =	vnsel vm15, $0x0, v28  }
0x1cd: {  	v12 =	vmul.f32 v54, v49;
	v7 =	vadd.f32 v17, v7;
	v10 =	vadd.f32 v16, v10  }
0x1ce: {  	v55 =	vsel vm10, $0x1, v0;
	v56 =	vsel vm11, $0x1, v0;
	v21 =	vnsel vm0, $0x0, v21  }
0x1cf: {  	v53 =	vmul.f32 v21, v20;
	v8 =	vadd.f32 v12, v8;
	v7 =	vadd.f32 v7, v10  }
0x1d0: {  	v11 =	vadd.s32 v51, v11;
	v59 =	vadd.s32 v55, v14;
	v9 =	vadd.s32 v56, v9  }
0x1d1: {  	v60 =	vadd.s32 v11, v59;
	v3 =	vadd.f32 v53, v3;
	v7 =	vadd.f32 v8, v7  }
0x1d2: {  	v58 =	vsel vm13, $0x1, v0;
	v61 =	vsel vm14, $0x1, v0;
	v8 =	vadd.s32 v9, v60  }
0x1d3: {  	v5 =	vadd.s32 v58, v5;
	v6 =	vadd.s32 v6, v8;
	v3 =	vadd.f32 v3, v7  }
0x1d4: {  	v4 =	vadd.s32 v61, v4;
	v62 =	vsel vm15, $0x1, v0;
	v5 =	vadd.s32 v5, v6  }
0x1d5: {  	v63 =	vsel vm0, $0x1, v0;
	v2 =	vadd.s32 v62, v2;
	[tilespmem:$0x12000] =	vst v3;
	v3 =	vadd.s32 v4, v5  }
0x1d6: {  	v1 =	vadd.s32 v63, v1;
	v2 =	vadd.s32 v2, v3;
	[hbm4b:s15+s2] =	stream.linear.scatter [tilespmem:s30], [sflag:$0x4], $0x80, $0x38;
	[tilespmem:$0x12080] =	vst v63  }
0x1d7: {  	v1 =	vadd.s32 v1, v2;
	_ =	swait.ge [sflag:s31], $0x80  }
0x1d8: {  	s0 =	sadd.s32 $0x1, s0;
	[sflag:s31] =	ssyncset.done $0x0;
	v1 =	vcvt.s32.f32 v1  }
0x1d9: {  	p0 =	sne.s32 s0, s17;
	[sflag:s31] =	ssyncadd.s32 $0xFFFFFF80  }
.Ltmp4:
0x1da: {  	[tilespmem:$0x12000] =	vst v1;
	(pc) =	sbr.rel @p0 .LBB2_1-.Ltmp4, $4  }
0x1db: {  	[hbm4b:s16+s2] =	stream.linear.scatter [tilespmem:s30], [sflag:$0x4], $0x80, $0x38;
	[tilespmem:$0x12080] =	vst v63  }
0x1dc: {  	_ =	swait.ge [sflag:s31], $0x80  }
0x1dd: {  	[sflag:s31] =	ssyncset.done $0x0  }
0x1de: {  	[sflag:s31] =	ssyncadd.s32 $0xFFFFFF80  }
0x1df: {  	_ =	sfence.sel $0x180000  }
0x1e0: {  	[bflag:$0x0] =	sbarrier.arrive $0xFFFF  }
0x1e1: {  	_ =	strace $0x90000047  }
0x1e2: {  	s0 =	stileid.u32;
	[bflag:$0x2] =	sbarrier.arrive $0xFFFF  }
0x1e3: {  	p0 =	sne.s32 s0, $0x0;
	s0 =	rddreg [dreg:$0x4]  }
0x1e4: {  	s0 =	sadd.s32 @!p0 $0x100000, s0  }
0x1e5: {  	[sflag:s0] =	ssyncadd.tile.s32 @!p0 $0x1;
	_ =	shalt  }
.Lfunc_end2:
_tile_overlayer_lowered:
.L_overlay_start_2:
0x1e6: {  	(tag) =	ssettag $0x2  }
0x1e7: {  	s0 =	rddreg [dreg:$0x0];
	s2 =	stileid.u32  }
0x1e8: {  	s1 =	rddreg [dreg:$0x1];
	p0 =	sne.s32 s2, $0x0  }
0x1e9: {  	s3 =	rddreg [dreg:$0x2];
	[bflag:$0x3] =	sbarrier.arrive $0xFFFF;
	s2 =	simm.s32 @!p0 $0x1C04  }
0x1ea: {  	[timem:s3], [sflag:s2] =	dma.local @!p0 [hbm:s0], s1  }
0x1eb: {  	s0 =	simm.s32 @!p0 $0x4  }
0x1ec: {  	_ =	swait.ge @!p0 [sflag:s0], s1  }
0x1ed: {  	s1 =	ssub.s32 @!p0 $0x0, s1;
	[sflag:s0] =	ssyncset.done @!p0 $0x0  }
0x1ee: {  	[sflag:s0] =	ssyncadd.s32 @!p0 s1  }
0x1ef: {  	[bflag:$0x3] =	sbarrier.arrive $0xFFFF  }
0x1f0: {  	_ =	shalt  }

</sc_bundles>
